<compile_context>
chip_gen: v7x
topology: tpu7x:2x2x1
jax: 0.10.2.dev20260603
libtpu: 0.0.44.dev20260713+nightly
codegen_flags: <defaults>
</compile_context>

<pallas_src>
import jax
import jax.numpy as jnp
from jax import lax
from jax.experimental import pallas as pl
from jax.experimental.pallas import tpu as pltpu
from jax.experimental.pallas import tpu_sc as plsc

N_NODES = 10000
N_EDGES = 320000
HIDDEN = 128
N_CLASSES = 10
N_LAYERS = 4

NC = 2
NS = 16
NW = NC * NS
EPT = N_EDGES // NW
CHUNK = 80
NCHUNK = EPT // CHUNK
NBUF = 3
RPT = 624
RTAIL = N_NODES - NS * RPT

BLK = 2000
GRID = N_NODES // BLK


def _agg_body(h_hbm, edge_hbm, zero_hbm, out0_hbm, out1_hbm,
              accum, sidx, didx, rows0, rows1, rows2,
              gsem0, gsem1, gsem2, ssem0, ssem1, ssem2):
    rows = (rows0, rows1, rows2)
    gsems = (gsem0, gsem1, gsem2)
    ssems = (ssem0, ssem1, ssem2)
    c = lax.axis_index("c")
    s = lax.axis_index("s")
    wid = c * NS + s
    pltpu.sync_copy(zero_hbm.at[pl.ds(s * RPT, RPT)],
                    accum.at[pl.ds(s * RPT, RPT)])

    @pl.when(s == NS - 1)
    def _():
        pltpu.sync_copy(zero_hbm.at[pl.ds(NS * RPT, RTAIL)],
                        accum.at[pl.ds(NS * RPT, RTAIL)])

    pltpu.sync_copy(edge_hbm.at[0, wid], sidx)
    pltpu.sync_copy(edge_hbm.at[1, wid], didx)
    plsc.subcore_barrier()

    def issue_gather(j, b):
        pltpu.async_copy(h_hbm.at[sidx.at[j]], rows[b], gsems[b])

    def wait_gather(j, b):
        pltpu.make_async_copy(h_hbm.at[sidx.at[j]], rows[b], gsems[b]).wait()

    def issue_scatter(j, b):
        pltpu.async_copy(rows[b], accum.at[didx.at[j]], ssems[b], add=True)

    def wait_scatter(j, b):
        pltpu.make_async_copy(rows[b], accum.at[didx.at[j]], ssems[b]).wait()

    issue_gather(0, 0)
    issue_gather(1, 1)
    wait_gather(0, 0); issue_scatter(0, 0); issue_gather(2, 2)
    wait_gather(1, 1); issue_scatter(1, 1); wait_scatter(0, 0)
    issue_gather(3, 0)
    wait_gather(2, 2); issue_scatter(2, 2); wait_scatter(1, 1)
    issue_gather(4, 1)

    @pl.loop(0, (NCHUNK - 5) // NBUF)
    def _(g):
        for k in range(NBUF):
            j = NBUF * g + 3 + k
            c = (k + 2) % NBUF
            wait_gather(j, k)
            issue_scatter(j, k)
            wait_scatter(j - 1, c)
            issue_gather(j + 2, c)

    wait_gather(NCHUNK - 2, 0); issue_scatter(NCHUNK - 2, 0)
    wait_scatter(NCHUNK - 3, 2)
    wait_gather(NCHUNK - 1, 1); issue_scatter(NCHUNK - 1, 1)
    wait_scatter(NCHUNK - 2, 0)
    wait_scatter(NCHUNK - 1, 1)

    plsc.subcore_barrier()

    @pl.when(c == 0)
    def _():
        pltpu.sync_copy(accum.at[pl.ds(s * RPT, RPT)],
                        out0_hbm.at[pl.ds(s * RPT, RPT)])

        @pl.when(s == NS - 1)
        def _():
            pltpu.sync_copy(accum.at[pl.ds(NS * RPT, RTAIL)],
                            out0_hbm.at[pl.ds(NS * RPT, RTAIL)])

    @pl.when(c == 1)
    def _():
        pltpu.sync_copy(accum.at[pl.ds(s * RPT, RPT)],
                        out1_hbm.at[pl.ds(s * RPT, RPT)])

        @pl.when(s == NS - 1)
        def _():
            pltpu.sync_copy(accum.at[pl.ds(NS * RPT, RTAIL)],
                            out1_hbm.at[pl.ds(NS * RPT, RTAIL)])


_AGG_CACHE = []


def _get_agg():
    if not _AGG_CACHE:
        _AGG_CACHE.append(pl.kernel(
            _agg_body,
            out_type=[jax.ShapeDtypeStruct((N_NODES, HIDDEN), jnp.float32),
                      jax.ShapeDtypeStruct((N_NODES, HIDDEN), jnp.float32)],
            mesh=plsc.VectorSubcoreMesh(core_axis_name="c",
                                        subcore_axis_name="s",
                                        num_cores=NC, num_subcores=NS),
            compiler_params=pltpu.CompilerParams(use_tc_tiling_on_sc=False),
            scratch_types=(
                [pltpu.VMEM_SHARED((N_NODES, HIDDEN), jnp.float32),
                 pltpu.VMEM((NCHUNK, CHUNK), jnp.int32),
                 pltpu.VMEM((NCHUNK, CHUNK), jnp.int32)]
                + [pltpu.VMEM((CHUNK, HIDDEN), jnp.float32)
                   for _ in range(NBUF)]
                + [pltpu.SemaphoreType.DMA for _ in range(2 * NBUF)]
            ),
        ))
    return _AGG_CACHE[0]


def _emb_body(ids_ref, emb_ref, out_ref):
    ids = ids_ref[0, 0, :]
    iota = lax.broadcasted_iota(jnp.int32, (BLK, HIDDEN), 1)
    oh = (ids[:, None] == iota).astype(jnp.float32)
    out_ref[...] = jnp.dot(oh, emb_ref[...], preferred_element_type=jnp.float32)


_emb = pl.pallas_call(
    _emb_body,
    grid=(GRID,),
    in_specs=[
        pl.BlockSpec((1, 1, BLK), lambda i: (i, 0, 0)),
        pl.BlockSpec((HIDDEN, HIDDEN), lambda i: (0, 0)),
    ],
    out_specs=pl.BlockSpec((BLK, HIDDEN), lambda i: (i, 0)),
    out_shape=jax.ShapeDtypeStruct((N_NODES, HIDDEN), jnp.float32),
)


_BN_S = (1.0 + 1e-5) ** -0.5


def _mlp_body(eps_ref, h_ref, n0_ref, n1_ref, sn_ref,
              w1_ref, b1_ref, g1_ref, bb1_ref,
              w2_ref, b2_ref, g2_ref, bb2_ref,
              g3_ref, bb3_ref, out_ref):
    s1 = g1_ref[...] * _BN_S
    s2 = g2_ref[...] * _BN_S
    h = h_ref[...]
    x = h * (1.0 + eps_ref[...]) + n0_ref[...] + n1_ref[...]
    a = jnp.dot(x, w1_ref[...] * s1, preferred_element_type=jnp.float32) \
        + (b1_ref[...] * s1 + bb1_ref[...])
    a = jnp.maximum(a, 0.0)
    b = jnp.dot(a, w2_ref[...] * s2, preferred_element_type=jnp.float32) \
        + (b2_ref[...] * s2 + bb2_ref[...])
    b = jnp.maximum(b, 0.0)
    x2 = b * (sn_ref[...] * (g3_ref[...] * _BN_S)) + bb3_ref[...]
    x2 = jnp.maximum(x2, 0.0)
    out_ref[...] = h + x2


def _full2(shape):
    return pl.BlockSpec(shape, lambda i: (0, 0))


_mlp = pl.pallas_call(
    _mlp_body,
    grid=(GRID,),
    in_specs=[
        _full2((1, 1)),
        pl.BlockSpec((BLK, HIDDEN), lambda i: (i, 0)),
        pl.BlockSpec((BLK, HIDDEN), lambda i: (i, 0)),
        pl.BlockSpec((BLK, HIDDEN), lambda i: (i, 0)),
        pl.BlockSpec((BLK, 1), lambda i: (i, 0)),
        _full2((HIDDEN, HIDDEN)),
        _full2((1, HIDDEN)),
        _full2((1, HIDDEN)),
        _full2((1, HIDDEN)),
        _full2((HIDDEN, HIDDEN)),
        _full2((1, HIDDEN)),
        _full2((1, HIDDEN)),
        _full2((1, HIDDEN)),
        _full2((1, HIDDEN)),
        _full2((1, HIDDEN)),
    ],
    out_specs=pl.BlockSpec((BLK, HIDDEN), lambda i: (i, 0)),
    out_shape=jax.ShapeDtypeStruct((N_NODES, HIDDEN), jnp.float32),
)


def _read_body(lb_ref, ub_ref, h0_ref, h1_ref, h2_ref, h3_ref, h4_ref,
               lab_ref, pw_ref, cp_ref, w0_ref, b0_ref,
               w1_ref, b1_ref, w2_ref, cw_ref,
               sp_ref, g_ref, sw_ref):
    f32 = jnp.float32
    lab = lab_ref[...]
    w0 = w0_ref[...]
    lp = jnp.dot(lab, w0[HIDDEN:, :], preferred_element_type=f32) + b0_ref[...]
    sp = jnp.zeros((BLK, N_CLASSES), f32)
    sw = jnp.zeros((BLK, 1), f32)
    for r, href in enumerate((h0_ref, h1_ref, h2_ref, h3_ref, h4_ref)):
        hh = href[...]
        sp = sp + jnp.dot(hh, pw_ref[r * HIDDEN:(r + 1) * HIDDEN, :],
                          preferred_element_type=f32)
        y0 = jnp.maximum(
            jnp.dot(hh, w0[:HIDDEN, :], preferred_element_type=f32) + lp, 0.0)
        y1 = jnp.maximum(
            jnp.dot(y0, w1_ref[...], preferred_element_type=f32)
            + b1_ref[...], 0.0)
        sw = sw + jnp.dot(y1, w2_ref[...], preferred_element_type=f32)
    sp_ref[...] = sp + cp_ref[...]
    sw = sw + cw_ref[...]
    w = 1.0 / (1.0 + jnp.exp(-sw))
    sw_ref[...] = w
    wc = jnp.clip(w, lb_ref[...], ub_ref[...])
    g_ref[...] = (1.0 - wc) * lab + wc * (1.0 / N_CLASSES)


_read = pl.pallas_call(
    _read_body,
    grid=(GRID,),
    in_specs=[
        _full2((1, 1)),
        _full2((1, 1)),
        pl.BlockSpec((BLK, HIDDEN), lambda i: (i, 0)),
        pl.BlockSpec((BLK, HIDDEN), lambda i: (i, 0)),
        pl.BlockSpec((BLK, HIDDEN), lambda i: (i, 0)),
        pl.BlockSpec((BLK, HIDDEN), lambda i: (i, 0)),
        pl.BlockSpec((BLK, HIDDEN), lambda i: (i, 0)),
        pl.BlockSpec((BLK, N_CLASSES), lambda i: (i, 0)),
        _full2((N_LAYERS * HIDDEN + HIDDEN, N_CLASSES)),
        _full2((1, N_CLASSES)),
        _full2((HIDDEN + N_CLASSES, 69)),
        _full2((1, 69)),
        _full2((69, 34)),
        _full2((1, 34)),
        _full2((34, 1)),
        _full2((1, 1)),
    ],
    out_specs=[
        pl.BlockSpec((BLK, N_CLASSES), lambda i: (i, 0)),
        pl.BlockSpec((BLK, N_CLASSES), lambda i: (i, 0)),
        pl.BlockSpec((BLK, 1), lambda i: (i, 0)),
    ],
    out_shape=[
        jax.ShapeDtypeStruct((N_NODES, N_CLASSES), jnp.float32),
        jax.ShapeDtypeStruct((N_NODES, N_CLASSES), jnp.float32),
        jax.ShapeDtypeStruct((N_NODES, 1), jnp.float32),
    ],
)


def kernel(params, snorm_n, label, lb_delta, ub_delta, h, edge_index, e,
           snorm_e):
    del e, snorm_e
    f32 = jnp.float32
    edges = edge_index.reshape(2, NW, NCHUNK, CHUNK)
    zeros = jnp.zeros((N_NODES, HIDDEN), f32)
    ids3 = h.reshape(GRID, 1, BLK)

    hcur = _emb(ids3, params['emb'])
    hs = [hcur]

    agg = _get_agg()
    for i in range(N_LAYERS):
        p = params['gin'][i]
        n0, n1 = agg(hcur, edges, zeros)
        r = lambda a: a.reshape(1, HIDDEN)
        hcur = _mlp(p['eps'].reshape(1, 1), hcur, n0, n1, snorm_n,
                    p['W1'], r(p['b1']), r(p['mlp_bn_g']), r(p['mlp_bn_b']),
                    p['W2'], r(p['b2']), r(p['apply_bn_g']),
                    r(p['apply_bn_b']), r(p['bn_g']), r(p['bn_b']))
        hs.append(hcur)

    pw = jnp.concatenate(params['pred_W'], axis=0)
    cp = sum(params['pred_b'])[None, :]
    d1 = params['w_W'][0].shape[1]
    d2 = params['w_W'][1].shape[1]
    cw = (5.0 * params['w_b'][2]).reshape(1, 1)
    lb2 = jnp.asarray(lb_delta, f32).reshape(1, 1)
    ub2 = jnp.asarray(ub_delta, f32).reshape(1, 1)

    score_p, g_hat, saved_w = _read(
        lb2, ub2, hs[0], hs[1], hs[2], hs[3], hs[4], label,
        pw, cp, params['w_W'][0], params['w_b'][0].reshape(1, d1),
        params['w_W'][1], params['w_b'][1].reshape(1, d2),
        params['w_W'][2], cw)

    return (score_p, g_hat, edge_index, saved_w)

# --- scband reference (transcript-rebuilt; emitter-appended) ---
"""Pipeline reference for scband-smooth-ginnet-25159918420057 (READ-ONLY COPY).

The authoritative reference and input builder live on the scoring server;
editing this copy changes nothing except your own understanding.
"""

import jax, jax.numpy as jnp
import numpy as np

N_NODES = 10000
N_EDGES = 320000
IN_DIM = 128
HIDDEN = 128
N_CLASSES = 10
N_LAYERS = 4


def _bn(x, gamma, beta, eps=1e-5):
    # eval-mode BatchNorm1d with running_mean=0, running_var=1
    return x * (gamma / jnp.sqrt(1.0 + eps)) + beta


def _init_params(key):
    ks = jax.random.split(key, 64)
    ctr = [0]
    def nrm(shape):
        k = ks[ctr[0]]; ctr[0] += 1
        return jax.random.normal(k, shape, dtype=jnp.float32) * 0.05
    params = {}
    params['emb'] = nrm((IN_DIM, HIDDEN))
    gin = []
    for _ in range(N_LAYERS):
        p = {
            'eps': jnp.zeros((), jnp.float32),
            'W1': nrm((HIDDEN, HIDDEN)), 'b1': jnp.zeros((HIDDEN,), jnp.float32),
            'W2': nrm((HIDDEN, HIDDEN)), 'b2': jnp.zeros((HIDDEN,), jnp.float32),
            'mlp_bn_g': jnp.ones((HIDDEN,), jnp.float32), 'mlp_bn_b': jnp.zeros((HIDDEN,), jnp.float32),
            'apply_bn_g': jnp.ones((HIDDEN,), jnp.float32), 'apply_bn_b': jnp.zeros((HIDDEN,), jnp.float32),
            'bn_g': jnp.ones((HIDDEN,), jnp.float32), 'bn_b': jnp.zeros((HIDDEN,), jnp.float32),
        }
        gin.append(p)
    params['gin'] = gin
    params['pred_W'] = [nrm((HIDDEN, N_CLASSES)) for _ in range(N_LAYERS + 1)]
    params['pred_b'] = [jnp.zeros((N_CLASSES,), jnp.float32) for _ in range(N_LAYERS + 1)]
    d0 = HIDDEN + N_CLASSES
    dims = [d0, d0 // 2, d0 // 4, 1]
    params['w_W'] = [nrm((dims[l], dims[l + 1])) for l in range(3)]
    params['w_b'] = [jnp.zeros((dims[l + 1],), jnp.float32) for l in range(3)]
    return params


def setup_inputs(seed: int = 0):
    key = jax.random.key(seed)
    ks = jax.random.split(key, 8)
    edge_index = jax.random.randint(ks[0], (2, N_EDGES), 0, N_NODES, dtype=jnp.int32)
    h = jax.random.randint(ks[1], (N_NODES,), 0, IN_DIM, dtype=jnp.int32)
    e = jax.random.normal(ks[2], (N_EDGES, 4), dtype=jnp.float32)
    snorm_n = jax.random.uniform(ks[3], (N_NODES, 1), dtype=jnp.float32)
    snorm_e = jax.random.uniform(ks[4], (N_EDGES, 1), dtype=jnp.float32)
    label = jax.random.uniform(ks[5], (N_NODES, N_CLASSES), dtype=jnp.float32)
    lb_delta = jnp.zeros((), jnp.float32)
    ub_delta = jnp.ones((), jnp.float32)
    params = _init_params(ks[6])
    return {"params": params, "snorm_n": snorm_n, "label": label,
            "lb_delta": lb_delta, "ub_delta": ub_delta,
            "h": h, "edge_index": edge_index, "e": e, "snorm_e": snorm_e}


def _forward(params, snorm_n, label, lb_delta, ub_delta, h_ids, edge_index):
    h = jnp.take(params['emb'], h_ids, axis=0)
    src = edge_index[0]
    dst = edge_index[1]
    hidden_rep = [h]
    for i in range(N_LAYERS):
        p = params['gin'][i]
        h_in = h
        # GIN aggregation: sum over in-neighbors (copy_u -> sum reducer)
        neigh = jax.ops.segment_sum(jnp.take(h, src, axis=0), dst, num_segments=N_NODES)
        x = (1.0 + p['eps']) * h + neigh
        # ApplyNodeFunc: MLP (2 layers, BN+ReLU between) then BN then ReLU
        x = _bn(x @ p['W1'] + p['b1'], p['mlp_bn_g'], p['mlp_bn_b'])
        x = jax.nn.relu(x)
        x = x @ p['W2'] + p['b2']
        x = _bn(x, p['apply_bn_g'], p['apply_bn_b'])
        x = jax.nn.relu(x)
        # graph norm
        x = x * snorm_n
        # node batch norm
        x = _bn(x, p['bn_g'], p['bn_b'])
        x = jax.nn.relu(x)
        # residual (dropout=0.0 -> identity)
        h = h_in + x
        hidden_rep.append(h)
    score_p = jnp.zeros((N_NODES, N_CLASSES), jnp.float32)
    score_w = jnp.zeros((N_NODES, 1), jnp.float32)
    for i, hh in enumerate(hidden_rep):
        score_p = score_p + hh @ params['pred_W'][i] + params['pred_b'][i]
        y = jnp.concatenate([hh, label], axis=1)
        for l in range(2):
            y = jax.nn.relu(y @ params['w_W'][l] + params['w_b'][l])
        y = y @ params['w_W'][2] + params['w_b'][2]
        score_w = score_w + y
    w = jax.lax.stop_gradient(jax.nn.sigmoid(score_w))  # w = w.data
    saved_w = w
    w = jnp.tile(w, (1, N_CLASSES))
    w = jnp.clip(w, lb_delta, ub_delta)
    ones = jnp.ones_like(label)
    max_entropy = jnp.full_like(label, 1.0 / N_CLASSES)
    g_hat = (ones - w) * label + w * max_entropy
    return score_p, g_hat, saved_w


def reference(params, snorm_n, label, lb_delta, ub_delta, h, edge_index, e, snorm_e):
    score_p, g_hat, saved_w = _forward(params, snorm_n, label, lb_delta, ub_delta, h, edge_index)
    return (score_p, g_hat, edge_index, saved_w)

if __name__ == "__main__":
    import jax
    _d = setup_inputs()
    print(jax.jit(kernel)(*tuple(_d.values())))

</pallas_src>

<mosaic_0001>
#map = affine_map<(d0, d1) -> (0, 0)>
#map1 = affine_map<(d0, d1) -> (0, 0, 0, 0)>
module attributes {stable_mosaic.version = 14 : i64} {
  func.func @_agg_body(%arg0: i32, %arg1: i32, %arg2: memref<10000x128xf32, #tpu.memory_space<hbm>>, %arg3: memref<2x32x125x80xi32, #tpu.memory_space<hbm>>, %arg4: memref<10000x128xf32, #tpu.memory_space<hbm>>, %arg5: memref<10000x128xf32, #tpu.memory_space<hbm>>, %arg6: memref<10000x128xf32, #tpu.memory_space<hbm>>, %arg7: memref<10000x128xf32, #tpu.memory_space<vmem_shared>>, %arg8: memref<125x80xi32, #tpu.memory_space<vmem>>, %arg9: memref<125x80xi32, #tpu.memory_space<vmem>>, %arg10: memref<80x128xf32, #tpu.memory_space<vmem>>, %arg11: memref<80x128xf32, #tpu.memory_space<vmem>>, %arg12: memref<80x128xf32, #tpu.memory_space<vmem>>, %arg13: memref<!tpu.dma_semaphore, #tpu.memory_space<semaphore_mem>>, %arg14: memref<!tpu.dma_semaphore, #tpu.memory_space<semaphore_mem>>, %arg15: memref<!tpu.dma_semaphore, #tpu.memory_space<semaphore_mem>>, %arg16: memref<!tpu.dma_semaphore, #tpu.memory_space<semaphore_mem>>, %arg17: memref<!tpu.dma_semaphore, #tpu.memory_space<semaphore_mem>>, %arg18: memref<!tpu.dma_semaphore, #tpu.memory_space<semaphore_mem>>) attributes {dimension_semantics = [#tpu.dimension_semantics<core_parallel>, #tpu.dimension_semantics<subcore_parallel>], iteration_bounds = array<i64: 2, 16>, scalar_prefetch = 0 : i64, scratch_operands = 12 : i64, tpu.core_type = #tpu.core_type<sc_vector_subcore>, window_params = [{transform_indices = #map}, {transform_indices = #map1}, {transform_indices = #map}, {transform_indices = #map}, {transform_indices = #map}]} {
    %mul3A = arith.constant 16 : i32
    %mul3A_0 = arith.muli %arg0, %mul3A : i32
    %add3A = arith.addi %mul3A_0, %arg1 : i32
    %mul3A_1 = arith.constant 624 : i32
    %mul3A_2 = arith.muli %arg1, %mul3A_1 : i32
    %mul3A_3 = arith.constant 624 : i32
    %mul3A_4 = arith.muli %arg1, %mul3A_3 : i32
    "tpu.region"() ({
      %run_scoped3A_161 = tpu.sem_alloc : memref<!tpu.dma_semaphore, #tpu.memory_space<semaphore_mem>>
      %dma_start3A_162 = arith.constant 0 : i32
      %dma_start3A_163 = tpu.memref_slice %arg7[%mul3A_4, %dma_start3A_162] : memref<10000x128xf32, #tpu.memory_space<vmem_shared>> -> memref<624x128xf32, #tpu.memory_space<vmem_shared>>
      %dma_start3A_164 = arith.constant 0 : i32
      %dma_start3A_165 = tpu.memref_slice %arg4[%mul3A_2, %dma_start3A_164] : memref<10000x128xf32, #tpu.memory_space<hbm>> -> memref<624x128xf32, #tpu.memory_space<hbm>>
      tpu.enqueue_dma source(%dma_start3A_165 : memref<624x128xf32, #tpu.memory_space<hbm>>) target(%dma_start3A_163 : memref<624x128xf32, #tpu.memory_space<vmem_shared>>) target_semaphore(%run_scoped3A_161 : memref<!tpu.dma_semaphore, #tpu.memory_space<semaphore_mem>>)
      %dma_wait3A_166 = arith.constant 0 : i32
      %dma_wait3A_167 = tpu.memref_slice %arg7[%mul3A_4, %dma_wait3A_166] : memref<10000x128xf32, #tpu.memory_space<vmem_shared>> -> memref<624x128xf32, #tpu.memory_space<vmem_shared>>
      %dma_wait3A_168 = arith.constant 0 : i32
      %dma_wait3A_169 = tpu.memref_slice %arg4[%mul3A_2, %dma_wait3A_168] : memref<10000x128xf32, #tpu.memory_space<hbm>> -> memref<624x128xf32, #tpu.memory_space<hbm>>
      tpu.wait_dma2 semaphore(%run_scoped3A_161 : memref<!tpu.dma_semaphore, #tpu.memory_space<semaphore_mem>>) src(%dma_wait3A_169 : memref<624x128xf32, #tpu.memory_space<hbm>>) dst(%dma_wait3A_167 : memref<624x128xf32, #tpu.memory_space<vmem_shared>>)
      tpu.yield
    }) : () -> ()
    %eq3A = arith.constant 15 : i32
    %eq3A_5 = arith.cmpi eq, %arg1, %eq3A : i32
    %convert_element_type3A = arith.extui %eq3A_5 : i1 to i32
    %cond3A = arith.constant 0 : i32
    %cond3A_6 = arith.cmpi ne, %convert_element_type3A, %cond3A : i32
    scf.if %cond3A_6 {
      "tpu.region"() ({
        %run_scoped3A_161 = tpu.sem_alloc : memref<!tpu.dma_semaphore, #tpu.memory_space<semaphore_mem>>
        %dma_start3A_162 = arith.constant 9984 : i32
        %dma_start3A_163 = arith.constant 0 : i32
        %dma_start3A_164 = tpu.memref_slice %arg7[%dma_start3A_162, %dma_start3A_163] : memref<10000x128xf32, #tpu.memory_space<vmem_shared>> -> memref<16x128xf32, #tpu.memory_space<vmem_shared>>
        %dma_start3A_165 = arith.constant 9984 : i32
        %dma_start3A_166 = arith.constant 0 : i32
        %dma_start3A_167 = tpu.memref_slice %arg4[%dma_start3A_165, %dma_start3A_166] : memref<10000x128xf32, #tpu.memory_space<hbm>> -> memref<16x128xf32, #tpu.memory_space<hbm>>
        tpu.enqueue_dma source(%dma_start3A_167 : memref<16x128xf32, #tpu.memory_space<hbm>>) target(%dma_start3A_164 : memref<16x128xf32, #tpu.memory_space<vmem_shared>>) target_semaphore(%run_scoped3A_161 : memref<!tpu.dma_semaphore, #tpu.memory_space<semaphore_mem>>)
        %dma_wait3A_168 = arith.constant 9984 : i32
        %dma_wait3A_169 = arith.constant 0 : i32
        %dma_wait3A_170 = tpu.memref_slice %arg7[%dma_wait3A_168, %dma_wait3A_169] : memref<10000x128xf32, #tpu.memory_space<vmem_shared>> -> memref<16x128xf32, #tpu.memory_space<vmem_shared>>
        %dma_wait3A_171 = arith.constant 9984 : i32
        %dma_wait3A_172 = arith.constant 0 : i32
        %dma_wait3A_173 = tpu.memref_slice %arg4[%dma_wait3A_171, %dma_wait3A_172] : memref<10000x128xf32, #tpu.memory_space<hbm>> -> memref<16x128xf32, #tpu.memory_space<hbm>>
        tpu.wait_dma2 semaphore(%run_scoped3A_161 : memref<!tpu.dma_semaphore, #tpu.memory_space<semaphore_mem>>) src(%dma_wait3A_173 : memref<16x128xf32, #tpu.memory_space<hbm>>) dst(%dma_wait3A_170 : memref<16x128xf32, #tpu.memory_space<vmem_shared>>)
        tpu.yield
      }) : () -> ()
    } else {
    }
    %run_scoped3A = arith.constant 0 : i32
    "tpu.region"() ({
      %run_scoped3A_161 = tpu.sem_alloc : memref<!tpu.dma_semaphore, #tpu.memory_space<semaphore_mem>>
      %dma_start3A_162 = arith.constant 0 : i32
      %dma_start3A_163 = arith.constant 0 : i32
      %dma_start3A_164 = tpu.memref_slice %arg3[%run_scoped3A, %add3A, %dma_start3A_162, %dma_start3A_163] : memref<2x32x125x80xi32, #tpu.memory_space<hbm>> -> memref<1x1x125x80xi32, #tpu.memory_space<hbm>>
      %dma_start3A_165 = tpu.memref_squeeze %dma_start3A_164 : memref<1x1x125x80xi32, #tpu.memory_space<hbm>> -> memref<125x80xi32, #tpu.memory_space<hbm>>
      %dma_start3A_166 = arith.constant 0 : i32
      %dma_start3A_167 = arith.constant 0 : i32
      %dma_start3A_168 = tpu.memref_slice %arg3[%run_scoped3A, %add3A, %dma_start3A_166, %dma_start3A_167] : memref<2x32x125x80xi32, #tpu.memory_space<hbm>> -> memref<1x1x125x80xi32, #tpu.memory_space<hbm>>
      %dma_start3A_169 = tpu.memref_squeeze %dma_start3A_168 : memref<1x1x125x80xi32, #tpu.memory_space<hbm>> -> memref<125x80xi32, #tpu.memory_space<hbm>>
      tpu.enqueue_dma source(%dma_start3A_169 : memref<125x80xi32, #tpu.memory_space<hbm>>) target(%arg8 : memref<125x80xi32, #tpu.memory_space<vmem>>) target_semaphore(%run_scoped3A_161 : memref<!tpu.dma_semaphore, #tpu.memory_space<semaphore_mem>>)
      %dma_wait3A_170 = arith.constant 0 : i32
      %dma_wait3A_171 = arith.constant 0 : i32
      %dma_wait3A_172 = tpu.memref_slice %arg3[%run_scoped3A, %add3A, %dma_wait3A_170, %dma_wait3A_171] : memref<2x32x125x80xi32, #tpu.memory_space<hbm>> -> memref<1x1x125x80xi32, #tpu.memory_space<hbm>>
      %dma_wait3A_173 = tpu.memref_squeeze %dma_wait3A_172 : memref<1x1x125x80xi32, #tpu.memory_space<hbm>> -> memref<125x80xi32, #tpu.memory_space<hbm>>
      %dma_wait3A_174 = arith.constant 0 : i32
      %dma_wait3A_175 = arith.constant 0 : i32
      %dma_wait3A_176 = tpu.memref_slice %arg3[%run_scoped3A, %add3A, %dma_wait3A_174, %dma_wait3A_175] : memref<2x32x125x80xi32, #tpu.memory_space<hbm>> -> memref<1x1x125x80xi32, #tpu.memory_space<hbm>>
      %dma_wait3A_177 = tpu.memref_squeeze %dma_wait3A_176 : memref<1x1x125x80xi32, #tpu.memory_space<hbm>> -> memref<125x80xi32, #tpu.memory_space<hbm>>
      tpu.wait_dma2 semaphore(%run_scoped3A_161 : memref<!tpu.dma_semaphore, #tpu.memory_space<semaphore_mem>>) src(%dma_wait3A_177 : memref<125x80xi32, #tpu.memory_space<hbm>>) dst(%arg8 : memref<125x80xi32, #tpu.memory_space<vmem>>)
      tpu.yield
    }) : () -> ()
    %run_scoped3A_7 = arith.constant 1 : i32
    "tpu.region"() ({
      %run_scoped3A_161 = tpu.sem_alloc : memref<!tpu.dma_semaphore, #tpu.memory_space<semaphore_mem>>
      %dma_start3A_162 = arith.constant 0 : i32
      %dma_start3A_163 = arith.constant 0 : i32
      %dma_start3A_164 = tpu.memref_slice %arg3[%run_scoped3A_7, %add3A, %dma_start3A_162, %dma_start3A_163] : memref<2x32x125x80xi32, #tpu.memory_space<hbm>> -> memref<1x1x125x80xi32, #tpu.memory_space<hbm>>
      %dma_start3A_165 = tpu.memref_squeeze %dma_start3A_164 : memref<1x1x125x80xi32, #tpu.memory_space<hbm>> -> memref<125x80xi32, #tpu.memory_space<hbm>>
      %dma_start3A_166 = arith.constant 0 : i32
      %dma_start3A_167 = arith.constant 0 : i32
      %dma_start3A_168 = tpu.memref_slice %arg3[%run_scoped3A_7, %add3A, %dma_start3A_166, %dma_start3A_167] : memref<2x32x125x80xi32, #tpu.memory_space<hbm>> -> memref<1x1x125x80xi32, #tpu.memory_space<hbm>>
      %dma_start3A_169 = tpu.memref_squeeze %dma_start3A_168 : memref<1x1x125x80xi32, #tpu.memory_space<hbm>> -> memref<125x80xi32, #tpu.memory_space<hbm>>
      tpu.enqueue_dma source(%dma_start3A_169 : memref<125x80xi32, #tpu.memory_space<hbm>>) target(%arg9 : memref<125x80xi32, #tpu.memory_space<vmem>>) target_semaphore(%run_scoped3A_161 : memref<!tpu.dma_semaphore, #tpu.memory_space<semaphore_mem>>)
      %dma_wait3A_170 = arith.constant 0 : i32
      %dma_wait3A_171 = arith.constant 0 : i32
      %dma_wait3A_172 = tpu.memref_slice %arg3[%run_scoped3A_7, %add3A, %dma_wait3A_170, %dma_wait3A_171] : memref<2x32x125x80xi32, #tpu.memory_space<hbm>> -> memref<1x1x125x80xi32, #tpu.memory_space<hbm>>
      %dma_wait3A_173 = tpu.memref_squeeze %dma_wait3A_172 : memref<1x1x125x80xi32, #tpu.memory_space<hbm>> -> memref<125x80xi32, #tpu.memory_space<hbm>>
      %dma_wait3A_174 = arith.constant 0 : i32
      %dma_wait3A_175 = arith.constant 0 : i32
      %dma_wait3A_176 = tpu.memref_slice %arg3[%run_scoped3A_7, %add3A, %dma_wait3A_174, %dma_wait3A_175] : memref<2x32x125x80xi32, #tpu.memory_space<hbm>> -> memref<1x1x125x80xi32, #tpu.memory_space<hbm>>
      %dma_wait3A_177 = tpu.memref_squeeze %dma_wait3A_176 : memref<1x1x125x80xi32, #tpu.memory_space<hbm>> -> memref<125x80xi32, #tpu.memory_space<hbm>>
      tpu.wait_dma2 semaphore(%run_scoped3A_161 : memref<!tpu.dma_semaphore, #tpu.memory_space<semaphore_mem>>) src(%dma_wait3A_177 : memref<125x80xi32, #tpu.memory_space<hbm>>) dst(%arg9 : memref<125x80xi32, #tpu.memory_space<vmem>>)
      tpu.yield
    }) : () -> ()
    %barrier3A = arith.constant 0 : index
    tpu.barrier barrier_id(%barrier3A)
    %dma_start3A = arith.constant 0 : i32
    %dma_start3A_8 = arith.constant 0 : i32
    %dma_start3A_9 = tpu.memref_slice %arg8[%dma_start3A, %dma_start3A_8] : memref<125x80xi32, #tpu.memory_space<vmem>> -> memref<1x80xi32, #tpu.memory_space<vmem>>
    %dma_start3A_10 = tpu.memref_squeeze %dma_start3A_9 : memref<1x80xi32, #tpu.memory_space<vmem>> -> memref<80xi32, #tpu.memory_space<vmem>>
    %dma_start3A_11 = arith.constant 0 : i32
    %dma_start3A_12 = arith.constant 0 : i32
    %dma_start3A_13 = tpu.memref_slice %arg2[%dma_start3A_11, %dma_start3A_12] : memref<10000x128xf32, #tpu.memory_space<hbm>> -> memref<10000x128xf32, #tpu.memory_space<hbm>>
    tpu.enqueue_indirect_dma source(%dma_start3A_13 : memref<10000x128xf32, #tpu.memory_space<hbm>>) target(%arg10 : memref<80x128xf32, #tpu.memory_space<vmem>>) offsets(%dma_start3A_10 : memref<80xi32, #tpu.memory_space<vmem>>) semaphore(%arg13 : memref<!tpu.dma_semaphore, #tpu.memory_space<semaphore_mem>>)
    %dma_start3A_14 = arith.constant 1 : i32
    %dma_start3A_15 = arith.constant 0 : i32
    %dma_start3A_16 = tpu.memref_slice %arg8[%dma_start3A_14, %dma_start3A_15] : memref<125x80xi32, #tpu.memory_space<vmem>> -> memref<1x80xi32, #tpu.memory_space<vmem>>
    %dma_start3A_17 = tpu.memref_squeeze %dma_start3A_16 : memref<1x80xi32, #tpu.memory_space<vmem>> -> memref<80xi32, #tpu.memory_space<vmem>>
    %dma_start3A_18 = arith.constant 0 : i32
    %dma_start3A_19 = arith.constant 0 : i32
    %dma_start3A_20 = tpu.memref_slice %arg2[%dma_start3A_18, %dma_start3A_19] : memref<10000x128xf32, #tpu.memory_space<hbm>> -> memref<10000x128xf32, #tpu.memory_space<hbm>>
    tpu.enqueue_indirect_dma source(%dma_start3A_20 : memref<10000x128xf32, #tpu.memory_space<hbm>>) target(%arg11 : memref<80x128xf32, #tpu.memory_space<vmem>>) offsets(%dma_start3A_17 : memref<80xi32, #tpu.memory_space<vmem>>) semaphore(%arg14 : memref<!tpu.dma_semaphore, #tpu.memory_space<semaphore_mem>>)
    %dma_wait3A = arith.constant 0 : i32
    %dma_wait3A_21 = arith.constant 0 : i32
    %dma_wait3A_22 = tpu.memref_slice %arg8[%dma_wait3A, %dma_wait3A_21] : memref<125x80xi32, #tpu.memory_space<vmem>> -> memref<1x80xi32, #tpu.memory_space<vmem>>
    %dma_wait3A_23 = tpu.memref_squeeze %dma_wait3A_22 : memref<1x80xi32, #tpu.memory_space<vmem>> -> memref<80xi32, #tpu.memory_space<vmem>>
    %dma_wait3A_24 = arith.constant 0 : i32
    %dma_wait3A_25 = arith.constant 0 : i32
    %dma_wait3A_26 = tpu.memref_slice %arg2[%dma_wait3A_24, %dma_wait3A_25] : memref<10000x128xf32, #tpu.memory_space<hbm>> -> memref<10000x128xf32, #tpu.memory_space<hbm>>
    tpu.wait_indirect_dma semaphore(%arg13 : memref<!tpu.dma_semaphore, #tpu.memory_space<semaphore_mem>>) src(%dma_wait3A_26 : memref<10000x128xf32, #tpu.memory_space<hbm>>) dst(%arg10 : memref<80x128xf32, #tpu.memory_space<vmem>>)
    %dma_start3A_27 = arith.constant 0 : i32
    %dma_start3A_28 = arith.constant 0 : i32
    %dma_start3A_29 = tpu.memref_slice %arg9[%dma_start3A_27, %dma_start3A_28] : memref<125x80xi32, #tpu.memory_space<vmem>> -> memref<1x80xi32, #tpu.memory_space<vmem>>
    %dma_start3A_30 = tpu.memref_squeeze %dma_start3A_29 : memref<1x80xi32, #tpu.memory_space<vmem>> -> memref<80xi32, #tpu.memory_space<vmem>>
    %dma_start3A_31 = arith.constant 0 : i32
    %dma_start3A_32 = arith.constant 0 : i32
    %dma_start3A_33 = tpu.memref_slice %arg7[%dma_start3A_31, %dma_start3A_32] : memref<10000x128xf32, #tpu.memory_space<vmem_shared>> -> memref<10000x128xf32, #tpu.memory_space<vmem_shared>>
    tpu.enqueue_indirect_dma source(%arg10 : memref<80x128xf32, #tpu.memory_space<vmem>>) target(%dma_start3A_33 : memref<10000x128xf32, #tpu.memory_space<vmem_shared>>) offsets(%dma_start3A_30 : memref<80xi32, #tpu.memory_space<vmem>>) semaphore(%arg16 : memref<!tpu.dma_semaphore, #tpu.memory_space<semaphore_mem>>) {add = true}
    %dma_start3A_34 = arith.constant 2 : i32
    %dma_start3A_35 = arith.constant 0 : i32
    %dma_start3A_36 = tpu.memref_slice %arg8[%dma_start3A_34, %dma_start3A_35] : memref<125x80xi32, #tpu.memory_space<vmem>> -> memref<1x80xi32, #tpu.memory_space<vmem>>
    %dma_start3A_37 = tpu.memref_squeeze %dma_start3A_36 : memref<1x80xi32, #tpu.memory_space<vmem>> -> memref<80xi32, #tpu.memory_space<vmem>>
    %dma_start3A_38 = arith.constant 0 : i32
    %dma_start3A_39 = arith.constant 0 : i32
    %dma_start3A_40 = tpu.memref_slice %arg2[%dma_start3A_38, %dma_start3A_39] : memref<10000x128xf32, #tpu.memory_space<hbm>> -> memref<10000x128xf32, #tpu.memory_space<hbm>>
    tpu.enqueue_indirect_dma source(%dma_start3A_40 : memref<10000x128xf32, #tpu.memory_space<hbm>>) target(%arg12 : memref<80x128xf32, #tpu.memory_space<vmem>>) offsets(%dma_start3A_37 : memref<80xi32, #tpu.memory_space<vmem>>) semaphore(%arg15 : memref<!tpu.dma_semaphore, #tpu.memory_space<semaphore_mem>>)
    %dma_wait3A_41 = arith.constant 1 : i32
    %dma_wait3A_42 = arith.constant 0 : i32
    %dma_wait3A_43 = tpu.memref_slice %arg8[%dma_wait3A_41, %dma_wait3A_42] : memref<125x80xi32, #tpu.memory_space<vmem>> -> memref<1x80xi32, #tpu.memory_space<vmem>>
    %dma_wait3A_44 = tpu.memref_squeeze %dma_wait3A_43 : memref<1x80xi32, #tpu.memory_space<vmem>> -> memref<80xi32, #tpu.memory_space<vmem>>
    %dma_wait3A_45 = arith.constant 0 : i32
    %dma_wait3A_46 = arith.constant 0 : i32
    %dma_wait3A_47 = tpu.memref_slice %arg2[%dma_wait3A_45, %dma_wait3A_46] : memref<10000x128xf32, #tpu.memory_space<hbm>> -> memref<10000x128xf32, #tpu.memory_space<hbm>>
    tpu.wait_indirect_dma semaphore(%arg14 : memref<!tpu.dma_semaphore, #tpu.memory_space<semaphore_mem>>) src(%dma_wait3A_47 : memref<10000x128xf32, #tpu.memory_space<hbm>>) dst(%arg11 : memref<80x128xf32, #tpu.memory_space<vmem>>)
    %dma_start3A_48 = arith.constant 1 : i32
    %dma_start3A_49 = arith.constant 0 : i32
    %dma_start3A_50 = tpu.memref_slice %arg9[%dma_start3A_48, %dma_start3A_49] : memref<125x80xi32, #tpu.memory_space<vmem>> -> memref<1x80xi32, #tpu.memory_space<vmem>>
    %dma_start3A_51 = tpu.memref_squeeze %dma_start3A_50 : memref<1x80xi32, #tpu.memory_space<vmem>> -> memref<80xi32, #tpu.memory_space<vmem>>
    %dma_start3A_52 = arith.constant 0 : i32
    %dma_start3A_53 = arith.constant 0 : i32
    %dma_start3A_54 = tpu.memref_slice %arg7[%dma_start3A_52, %dma_start3A_53] : memref<10000x128xf32, #tpu.memory_space<vmem_shared>> -> memref<10000x128xf32, #tpu.memory_space<vmem_shared>>
    tpu.enqueue_indirect_dma source(%arg11 : memref<80x128xf32, #tpu.memory_space<vmem>>) target(%dma_start3A_54 : memref<10000x128xf32, #tpu.memory_space<vmem_shared>>) offsets(%dma_start3A_51 : memref<80xi32, #tpu.memory_space<vmem>>) semaphore(%arg17 : memref<!tpu.dma_semaphore, #tpu.memory_space<semaphore_mem>>) {add = true}
    %dma_wait3A_55 = arith.constant 0 : i32
    %dma_wait3A_56 = arith.constant 0 : i32
    %dma_wait3A_57 = tpu.memref_slice %arg9[%dma_wait3A_55, %dma_wait3A_56] : memref<125x80xi32, #tpu.memory_space<vmem>> -> memref<1x80xi32, #tpu.memory_space<vmem>>
    %dma_wait3A_58 = tpu.memref_squeeze %dma_wait3A_57 : memref<1x80xi32, #tpu.memory_space<vmem>> -> memref<80xi32, #tpu.memory_space<vmem>>
    %dma_wait3A_59 = arith.constant 0 : i32
    %dma_wait3A_60 = arith.constant 0 : i32
    %dma_wait3A_61 = tpu.memref_slice %arg7[%dma_wait3A_59, %dma_wait3A_60] : memref<10000x128xf32, #tpu.memory_space<vmem_shared>> -> memref<10000x128xf32, #tpu.memory_space<vmem_shared>>
    tpu.wait_indirect_dma semaphore(%arg16 : memref<!tpu.dma_semaphore, #tpu.memory_space<semaphore_mem>>) src(%arg10 : memref<80x128xf32, #tpu.memory_space<vmem>>) dst(%dma_wait3A_61 : memref<10000x128xf32, #tpu.memory_space<vmem_shared>>)
    %dma_start3A_62 = arith.constant 3 : i32
    %dma_start3A_63 = arith.constant 0 : i32
    %dma_start3A_64 = tpu.memref_slice %arg8[%dma_start3A_62, %dma_start3A_63] : memref<125x80xi32, #tpu.memory_space<vmem>> -> memref<1x80xi32, #tpu.memory_space<vmem>>
    %dma_start3A_65 = tpu.memref_squeeze %dma_start3A_64 : memref<1x80xi32, #tpu.memory_space<vmem>> -> memref<80xi32, #tpu.memory_space<vmem>>
    %dma_start3A_66 = arith.constant 0 : i32
    %dma_start3A_67 = arith.constant 0 : i32
    %dma_start3A_68 = tpu.memref_slice %arg2[%dma_start3A_66, %dma_start3A_67] : memref<10000x128xf32, #tpu.memory_space<hbm>> -> memref<10000x128xf32, #tpu.memory_space<hbm>>
    tpu.enqueue_indirect_dma source(%dma_start3A_68 : memref<10000x128xf32, #tpu.memory_space<hbm>>) target(%arg10 : memref<80x128xf32, #tpu.memory_space<vmem>>) offsets(%dma_start3A_65 : memref<80xi32, #tpu.memory_space<vmem>>) semaphore(%arg13 : memref<!tpu.dma_semaphore, #tpu.memory_space<semaphore_mem>>)
    %dma_wait3A_69 = arith.constant 2 : i32
    %dma_wait3A_70 = arith.constant 0 : i32
    %dma_wait3A_71 = tpu.memref_slice %arg8[%dma_wait3A_69, %dma_wait3A_70] : memref<125x80xi32, #tpu.memory_space<vmem>> -> memref<1x80xi32, #tpu.memory_space<vmem>>
    %dma_wait3A_72 = tpu.memref_squeeze %dma_wait3A_71 : memref<1x80xi32, #tpu.memory_space<vmem>> -> memref<80xi32, #tpu.memory_space<vmem>>
    %dma_wait3A_73 = arith.constant 0 : i32
    %dma_wait3A_74 = arith.constant 0 : i32
    %dma_wait3A_75 = tpu.memref_slice %arg2[%dma_wait3A_73, %dma_wait3A_74] : memref<10000x128xf32, #tpu.memory_space<hbm>> -> memref<10000x128xf32, #tpu.memory_space<hbm>>
    tpu.wait_indirect_dma semaphore(%arg15 : memref<!tpu.dma_semaphore, #tpu.memory_space<semaphore_mem>>) src(%dma_wait3A_75 : memref<10000x128xf32, #tpu.memory_space<hbm>>) dst(%arg12 : memref<80x128xf32, #tpu.memory_space<vmem>>)
    %dma_start3A_76 = arith.constant 2 : i32
    %dma_start3A_77 = arith.constant 0 : i32
    %dma_start3A_78 = tpu.memref_slice %arg9[%dma_start3A_76, %dma_start3A_77] : memref<125x80xi32, #tpu.memory_space<vmem>> -> memref<1x80xi32, #tpu.memory_space<vmem>>
    %dma_start3A_79 = tpu.memref_squeeze %dma_start3A_78 : memref<1x80xi32, #tpu.memory_space<vmem>> -> memref<80xi32, #tpu.memory_space<vmem>>
    %dma_start3A_80 = arith.constant 0 : i32
    %dma_start3A_81 = arith.constant 0 : i32
    %dma_start3A_82 = tpu.memref_slice %arg7[%dma_start3A_80, %dma_start3A_81] : memref<10000x128xf32, #tpu.memory_space<vmem_shared>> -> memref<10000x128xf32, #tpu.memory_space<vmem_shared>>
    tpu.enqueue_indirect_dma source(%arg12 : memref<80x128xf32, #tpu.memory_space<vmem>>) target(%dma_start3A_82 : memref<10000x128xf32, #tpu.memory_space<vmem_shared>>) offsets(%dma_start3A_79 : memref<80xi32, #tpu.memory_space<vmem>>) semaphore(%arg18 : memref<!tpu.dma_semaphore, #tpu.memory_space<semaphore_mem>>) {add = true}
    %dma_wait3A_83 = arith.constant 1 : i32
    %dma_wait3A_84 = arith.constant 0 : i32
    %dma_wait3A_85 = tpu.memref_slice %arg9[%dma_wait3A_83, %dma_wait3A_84] : memref<125x80xi32, #tpu.memory_space<vmem>> -> memref<1x80xi32, #tpu.memory_space<vmem>>
    %dma_wait3A_86 = tpu.memref_squeeze %dma_wait3A_85 : memref<1x80xi32, #tpu.memory_space<vmem>> -> memref<80xi32, #tpu.memory_space<vmem>>
    %dma_wait3A_87 = arith.constant 0 : i32
    %dma_wait3A_88 = arith.constant 0 : i32
    %dma_wait3A_89 = tpu.memref_slice %arg7[%dma_wait3A_87, %dma_wait3A_88] : memref<10000x128xf32, #tpu.memory_space<vmem_shared>> -> memref<10000x128xf32, #tpu.memory_space<vmem_shared>>
    tpu.wait_indirect_dma semaphore(%arg17 : memref<!tpu.dma_semaphore, #tpu.memory_space<semaphore_mem>>) src(%arg11 : memref<80x128xf32, #tpu.memory_space<vmem>>) dst(%dma_wait3A_89 : memref<10000x128xf32, #tpu.memory_space<vmem_shared>>)
    %dma_start3A_90 = arith.constant 4 : i32
    %dma_start3A_91 = arith.constant 0 : i32
    %dma_start3A_92 = tpu.memref_slice %arg8[%dma_start3A_90, %dma_start3A_91] : memref<125x80xi32, #tpu.memory_space<vmem>> -> memref<1x80xi32, #tpu.memory_space<vmem>>
    %dma_start3A_93 = tpu.memref_squeeze %dma_start3A_92 : memref<1x80xi32, #tpu.memory_space<vmem>> -> memref<80xi32, #tpu.memory_space<vmem>>
    %dma_start3A_94 = arith.constant 0 : i32
    %dma_start3A_95 = arith.constant 0 : i32
    %dma_start3A_96 = tpu.memref_slice %arg2[%dma_start3A_94, %dma_start3A_95] : memref<10000x128xf32, #tpu.memory_space<hbm>> -> memref<10000x128xf32, #tpu.memory_space<hbm>>
    tpu.enqueue_indirect_dma source(%dma_start3A_96 : memref<10000x128xf32, #tpu.memory_space<hbm>>) target(%arg11 : memref<80x128xf32, #tpu.memory_space<vmem>>) offsets(%dma_start3A_93 : memref<80xi32, #tpu.memory_space<vmem>>) semaphore(%arg14 : memref<!tpu.dma_semaphore, #tpu.memory_space<semaphore_mem>>)
    %scan3A = arith.constant 0 : i32
    %scan3A_97 = arith.constant 40 : i32
    %scan3A_98 = arith.addi %scan3A, %scan3A_97 : i32
    %scan3A_99 = arith.constant 1 : i32
    scf.for %scan3A_161 = %scan3A to %scan3A_98 step %scan3A_99  : i32 {
      %mul3A_162 = arith.constant 1 : i32
      %mul3A_163 = arith.muli %scan3A_161, %mul3A_162 : i32
      %add3A_164 = arith.constant 0 : i32
      %add3A_165 = arith.addi %add3A_164, %mul3A_163 : i32
      %mul3A_166 = arith.constant 3 : i32
      %mul3A_167 = arith.muli %mul3A_166, %add3A_165 : i32
      %add3A_168 = arith.constant 3 : i32
      %add3A_169 = arith.addi %mul3A_167, %add3A_168 : i32
      %add3A_170 = arith.constant 0 : i32
      %add3A_171 = arith.addi %add3A_169, %add3A_170 : i32
      %dma_wait3A_172 = arith.constant 0 : i32
      %dma_wait3A_173 = tpu.memref_slice %arg8[%add3A_171, %dma_wait3A_172] : memref<125x80xi32, #tpu.memory_space<vmem>> -> memref<1x80xi32, #tpu.memory_space<vmem>>
      %dma_wait3A_174 = tpu.memref_squeeze %dma_wait3A_173 : memref<1x80xi32, #tpu.memory_space<vmem>> -> memref<80xi32, #tpu.memory_space<vmem>>
      %dma_wait3A_175 = arith.constant 0 : i32
      %dma_wait3A_176 = arith.constant 0 : i32
      %dma_wait3A_177 = tpu.memref_slice %arg2[%dma_wait3A_175, %dma_wait3A_176] : memref<10000x128xf32, #tpu.memory_space<hbm>> -> memref<10000x128xf32, #tpu.memory_space<hbm>>
      tpu.wait_indirect_dma semaphore(%arg13 : memref<!tpu.dma_semaphore, #tpu.memory_space<semaphore_mem>>) src(%dma_wait3A_177 : memref<10000x128xf32, #tpu.memory_space<hbm>>) dst(%arg10 : memref<80x128xf32, #tpu.memory_space<vmem>>)
      %dma_start3A_178 = arith.constant 0 : i32
      %dma_start3A_179 = tpu.memref_slice %arg9[%add3A_171, %dma_start3A_178] : memref<125x80xi32, #tpu.memory_space<vmem>> -> memref<1x80xi32, #tpu.memory_space<vmem>>
      %dma_start3A_180 = tpu.memref_squeeze %dma_start3A_179 : memref<1x80xi32, #tpu.memory_space<vmem>> -> memref<80xi32, #tpu.memory_space<vmem>>
      %dma_start3A_181 = arith.constant 0 : i32
      %dma_start3A_182 = arith.constant 0 : i32
      %dma_start3A_183 = tpu.memref_slice %arg7[%dma_start3A_181, %dma_start3A_182] : memref<10000x128xf32, #tpu.memory_space<vmem_shared>> -> memref<10000x128xf32, #tpu.memory_space<vmem_shared>>
      tpu.enqueue_indirect_dma source(%arg10 : memref<80x128xf32, #tpu.memory_space<vmem>>) target(%dma_start3A_183 : memref<10000x128xf32, #tpu.memory_space<vmem_shared>>) offsets(%dma_start3A_180 : memref<80xi32, #tpu.memory_space<vmem>>) semaphore(%arg16 : memref<!tpu.dma_semaphore, #tpu.memory_space<semaphore_mem>>) {add = true}
      %sub3A = arith.constant 1 : i32
      %sub3A_184 = arith.subi %add3A_171, %sub3A : i32
      %dma_wait3A_185 = arith.constant 0 : i32
      %dma_wait3A_186 = tpu.memref_slice %arg9[%sub3A_184, %dma_wait3A_185] : memref<125x80xi32, #tpu.memory_space<vmem>> -> memref<1x80xi32, #tpu.memory_space<vmem>>
      %dma_wait3A_187 = tpu.memref_squeeze %dma_wait3A_186 : memref<1x80xi32, #tpu.memory_space<vmem>> -> memref<80xi32, #tpu.memory_space<vmem>>
      %dma_wait3A_188 = arith.constant 0 : i32
      %dma_wait3A_189 = arith.constant 0 : i32
      %dma_wait3A_190 = tpu.memref_slice %arg7[%dma_wait3A_188, %dma_wait3A_189] : memref<10000x128xf32, #tpu.memory_space<vmem_shared>> -> memref<10000x128xf32, #tpu.memory_space<vmem_shared>>
      tpu.wait_indirect_dma semaphore(%arg18 : memref<!tpu.dma_semaphore, #tpu.memory_space<semaphore_mem>>) src(%arg12 : memref<80x128xf32, #tpu.memory_space<vmem>>) dst(%dma_wait3A_190 : memref<10000x128xf32, #tpu.memory_space<vmem_shared>>)
      %add3A_191 = arith.constant 2 : i32
      %add3A_192 = arith.addi %add3A_171, %add3A_191 : i32
      %dma_start3A_193 = arith.constant 0 : i32
      %dma_start3A_194 = tpu.memref_slice %arg8[%add3A_192, %dma_start3A_193] : memref<125x80xi32, #tpu.memory_space<vmem>> -> memref<1x80xi32, #tpu.memory_space<vmem>>
      %dma_start3A_195 = tpu.memref_squeeze %dma_start3A_194 : memref<1x80xi32, #tpu.memory_space<vmem>> -> memref<80xi32, #tpu.memory_space<vmem>>
      %dma_start3A_196 = arith.constant 0 : i32
      %dma_start3A_197 = arith.constant 0 : i32
      %dma_start3A_198 = tpu.memref_slice %arg2[%dma_start3A_196, %dma_start3A_197] : memref<10000x128xf32, #tpu.memory_space<hbm>> -> memref<10000x128xf32, #tpu.memory_space<hbm>>
      tpu.enqueue_indirect_dma source(%dma_start3A_198 : memref<10000x128xf32, #tpu.memory_space<hbm>>) target(%arg12 : memref<80x128xf32, #tpu.memory_space<vmem>>) offsets(%dma_start3A_195 : memref<80xi32, #tpu.memory_space<vmem>>) semaphore(%arg15 : memref<!tpu.dma_semaphore, #tpu.memory_space<semaphore_mem>>)
      %mul3A_199 = arith.constant 3 : i32
      %mul3A_200 = arith.muli %mul3A_199, %add3A_165 : i32
      %add3A_201 = arith.constant 3 : i32
      %add3A_202 = arith.addi %mul3A_200, %add3A_201 : i32
      %add3A_203 = arith.constant 1 : i32
      %add3A_204 = arith.addi %add3A_202, %add3A_203 : i32
      %dma_wait3A_205 = arith.constant 0 : i32
      %dma_wait3A_206 = tpu.memref_slice %arg8[%add3A_204, %dma_wait3A_205] : memref<125x80xi32, #tpu.memory_space<vmem>> -> memref<1x80xi32, #tpu.memory_space<vmem>>
      %dma_wait3A_207 = tpu.memref_squeeze %dma_wait3A_206 : memref<1x80xi32, #tpu.memory_space<vmem>> -> memref<80xi32, #tpu.memory_space<vmem>>
      %dma_wait3A_208 = arith.constant 0 : i32
      %dma_wait3A_209 = arith.constant 0 : i32
      %dma_wait3A_210 = tpu.memref_slice %arg2[%dma_wait3A_208, %dma_wait3A_209] : memref<10000x128xf32, #tpu.memory_space<hbm>> -> memref<10000x128xf32, #tpu.memory_space<hbm>>
      tpu.wait_indirect_dma semaphore(%arg14 : memref<!tpu.dma_semaphore, #tpu.memory_space<semaphore_mem>>) src(%dma_wait3A_210 : memref<10000x128xf32, #tpu.memory_space<hbm>>) dst(%arg11 : memref<80x128xf32, #tpu.memory_space<vmem>>)
      %dma_start3A_211 = arith.constant 0 : i32
      %dma_start3A_212 = tpu.memref_slice %arg9[%add3A_204, %dma_start3A_211] : memref<125x80xi32, #tpu.memory_space<vmem>> -> memref<1x80xi32, #tpu.memory_space<vmem>>
      %dma_start3A_213 = tpu.memref_squeeze %dma_start3A_212 : memref<1x80xi32, #tpu.memory_space<vmem>> -> memref<80xi32, #tpu.memory_space<vmem>>
      %dma_start3A_214 = arith.constant 0 : i32
      %dma_start3A_215 = arith.constant 0 : i32
      %dma_start3A_216 = tpu.memref_slice %arg7[%dma_start3A_214, %dma_start3A_215] : memref<10000x128xf32, #tpu.memory_space<vmem_shared>> -> memref<10000x128xf32, #tpu.memory_space<vmem_shared>>
      tpu.enqueue_indirect_dma source(%arg11 : memref<80x128xf32, #tpu.memory_space<vmem>>) target(%dma_start3A_216 : memref<10000x128xf32, #tpu.memory_space<vmem_shared>>) offsets(%dma_start3A_213 : memref<80xi32, #tpu.memory_space<vmem>>) semaphore(%arg17 : memref<!tpu.dma_semaphore, #tpu.memory_space<semaphore_mem>>) {add = true}
      %sub3A_217 = arith.constant 1 : i32
      %sub3A_218 = arith.subi %add3A_204, %sub3A_217 : i32
      %dma_wait3A_219 = arith.constant 0 : i32
      %dma_wait3A_220 = tpu.memref_slice %arg9[%sub3A_218, %dma_wait3A_219] : memref<125x80xi32, #tpu.memory_space<vmem>> -> memref<1x80xi32, #tpu.memory_space<vmem>>
      %dma_wait3A_221 = tpu.memref_squeeze %dma_wait3A_220 : memref<1x80xi32, #tpu.memory_space<vmem>> -> memref<80xi32, #tpu.memory_space<vmem>>
      %dma_wait3A_222 = arith.constant 0 : i32
      %dma_wait3A_223 = arith.constant 0 : i32
      %dma_wait3A_224 = tpu.memref_slice %arg7[%dma_wait3A_222, %dma_wait3A_223] : memref<10000x128xf32, #tpu.memory_space<vmem_shared>> -> memref<10000x128xf32, #tpu.memory_space<vmem_shared>>
      tpu.wait_indirect_dma semaphore(%arg16 : memref<!tpu.dma_semaphore, #tpu.memory_space<semaphore_mem>>) src(%arg10 : memref<80x128xf32, #tpu.memory_space<vmem>>) dst(%dma_wait3A_224 : memref<10000x128xf32, #tpu.memory_space<vmem_shared>>)
      %add3A_225 = arith.constant 2 : i32
      %add3A_226 = arith.addi %add3A_204, %add3A_225 : i32
      %dma_start3A_227 = arith.constant 0 : i32
      %dma_start3A_228 = tpu.memref_slice %arg8[%add3A_226, %dma_start3A_227] : memref<125x80xi32, #tpu.memory_space<vmem>> -> memref<1x80xi32, #tpu.memory_space<vmem>>
      %dma_start3A_229 = tpu.memref_squeeze %dma_start3A_228 : memref<1x80xi32, #tpu.memory_space<vmem>> -> memref<80xi32, #tpu.memory_space<vmem>>
      %dma_start3A_230 = arith.constant 0 : i32
      %dma_start3A_231 = arith.constant 0 : i32
      %dma_start3A_232 = tpu.memref_slice %arg2[%dma_start3A_230, %dma_start3A_231] : memref<10000x128xf32, #tpu.memory_space<hbm>> -> memref<10000x128xf32, #tpu.memory_space<hbm>>
      tpu.enqueue_indirect_dma source(%dma_start3A_232 : memref<10000x128xf32, #tpu.memory_space<hbm>>) target(%arg10 : memref<80x128xf32, #tpu.memory_space<vmem>>) offsets(%dma_start3A_229 : memref<80xi32, #tpu.memory_space<vmem>>) semaphore(%arg13 : memref<!tpu.dma_semaphore, #tpu.memory_space<semaphore_mem>>)
      %mul3A_233 = arith.constant 3 : i32
      %mul3A_234 = arith.muli %mul3A_233, %add3A_165 : i32
      %add3A_235 = arith.constant 3 : i32
      %add3A_236 = arith.addi %mul3A_234, %add3A_235 : i32
      %add3A_237 = arith.constant 2 : i32
      %add3A_238 = arith.addi %add3A_236, %add3A_237 : i32
      %dma_wait3A_239 = arith.constant 0 : i32
      %dma_wait3A_240 = tpu.memref_slice %arg8[%add3A_238, %dma_wait3A_239] : memref<125x80xi32, #tpu.memory_space<vmem>> -> memref<1x80xi32, #tpu.memory_space<vmem>>
      %dma_wait3A_241 = tpu.memref_squeeze %dma_wait3A_240 : memref<1x80xi32, #tpu.memory_space<vmem>> -> memref<80xi32, #tpu.memory_space<vmem>>
      %dma_wait3A_242 = arith.constant 0 : i32
      %dma_wait3A_243 = arith.constant 0 : i32
      %dma_wait3A_244 = tpu.memref_slice %arg2[%dma_wait3A_242, %dma_wait3A_243] : memref<10000x128xf32, #tpu.memory_space<hbm>> -> memref<10000x128xf32, #tpu.memory_space<hbm>>
      tpu.wait_indirect_dma semaphore(%arg15 : memref<!tpu.dma_semaphore, #tpu.memory_space<semaphore_mem>>) src(%dma_wait3A_244 : memref<10000x128xf32, #tpu.memory_space<hbm>>) dst(%arg12 : memref<80x128xf32, #tpu.memory_space<vmem>>)
      %dma_start3A_245 = arith.constant 0 : i32
      %dma_start3A_246 = tpu.memref_slice %arg9[%add3A_238, %dma_start3A_245] : memref<125x80xi32, #tpu.memory_space<vmem>> -> memref<1x80xi32, #tpu.memory_space<vmem>>
      %dma_start3A_247 = tpu.memref_squeeze %dma_start3A_246 : memref<1x80xi32, #tpu.memory_space<vmem>> -> memref<80xi32, #tpu.memory_space<vmem>>
      %dma_start3A_248 = arith.constant 0 : i32
      %dma_start3A_249 = arith.constant 0 : i32
      %dma_start3A_250 = tpu.memref_slice %arg7[%dma_start3A_248, %dma_start3A_249] : memref<10000x128xf32, #tpu.memory_space<vmem_shared>> -> memref<10000x128xf32, #tpu.memory_space<vmem_shared>>
      tpu.enqueue_indirect_dma source(%arg12 : memref<80x128xf32, #tpu.memory_space<vmem>>) target(%dma_start3A_250 : memref<10000x128xf32, #tpu.memory_space<vmem_shared>>) offsets(%dma_start3A_247 : memref<80xi32, #tpu.memory_space<vmem>>) semaphore(%arg18 : memref<!tpu.dma_semaphore, #tpu.memory_space<semaphore_mem>>) {add = true}
      %sub3A_251 = arith.constant 1 : i32
      %sub3A_252 = arith.subi %add3A_238, %sub3A_251 : i32
      %dma_wait3A_253 = arith.constant 0 : i32
      %dma_wait3A_254 = tpu.memref_slice %arg9[%sub3A_252, %dma_wait3A_253] : memref<125x80xi32, #tpu.memory_space<vmem>> -> memref<1x80xi32, #tpu.memory_space<vmem>>
      %dma_wait3A_255 = tpu.memref_squeeze %dma_wait3A_254 : memref<1x80xi32, #tpu.memory_space<vmem>> -> memref<80xi32, #tpu.memory_space<vmem>>
      %dma_wait3A_256 = arith.constant 0 : i32
      %dma_wait3A_257 = arith.constant 0 : i32
      %dma_wait3A_258 = tpu.memref_slice %arg7[%dma_wait3A_256, %dma_wait3A_257] : memref<10000x128xf32, #tpu.memory_space<vmem_shared>> -> memref<10000x128xf32, #tpu.memory_space<vmem_shared>>
      tpu.wait_indirect_dma semaphore(%arg17 : memref<!tpu.dma_semaphore, #tpu.memory_space<semaphore_mem>>) src(%arg11 : memref<80x128xf32, #tpu.memory_space<vmem>>) dst(%dma_wait3A_258 : memref<10000x128xf32, #tpu.memory_space<vmem_shared>>)
      %add3A_259 = arith.constant 2 : i32
      %add3A_260 = arith.addi %add3A_238, %add3A_259 : i32
      %dma_start3A_261 = arith.constant 0 : i32
      %dma_start3A_262 = tpu.memref_slice %arg8[%add3A_260, %dma_start3A_261] : memref<125x80xi32, #tpu.memory_space<vmem>> -> memref<1x80xi32, #tpu.memory_space<vmem>>
      %dma_start3A_263 = tpu.memref_squeeze %dma_start3A_262 : memref<1x80xi32, #tpu.memory_space<vmem>> -> memref<80xi32, #tpu.memory_space<vmem>>
      %dma_start3A_264 = arith.constant 0 : i32
      %dma_start3A_265 = arith.constant 0 : i32
      %dma_start3A_266 = tpu.memref_slice %arg2[%dma_start3A_264, %dma_start3A_265] : memref<10000x128xf32, #tpu.memory_space<hbm>> -> memref<10000x128xf32, #tpu.memory_space<hbm>>
      tpu.enqueue_indirect_dma source(%dma_start3A_266 : memref<10000x128xf32, #tpu.memory_space<hbm>>) target(%arg11 : memref<80x128xf32, #tpu.memory_space<vmem>>) offsets(%dma_start3A_263 : memref<80xi32, #tpu.memory_space<vmem>>) semaphore(%arg14 : memref<!tpu.dma_semaphore, #tpu.memory_space<semaphore_mem>>)
    }
    %scan3A_100 = arith.constant 40 : i32
    %dma_wait3A_101 = arith.constant 123 : i32
    %dma_wait3A_102 = arith.constant 0 : i32
    %dma_wait3A_103 = tpu.memref_slice %arg8[%dma_wait3A_101, %dma_wait3A_102] : memref<125x80xi32, #tpu.memory_space<vmem>> -> memref<1x80xi32, #tpu.memory_space<vmem>>
    %dma_wait3A_104 = tpu.memref_squeeze %dma_wait3A_103 : memref<1x80xi32, #tpu.memory_space<vmem>> -> memref<80xi32, #tpu.memory_space<vmem>>
    %dma_wait3A_105 = arith.constant 0 : i32
    %dma_wait3A_106 = arith.constant 0 : i32
    %dma_wait3A_107 = tpu.memref_slice %arg2[%dma_wait3A_105, %dma_wait3A_106] : memref<10000x128xf32, #tpu.memory_space<hbm>> -> memref<10000x128xf32, #tpu.memory_space<hbm>>
    tpu.wait_indirect_dma semaphore(%arg13 : memref<!tpu.dma_semaphore, #tpu.memory_space<semaphore_mem>>) src(%dma_wait3A_107 : memref<10000x128xf32, #tpu.memory_space<hbm>>) dst(%arg10 : memref<80x128xf32, #tpu.memory_space<vmem>>)
    %dma_start3A_108 = arith.constant 123 : i32
    %dma_start3A_109 = arith.constant 0 : i32
    %dma_start3A_110 = tpu.memref_slice %arg9[%dma_start3A_108, %dma_start3A_109] : memref<125x80xi32, #tpu.memory_space<vmem>> -> memref<1x80xi32, #tpu.memory_space<vmem>>
    %dma_start3A_111 = tpu.memref_squeeze %dma_start3A_110 : memref<1x80xi32, #tpu.memory_space<vmem>> -> memref<80xi32, #tpu.memory_space<vmem>>
    %dma_start3A_112 = arith.constant 0 : i32
    %dma_start3A_113 = arith.constant 0 : i32
    %dma_start3A_114 = tpu.memref_slice %arg7[%dma_start3A_112, %dma_start3A_113] : memref<10000x128xf32, #tpu.memory_space<vmem_shared>> -> memref<10000x128xf32, #tpu.memory_space<vmem_shared>>
    tpu.enqueue_indirect_dma source(%arg10 : memref<80x128xf32, #tpu.memory_space<vmem>>) target(%dma_start3A_114 : memref<10000x128xf32, #tpu.memory_space<vmem_shared>>) offsets(%dma_start3A_111 : memref<80xi32, #tpu.memory_space<vmem>>) semaphore(%arg16 : memref<!tpu.dma_semaphore, #tpu.memory_space<semaphore_mem>>) {add = true}
    %dma_wait3A_115 = arith.constant 122 : i32
    %dma_wait3A_116 = arith.constant 0 : i32
    %dma_wait3A_117 = tpu.memref_slice %arg9[%dma_wait3A_115, %dma_wait3A_116] : memref<125x80xi32, #tpu.memory_space<vmem>> -> memref<1x80xi32, #tpu.memory_space<vmem>>
    %dma_wait3A_118 = tpu.memref_squeeze %dma_wait3A_117 : memref<1x80xi32, #tpu.memory_space<vmem>> -> memref<80xi32, #tpu.memory_space<vmem>>
    %dma_wait3A_119 = arith.constant 0 : i32
    %dma_wait3A_120 = arith.constant 0 : i32
    %dma_wait3A_121 = tpu.memref_slice %arg7[%dma_wait3A_119, %dma_wait3A_120] : memref<10000x128xf32, #tpu.memory_space<vmem_shared>> -> memref<10000x128xf32, #tpu.memory_space<vmem_shared>>
    tpu.wait_indirect_dma semaphore(%arg18 : memref<!tpu.dma_semaphore, #tpu.memory_space<semaphore_mem>>) src(%arg12 : memref<80x128xf32, #tpu.memory_space<vmem>>) dst(%dma_wait3A_121 : memref<10000x128xf32, #tpu.memory_space<vmem_shared>>)
    %dma_wait3A_122 = arith.constant 124 : i32
    %dma_wait3A_123 = arith.constant 0 : i32
    %dma_wait3A_124 = tpu.memref_slice %arg8[%dma_wait3A_122, %dma_wait3A_123] : memref<125x80xi32, #tpu.memory_space<vmem>> -> memref<1x80xi32, #tpu.memory_space<vmem>>
    %dma_wait3A_125 = tpu.memref_squeeze %dma_wait3A_124 : memref<1x80xi32, #tpu.memory_space<vmem>> -> memref<80xi32, #tpu.memory_space<vmem>>
    %dma_wait3A_126 = arith.constant 0 : i32
    %dma_wait3A_127 = arith.constant 0 : i32
    %dma_wait3A_128 = tpu.memref_slice %arg2[%dma_wait3A_126, %dma_wait3A_127] : memref<10000x128xf32, #tpu.memory_space<hbm>> -> memref<10000x128xf32, #tpu.memory_space<hbm>>
    tpu.wait_indirect_dma semaphore(%arg14 : memref<!tpu.dma_semaphore, #tpu.memory_space<semaphore_mem>>) src(%dma_wait3A_128 : memref<10000x128xf32, #tpu.memory_space<hbm>>) dst(%arg11 : memref<80x128xf32, #tpu.memory_space<vmem>>)
    %dma_start3A_129 = arith.constant 124 : i32
    %dma_start3A_130 = arith.constant 0 : i32
    %dma_start3A_131 = tpu.memref_slice %arg9[%dma_start3A_129, %dma_start3A_130] : memref<125x80xi32, #tpu.memory_space<vmem>> -> memref<1x80xi32, #tpu.memory_space<vmem>>
    %dma_start3A_132 = tpu.memref_squeeze %dma_start3A_131 : memref<1x80xi32, #tpu.memory_space<vmem>> -> memref<80xi32, #tpu.memory_space<vmem>>
    %dma_start3A_133 = arith.constant 0 : i32
    %dma_start3A_134 = arith.constant 0 : i32
    %dma_start3A_135 = tpu.memref_slice %arg7[%dma_start3A_133, %dma_start3A_134] : memref<10000x128xf32, #tpu.memory_space<vmem_shared>> -> memref<10000x128xf32, #tpu.memory_space<vmem_shared>>
    tpu.enqueue_indirect_dma source(%arg11 : memref<80x128xf32, #tpu.memory_space<vmem>>) target(%dma_start3A_135 : memref<10000x128xf32, #tpu.memory_space<vmem_shared>>) offsets(%dma_start3A_132 : memref<80xi32, #tpu.memory_space<vmem>>) semaphore(%arg17 : memref<!tpu.dma_semaphore, #tpu.memory_space<semaphore_mem>>) {add = true}
    %dma_wait3A_136 = arith.constant 123 : i32
    %dma_wait3A_137 = arith.constant 0 : i32
    %dma_wait3A_138 = tpu.memref_slice %arg9[%dma_wait3A_136, %dma_wait3A_137] : memref<125x80xi32, #tpu.memory_space<vmem>> -> memref<1x80xi32, #tpu.memory_space<vmem>>
    %dma_wait3A_139 = tpu.memref_squeeze %dma_wait3A_138 : memref<1x80xi32, #tpu.memory_space<vmem>> -> memref<80xi32, #tpu.memory_space<vmem>>
    %dma_wait3A_140 = arith.constant 0 : i32
    %dma_wait3A_141 = arith.constant 0 : i32
    %dma_wait3A_142 = tpu.memref_slice %arg7[%dma_wait3A_140, %dma_wait3A_141] : memref<10000x128xf32, #tpu.memory_space<vmem_shared>> -> memref<10000x128xf32, #tpu.memory_space<vmem_shared>>
    tpu.wait_indirect_dma semaphore(%arg16 : memref<!tpu.dma_semaphore, #tpu.memory_space<semaphore_mem>>) src(%arg10 : memref<80x128xf32, #tpu.memory_space<vmem>>) dst(%dma_wait3A_142 : memref<10000x128xf32, #tpu.memory_space<vmem_shared>>)
    %dma_wait3A_143 = arith.constant 124 : i32
    %dma_wait3A_144 = arith.constant 0 : i32
    %dma_wait3A_145 = tpu.memref_slice %arg9[%dma_wait3A_143, %dma_wait3A_144] : memref<125x80xi32, #tpu.memory_space<vmem>> -> memref<1x80xi32, #tpu.memory_space<vmem>>
    %dma_wait3A_146 = tpu.memref_squeeze %dma_wait3A_145 : memref<1x80xi32, #tpu.memory_space<vmem>> -> memref<80xi32, #tpu.memory_space<vmem>>
    %dma_wait3A_147 = arith.constant 0 : i32
    %dma_wait3A_148 = arith.constant 0 : i32
    %dma_wait3A_149 = tpu.memref_slice %arg7[%dma_wait3A_147, %dma_wait3A_148] : memref<10000x128xf32, #tpu.memory_space<vmem_shared>> -> memref<10000x128xf32, #tpu.memory_space<vmem_shared>>
    tpu.wait_indirect_dma semaphore(%arg17 : memref<!tpu.dma_semaphore, #tpu.memory_space<semaphore_mem>>) src(%arg11 : memref<80x128xf32, #tpu.memory_space<vmem>>) dst(%dma_wait3A_149 : memref<10000x128xf32, #tpu.memory_space<vmem_shared>>)
    %barrier3A_150 = arith.constant 0 : index
    tpu.barrier barrier_id(%barrier3A_150)
    %eq3A_151 = arith.constant 0 : i32
    %eq3A_152 = arith.cmpi eq, %arg0, %eq3A_151 : i32
    %convert_element_type3A_153 = arith.extui %eq3A_152 : i1 to i32
    %cond3A_154 = arith.constant 0 : i32
    %cond3A_155 = arith.cmpi ne, %convert_element_type3A_153, %cond3A_154 : i32
    scf.if %cond3A_155 {
      %mul3A_161 = arith.constant 624 : i32
      %mul3A_162 = arith.muli %arg1, %mul3A_161 : i32
      %mul3A_163 = arith.constant 624 : i32
      %mul3A_164 = arith.muli %arg1, %mul3A_163 : i32
      "tpu.region"() ({
        %run_scoped3A_170 = tpu.sem_alloc : memref<!tpu.dma_semaphore, #tpu.memory_space<semaphore_mem>>
        %dma_start3A_171 = arith.constant 0 : i32
        %dma_start3A_172 = tpu.memref_slice %arg5[%mul3A_164, %dma_start3A_171] : memref<10000x128xf32, #tpu.memory_space<hbm>> -> memref<624x128xf32, #tpu.memory_space<hbm>>
        %dma_start3A_173 = arith.constant 0 : i32
        %dma_start3A_174 = tpu.memref_slice %arg7[%mul3A_162, %dma_start3A_173] : memref<10000x128xf32, #tpu.memory_space<vmem_shared>> -> memref<624x128xf32, #tpu.memory_space<vmem_shared>>
        tpu.enqueue_dma source(%dma_start3A_174 : memref<624x128xf32, #tpu.memory_space<vmem_shared>>) target(%dma_start3A_172 : memref<624x128xf32, #tpu.memory_space<hbm>>) target_semaphore(%run_scoped3A_170 : memref<!tpu.dma_semaphore, #tpu.memory_space<semaphore_mem>>)
        %dma_wait3A_175 = arith.constant 0 : i32
        %dma_wait3A_176 = tpu.memref_slice %arg5[%mul3A_164, %dma_wait3A_175] : memref<10000x128xf32, #tpu.memory_space<hbm>> -> memref<624x128xf32, #tpu.memory_space<hbm>>
        %dma_wait3A_177 = arith.constant 0 : i32
        %dma_wait3A_178 = tpu.memref_slice %arg7[%mul3A_162, %dma_wait3A_177] : memref<10000x128xf32, #tpu.memory_space<vmem_shared>> -> memref<624x128xf32, #tpu.memory_space<vmem_shared>>
        tpu.wait_dma2 semaphore(%run_scoped3A_170 : memref<!tpu.dma_semaphore, #tpu.memory_space<semaphore_mem>>) src(%dma_wait3A_178 : memref<624x128xf32, #tpu.memory_space<vmem_shared>>) dst(%dma_wait3A_176 : memref<624x128xf32, #tpu.memory_space<hbm>>)
        tpu.yield
      }) : () -> ()
      %eq3A_165 = arith.constant 15 : i32
      %eq3A_166 = arith.cmpi eq, %arg1, %eq3A_165 : i32
      %convert_element_type3A_167 = arith.extui %eq3A_166 : i1 to i32
      %cond3A_168 = arith.constant 0 : i32
      %cond3A_169 = arith.cmpi ne, %convert_element_type3A_167, %cond3A_168 : i32
      scf.if %cond3A_169 {
        "tpu.region"() ({
          %run_scoped3A_170 = tpu.sem_alloc : memref<!tpu.dma_semaphore, #tpu.memory_space<semaphore_mem>>
          %dma_start3A_171 = arith.constant 9984 : i32
          %dma_start3A_172 = arith.constant 0 : i32
          %dma_start3A_173 = tpu.memref_slice %arg5[%dma_start3A_171, %dma_start3A_172] : memref<10000x128xf32, #tpu.memory_space<hbm>> -> memref<16x128xf32, #tpu.memory_space<hbm>>
          %dma_start3A_174 = arith.constant 9984 : i32
          %dma_start3A_175 = arith.constant 0 : i32
          %dma_start3A_176 = tpu.memref_slice %arg7[%dma_start3A_174, %dma_start3A_175] : memref<10000x128xf32, #tpu.memory_space<vmem_shared>> -> memref<16x128xf32, #tpu.memory_space<vmem_shared>>
          tpu.enqueue_dma source(%dma_start3A_176 : memref<16x128xf32, #tpu.memory_space<vmem_shared>>) target(%dma_start3A_173 : memref<16x128xf32, #tpu.memory_space<hbm>>) target_semaphore(%run_scoped3A_170 : memref<!tpu.dma_semaphore, #tpu.memory_space<semaphore_mem>>)
          %dma_wait3A_177 = arith.constant 9984 : i32
          %dma_wait3A_178 = arith.constant 0 : i32
          %dma_wait3A_179 = tpu.memref_slice %arg5[%dma_wait3A_177, %dma_wait3A_178] : memref<10000x128xf32, #tpu.memory_space<hbm>> -> memref<16x128xf32, #tpu.memory_space<hbm>>
          %dma_wait3A_180 = arith.constant 9984 : i32
          %dma_wait3A_181 = arith.constant 0 : i32
          %dma_wait3A_182 = tpu.memref_slice %arg7[%dma_wait3A_180, %dma_wait3A_181] : memref<10000x128xf32, #tpu.memory_space<vmem_shared>> -> memref<16x128xf32, #tpu.memory_space<vmem_shared>>
          tpu.wait_dma2 semaphore(%run_scoped3A_170 : memref<!tpu.dma_semaphore, #tpu.memory_space<semaphore_mem>>) src(%dma_wait3A_182 : memref<16x128xf32, #tpu.memory_space<vmem_shared>>) dst(%dma_wait3A_179 : memref<16x128xf32, #tpu.memory_space<hbm>>)
          tpu.yield
        }) : () -> ()
      } else {
      }
    } else {
    }
    %eq3A_156 = arith.constant 1 : i32
    %eq3A_157 = arith.cmpi eq, %arg0, %eq3A_156 : i32
    %convert_element_type3A_158 = arith.extui %eq3A_157 : i1 to i32
    %cond3A_159 = arith.constant 0 : i32
    %cond3A_160 = arith.cmpi ne, %convert_element_type3A_158, %cond3A_159 : i32
    scf.if %cond3A_160 {
      %mul3A_161 = arith.constant 624 : i32
      %mul3A_162 = arith.muli %arg1, %mul3A_161 : i32
      %mul3A_163 = arith.constant 624 : i32
      %mul3A_164 = arith.muli %arg1, %mul3A_163 : i32
      "tpu.region"() ({
        %run_scoped3A_170 = tpu.sem_alloc : memref<!tpu.dma_semaphore, #tpu.memory_space<semaphore_mem>>
        %dma_start3A_171 = arith.constant 0 : i32
        %dma_start3A_172 = tpu.memref_slice %arg6[%mul3A_164, %dma_start3A_171] : memref<10000x128xf32, #tpu.memory_space<hbm>> -> memref<624x128xf32, #tpu.memory_space<hbm>>
        %dma_start3A_173 = arith.constant 0 : i32
        %dma_start3A_174 = tpu.memref_slice %arg7[%mul3A_162, %dma_start3A_173] : memref<10000x128xf32, #tpu.memory_space<vmem_shared>> -> memref<624x128xf32, #tpu.memory_space<vmem_shared>>
        tpu.enqueue_dma source(%dma_start3A_174 : memref<624x128xf32, #tpu.memory_space<vmem_shared>>) target(%dma_start3A_172 : memref<624x128xf32, #tpu.memory_space<hbm>>) target_semaphore(%run_scoped3A_170 : memref<!tpu.dma_semaphore, #tpu.memory_space<semaphore_mem>>)
        %dma_wait3A_175 = arith.constant 0 : i32
        %dma_wait3A_176 = tpu.memref_slice %arg6[%mul3A_164, %dma_wait3A_175] : memref<10000x128xf32, #tpu.memory_space<hbm>> -> memref<624x128xf32, #tpu.memory_space<hbm>>
        %dma_wait3A_177 = arith.constant 0 : i32
        %dma_wait3A_178 = tpu.memref_slice %arg7[%mul3A_162, %dma_wait3A_177] : memref<10000x128xf32, #tpu.memory_space<vmem_shared>> -> memref<624x128xf32, #tpu.memory_space<vmem_shared>>
        tpu.wait_dma2 semaphore(%run_scoped3A_170 : memref<!tpu.dma_semaphore, #tpu.memory_space<semaphore_mem>>) src(%dma_wait3A_178 : memref<624x128xf32, #tpu.memory_space<vmem_shared>>) dst(%dma_wait3A_176 : memref<624x128xf32, #tpu.memory_space<hbm>>)
        tpu.yield
      }) : () -> ()
      %eq3A_165 = arith.constant 15 : i32
      %eq3A_166 = arith.cmpi eq, %arg1, %eq3A_165 : i32
      %convert_element_type3A_167 = arith.extui %eq3A_166 : i1 to i32
      %cond3A_168 = arith.constant 0 : i32
      %cond3A_169 = arith.cmpi ne, %convert_element_type3A_167, %cond3A_168 : i32
      scf.if %cond3A_169 {
        "tpu.region"() ({
          %run_scoped3A_170 = tpu.sem_alloc : memref<!tpu.dma_semaphore, #tpu.memory_space<semaphore_mem>>
          %dma_start3A_171 = arith.constant 9984 : i32
          %dma_start3A_172 = arith.constant 0 : i32
          %dma_start3A_173 = tpu.memref_slice %arg6[%dma_start3A_171, %dma_start3A_172] : memref<10000x128xf32, #tpu.memory_space<hbm>> -> memref<16x128xf32, #tpu.memory_space<hbm>>
          %dma_start3A_174 = arith.constant 9984 : i32
          %dma_start3A_175 = arith.constant 0 : i32
          %dma_start3A_176 = tpu.memref_slice %arg7[%dma_start3A_174, %dma_start3A_175] : memref<10000x128xf32, #tpu.memory_space<vmem_shared>> -> memref<16x128xf32, #tpu.memory_space<vmem_shared>>
          tpu.enqueue_dma source(%dma_start3A_176 : memref<16x128xf32, #tpu.memory_space<vmem_shared>>) target(%dma_start3A_173 : memref<16x128xf32, #tpu.memory_space<hbm>>) target_semaphore(%run_scoped3A_170 : memref<!tpu.dma_semaphore, #tpu.memory_space<semaphore_mem>>)
          %dma_wait3A_177 = arith.constant 9984 : i32
          %dma_wait3A_178 = arith.constant 0 : i32
          %dma_wait3A_179 = tpu.memref_slice %arg6[%dma_wait3A_177, %dma_wait3A_178] : memref<10000x128xf32, #tpu.memory_space<hbm>> -> memref<16x128xf32, #tpu.memory_space<hbm>>
          %dma_wait3A_180 = arith.constant 9984 : i32
          %dma_wait3A_181 = arith.constant 0 : i32
          %dma_wait3A_182 = tpu.memref_slice %arg7[%dma_wait3A_180, %dma_wait3A_181] : memref<10000x128xf32, #tpu.memory_space<vmem_shared>> -> memref<16x128xf32, #tpu.memory_space<vmem_shared>>
          tpu.wait_dma2 semaphore(%run_scoped3A_170 : memref<!tpu.dma_semaphore, #tpu.memory_space<semaphore_mem>>) src(%dma_wait3A_182 : memref<16x128xf32, #tpu.memory_space<vmem_shared>>) dst(%dma_wait3A_179 : memref<16x128xf32, #tpu.memory_space<hbm>>)
          tpu.yield
        }) : () -> ()
      } else {
      }
    } else {
    }
    return
  }
}

#map = affine_map<(d0, d1) -> (0, 0)>
#map1 = affine_map<(d0, d1) -> (0, 0, 0, 0)>
module attributes {stable_mosaic.version = 14 : i64} {
  func.func @_agg_body(%arg0: i32, %arg1: i32, %arg2: memref<10000x128xf32, #tpu.memory_space<hbm>>, %arg3: memref<2x32x125x80xi32, #tpu.memory_space<hbm>>, %arg4: memref<10000x128xf32, #tpu.memory_space<hbm>>, %arg5: memref<10000x128xf32, #tpu.memory_space<hbm>>, %arg6: memref<10000x128xf32, #tpu.memory_space<hbm>>, %arg7: memref<10000x128xf32, #tpu.memory_space<vmem_shared>>, %arg8: memref<125x80xi32, #tpu.memory_space<vmem>>, %arg9: memref<125x80xi32, #tpu.memory_space<vmem>>, %arg10: memref<80x128xf32, #tpu.memory_space<vmem>>, %arg11: memref<80x128xf32, #tpu.memory_space<vmem>>, %arg12: memref<80x128xf32, #tpu.memory_space<vmem>>, %arg13: memref<!tpu.dma_semaphore, #tpu.memory_space<semaphore_mem>>, %arg14: memref<!tpu.dma_semaphore, #tpu.memory_space<semaphore_mem>>, %arg15: memref<!tpu.dma_semaphore, #tpu.memory_space<semaphore_mem>>, %arg16: memref<!tpu.dma_semaphore, #tpu.memory_space<semaphore_mem>>, %arg17: memref<!tpu.dma_semaphore, #tpu.memory_space<semaphore_mem>>, %arg18: memref<!tpu.dma_semaphore, #tpu.memory_space<semaphore_mem>>) attributes {dimension_semantics = [#tpu.dimension_semantics<core_parallel>, #tpu.dimension_semantics<subcore_parallel>], iteration_bounds = array<i64: 2, 16>, scalar_prefetch = 0 : i64, scratch_operands = 12 : i64, tpu.core_type = #tpu.core_type<sc_vector_subcore>, window_params = [{transform_indices = #map}, {transform_indices = #map1}, {transform_indices = #map}, {transform_indices = #map}, {transform_indices = #map}]} {
    %mul3A = arith.constant 16 : i32
    %mul3A_0 = arith.muli %arg0, %mul3A : i32
    %add3A = arith.addi %mul3A_0, %arg1 : i32
    %mul3A_1 = arith.constant 624 : i32
    %mul3A_2 = arith.muli %arg1, %mul3A_1 : i32
    %mul3A_3 = arith.constant 624 : i32
    %mul3A_4 = arith.muli %arg1, %mul3A_3 : i32
    "tpu.region"() ({
      %run_scoped3A_161 = tpu.sem_alloc : memref<!tpu.dma_semaphore, #tpu.memory_space<semaphore_mem>>
      %dma_start3A_162 = arith.constant 0 : i32
      %dma_start3A_163 = tpu.memref_slice %arg7[%mul3A_4, %dma_start3A_162] : memref<10000x128xf32, #tpu.memory_space<vmem_shared>> -> memref<624x128xf32, #tpu.memory_space<vmem_shared>>
      %dma_start3A_164 = arith.constant 0 : i32
      %dma_start3A_165 = tpu.memref_slice %arg4[%mul3A_2, %dma_start3A_164] : memref<10000x128xf32, #tpu.memory_space<hbm>> -> memref<624x128xf32, #tpu.memory_space<hbm>>
      tpu.enqueue_dma source(%dma_start3A_165 : memref<624x128xf32, #tpu.memory_space<hbm>>) target(%dma_start3A_163 : memref<624x128xf32, #tpu.memory_space<vmem_shared>>) target_semaphore(%run_scoped3A_161 : memref<!tpu.dma_semaphore, #tpu.memory_space<semaphore_mem>>)
      %dma_wait3A_166 = arith.constant 0 : i32
      %dma_wait3A_167 = tpu.memref_slice %arg7[%mul3A_4, %dma_wait3A_166] : memref<10000x128xf32, #tpu.memory_space<vmem_shared>> -> memref<624x128xf32, #tpu.memory_space<vmem_shared>>
      %dma_wait3A_168 = arith.constant 0 : i32
      %dma_wait3A_169 = tpu.memref_slice %arg4[%mul3A_2, %dma_wait3A_168] : memref<10000x128xf32, #tpu.memory_space<hbm>> -> memref<624x128xf32, #tpu.memory_space<hbm>>
      tpu.wait_dma2 semaphore(%run_scoped3A_161 : memref<!tpu.dma_semaphore, #tpu.memory_space<semaphore_mem>>) src(%dma_wait3A_169 : memref<624x128xf32, #tpu.memory_space<hbm>>) dst(%dma_wait3A_167 : memref<624x128xf32, #tpu.memory_space<vmem_shared>>)
      tpu.yield
    }) : () -> ()
    %eq3A = arith.constant 15 : i32
    %eq3A_5 = arith.cmpi eq, %arg1, %eq3A : i32
    %convert_element_type3A = arith.extui %eq3A_5 : i1 to i32
    %cond3A = arith.constant 0 : i32
    %cond3A_6 = arith.cmpi ne, %convert_element_type3A, %cond3A : i32
    scf.if %cond3A_6 {
      "tpu.region"() ({
        %run_scoped3A_161 = tpu.sem_alloc : memref<!tpu.dma_semaphore, #tpu.memory_space<semaphore_mem>>
        %dma_start3A_162 = arith.constant 9984 : i32
        %dma_start3A_163 = arith.constant 0 : i32
        %dma_start3A_164 = tpu.memref_slice %arg7[%dma_start3A_162, %dma_start3A_163] : memref<10000x128xf32, #tpu.memory_space<vmem_shared>> -> memref<16x128xf32, #tpu.memory_space<vmem_shared>>
        %dma_start3A_165 = arith.constant 9984 : i32
        %dma_start3A_166 = arith.constant 0 : i32
        %dma_start3A_167 = tpu.memref_slice %arg4[%dma_start3A_165, %dma_start3A_166] : memref<10000x128xf32, #tpu.memory_space<hbm>> -> memref<16x128xf32, #tpu.memory_space<hbm>>
        tpu.enqueue_dma source(%dma_start3A_167 : memref<16x128xf32, #tpu.memory_space<hbm>>) target(%dma_start3A_164 : memref<16x128xf32, #tpu.memory_space<vmem_shared>>) target_semaphore(%run_scoped3A_161 : memref<!tpu.dma_semaphore, #tpu.memory_space<semaphore_mem>>)
        %dma_wait3A_168 = arith.constant 9984 : i32
        %dma_wait3A_169 = arith.constant 0 : i32
        %dma_wait3A_170 = tpu.memref_slice %arg7[%dma_wait3A_168, %dma_wait3A_169] : memref<10000x128xf32, #tpu.memory_space<vmem_shared>> -> memref<16x128xf32, #tpu.memory_space<vmem_shared>>
        %dma_wait3A_171 = arith.constant 9984 : i32
        %dma_wait3A_172 = arith.constant 0 : i32
        %dma_wait3A_173 = tpu.memref_slice %arg4[%dma_wait3A_171, %dma_wait3A_172] : memref<10000x128xf32, #tpu.memory_space<hbm>> -> memref<16x128xf32, #tpu.memory_space<hbm>>
        tpu.wait_dma2 semaphore(%run_scoped3A_161 : memref<!tpu.dma_semaphore, #tpu.memory_space<semaphore_mem>>) src(%dma_wait3A_173 : memref<16x128xf32, #tpu.memory_space<hbm>>) dst(%dma_wait3A_170 : memref<16x128xf32, #tpu.memory_space<vmem_shared>>)
        tpu.yield
      }) : () -> ()
    } else {
    }
    %run_scoped3A = arith.constant 0 : i32
    "tpu.region"() ({
      %run_scoped3A_161 = tpu.sem_alloc : memref<!tpu.dma_semaphore, #tpu.memory_space<semaphore_mem>>
      %dma_start3A_162 = arith.constant 0 : i32
      %dma_start3A_163 = arith.constant 0 : i32
      %dma_start3A_164 = tpu.memref_slice %arg3[%run_scoped3A, %add3A, %dma_start3A_162, %dma_start3A_163] : memref<2x32x125x80xi32, #tpu.memory_space<hbm>> -> memref<1x1x125x80xi32, #tpu.memory_space<hbm>>
      %dma_start3A_165 = tpu.memref_squeeze %dma_start3A_164 : memref<1x1x125x80xi32, #tpu.memory_space<hbm>> -> memref<125x80xi32, #tpu.memory_space<hbm>>
      %dma_start3A_166 = arith.constant 0 : i32
      %dma_start3A_167 = arith.constant 0 : i32
      %dma_start3A_168 = tpu.memref_slice %arg3[%run_scoped3A, %add3A, %dma_start3A_166, %dma_start3A_167] : memref<2x32x125x80xi32, #tpu.memory_space<hbm>> -> memref<1x1x125x80xi32, #tpu.memory_space<hbm>>
      %dma_start3A_169 = tpu.memref_squeeze %dma_start3A_168 : memref<1x1x125x80xi32, #tpu.memory_space<hbm>> -> memref<125x80xi32, #tpu.memory_space<hbm>>
      tpu.enqueue_dma source(%dma_start3A_169 : memref<125x80xi32, #tpu.memory_space<hbm>>) target(%arg8 : memref<125x80xi32, #tpu.memory_space<vmem>>) target_semaphore(%run_scoped3A_161 : memref<!tpu.dma_semaphore, #tpu.memory_space<semaphore_mem>>)
      %dma_wait3A_170 = arith.constant 0 : i32
      %dma_wait3A_171 = arith.constant 0 : i32
      %dma_wait3A_172 = tpu.memref_slice %arg3[%run_scoped3A, %add3A, %dma_wait3A_170, %dma_wait3A_171] : memref<2x32x125x80xi32, #tpu.memory_space<hbm>> -> memref<1x1x125x80xi32, #tpu.memory_space<hbm>>
      %dma_wait3A_173 = tpu.memref_squeeze %dma_wait3A_172 : memref<1x1x125x80xi32, #tpu.memory_space<hbm>> -> memref<125x80xi32, #tpu.memory_space<hbm>>
      %dma_wait3A_174 = arith.constant 0 : i32
      %dma_wait3A_175 = arith.constant 0 : i32
      %dma_wait3A_176 = tpu.memref_slice %arg3[%run_scoped3A, %add3A, %dma_wait3A_174, %dma_wait3A_175] : memref<2x32x125x80xi32, #tpu.memory_space<hbm>> -> memref<1x1x125x80xi32, #tpu.memory_space<hbm>>
      %dma_wait3A_177 = tpu.memref_squeeze %dma_wait3A_176 : memref<1x1x125x80xi32, #tpu.memory_space<hbm>> -> memref<125x80xi32, #tpu.memory_space<hbm>>
      tpu.wait_dma2 semaphore(%run_scoped3A_161 : memref<!tpu.dma_semaphore, #tpu.memory_space<semaphore_mem>>) src(%dma_wait3A_177 : memref<125x80xi32, #tpu.memory_space<hbm>>) dst(%arg8 : memref<125x80xi32, #tpu.memory_space<vmem>>)
      tpu.yield
    }) : () -> ()
    %run_scoped3A_7 = arith.constant 1 : i32
    "tpu.region"() ({
      %run_scoped3A_161 = tpu.sem_alloc : memref<!tpu.dma_semaphore, #tpu.memory_space<semaphore_mem>>
      %dma_start3A_162 = arith.constant 0 : i32
      %dma_start3A_163 = arith.constant 0 : i32
      %dma_start3A_164 = tpu.memref_slice %arg3[%run_scoped3A_7, %add3A, %dma_start3A_162, %dma_start3A_163] : memref<2x32x125x80xi32, #tpu.memory_space<hbm>> -> memref<1x1x125x80xi32, #tpu.memory_space<hbm>>
      %dma_start3A_165 = tpu.memref_squeeze %dma_start3A_164 : memref<1x1x125x80xi32, #tpu.memory_space<hbm>> -> memref<125x80xi32, #tpu.memory_space<hbm>>
      %dma_start3A_166 = arith.constant 0 : i32
      %dma_start3A_167 = arith.constant 0 : i32
      %dma_start3A_168 = tpu.memref_slice %arg3[%run_scoped3A_7, %add3A, %dma_start3A_166, %dma_start3A_167] : memref<2x32x125x80xi32, #tpu.memory_space<hbm>> -> memref<1x1x125x80xi32, #tpu.memory_space<hbm>>
      %dma_start3A_169 = tpu.memref_squeeze %dma_start3A_168 : memref<1x1x125x80xi32, #tpu.memory_space<hbm>> -> memref<125x80xi32, #tpu.memory_space<hbm>>
      tpu.enqueue_dma source(%dma_start3A_169 : memref<125x80xi32, #tpu.memory_space<hbm>>) target(%arg9 : memref<125x80xi32, #tpu.memory_space<vmem>>) target_semaphore(%run_scoped3A_161 : memref<!tpu.dma_semaphore, #tpu.memory_space<semaphore_mem>>)
      %dma_wait3A_170 = arith.constant 0 : i32
      %dma_wait3A_171 = arith.constant 0 : i32
      %dma_wait3A_172 = tpu.memref_slice %arg3[%run_scoped3A_7, %add3A, %dma_wait3A_170, %dma_wait3A_171] : memref<2x32x125x80xi32, #tpu.memory_space<hbm>> -> memref<1x1x125x80xi32, #tpu.memory_space<hbm>>
      %dma_wait3A_173 = tpu.memref_squeeze %dma_wait3A_172 : memref<1x1x125x80xi32, #tpu.memory_space<hbm>> -> memref<125x80xi32, #tpu.memory_space<hbm>>
      %dma_wait3A_174 = arith.constant 0 : i32
      %dma_wait3A_175 = arith.constant 0 : i32
      %dma_wait3A_176 = tpu.memref_slice %arg3[%run_scoped3A_7, %add3A, %dma_wait3A_174, %dma_wait3A_175] : memref<2x32x125x80xi32, #tpu.memory_space<hbm>> -> memref<1x1x125x80xi32, #tpu.memory_space<hbm>>
      %dma_wait3A_177 = tpu.memref_squeeze %dma_wait3A_176 : memref<1x1x125x80xi32, #tpu.memory_space<hbm>> -> memref<125x80xi32, #tpu.memory_space<hbm>>
      tpu.wait_dma2 semaphore(%run_scoped3A_161 : memref<!tpu.dma_semaphore, #tpu.memory_space<semaphore_mem>>) src(%dma_wait3A_177 : memref<125x80xi32, #tpu.memory_space<hbm>>) dst(%arg9 : memref<125x80xi32, #tpu.memory_space<vmem>>)
      tpu.yield
    }) : () -> ()
    %barrier3A = arith.constant 0 : index
    tpu.barrier barrier_id(%barrier3A)
    %dma_start3A = arith.constant 0 : i32
    %dma_start3A_8 = arith.constant 0 : i32
    %dma_start3A_9 = tpu.memref_slice %arg8[%dma_start3A, %dma_start3A_8] : memref<125x80xi32, #tpu.memory_space<vmem>> -> memref<1x80xi32, #tpu.memory_space<vmem>>
    %dma_start3A_10 = tpu.memref_squeeze %dma_start3A_9 : memref<1x80xi32, #tpu.memory_space<vmem>> -> memref<80xi32, #tpu.memory_space<vmem>>
    %dma_start3A_11 = arith.constant 0 : i32
    %dma_start3A_12 = arith.constant 0 : i32
    %dma_start3A_13 = tpu.memref_slice %arg2[%dma_start3A_11, %dma_start3A_12] : memref<10000x128xf32, #tpu.memory_space<hbm>> -> memref<10000x128xf32, #tpu.memory_space<hbm>>
    tpu.enqueue_indirect_dma source(%dma_start3A_13 : memref<10000x128xf32, #tpu.memory_space<hbm>>) target(%arg10 : memref<80x128xf32, #tpu.memory_space<vmem>>) offsets(%dma_start3A_10 : memref<80xi32, #tpu.memory_space<vmem>>) semaphore(%arg13 : memref<!tpu.dma_semaphore, #tpu.memory_space<semaphore_mem>>)
    %dma_start3A_14 = arith.constant 1 : i32
    %dma_start3A_15 = arith.constant 0 : i32
    %dma_start3A_16 = tpu.memref_slice %arg8[%dma_start3A_14, %dma_start3A_15] : memref<125x80xi32, #tpu.memory_space<vmem>> -> memref<1x80xi32, #tpu.memory_space<vmem>>
    %dma_start3A_17 = tpu.memref_squeeze %dma_start3A_16 : memref<1x80xi32, #tpu.memory_space<vmem>> -> memref<80xi32, #tpu.memory_space<vmem>>
    %dma_start3A_18 = arith.constant 0 : i32
    %dma_start3A_19 = arith.constant 0 : i32
    %dma_start3A_20 = tpu.memref_slice %arg2[%dma_start3A_18, %dma_start3A_19] : memref<10000x128xf32, #tpu.memory_space<hbm>> -> memref<10000x128xf32, #tpu.memory_space<hbm>>
    tpu.enqueue_indirect_dma source(%dma_start3A_20 : memref<10000x128xf32, #tpu.memory_space<hbm>>) target(%arg11 : memref<80x128xf32, #tpu.memory_space<vmem>>) offsets(%dma_start3A_17 : memref<80xi32, #tpu.memory_space<vmem>>) semaphore(%arg14 : memref<!tpu.dma_semaphore, #tpu.memory_space<semaphore_mem>>)
    %dma_wait3A = arith.constant 0 : i32
    %dma_wait3A_21 = arith.constant 0 : i32
    %dma_wait3A_22 = tpu.memref_slice %arg8[%dma_wait3A, %dma_wait3A_21] : memref<125x80xi32, #tpu.memory_space<vmem>> -> memref<1x80xi32, #tpu.memory_space<vmem>>
    %dma_wait3A_23 = tpu.memref_squeeze %dma_wait3A_22 : memref<1x80xi32, #tpu.memory_space<vmem>> -> memref<80xi32, #tpu.memory_space<vmem>>
    %dma_wait3A_24 = arith.constant 0 : i32
    %dma_wait3A_25 = arith.constant 0 : i32
    %dma_wait3A_26 = tpu.memref_slice %arg2[%dma_wait3A_24, %dma_wait3A_25] : memref<10000x128xf32, #tpu.memory_space<hbm>> -> memref<10000x128xf32, #tpu.memory_space<hbm>>
    tpu.wait_indirect_dma semaphore(%arg13 : memref<!tpu.dma_semaphore, #tpu.memory_space<semaphore_mem>>) src(%dma_wait3A_26 : memref<10000x128xf32, #tpu.memory_space<hbm>>) dst(%arg10 : memref<80x128xf32, #tpu.memory_space<vmem>>)
    %dma_start3A_27 = arith.constant 0 : i32
    %dma_start3A_28 = arith.constant 0 : i32
    %dma_start3A_29 = tpu.memref_slice %arg9[%dma_start3A_27, %dma_start3A_28] : memref<125x80xi32, #tpu.memory_space<vmem>> -> memref<1x80xi32, #tpu.memory_space<vmem>>
    %dma_start3A_30 = tpu.memref_squeeze %dma_start3A_29 : memref<1x80xi32, #tpu.memory_space<vmem>> -> memref<80xi32, #tpu.memory_space<vmem>>
    %dma_start3A_31 = arith.constant 0 : i32
    %dma_start3A_32 = arith.constant 0 : i32
    %dma_start3A_33 = tpu.memref_slice %arg7[%dma_start3A_31, %dma_start3A_32] : memref<10000x128xf32, #tpu.memory_space<vmem_shared>> -> memref<10000x128xf32, #tpu.memory_space<vmem_shared>>
    tpu.enqueue_indirect_dma source(%arg10 : memref<80x128xf32, #tpu.memory_space<vmem>>) target(%dma_start3A_33 : memref<10000x128xf32, #tpu.memory_space<vmem_shared>>) offsets(%dma_start3A_30 : memref<80xi32, #tpu.memory_space<vmem>>) semaphore(%arg16 : memref<!tpu.dma_semaphore, #tpu.memory_space<semaphore_mem>>) {add = true}
    %dma_start3A_34 = arith.constant 2 : i32
    %dma_start3A_35 = arith.constant 0 : i32
    %dma_start3A_36 = tpu.memref_slice %arg8[%dma_start3A_34, %dma_start3A_35] : memref<125x80xi32, #tpu.memory_space<vmem>> -> memref<1x80xi32, #tpu.memory_space<vmem>>
    %dma_start3A_37 = tpu.memref_squeeze %dma_start3A_36 : memref<1x80xi32, #tpu.memory_space<vmem>> -> memref<80xi32, #tpu.memory_space<vmem>>
    %dma_start3A_38 = arith.constant 0 : i32
    %dma_start3A_39 = arith.constant 0 : i32
    %dma_start3A_40 = tpu.memref_slice %arg2[%dma_start3A_38, %dma_start3A_39] : memref<10000x128xf32, #tpu.memory_space<hbm>> -> memref<10000x128xf32, #tpu.memory_space<hbm>>
    tpu.enqueue_indirect_dma source(%dma_start3A_40 : memref<10000x128xf32, #tpu.memory_space<hbm>>) target(%arg12 : memref<80x128xf32, #tpu.memory_space<vmem>>) offsets(%dma_start3A_37 : memref<80xi32, #tpu.memory_space<vmem>>) semaphore(%arg15 : memref<!tpu.dma_semaphore, #tpu.memory_space<semaphore_mem>>)
    %dma_wait3A_41 = arith.constant 1 : i32
    %dma_wait3A_42 = arith.constant 0 : i32
    %dma_wait3A_43 = tpu.memref_slice %arg8[%dma_wait3A_41, %dma_wait3A_42] : memref<125x80xi32, #tpu.memory_space<vmem>> -> memref<1x80xi32, #tpu.memory_space<vmem>>
    %dma_wait3A_44 = tpu.memref_squeeze %dma_wait3A_43 : memref<1x80xi32, #tpu.memory_space<vmem>> -> memref<80xi32, #tpu.memory_space<vmem>>
    %dma_wait3A_45 = arith.constant 0 : i32
    %dma_wait3A_46 = arith.constant 0 : i32
    %dma_wait3A_47 = tpu.memref_slice %arg2[%dma_wait3A_45, %dma_wait3A_46] : memref<10000x128xf32, #tpu.memory_space<hbm>> -> memref<10000x128xf32, #tpu.memory_space<hbm>>
    tpu.wait_indirect_dma semaphore(%arg14 : memref<!tpu.dma_semaphore, #tpu.memory_space<semaphore_mem>>) src(%dma_wait3A_47 : memref<10000x128xf32, #tpu.memory_space<hbm>>) dst(%arg11 : memref<80x128xf32, #tpu.memory_space<vmem>>)
    %dma_start3A_48 = arith.constant 1 : i32
    %dma_start3A_49 = arith.constant 0 : i32
    %dma_start3A_50 = tpu.memref_slice %arg9[%dma_start3A_48, %dma_start3A_49] : memref<125x80xi32, #tpu.memory_space<vmem>> -> memref<1x80xi32, #tpu.memory_space<vmem>>
    %dma_start3A_51 = tpu.memref_squeeze %dma_start3A_50 : memref<1x80xi32, #tpu.memory_space<vmem>> -> memref<80xi32, #tpu.memory_space<vmem>>
    %dma_start3A_52 = arith.constant 0 : i32
    %dma_start3A_53 = arith.constant 0 : i32
    %dma_start3A_54 = tpu.memref_slice %arg7[%dma_start3A_52, %dma_start3A_53] : memref<10000x128xf32, #tpu.memory_space<vmem_shared>> -> memref<10000x128xf32, #tpu.memory_space<vmem_shared>>
    tpu.enqueue_indirect_dma source(%arg11 : memref<80x128xf32, #tpu.memory_space<vmem>>) target(%dma_start3A_54 : memref<10000x128xf32, #tpu.memory_space<vmem_shared>>) offsets(%dma_start3A_51 : memref<80xi32, #tpu.memory_space<vmem>>) semaphore(%arg17 : memref<!tpu.dma_semaphore, #tpu.memory_space<semaphore_mem>>) {add = true}
    %dma_wait3A_55 = arith.constant 0 : i32
    %dma_wait3A_56 = arith.constant 0 : i32
    %dma_wait3A_57 = tpu.memref_slice %arg9[%dma_wait3A_55, %dma_wait3A_56] : memref<125x80xi32, #tpu.memory_space<vmem>> -> memref<1x80xi32, #tpu.memory_space<vmem>>
    %dma_wait3A_58 = tpu.memref_squeeze %dma_wait3A_57 : memref<1x80xi32, #tpu.memory_space<vmem>> -> memref<80xi32, #tpu.memory_space<vmem>>
    %dma_wait3A_59 = arith.constant 0 : i32
    %dma_wait3A_60 = arith.constant 0 : i32
    %dma_wait3A_61 = tpu.memref_slice %arg7[%dma_wait3A_59, %dma_wait3A_60] : memref<10000x128xf32, #tpu.memory_space<vmem_shared>> -> memref<10000x128xf32, #tpu.memory_space<vmem_shared>>
    tpu.wait_indirect_dma semaphore(%arg16 : memref<!tpu.dma_semaphore, #tpu.memory_space<semaphore_mem>>) src(%arg10 : memref<80x128xf32, #tpu.memory_space<vmem>>) dst(%dma_wait3A_61 : memref<10000x128xf32, #tpu.memory_space<vmem_shared>>)
    %dma_start3A_62 = arith.constant 3 : i32
    %dma_start3A_63 = arith.constant 0 : i32
    %dma_start3A_64 = tpu.memref_slice %arg8[%dma_start3A_62, %dma_start3A_63] : memref<125x80xi32, #tpu.memory_space<vmem>> -> memref<1x80xi32, #tpu.memory_space<vmem>>
    %dma_start3A_65 = tpu.memref_squeeze %dma_start3A_64 : memref<1x80xi32, #tpu.memory_space<vmem>> -> memref<80xi32, #tpu.memory_space<vmem>>
    %dma_start3A_66 = arith.constant 0 : i32
    %dma_start3A_67 = arith.constant 0 : i32
    %dma_start3A_68 = tpu.memref_slice %arg2[%dma_start3A_66, %dma_start3A_67] : memref<10000x128xf32, #tpu.memory_space<hbm>> -> memref<10000x128xf32, #tpu.memory_space<hbm>>
    tpu.enqueue_indirect_dma source(%dma_start3A_68 : memref<10000x128xf32, #tpu.memory_space<hbm>>) target(%arg10 : memref<80x128xf32, #tpu.memory_space<vmem>>) offsets(%dma_start3A_65 : memref<80xi32, #tpu.memory_space<vmem>>) semaphore(%arg13 : memref<!tpu.dma_semaphore, #tpu.memory_space<semaphore_mem>>)
    %dma_wait3A_69 = arith.constant 2 : i32
    %dma_wait3A_70 = arith.constant 0 : i32
    %dma_wait3A_71 = tpu.memref_slice %arg8[%dma_wait3A_69, %dma_wait3A_70] : memref<125x80xi32, #tpu.memory_space<vmem>> -> memref<1x80xi32, #tpu.memory_space<vmem>>
    %dma_wait3A_72 = tpu.memref_squeeze %dma_wait3A_71 : memref<1x80xi32, #tpu.memory_space<vmem>> -> memref<80xi32, #tpu.memory_space<vmem>>
    %dma_wait3A_73 = arith.constant 0 : i32
    %dma_wait3A_74 = arith.constant 0 : i32
    %dma_wait3A_75 = tpu.memref_slice %arg2[%dma_wait3A_73, %dma_wait3A_74] : memref<10000x128xf32, #tpu.memory_space<hbm>> -> memref<10000x128xf32, #tpu.memory_space<hbm>>
    tpu.wait_indirect_dma semaphore(%arg15 : memref<!tpu.dma_semaphore, #tpu.memory_space<semaphore_mem>>) src(%dma_wait3A_75 : memref<10000x128xf32, #tpu.memory_space<hbm>>) dst(%arg12 : memref<80x128xf32, #tpu.memory_space<vmem>>)
    %dma_start3A_76 = arith.constant 2 : i32
    %dma_start3A_77 = arith.constant 0 : i32
    %dma_start3A_78 = tpu.memref_slice %arg9[%dma_start3A_76, %dma_start3A_77] : memref<125x80xi32, #tpu.memory_space<vmem>> -> memref<1x80xi32, #tpu.memory_space<vmem>>
    %dma_start3A_79 = tpu.memref_squeeze %dma_start3A_78 : memref<1x80xi32, #tpu.memory_space<vmem>> -> memref<80xi32, #tpu.memory_space<vmem>>
    %dma_start3A_80 = arith.constant 0 : i32
    %dma_start3A_81 = arith.constant 0 : i32
    %dma_start3A_82 = tpu.memref_slice %arg7[%dma_start3A_80, %dma_start3A_81] : memref<10000x128xf32, #tpu.memory_space<vmem_shared>> -> memref<10000x128xf32, #tpu.memory_space<vmem_shared>>
    tpu.enqueue_indirect_dma source(%arg12 : memref<80x128xf32, #tpu.memory_space<vmem>>) target(%dma_start3A_82 : memref<10000x128xf32, #tpu.memory_space<vmem_shared>>) offsets(%dma_start3A_79 : memref<80xi32, #tpu.memory_space<vmem>>) semaphore(%arg18 : memref<!tpu.dma_semaphore, #tpu.memory_space<semaphore_mem>>) {add = true}
    %dma_wait3A_83 = arith.constant 1 : i32
    %dma_wait3A_84 = arith.constant 0 : i32
    %dma_wait3A_85 = tpu.memref_slice %arg9[%dma_wait3A_83, %dma_wait3A_84] : memref<125x80xi32, #tpu.memory_space<vmem>> -> memref<1x80xi32, #tpu.memory_space<vmem>>
    %dma_wait3A_86 = tpu.memref_squeeze %dma_wait3A_85 : memref<1x80xi32, #tpu.memory_space<vmem>> -> memref<80xi32, #tpu.memory_space<vmem>>
    %dma_wait3A_87 = arith.constant 0 : i32
    %dma_wait3A_88 = arith.constant 0 : i32
    %dma_wait3A_89 = tpu.memref_slice %arg7[%dma_wait3A_87, %dma_wait3A_88] : memref<10000x128xf32, #tpu.memory_space<vmem_shared>> -> memref<10000x128xf32, #tpu.memory_space<vmem_shared>>
    tpu.wait_indirect_dma semaphore(%arg17 : memref<!tpu.dma_semaphore, #tpu.memory_space<semaphore_mem>>) src(%arg11 : memref<80x128xf32, #tpu.memory_space<vmem>>) dst(%dma_wait3A_89 : memref<10000x128xf32, #tpu.memory_space<vmem_shared>>)
    %dma_start3A_90 = arith.constant 4 : i32
    %dma_start3A_91 = arith.constant 0 : i32
    %dma_start3A_92 = tpu.memref_slice %arg8[%dma_start3A_90, %dma_start3A_91] : memref<125x80xi32, #tpu.memory_space<vmem>> -> memref<1x80xi32, #tpu.memory_space<vmem>>
    %dma_start3A_93 = tpu.memref_squeeze %dma_start3A_92 : memref<1x80xi32, #tpu.memory_space<vmem>> -> memref<80xi32, #tpu.memory_space<vmem>>
    %dma_start3A_94 = arith.constant 0 : i32
    %dma_start3A_95 = arith.constant 0 : i32
    %dma_start3A_96 = tpu.memref_slice %arg2[%dma_start3A_94, %dma_start3A_95] : memref<10000x128xf32, #tpu.memory_space<hbm>> -> memref<10000x128xf32, #tpu.memory_space<hbm>>
    tpu.enqueue_indirect_dma source(%dma_start3A_96 : memref<10000x128xf32, #tpu.memory_space<hbm>>) target(%arg11 : memref<80x128xf32, #tpu.memory_space<vmem>>) offsets(%dma_start3A_93 : memref<80xi32, #tpu.memory_space<vmem>>) semaphore(%arg14 : memref<!tpu.dma_semaphore, #tpu.memory_space<semaphore_mem>>)
    %scan3A = arith.constant 0 : i32
    %scan3A_97 = arith.constant 40 : i32
    %scan3A_98 = arith.addi %scan3A, %scan3A_97 : i32
    %scan3A_99 = arith.constant 1 : i32
    scf.for %scan3A_161 = %scan3A to %scan3A_98 step %scan3A_99  : i32 {
      %mul3A_162 = arith.constant 1 : i32
      %mul3A_163 = arith.muli %scan3A_161, %mul3A_162 : i32
      %add3A_164 = arith.constant 0 : i32
      %add3A_165 = arith.addi %add3A_164, %mul3A_163 : i32
      %mul3A_166 = arith.constant 3 : i32
      %mul3A_167 = arith.muli %mul3A_166, %add3A_165 : i32
      %add3A_168 = arith.constant 3 : i32
      %add3A_169 = arith.addi %mul3A_167, %add3A_168 : i32
      %add3A_170 = arith.constant 0 : i32
      %add3A_171 = arith.addi %add3A_169, %add3A_170 : i32
      %dma_wait3A_172 = arith.constant 0 : i32
      %dma_wait3A_173 = tpu.memref_slice %arg8[%add3A_171, %dma_wait3A_172] : memref<125x80xi32, #tpu.memory_space<vmem>> -> memref<1x80xi32, #tpu.memory_space<vmem>>
      %dma_wait3A_174 = tpu.memref_squeeze %dma_wait3A_173 : memref<1x80xi32, #tpu.memory_space<vmem>> -> memref<80xi32, #tpu.memory_space<vmem>>
      %dma_wait3A_175 = arith.constant 0 : i32
      %dma_wait3A_176 = arith.constant 0 : i32
      %dma_wait3A_177 = tpu.memref_slice %arg2[%dma_wait3A_175, %dma_wait3A_176] : memref<10000x128xf32, #tpu.memory_space<hbm>> -> memref<10000x128xf32, #tpu.memory_space<hbm>>
      tpu.wait_indirect_dma semaphore(%arg13 : memref<!tpu.dma_semaphore, #tpu.memory_space<semaphore_mem>>) src(%dma_wait3A_177 : memref<10000x128xf32, #tpu.memory_space<hbm>>) dst(%arg10 : memref<80x128xf32, #tpu.memory_space<vmem>>)
      %dma_start3A_178 = arith.constant 0 : i32
      %dma_start3A_179 = tpu.memref_slice %arg9[%add3A_171, %dma_start3A_178] : memref<125x80xi32, #tpu.memory_space<vmem>> -> memref<1x80xi32, #tpu.memory_space<vmem>>
      %dma_start3A_180 = tpu.memref_squeeze %dma_start3A_179 : memref<1x80xi32, #tpu.memory_space<vmem>> -> memref<80xi32, #tpu.memory_space<vmem>>
      %dma_start3A_181 = arith.constant 0 : i32
      %dma_start3A_182 = arith.constant 0 : i32
      %dma_start3A_183 = tpu.memref_slice %arg7[%dma_start3A_181, %dma_start3A_182] : memref<10000x128xf32, #tpu.memory_space<vmem_shared>> -> memref<10000x128xf32, #tpu.memory_space<vmem_shared>>
      tpu.enqueue_indirect_dma source(%arg10 : memref<80x128xf32, #tpu.memory_space<vmem>>) target(%dma_start3A_183 : memref<10000x128xf32, #tpu.memory_space<vmem_shared>>) offsets(%dma_start3A_180 : memref<80xi32, #tpu.memory_space<vmem>>) semaphore(%arg16 : memref<!tpu.dma_semaphore, #tpu.memory_space<semaphore_mem>>) {add = true}
      %sub3A = arith.constant 1 : i32
      %sub3A_184 = arith.subi %add3A_171, %sub3A : i32
      %dma_wait3A_185 = arith.constant 0 : i32
      %dma_wait3A_186 = tpu.memref_slice %arg9[%sub3A_184, %dma_wait3A_185] : memref<125x80xi32, #tpu.memory_space<vmem>> -> memref<1x80xi32, #tpu.memory_space<vmem>>
      %dma_wait3A_187 = tpu.memref_squeeze %dma_wait3A_186 : memref<1x80xi32, #tpu.memory_space<vmem>> -> memref<80xi32, #tpu.memory_space<vmem>>
      %dma_wait3A_188 = arith.constant 0 : i32
      %dma_wait3A_189 = arith.constant 0 : i32
      %dma_wait3A_190 = tpu.memref_slice %arg7[%dma_wait3A_188, %dma_wait3A_189] : memref<10000x128xf32, #tpu.memory_space<vmem_shared>> -> memref<10000x128xf32, #tpu.memory_space<vmem_shared>>
      tpu.wait_indirect_dma semaphore(%arg18 : memref<!tpu.dma_semaphore, #tpu.memory_space<semaphore_mem>>) src(%arg12 : memref<80x128xf32, #tpu.memory_space<vmem>>) dst(%dma_wait3A_190 : memref<10000x128xf32, #tpu.memory_space<vmem_shared>>)
      %add3A_191 = arith.constant 2 : i32
      %add3A_192 = arith.addi %add3A_171, %add3A_191 : i32
      %dma_start3A_193 = arith.constant 0 : i32
      %dma_start3A_194 = tpu.memref_slice %arg8[%add3A_192, %dma_start3A_193] : memref<125x80xi32, #tpu.memory_space<vmem>> -> memref<1x80xi32, #tpu.memory_space<vmem>>
      %dma_start3A_195 = tpu.memref_squeeze %dma_start3A_194 : memref<1x80xi32, #tpu.memory_space<vmem>> -> memref<80xi32, #tpu.memory_space<vmem>>
      %dma_start3A_196 = arith.constant 0 : i32
      %dma_start3A_197 = arith.constant 0 : i32
      %dma_start3A_198 = tpu.memref_slice %arg2[%dma_start3A_196, %dma_start3A_197] : memref<10000x128xf32, #tpu.memory_space<hbm>> -> memref<10000x128xf32, #tpu.memory_space<hbm>>
      tpu.enqueue_indirect_dma source(%dma_start3A_198 : memref<10000x128xf32, #tpu.memory_space<hbm>>) target(%arg12 : memref<80x128xf32, #tpu.memory_space<vmem>>) offsets(%dma_start3A_195 : memref<80xi32, #tpu.memory_space<vmem>>) semaphore(%arg15 : memref<!tpu.dma_semaphore, #tpu.memory_space<semaphore_mem>>)
      %mul3A_199 = arith.constant 3 : i32
      %mul3A_200 = arith.muli %mul3A_199, %add3A_165 : i32
      %add3A_201 = arith.constant 3 : i32
      %add3A_202 = arith.addi %mul3A_200, %add3A_201 : i32
      %add3A_203 = arith.constant 1 : i32
      %add3A_204 = arith.addi %add3A_202, %add3A_203 : i32
      %dma_wait3A_205 = arith.constant 0 : i32
      %dma_wait3A_206 = tpu.memref_slice %arg8[%add3A_204, %dma_wait3A_205] : memref<125x80xi32, #tpu.memory_space<vmem>> -> memref<1x80xi32, #tpu.memory_space<vmem>>
      %dma_wait3A_207 = tpu.memref_squeeze %dma_wait3A_206 : memref<1x80xi32, #tpu.memory_space<vmem>> -> memref<80xi32, #tpu.memory_space<vmem>>
      %dma_wait3A_208 = arith.constant 0 : i32
      %dma_wait3A_209 = arith.constant 0 : i32
      %dma_wait3A_210 = tpu.memref_slice %arg2[%dma_wait3A_208, %dma_wait3A_209] : memref<10000x128xf32, #tpu.memory_space<hbm>> -> memref<10000x128xf32, #tpu.memory_space<hbm>>
      tpu.wait_indirect_dma semaphore(%arg14 : memref<!tpu.dma_semaphore, #tpu.memory_space<semaphore_mem>>) src(%dma_wait3A_210 : memref<10000x128xf32, #tpu.memory_space<hbm>>) dst(%arg11 : memref<80x128xf32, #tpu.memory_space<vmem>>)
      %dma_start3A_211 = arith.constant 0 : i32
      %dma_start3A_212 = tpu.memref_slice %arg9[%add3A_204, %dma_start3A_211] : memref<125x80xi32, #tpu.memory_space<vmem>> -> memref<1x80xi32, #tpu.memory_space<vmem>>
      %dma_start3A_213 = tpu.memref_squeeze %dma_start3A_212 : memref<1x80xi32, #tpu.memory_space<vmem>> -> memref<80xi32, #tpu.memory_space<vmem>>
      %dma_start3A_214 = arith.constant 0 : i32
      %dma_start3A_215 = arith.constant 0 : i32
      %dma_start3A_216 = tpu.memref_slice %arg7[%dma_start3A_214, %dma_start3A_215] : memref<10000x128xf32, #tpu.memory_space<vmem_shared>> -> memref<10000x128xf32, #tpu.memory_space<vmem_shared>>
      tpu.enqueue_indirect_dma source(%arg11 : memref<80x128xf32, #tpu.memory_space<vmem>>) target(%dma_start3A_216 : memref<10000x128xf32, #tpu.memory_space<vmem_shared>>) offsets(%dma_start3A_213 : memref<80xi32, #tpu.memory_space<vmem>>) semaphore(%arg17 : memref<!tpu.dma_semaphore, #tpu.memory_space<semaphore_mem>>) {add = true}
      %sub3A_217 = arith.constant 1 : i32
      %sub3A_218 = arith.subi %add3A_204, %sub3A_217 : i32
      %dma_wait3A_219 = arith.constant 0 : i32
      %dma_wait3A_220 = tpu.memref_slice %arg9[%sub3A_218, %dma_wait3A_219] : memref<125x80xi32, #tpu.memory_space<vmem>> -> memref<1x80xi32, #tpu.memory_space<vmem>>
      %dma_wait3A_221 = tpu.memref_squeeze %dma_wait3A_220 : memref<1x80xi32, #tpu.memory_space<vmem>> -> memref<80xi32, #tpu.memory_space<vmem>>
      %dma_wait3A_222 = arith.constant 0 : i32
      %dma_wait3A_223 = arith.constant 0 : i32
      %dma_wait3A_224 = tpu.memref_slice %arg7[%dma_wait3A_222, %dma_wait3A_223] : memref<10000x128xf32, #tpu.memory_space<vmem_shared>> -> memref<10000x128xf32, #tpu.memory_space<vmem_shared>>
      tpu.wait_indirect_dma semaphore(%arg16 : memref<!tpu.dma_semaphore, #tpu.memory_space<semaphore_mem>>) src(%arg10 : memref<80x128xf32, #tpu.memory_space<vmem>>) dst(%dma_wait3A_224 : memref<10000x128xf32, #tpu.memory_space<vmem_shared>>)
      %add3A_225 = arith.constant 2 : i32
      %add3A_226 = arith.addi %add3A_204, %add3A_225 : i32
      %dma_start3A_227 = arith.constant 0 : i32
      %dma_start3A_228 = tpu.memref_slice %arg8[%add3A_226, %dma_start3A_227] : memref<125x80xi32, #tpu.memory_space<vmem>> -> memref<1x80xi32, #tpu.memory_space<vmem>>
      %dma_start3A_229 = tpu.memref_squeeze %dma_start3A_228 : memref<1x80xi32, #tpu.memory_space<vmem>> -> memref<80xi32, #tpu.memory_space<vmem>>
      %dma_start3A_230 = arith.constant 0 : i32
      %dma_start3A_231 = arith.constant 0 : i32
      %dma_start3A_232 = tpu.memref_slice %arg2[%dma_start3A_230, %dma_start3A_231] : memref<10000x128xf32, #tpu.memory_space<hbm>> -> memref<10000x128xf32, #tpu.memory_space<hbm>>
      tpu.enqueue_indirect_dma source(%dma_start3A_232 : memref<10000x128xf32, #tpu.memory_space<hbm>>) target(%arg10 : memref<80x128xf32, #tpu.memory_space<vmem>>) offsets(%dma_start3A_229 : memref<80xi32, #tpu.memory_space<vmem>>) semaphore(%arg13 : memref<!tpu.dma_semaphore, #tpu.memory_space<semaphore_mem>>)
      %mul3A_233 = arith.constant 3 : i32
      %mul3A_234 = arith.muli %mul3A_233, %add3A_165 : i32
      %add3A_235 = arith.constant 3 : i32
      %add3A_236 = arith.addi %mul3A_234, %add3A_235 : i32
      %add3A_237 = arith.constant 2 : i32
      %add3A_238 = arith.addi %add3A_236, %add3A_237 : i32
      %dma_wait3A_239 = arith.constant 0 : i32
      %dma_wait3A_240 = tpu.memref_slice %arg8[%add3A_238, %dma_wait3A_239] : memref<125x80xi32, #tpu.memory_space<vmem>> -> memref<1x80xi32, #tpu.memory_space<vmem>>
      %dma_wait3A_241 = tpu.memref_squeeze %dma_wait3A_240 : memref<1x80xi32, #tpu.memory_space<vmem>> -> memref<80xi32, #tpu.memory_space<vmem>>
      %dma_wait3A_242 = arith.constant 0 : i32
      %dma_wait3A_243 = arith.constant 0 : i32
      %dma_wait3A_244 = tpu.memref_slice %arg2[%dma_wait3A_242, %dma_wait3A_243] : memref<10000x128xf32, #tpu.memory_space<hbm>> -> memref<10000x128xf32, #tpu.memory_space<hbm>>
      tpu.wait_indirect_dma semaphore(%arg15 : memref<!tpu.dma_semaphore, #tpu.memory_space<semaphore_mem>>) src(%dma_wait3A_244 : memref<10000x128xf32, #tpu.memory_space<hbm>>) dst(%arg12 : memref<80x128xf32, #tpu.memory_space<vmem>>)
      %dma_start3A_245 = arith.constant 0 : i32
      %dma_start3A_246 = tpu.memref_slice %arg9[%add3A_238, %dma_start3A_245] : memref<125x80xi32, #tpu.memory_space<vmem>> -> memref<1x80xi32, #tpu.memory_space<vmem>>
      %dma_start3A_247 = tpu.memref_squeeze %dma_start3A_246 : memref<1x80xi32, #tpu.memory_space<vmem>> -> memref<80xi32, #tpu.memory_space<vmem>>
      %dma_start3A_248 = arith.constant 0 : i32
      %dma_start3A_249 = arith.constant 0 : i32
      %dma_start3A_250 = tpu.memref_slice %arg7[%dma_start3A_248, %dma_start3A_249] : memref<10000x128xf32, #tpu.memory_space<vmem_shared>> -> memref<10000x128xf32, #tpu.memory_space<vmem_shared>>
      tpu.enqueue_indirect_dma source(%arg12 : memref<80x128xf32, #tpu.memory_space<vmem>>) target(%dma_start3A_250 : memref<10000x128xf32, #tpu.memory_space<vmem_shared>>) offsets(%dma_start3A_247 : memref<80xi32, #tpu.memory_space<vmem>>) semaphore(%arg18 : memref<!tpu.dma_semaphore, #tpu.memory_space<semaphore_mem>>) {add = true}
      %sub3A_251 = arith.constant 1 : i32
      %sub3A_252 = arith.subi %add3A_238, %sub3A_251 : i32
      %dma_wait3A_253 = arith.constant 0 : i32
      %dma_wait3A_254 = tpu.memref_slice %arg9[%sub3A_252, %dma_wait3A_253] : memref<125x80xi32, #tpu.memory_space<vmem>> -> memref<1x80xi32, #tpu.memory_space<vmem>>
      %dma_wait3A_255 = tpu.memref_squeeze %dma_wait3A_254 : memref<1x80xi32, #tpu.memory_space<vmem>> -> memref<80xi32, #tpu.memory_space<vmem>>
      %dma_wait3A_256 = arith.constant 0 : i32
      %dma_wait3A_257 = arith.constant 0 : i32
      %dma_wait3A_258 = tpu.memref_slice %arg7[%dma_wait3A_256, %dma_wait3A_257] : memref<10000x128xf32, #tpu.memory_space<vmem_shared>> -> memref<10000x128xf32, #tpu.memory_space<vmem_shared>>
      tpu.wait_indirect_dma semaphore(%arg17 : memref<!tpu.dma_semaphore, #tpu.memory_space<semaphore_mem>>) src(%arg11 : memref<80x128xf32, #tpu.memory_space<vmem>>) dst(%dma_wait3A_258 : memref<10000x128xf32, #tpu.memory_space<vmem_shared>>)
      %add3A_259 = arith.constant 2 : i32
      %add3A_260 = arith.addi %add3A_238, %add3A_259 : i32
      %dma_start3A_261 = arith.constant 0 : i32
      %dma_start3A_262 = tpu.memref_slice %arg8[%add3A_260, %dma_start3A_261] : memref<125x80xi32, #tpu.memory_space<vmem>> -> memref<1x80xi32, #tpu.memory_space<vmem>>
      %dma_start3A_263 = tpu.memref_squeeze %dma_start3A_262 : memref<1x80xi32, #tpu.memory_space<vmem>> -> memref<80xi32, #tpu.memory_space<vmem>>
      %dma_start3A_264 = arith.constant 0 : i32
      %dma_start3A_265 = arith.constant 0 : i32
      %dma_start3A_266 = tpu.memref_slice %arg2[%dma_start3A_264, %dma_start3A_265] : memref<10000x128xf32, #tpu.memory_space<hbm>> -> memref<10000x128xf32, #tpu.memory_space<hbm>>
      tpu.enqueue_indirect_dma source(%dma_start3A_266 : memref<10000x128xf32, #tpu.memory_space<hbm>>) target(%arg11 : memref<80x128xf32, #tpu.memory_space<vmem>>) offsets(%dma_start3A_263 : memref<80xi32, #tpu.memory_space<vmem>>) semaphore(%arg14 : memref<!tpu.dma_semaphore, #tpu.memory_space<semaphore_mem>>)
    }
    %scan3A_100 = arith.constant 40 : i32
    %dma_wait3A_101 = arith.constant 123 : i32
    %dma_wait3A_102 = arith.constant 0 : i32
    %dma_wait3A_103 = tpu.memref_slice %arg8[%dma_wait3A_101, %dma_wait3A_102] : memref<125x80xi32, #tpu.memory_space<vmem>> -> memref<1x80xi32, #tpu.memory_space<vmem>>
    %dma_wait3A_104 = tpu.memref_squeeze %dma_wait3A_103 : memref<1x80xi32, #tpu.memory_space<vmem>> -> memref<80xi32, #tpu.memory_space<vmem>>
    %dma_wait3A_105 = arith.constant 0 : i32
    %dma_wait3A_106 = arith.constant 0 : i32
    %dma_wait3A_107 = tpu.memref_slice %arg2[%dma_wait3A_105, %dma_wait3A_106] : memref<10000x128xf32, #tpu.memory_space<hbm>> -> memref<10000x128xf32, #tpu.memory_space<hbm>>
    tpu.wait_indirect_dma semaphore(%arg13 : memref<!tpu.dma_semaphore, #tpu.memory_space<semaphore_mem>>) src(%dma_wait3A_107 : memref<10000x128xf32, #tpu.memory_space<hbm>>) dst(%arg10 : memref<80x128xf32, #tpu.memory_space<vmem>>)
    %dma_start3A_108 = arith.constant 123 : i32
    %dma_start3A_109 = arith.constant 0 : i32
    %dma_start3A_110 = tpu.memref_slice %arg9[%dma_start3A_108, %dma_start3A_109] : memref<125x80xi32, #tpu.memory_space<vmem>> -> memref<1x80xi32, #tpu.memory_space<vmem>>
    %dma_start3A_111 = tpu.memref_squeeze %dma_start3A_110 : memref<1x80xi32, #tpu.memory_space<vmem>> -> memref<80xi32, #tpu.memory_space<vmem>>
    %dma_start3A_112 = arith.constant 0 : i32
    %dma_start3A_113 = arith.constant 0 : i32
    %dma_start3A_114 = tpu.memref_slice %arg7[%dma_start3A_112, %dma_start3A_113] : memref<10000x128xf32, #tpu.memory_space<vmem_shared>> -> memref<10000x128xf32, #tpu.memory_space<vmem_shared>>
    tpu.enqueue_indirect_dma source(%arg10 : memref<80x128xf32, #tpu.memory_space<vmem>>) target(%dma_start3A_114 : memref<10000x128xf32, #tpu.memory_space<vmem_shared>>) offsets(%dma_start3A_111 : memref<80xi32, #tpu.memory_space<vmem>>) semaphore(%arg16 : memref<!tpu.dma_semaphore, #tpu.memory_space<semaphore_mem>>) {add = true}
    %dma_wait3A_115 = arith.constant 122 : i32
    %dma_wait3A_116 = arith.constant 0 : i32
    %dma_wait3A_117 = tpu.memref_slice %arg9[%dma_wait3A_115, %dma_wait3A_116] : memref<125x80xi32, #tpu.memory_space<vmem>> -> memref<1x80xi32, #tpu.memory_space<vmem>>
    %dma_wait3A_118 = tpu.memref_squeeze %dma_wait3A_117 : memref<1x80xi32, #tpu.memory_space<vmem>> -> memref<80xi32, #tpu.memory_space<vmem>>
    %dma_wait3A_119 = arith.constant 0 : i32
    %dma_wait3A_120 = arith.constant 0 : i32
    %dma_wait3A_121 = tpu.memref_slice %arg7[%dma_wait3A_119, %dma_wait3A_120] : memref<10000x128xf32, #tpu.memory_space<vmem_shared>> -> memref<10000x128xf32, #tpu.memory_space<vmem_shared>>
    tpu.wait_indirect_dma semaphore(%arg18 : memref<!tpu.dma_semaphore, #tpu.memory_space<semaphore_mem>>) src(%arg12 : memref<80x128xf32, #tpu.memory_space<vmem>>) dst(%dma_wait3A_121 : memref<10000x128xf32, #tpu.memory_space<vmem_shared>>)
    %dma_wait3A_122 = arith.constant 124 : i32
    %dma_wait3A_123 = arith.constant 0 : i32
    %dma_wait3A_124 = tpu.memref_slice %arg8[%dma_wait3A_122, %dma_wait3A_123] : memref<125x80xi32, #tpu.memory_space<vmem>> -> memref<1x80xi32, #tpu.memory_space<vmem>>
    %dma_wait3A_125 = tpu.memref_squeeze %dma_wait3A_124 : memref<1x80xi32, #tpu.memory_space<vmem>> -> memref<80xi32, #tpu.memory_space<vmem>>
    %dma_wait3A_126 = arith.constant 0 : i32
    %dma_wait3A_127 = arith.constant 0 : i32
    %dma_wait3A_128 = tpu.memref_slice %arg2[%dma_wait3A_126, %dma_wait3A_127] : memref<10000x128xf32, #tpu.memory_space<hbm>> -> memref<10000x128xf32, #tpu.memory_space<hbm>>
    tpu.wait_indirect_dma semaphore(%arg14 : memref<!tpu.dma_semaphore, #tpu.memory_space<semaphore_mem>>) src(%dma_wait3A_128 : memref<10000x128xf32, #tpu.memory_space<hbm>>) dst(%arg11 : memref<80x128xf32, #tpu.memory_space<vmem>>)
    %dma_start3A_129 = arith.constant 124 : i32
    %dma_start3A_130 = arith.constant 0 : i32
    %dma_start3A_131 = tpu.memref_slice %arg9[%dma_start3A_129, %dma_start3A_130] : memref<125x80xi32, #tpu.memory_space<vmem>> -> memref<1x80xi32, #tpu.memory_space<vmem>>
    %dma_start3A_132 = tpu.memref_squeeze %dma_start3A_131 : memref<1x80xi32, #tpu.memory_space<vmem>> -> memref<80xi32, #tpu.memory_space<vmem>>
    %dma_start3A_133 = arith.constant 0 : i32
    %dma_start3A_134 = arith.constant 0 : i32
    %dma_start3A_135 = tpu.memref_slice %arg7[%dma_start3A_133, %dma_start3A_134] : memref<10000x128xf32, #tpu.memory_space<vmem_shared>> -> memref<10000x128xf32, #tpu.memory_space<vmem_shared>>
    tpu.enqueue_indirect_dma source(%arg11 : memref<80x128xf32, #tpu.memory_space<vmem>>) target(%dma_start3A_135 : memref<10000x128xf32, #tpu.memory_space<vmem_shared>>) offsets(%dma_start3A_132 : memref<80xi32, #tpu.memory_space<vmem>>) semaphore(%arg17 : memref<!tpu.dma_semaphore, #tpu.memory_space<semaphore_mem>>) {add = true}
    %dma_wait3A_136 = arith.constant 123 : i32
    %dma_wait3A_137 = arith.constant 0 : i32
    %dma_wait3A_138 = tpu.memref_slice %arg9[%dma_wait3A_136, %dma_wait3A_137] : memref<125x80xi32, #tpu.memory_space<vmem>> -> memref<1x80xi32, #tpu.memory_space<vmem>>
    %dma_wait3A_139 = tpu.memref_squeeze %dma_wait3A_138 : memref<1x80xi32, #tpu.memory_space<vmem>> -> memref<80xi32, #tpu.memory_space<vmem>>
    %dma_wait3A_140 = arith.constant 0 : i32
    %dma_wait3A_141 = arith.constant 0 : i32
    %dma_wait3A_142 = tpu.memref_slice %arg7[%dma_wait3A_140, %dma_wait3A_141] : memref<10000x128xf32, #tpu.memory_space<vmem_shared>> -> memref<10000x128xf32, #tpu.memory_space<vmem_shared>>
    tpu.wait_indirect_dma semaphore(%arg16 : memref<!tpu.dma_semaphore, #tpu.memory_space<semaphore_mem>>) src(%arg10 : memref<80x128xf32, #tpu.memory_space<vmem>>) dst(%dma_wait3A_142 : memref<10000x128xf32, #tpu.memory_space<vmem_shared>>)
    %dma_wait3A_143 = arith.constant 124 : i32
    %dma_wait3A_144 = arith.constant 0 : i32
    %dma_wait3A_145 = tpu.memref_slice %arg9[%dma_wait3A_143, %dma_wait3A_144] : memref<125x80xi32, #tpu.memory_space<vmem>> -> memref<1x80xi32, #tpu.memory_space<vmem>>
    %dma_wait3A_146 = tpu.memref_squeeze %dma_wait3A_145 : memref<1x80xi32, #tpu.memory_space<vmem>> -> memref<80xi32, #tpu.memory_space<vmem>>
    %dma_wait3A_147 = arith.constant 0 : i32
    %dma_wait3A_148 = arith.constant 0 : i32
    %dma_wait3A_149 = tpu.memref_slice %arg7[%dma_wait3A_147, %dma_wait3A_148] : memref<10000x128xf32, #tpu.memory_space<vmem_shared>> -> memref<10000x128xf32, #tpu.memory_space<vmem_shared>>
    tpu.wait_indirect_dma semaphore(%arg17 : memref<!tpu.dma_semaphore, #tpu.memory_space<semaphore_mem>>) src(%arg11 : memref<80x128xf32, #tpu.memory_space<vmem>>) dst(%dma_wait3A_149 : memref<10000x128xf32, #tpu.memory_space<vmem_shared>>)
    %barrier3A_150 = arith.constant 0 : index
    tpu.barrier barrier_id(%barrier3A_150)
    %eq3A_151 = arith.constant 0 : i32
    %eq3A_152 = arith.cmpi eq, %arg0, %eq3A_151 : i32
    %convert_element_type3A_153 = arith.extui %eq3A_152 : i1 to i32
    %cond3A_154 = arith.constant 0 : i32
    %cond3A_155 = arith.cmpi ne, %convert_element_type3A_153, %cond3A_154 : i32
    scf.if %cond3A_155 {
      %mul3A_161 = arith.constant 624 : i32
      %mul3A_162 = arith.muli %arg1, %mul3A_161 : i32
      %mul3A_163 = arith.constant 624 : i32
      %mul3A_164 = arith.muli %arg1, %mul3A_163 : i32
      "tpu.region"() ({
        %run_scoped3A_170 = tpu.sem_alloc : memref<!tpu.dma_semaphore, #tpu.memory_space<semaphore_mem>>
        %dma_start3A_171 = arith.constant 0 : i32
        %dma_start3A_172 = tpu.memref_slice %arg5[%mul3A_164, %dma_start3A_171] : memref<10000x128xf32, #tpu.memory_space<hbm>> -> memref<624x128xf32, #tpu.memory_space<hbm>>
        %dma_start3A_173 = arith.constant 0 : i32
        %dma_start3A_174 = tpu.memref_slice %arg7[%mul3A_162, %dma_start3A_173] : memref<10000x128xf32, #tpu.memory_space<vmem_shared>> -> memref<624x128xf32, #tpu.memory_space<vmem_shared>>
        tpu.enqueue_dma source(%dma_start3A_174 : memref<624x128xf32, #tpu.memory_space<vmem_shared>>) target(%dma_start3A_172 : memref<624x128xf32, #tpu.memory_space<hbm>>) target_semaphore(%run_scoped3A_170 : memref<!tpu.dma_semaphore, #tpu.memory_space<semaphore_mem>>)
        %dma_wait3A_175 = arith.constant 0 : i32
        %dma_wait3A_176 = tpu.memref_slice %arg5[%mul3A_164, %dma_wait3A_175] : memref<10000x128xf32, #tpu.memory_space<hbm>> -> memref<624x128xf32, #tpu.memory_space<hbm>>
        %dma_wait3A_177 = arith.constant 0 : i32
        %dma_wait3A_178 = tpu.memref_slice %arg7[%mul3A_162, %dma_wait3A_177] : memref<10000x128xf32, #tpu.memory_space<vmem_shared>> -> memref<624x128xf32, #tpu.memory_space<vmem_shared>>
        tpu.wait_dma2 semaphore(%run_scoped3A_170 : memref<!tpu.dma_semaphore, #tpu.memory_space<semaphore_mem>>) src(%dma_wait3A_178 : memref<624x128xf32, #tpu.memory_space<vmem_shared>>) dst(%dma_wait3A_176 : memref<624x128xf32, #tpu.memory_space<hbm>>)
        tpu.yield
      }) : () -> ()
      %eq3A_165 = arith.constant 15 : i32
      %eq3A_166 = arith.cmpi eq, %arg1, %eq3A_165 : i32
      %convert_element_type3A_167 = arith.extui %eq3A_166 : i1 to i32
      %cond3A_168 = arith.constant 0 : i32
      %cond3A_169 = arith.cmpi ne, %convert_element_type3A_167, %cond3A_168 : i32
      scf.if %cond3A_169 {
        "tpu.region"() ({
          %run_scoped3A_170 = tpu.sem_alloc : memref<!tpu.dma_semaphore, #tpu.memory_space<semaphore_mem>>
          %dma_start3A_171 = arith.constant 9984 : i32
          %dma_start3A_172 = arith.constant 0 : i32
          %dma_start3A_173 = tpu.memref_slice %arg5[%dma_start3A_171, %dma_start3A_172] : memref<10000x128xf32, #tpu.memory_space<hbm>> -> memref<16x128xf32, #tpu.memory_space<hbm>>
          %dma_start3A_174 = arith.constant 9984 : i32
          %dma_start3A_175 = arith.constant 0 : i32
          %dma_start3A_176 = tpu.memref_slice %arg7[%dma_start3A_174, %dma_start3A_175] : memref<10000x128xf32, #tpu.memory_space<vmem_shared>> -> memref<16x128xf32, #tpu.memory_space<vmem_shared>>
          tpu.enqueue_dma source(%dma_start3A_176 : memref<16x128xf32, #tpu.memory_space<vmem_shared>>) target(%dma_start3A_173 : memref<16x128xf32, #tpu.memory_space<hbm>>) target_semaphore(%run_scoped3A_170 : memref<!tpu.dma_semaphore, #tpu.memory_space<semaphore_mem>>)
          %dma_wait3A_177 = arith.constant 9984 : i32
          %dma_wait3A_178 = arith.constant 0 : i32
          %dma_wait3A_179 = tpu.memref_slice %arg5[%dma_wait3A_177, %dma_wait3A_178] : memref<10000x128xf32, #tpu.memory_space<hbm>> -> memref<16x128xf32, #tpu.memory_space<hbm>>
          %dma_wait3A_180 = arith.constant 9984 : i32
          %dma_wait3A_181 = arith.constant 0 : i32
          %dma_wait3A_182 = tpu.memref_slice %arg7[%dma_wait3A_180, %dma_wait3A_181] : memref<10000x128xf32, #tpu.memory_space<vmem_shared>> -> memref<16x128xf32, #tpu.memory_space<vmem_shared>>
          tpu.wait_dma2 semaphore(%run_scoped3A_170 : memref<!tpu.dma_semaphore, #tpu.memory_space<semaphore_mem>>) src(%dma_wait3A_182 : memref<16x128xf32, #tpu.memory_space<vmem_shared>>) dst(%dma_wait3A_179 : memref<16x128xf32, #tpu.memory_space<hbm>>)
          tpu.yield
        }) : () -> ()
      } else {
      }
    } else {
    }
    %eq3A_156 = arith.constant 1 : i32
    %eq3A_157 = arith.cmpi eq, %arg0, %eq3A_156 : i32
    %convert_element_type3A_158 = arith.extui %eq3A_157 : i1 to i32
    %cond3A_159 = arith.constant 0 : i32
    %cond3A_160 = arith.cmpi ne, %convert_element_type3A_158, %cond3A_159 : i32
    scf.if %cond3A_160 {
      %mul3A_161 = arith.constant 624 : i32
      %mul3A_162 = arith.muli %arg1, %mul3A_161 : i32
      %mul3A_163 = arith.constant 624 : i32
      %mul3A_164 = arith.muli %arg1, %mul3A_163 : i32
      "tpu.region"() ({
        %run_scoped3A_170 = tpu.sem_alloc : memref<!tpu.dma_semaphore, #tpu.memory_space<semaphore_mem>>
        %dma_start3A_171 = arith.constant 0 : i32
        %dma_start3A_172 = tpu.memref_slice %arg6[%mul3A_164, %dma_start3A_171] : memref<10000x128xf32, #tpu.memory_space<hbm>> -> memref<624x128xf32, #tpu.memory_space<hbm>>
        %dma_start3A_173 = arith.constant 0 : i32
        %dma_start3A_174 = tpu.memref_slice %arg7[%mul3A_162, %dma_start3A_173] : memref<10000x128xf32, #tpu.memory_space<vmem_shared>> -> memref<624x128xf32, #tpu.memory_space<vmem_shared>>
        tpu.enqueue_dma source(%dma_start3A_174 : memref<624x128xf32, #tpu.memory_space<vmem_shared>>) target(%dma_start3A_172 : memref<624x128xf32, #tpu.memory_space<hbm>>) target_semaphore(%run_scoped3A_170 : memref<!tpu.dma_semaphore, #tpu.memory_space<semaphore_mem>>)
        %dma_wait3A_175 = arith.constant 0 : i32
        %dma_wait3A_176 = tpu.memref_slice %arg6[%mul3A_164, %dma_wait3A_175] : memref<10000x128xf32, #tpu.memory_space<hbm>> -> memref<624x128xf32, #tpu.memory_space<hbm>>
        %dma_wait3A_177 = arith.constant 0 : i32
        %dma_wait3A_178 = tpu.memref_slice %arg7[%mul3A_162, %dma_wait3A_177] : memref<10000x128xf32, #tpu.memory_space<vmem_shared>> -> memref<624x128xf32, #tpu.memory_space<vmem_shared>>
        tpu.wait_dma2 semaphore(%run_scoped3A_170 : memref<!tpu.dma_semaphore, #tpu.memory_space<semaphore_mem>>) src(%dma_wait3A_178 : memref<624x128xf32, #tpu.memory_space<vmem_shared>>) dst(%dma_wait3A_176 : memref<624x128xf32, #tpu.memory_space<hbm>>)
        tpu.yield
      }) : () -> ()
      %eq3A_165 = arith.constant 15 : i32
      %eq3A_166 = arith.cmpi eq, %arg1, %eq3A_165 : i32
      %convert_element_type3A_167 = arith.extui %eq3A_166 : i1 to i32
      %cond3A_168 = arith.constant 0 : i32
      %cond3A_169 = arith.cmpi ne, %convert_element_type3A_167, %cond3A_168 : i32
      scf.if %cond3A_169 {
        "tpu.region"() ({
          %run_scoped3A_170 = tpu.sem_alloc : memref<!tpu.dma_semaphore, #tpu.memory_space<semaphore_mem>>
          %dma_start3A_171 = arith.constant 9984 : i32
          %dma_start3A_172 = arith.constant 0 : i32
          %dma_start3A_173 = tpu.memref_slice %arg6[%dma_start3A_171, %dma_start3A_172] : memref<10000x128xf32, #tpu.memory_space<hbm>> -> memref<16x128xf32, #tpu.memory_space<hbm>>
          %dma_start3A_174 = arith.constant 9984 : i32
          %dma_start3A_175 = arith.constant 0 : i32
          %dma_start3A_176 = tpu.memref_slice %arg7[%dma_start3A_174, %dma_start3A_175] : memref<10000x128xf32, #tpu.memory_space<vmem_shared>> -> memref<16x128xf32, #tpu.memory_space<vmem_shared>>
          tpu.enqueue_dma source(%dma_start3A_176 : memref<16x128xf32, #tpu.memory_space<vmem_shared>>) target(%dma_start3A_173 : memref<16x128xf32, #tpu.memory_space<hbm>>) target_semaphore(%run_scoped3A_170 : memref<!tpu.dma_semaphore, #tpu.memory_space<semaphore_mem>>)
          %dma_wait3A_177 = arith.constant 9984 : i32
          %dma_wait3A_178 = arith.constant 0 : i32
          %dma_wait3A_179 = tpu.memref_slice %arg6[%dma_wait3A_177, %dma_wait3A_178] : memref<10000x128xf32, #tpu.memory_space<hbm>> -> memref<16x128xf32, #tpu.memory_space<hbm>>
          %dma_wait3A_180 = arith.constant 9984 : i32
          %dma_wait3A_181 = arith.constant 0 : i32
          %dma_wait3A_182 = tpu.memref_slice %arg7[%dma_wait3A_180, %dma_wait3A_181] : memref<10000x128xf32, #tpu.memory_space<vmem_shared>> -> memref<16x128xf32, #tpu.memory_space<vmem_shared>>
          tpu.wait_dma2 semaphore(%run_scoped3A_170 : memref<!tpu.dma_semaphore, #tpu.memory_space<semaphore_mem>>) src(%dma_wait3A_182 : memref<16x128xf32, #tpu.memory_space<vmem_shared>>) dst(%dma_wait3A_179 : memref<16x128xf32, #tpu.memory_space<hbm>>)
          tpu.yield
        }) : () -> ()
      } else {
      }
    } else {
    }
    return
  }
}

#map = affine_map<(d0, d1) -> (0, 0)>
#map1 = affine_map<(d0, d1) -> (0, 0, 0, 0)>
module attributes {stable_mosaic.version = 14 : i64} {
  func.func @_agg_body(%arg0: i32, %arg1: i32, %arg2: memref<10000x128xf32, #tpu.memory_space<hbm>>, %arg3: memref<2x32x125x80xi32, #tpu.memory_space<hbm>>, %arg4: memref<10000x128xf32, #tpu.memory_space<hbm>>, %arg5: memref<10000x128xf32, #tpu.memory_space<hbm>>, %arg6: memref<10000x128xf32, #tpu.memory_space<hbm>>, %arg7: memref<10000x128xf32, #tpu.memory_space<vmem_shared>>, %arg8: memref<125x80xi32, #tpu.memory_space<vmem>>, %arg9: memref<125x80xi32, #tpu.memory_space<vmem>>, %arg10: memref<80x128xf32, #tpu.memory_space<vmem>>, %arg11: memref<80x128xf32, #tpu.memory_space<vmem>>, %arg12: memref<80x128xf32, #tpu.memory_space<vmem>>, %arg13: memref<!tpu.dma_semaphore, #tpu.memory_space<semaphore_mem>>, %arg14: memref<!tpu.dma_semaphore, #tpu.memory_space<semaphore_mem>>, %arg15: memref<!tpu.dma_semaphore, #tpu.memory_space<semaphore_mem>>, %arg16: memref<!tpu.dma_semaphore, #tpu.memory_space<semaphore_mem>>, %arg17: memref<!tpu.dma_semaphore, #tpu.memory_space<semaphore_mem>>, %arg18: memref<!tpu.dma_semaphore, #tpu.memory_space<semaphore_mem>>) attributes {dimension_semantics = [#tpu.dimension_semantics<core_parallel>, #tpu.dimension_semantics<subcore_parallel>], iteration_bounds = array<i64: 2, 16>, scalar_prefetch = 0 : i64, scratch_operands = 12 : i64, tpu.core_type = #tpu.core_type<sc_vector_subcore>, window_params = [{transform_indices = #map}, {transform_indices = #map1}, {transform_indices = #map}, {transform_indices = #map}, {transform_indices = #map}]} {
    %mul3A = arith.constant 16 : i32
    %mul3A_0 = arith.muli %arg0, %mul3A : i32
    %add3A = arith.addi %mul3A_0, %arg1 : i32
    %mul3A_1 = arith.constant 624 : i32
    %mul3A_2 = arith.muli %arg1, %mul3A_1 : i32
    %mul3A_3 = arith.constant 624 : i32
    %mul3A_4 = arith.muli %arg1, %mul3A_3 : i32
    "tpu.region"() ({
      %run_scoped3A_161 = tpu.sem_alloc : memref<!tpu.dma_semaphore, #tpu.memory_space<semaphore_mem>>
      %dma_start3A_162 = arith.constant 0 : i32
      %dma_start3A_163 = tpu.memref_slice %arg7[%mul3A_4, %dma_start3A_162] : memref<10000x128xf32, #tpu.memory_space<vmem_shared>> -> memref<624x128xf32, #tpu.memory_space<vmem_shared>>
      %dma_start3A_164 = arith.constant 0 : i32
      %dma_start3A_165 = tpu.memref_slice %arg4[%mul3A_2, %dma_start3A_164] : memref<10000x128xf32, #tpu.memory_space<hbm>> -> memref<624x128xf32, #tpu.memory_space<hbm>>
      tpu.enqueue_dma source(%dma_start3A_165 : memref<624x128xf32, #tpu.memory_space<hbm>>) target(%dma_start3A_163 : memref<624x128xf32, #tpu.memory_space<vmem_shared>>) target_semaphore(%run_scoped3A_161 : memref<!tpu.dma_semaphore, #tpu.memory_space<semaphore_mem>>)
      %dma_wait3A_166 = arith.constant 0 : i32
      %dma_wait3A_167 = tpu.memref_slice %arg7[%mul3A_4, %dma_wait3A_166] : memref<10000x128xf32, #tpu.memory_space<vmem_shared>> -> memref<624x128xf32, #tpu.memory_space<vmem_shared>>
      %dma_wait3A_168 = arith.constant 0 : i32
      %dma_wait3A_169 = tpu.memref_slice %arg4[%mul3A_2, %dma_wait3A_168] : memref<10000x128xf32, #tpu.memory_space<hbm>> -> memref<624x128xf32, #tpu.memory_space<hbm>>
      tpu.wait_dma2 semaphore(%run_scoped3A_161 : memref<!tpu.dma_semaphore, #tpu.memory_space<semaphore_mem>>) src(%dma_wait3A_169 : memref<624x128xf32, #tpu.memory_space<hbm>>) dst(%dma_wait3A_167 : memref<624x128xf32, #tpu.memory_space<vmem_shared>>)
      tpu.yield
    }) : () -> ()
    %eq3A = arith.constant 15 : i32
    %eq3A_5 = arith.cmpi eq, %arg1, %eq3A : i32
    %convert_element_type3A = arith.extui %eq3A_5 : i1 to i32
    %cond3A = arith.constant 0 : i32
    %cond3A_6 = arith.cmpi ne, %convert_element_type3A, %cond3A : i32
    scf.if %cond3A_6 {
      "tpu.region"() ({
        %run_scoped3A_161 = tpu.sem_alloc : memref<!tpu.dma_semaphore, #tpu.memory_space<semaphore_mem>>
        %dma_start3A_162 = arith.constant 9984 : i32
        %dma_start3A_163 = arith.constant 0 : i32
        %dma_start3A_164 = tpu.memref_slice %arg7[%dma_start3A_162, %dma_start3A_163] : memref<10000x128xf32, #tpu.memory_space<vmem_shared>> -> memref<16x128xf32, #tpu.memory_space<vmem_shared>>
        %dma_start3A_165 = arith.constant 9984 : i32
        %dma_start3A_166 = arith.constant 0 : i32
        %dma_start3A_167 = tpu.memref_slice %arg4[%dma_start3A_165, %dma_start3A_166] : memref<10000x128xf32, #tpu.memory_space<hbm>> -> memref<16x128xf32, #tpu.memory_space<hbm>>
        tpu.enqueue_dma source(%dma_start3A_167 : memref<16x128xf32, #tpu.memory_space<hbm>>) target(%dma_start3A_164 : memref<16x128xf32, #tpu.memory_space<vmem_shared>>) target_semaphore(%run_scoped3A_161 : memref<!tpu.dma_semaphore, #tpu.memory_space<semaphore_mem>>)
        %dma_wait3A_168 = arith.constant 9984 : i32
        %dma_wait3A_169 = arith.constant 0 : i32
        %dma_wait3A_170 = tpu.memref_slice %arg7[%dma_wait3A_168, %dma_wait3A_169] : memref<10000x128xf32, #tpu.memory_space<vmem_shared>> -> memref<16x128xf32, #tpu.memory_space<vmem_shared>>
        %dma_wait3A_171 = arith.constant 9984 : i32
        %dma_wait3A_172 = arith.constant 0 : i32
        %dma_wait3A_173 = tpu.memref_slice %arg4[%dma_wait3A_171, %dma_wait3A_172] : memref<10000x128xf32, #tpu.memory_space<hbm>> -> memref<16x128xf32, #tpu.memory_space<hbm>>
        tpu.wait_dma2 semaphore(%run_scoped3A_161 : memref<!tpu.dma_semaphore, #tpu.memory_space<semaphore_mem>>) src(%dma_wait3A_173 : memref<16x128xf32, #tpu.memory_space<hbm>>) dst(%dma_wait3A_170 : memref<16x128xf32, #tpu.memory_space<vmem_shared>>)
        tpu.yield
      }) : () -> ()
    } else {
    }
    %run_scoped3A = arith.constant 0 : i32
    "tpu.region"() ({
      %run_scoped3A_161 = tpu.sem_alloc : memref<!tpu.dma_semaphore, #tpu.memory_space<semaphore_mem>>
      %dma_start3A_162 = arith.constant 0 : i32
      %dma_start3A_163 = arith.constant 0 : i32
      %dma_start3A_164 = tpu.memref_slice %arg3[%run_scoped3A, %add3A, %dma_start3A_162, %dma_start3A_163] : memref<2x32x125x80xi32, #tpu.memory_space<hbm>> -> memref<1x1x125x80xi32, #tpu.memory_space<hbm>>
      %dma_start3A_165 = tpu.memref_squeeze %dma_start3A_164 : memref<1x1x125x80xi32, #tpu.memory_space<hbm>> -> memref<125x80xi32, #tpu.memory_space<hbm>>
      %dma_start3A_166 = arith.constant 0 : i32
      %dma_start3A_167 = arith.constant 0 : i32
      %dma_start3A_168 = tpu.memref_slice %arg3[%run_scoped3A, %add3A, %dma_start3A_166, %dma_start3A_167] : memref<2x32x125x80xi32, #tpu.memory_space<hbm>> -> memref<1x1x125x80xi32, #tpu.memory_space<hbm>>
      %dma_start3A_169 = tpu.memref_squeeze %dma_start3A_168 : memref<1x1x125x80xi32, #tpu.memory_space<hbm>> -> memref<125x80xi32, #tpu.memory_space<hbm>>
      tpu.enqueue_dma source(%dma_start3A_169 : memref<125x80xi32, #tpu.memory_space<hbm>>) target(%arg8 : memref<125x80xi32, #tpu.memory_space<vmem>>) target_semaphore(%run_scoped3A_161 : memref<!tpu.dma_semaphore, #tpu.memory_space<semaphore_mem>>)
      %dma_wait3A_170 = arith.constant 0 : i32
      %dma_wait3A_171 = arith.constant 0 : i32
      %dma_wait3A_172 = tpu.memref_slice %arg3[%run_scoped3A, %add3A, %dma_wait3A_170, %dma_wait3A_171] : memref<2x32x125x80xi32, #tpu.memory_space<hbm>> -> memref<1x1x125x80xi32, #tpu.memory_space<hbm>>
      %dma_wait3A_173 = tpu.memref_squeeze %dma_wait3A_172 : memref<1x1x125x80xi32, #tpu.memory_space<hbm>> -> memref<125x80xi32, #tpu.memory_space<hbm>>
      %dma_wait3A_174 = arith.constant 0 : i32
      %dma_wait3A_175 = arith.constant 0 : i32
      %dma_wait3A_176 = tpu.memref_slice %arg3[%run_scoped3A, %add3A, %dma_wait3A_174, %dma_wait3A_175] : memref<2x32x125x80xi32, #tpu.memory_space<hbm>> -> memref<1x1x125x80xi32, #tpu.memory_space<hbm>>
      %dma_wait3A_177 = tpu.memref_squeeze %dma_wait3A_176 : memref<1x1x125x80xi32, #tpu.memory_space<hbm>> -> memref<125x80xi32, #tpu.memory_space<hbm>>
      tpu.wait_dma2 semaphore(%run_scoped3A_161 : memref<!tpu.dma_semaphore, #tpu.memory_space<semaphore_mem>>) src(%dma_wait3A_177 : memref<125x80xi32, #tpu.memory_space<hbm>>) dst(%arg8 : memref<125x80xi32, #tpu.memory_space<vmem>>)
      tpu.yield
    }) : () -> ()
    %run_scoped3A_7 = arith.constant 1 : i32
    "tpu.region"() ({
      %run_scoped3A_161 = tpu.sem_alloc : memref<!tpu.dma_semaphore, #tpu.memory_space<semaphore_mem>>
      %dma_start3A_162 = arith.constant 0 : i32
      %dma_start3A_163 = arith.constant 0 : i32
      %dma_start3A_164 = tpu.memref_slice %arg3[%run_scoped3A_7, %add3A, %dma_start3A_162, %dma_start3A_163] : memref<2x32x125x80xi32, #tpu.memory_space<hbm>> -> memref<1x1x125x80xi32, #tpu.memory_space<hbm>>
      %dma_start3A_165 = tpu.memref_squeeze %dma_start3A_164 : memref<1x1x125x80xi32, #tpu.memory_space<hbm>> -> memref<125x80xi32, #tpu.memory_space<hbm>>
      %dma_start3A_166 = arith.constant 0 : i32
      %dma_start3A_167 = arith.constant 0 : i32
      %dma_start3A_168 = tpu.memref_slice %arg3[%run_scoped3A_7, %add3A, %dma_start3A_166, %dma_start3A_167] : memref<2x32x125x80xi32, #tpu.memory_space<hbm>> -> memref<1x1x125x80xi32, #tpu.memory_space<hbm>>
      %dma_start3A_169 = tpu.memref_squeeze %dma_start3A_168 : memref<1x1x125x80xi32, #tpu.memory_space<hbm>> -> memref<125x80xi32, #tpu.memory_space<hbm>>
      tpu.enqueue_dma source(%dma_start3A_169 : memref<125x80xi32, #tpu.memory_space<hbm>>) target(%arg9 : memref<125x80xi32, #tpu.memory_space<vmem>>) target_semaphore(%run_scoped3A_161 : memref<!tpu.dma_semaphore, #tpu.memory_space<semaphore_mem>>)
      %dma_wait3A_170 = arith.constant 0 : i32
      %dma_wait3A_171 = arith.constant 0 : i32
      %dma_wait3A_172 = tpu.memref_slice %arg3[%run_scoped3A_7, %add3A, %dma_wait3A_170, %dma_wait3A_171] : memref<2x32x125x80xi32, #tpu.memory_space<hbm>> -> memref<1x1x125x80xi32, #tpu.memory_space<hbm>>
      %dma_wait3A_173 = tpu.memref_squeeze %dma_wait3A_172 : memref<1x1x125x80xi32, #tpu.memory_space<hbm>> -> memref<125x80xi32, #tpu.memory_space<hbm>>
      %dma_wait3A_174 = arith.constant 0 : i32
      %dma_wait3A_175 = arith.constant 0 : i32
      %dma_wait3A_176 = tpu.memref_slice %arg3[%run_scoped3A_7, %add3A, %dma_wait3A_174, %dma_wait3A_175] : memref<2x32x125x80xi32, #tpu.memory_space<hbm>> -> memref<1x1x125x80xi32, #tpu.memory_space<hbm>>
      %dma_wait3A_177 = tpu.memref_squeeze %dma_wait3A_176 : memref<1x1x125x80xi32, #tpu.memory_space<hbm>> -> memref<125x80xi32, #tpu.memory_space<hbm>>
      tpu.wait_dma2 semaphore(%run_scoped3A_161 : memref<!tpu.dma_semaphore, #tpu.memory_space<semaphore_mem>>) src(%dma_wait3A_177 : memref<125x80xi32, #tpu.memory_space<hbm>>) dst(%arg9 : memref<125x80xi32, #tpu.memory_space<vmem>>)
      tpu.yield
    }) : () -> ()
    %barrier3A = arith.constant 0 : index
    tpu.barrier barrier_id(%barrier3A)
    %dma_start3A = arith.constant 0 : i32
    %dma_start3A_8 = arith.constant 0 : i32
    %dma_start3A_9 = tpu.memref_slice %arg8[%dma_start3A, %dma_start3A_8] : memref<125x80xi32, #tpu.memory_space<vmem>> -> memref<1x80xi32, #tpu.memory_space<vmem>>
    %dma_start3A_10 = tpu.memref_squeeze %dma_start3A_9 : memref<1x80xi32, #tpu.memory_space<vmem>> -> memref<80xi32, #tpu.memory_space<vmem>>
    %dma_start3A_11 = arith.constant 0 : i32
    %dma_start3A_12 = arith.constant 0 : i32
    %dma_start3A_13 = tpu.memref_slice %arg2[%dma_start3A_11, %dma_start3A_12] : memref<10000x128xf32, #tpu.memory_space<hbm>> -> memref<10000x128xf32, #tpu.memory_space<hbm>>
    tpu.enqueue_indirect_dma source(%dma_start3A_13 : memref<10000x128xf32, #tpu.memory_space<hbm>>) target(%arg10 : memref<80x128xf32, #tpu.memory_space<vmem>>) offsets(%dma_start3A_10 : memref<80xi32, #tpu.memory_space<vmem>>) semaphore(%arg13 : memref<!tpu.dma_semaphore, #tpu.memory_space<semaphore_mem>>)
    %dma_start3A_14 = arith.constant 1 : i32
    %dma_start3A_15 = arith.constant 0 : i32
    %dma_start3A_16 = tpu.memref_slice %arg8[%dma_start3A_14, %dma_start3A_15] : memref<125x80xi32, #tpu.memory_space<vmem>> -> memref<1x80xi32, #tpu.memory_space<vmem>>
    %dma_start3A_17 = tpu.memref_squeeze %dma_start3A_16 : memref<1x80xi32, #tpu.memory_space<vmem>> -> memref<80xi32, #tpu.memory_space<vmem>>
    %dma_start3A_18 = arith.constant 0 : i32
    %dma_start3A_19 = arith.constant 0 : i32
    %dma_start3A_20 = tpu.memref_slice %arg2[%dma_start3A_18, %dma_start3A_19] : memref<10000x128xf32, #tpu.memory_space<hbm>> -> memref<10000x128xf32, #tpu.memory_space<hbm>>
    tpu.enqueue_indirect_dma source(%dma_start3A_20 : memref<10000x128xf32, #tpu.memory_space<hbm>>) target(%arg11 : memref<80x128xf32, #tpu.memory_space<vmem>>) offsets(%dma_start3A_17 : memref<80xi32, #tpu.memory_space<vmem>>) semaphore(%arg14 : memref<!tpu.dma_semaphore, #tpu.memory_space<semaphore_mem>>)
    %dma_wait3A = arith.constant 0 : i32
    %dma_wait3A_21 = arith.constant 0 : i32
    %dma_wait3A_22 = tpu.memref_slice %arg8[%dma_wait3A, %dma_wait3A_21] : memref<125x80xi32, #tpu.memory_space<vmem>> -> memref<1x80xi32, #tpu.memory_space<vmem>>
    %dma_wait3A_23 = tpu.memref_squeeze %dma_wait3A_22 : memref<1x80xi32, #tpu.memory_space<vmem>> -> memref<80xi32, #tpu.memory_space<vmem>>
    %dma_wait3A_24 = arith.constant 0 : i32
    %dma_wait3A_25 = arith.constant 0 : i32
    %dma_wait3A_26 = tpu.memref_slice %arg2[%dma_wait3A_24, %dma_wait3A_25] : memref<10000x128xf32, #tpu.memory_space<hbm>> -> memref<10000x128xf32, #tpu.memory_space<hbm>>
    tpu.wait_indirect_dma semaphore(%arg13 : memref<!tpu.dma_semaphore, #tpu.memory_space<semaphore_mem>>) src(%dma_wait3A_26 : memref<10000x128xf32, #tpu.memory_space<hbm>>) dst(%arg10 : memref<80x128xf32, #tpu.memory_space<vmem>>)
    %dma_start3A_27 = arith.constant 0 : i32
    %dma_start3A_28 = arith.constant 0 : i32
    %dma_start3A_29 = tpu.memref_slice %arg9[%dma_start3A_27, %dma_start3A_28] : memref<125x80xi32, #tpu.memory_space<vmem>> -> memref<1x80xi32, #tpu.memory_space<vmem>>
    %dma_start3A_30 = tpu.memref_squeeze %dma_start3A_29 : memref<1x80xi32, #tpu.memory_space<vmem>> -> memref<80xi32, #tpu.memory_space<vmem>>
    %dma_start3A_31 = arith.constant 0 : i32
    %dma_start3A_32 = arith.constant 0 : i32
    %dma_start3A_33 = tpu.memref_slice %arg7[%dma_start3A_31, %dma_start3A_32] : memref<10000x128xf32, #tpu.memory_space<vmem_shared>> -> memref<10000x128xf32, #tpu.memory_space<vmem_shared>>
    tpu.enqueue_indirect_dma source(%arg10 : memref<80x128xf32, #tpu.memory_space<vmem>>) target(%dma_start3A_33 : memref<10000x128xf32, #tpu.memory_space<vmem_shared>>) offsets(%dma_start3A_30 : memref<80xi32, #tpu.memory_space<vmem>>) semaphore(%arg16 : memref<!tpu.dma_semaphore, #tpu.memory_space<semaphore_mem>>) {add = true}
    %dma_start3A_34 = arith.constant 2 : i32
    %dma_start3A_35 = arith.constant 0 : i32
    %dma_start3A_36 = tpu.memref_slice %arg8[%dma_start3A_34, %dma_start3A_35] : memref<125x80xi32, #tpu.memory_space<vmem>> -> memref<1x80xi32, #tpu.memory_space<vmem>>
    %dma_start3A_37 = tpu.memref_squeeze %dma_start3A_36 : memref<1x80xi32, #tpu.memory_space<vmem>> -> memref<80xi32, #tpu.memory_space<vmem>>
    %dma_start3A_38 = arith.constant 0 : i32
    %dma_start3A_39 = arith.constant 0 : i32
    %dma_start3A_40 = tpu.memref_slice %arg2[%dma_start3A_38, %dma_start3A_39] : memref<10000x128xf32, #tpu.memory_space<hbm>> -> memref<10000x128xf32, #tpu.memory_space<hbm>>
    tpu.enqueue_indirect_dma source(%dma_start3A_40 : memref<10000x128xf32, #tpu.memory_space<hbm>>) target(%arg12 : memref<80x128xf32, #tpu.memory_space<vmem>>) offsets(%dma_start3A_37 : memref<80xi32, #tpu.memory_space<vmem>>) semaphore(%arg15 : memref<!tpu.dma_semaphore, #tpu.memory_space<semaphore_mem>>)
    %dma_wait3A_41 = arith.constant 1 : i32
    %dma_wait3A_42 = arith.constant 0 : i32
    %dma_wait3A_43 = tpu.memref_slice %arg8[%dma_wait3A_41, %dma_wait3A_42] : memref<125x80xi32, #tpu.memory_space<vmem>> -> memref<1x80xi32, #tpu.memory_space<vmem>>
    %dma_wait3A_44 = tpu.memref_squeeze %dma_wait3A_43 : memref<1x80xi32, #tpu.memory_space<vmem>> -> memref<80xi32, #tpu.memory_space<vmem>>
    %dma_wait3A_45 = arith.constant 0 : i32
    %dma_wait3A_46 = arith.constant 0 : i32
    %dma_wait3A_47 = tpu.memref_slice %arg2[%dma_wait3A_45, %dma_wait3A_46] : memref<10000x128xf32, #tpu.memory_space<hbm>> -> memref<10000x128xf32, #tpu.memory_space<hbm>>
    tpu.wait_indirect_dma semaphore(%arg14 : memref<!tpu.dma_semaphore, #tpu.memory_space<semaphore_mem>>) src(%dma_wait3A_47 : memref<10000x128xf32, #tpu.memory_space<hbm>>) dst(%arg11 : memref<80x128xf32, #tpu.memory_space<vmem>>)
    %dma_start3A_48 = arith.constant 1 : i32
    %dma_start3A_49 = arith.constant 0 : i32
    %dma_start3A_50 = tpu.memref_slice %arg9[%dma_start3A_48, %dma_start3A_49] : memref<125x80xi32, #tpu.memory_space<vmem>> -> memref<1x80xi32, #tpu.memory_space<vmem>>
    %dma_start3A_51 = tpu.memref_squeeze %dma_start3A_50 : memref<1x80xi32, #tpu.memory_space<vmem>> -> memref<80xi32, #tpu.memory_space<vmem>>
    %dma_start3A_52 = arith.constant 0 : i32
    %dma_start3A_53 = arith.constant 0 : i32
    %dma_start3A_54 = tpu.memref_slice %arg7[%dma_start3A_52, %dma_start3A_53] : memref<10000x128xf32, #tpu.memory_space<vmem_shared>> -> memref<10000x128xf32, #tpu.memory_space<vmem_shared>>
    tpu.enqueue_indirect_dma source(%arg11 : memref<80x128xf32, #tpu.memory_space<vmem>>) target(%dma_start3A_54 : memref<10000x128xf32, #tpu.memory_space<vmem_shared>>) offsets(%dma_start3A_51 : memref<80xi32, #tpu.memory_space<vmem>>) semaphore(%arg17 : memref<!tpu.dma_semaphore, #tpu.memory_space<semaphore_mem>>) {add = true}
    %dma_wait3A_55 = arith.constant 0 : i32
    %dma_wait3A_56 = arith.constant 0 : i32
    %dma_wait3A_57 = tpu.memref_slice %arg9[%dma_wait3A_55, %dma_wait3A_56] : memref<125x80xi32, #tpu.memory_space<vmem>> -> memref<1x80xi32, #tpu.memory_space<vmem>>
    %dma_wait3A_58 = tpu.memref_squeeze %dma_wait3A_57 : memref<1x80xi32, #tpu.memory_space<vmem>> -> memref<80xi32, #tpu.memory_space<vmem>>
    %dma_wait3A_59 = arith.constant 0 : i32
    %dma_wait3A_60 = arith.constant 0 : i32
    %dma_wait3A_61 = tpu.memref_slice %arg7[%dma_wait3A_59, %dma_wait3A_60] : memref<10000x128xf32, #tpu.memory_space<vmem_shared>> -> memref<10000x128xf32, #tpu.memory_space<vmem_shared>>
    tpu.wait_indirect_dma semaphore(%arg16 : memref<!tpu.dma_semaphore, #tpu.memory_space<semaphore_mem>>) src(%arg10 : memref<80x128xf32, #tpu.memory_space<vmem>>) dst(%dma_wait3A_61 : memref<10000x128xf32, #tpu.memory_space<vmem_shared>>)
    %dma_start3A_62 = arith.constant 3 : i32
    %dma_start3A_63 = arith.constant 0 : i32
    %dma_start3A_64 = tpu.memref_slice %arg8[%dma_start3A_62, %dma_start3A_63] : memref<125x80xi32, #tpu.memory_space<vmem>> -> memref<1x80xi32, #tpu.memory_space<vmem>>
    %dma_start3A_65 = tpu.memref_squeeze %dma_start3A_64 : memref<1x80xi32, #tpu.memory_space<vmem>> -> memref<80xi32, #tpu.memory_space<vmem>>
    %dma_start3A_66 = arith.constant 0 : i32
    %dma_start3A_67 = arith.constant 0 : i32
    %dma_start3A_68 = tpu.memref_slice %arg2[%dma_start3A_66, %dma_start3A_67] : memref<10000x128xf32, #tpu.memory_space<hbm>> -> memref<10000x128xf32, #tpu.memory_space<hbm>>
    tpu.enqueue_indirect_dma source(%dma_start3A_68 : memref<10000x128xf32, #tpu.memory_space<hbm>>) target(%arg10 : memref<80x128xf32, #tpu.memory_space<vmem>>) offsets(%dma_start3A_65 : memref<80xi32, #tpu.memory_space<vmem>>) semaphore(%arg13 : memref<!tpu.dma_semaphore, #tpu.memory_space<semaphore_mem>>)
    %dma_wait3A_69 = arith.constant 2 : i32
    %dma_wait3A_70 = arith.constant 0 : i32
    %dma_wait3A_71 = tpu.memref_slice %arg8[%dma_wait3A_69, %dma_wait3A_70] : memref<125x80xi32, #tpu.memory_space<vmem>> -> memref<1x80xi32, #tpu.memory_space<vmem>>
    %dma_wait3A_72 = tpu.memref_squeeze %dma_wait3A_71 : memref<1x80xi32, #tpu.memory_space<vmem>> -> memref<80xi32, #tpu.memory_space<vmem>>
    %dma_wait3A_73 = arith.constant 0 : i32
    %dma_wait3A_74 = arith.constant 0 : i32
    %dma_wait3A_75 = tpu.memref_slice %arg2[%dma_wait3A_73, %dma_wait3A_74] : memref<10000x128xf32, #tpu.memory_space<hbm>> -> memref<10000x128xf32, #tpu.memory_space<hbm>>
    tpu.wait_indirect_dma semaphore(%arg15 : memref<!tpu.dma_semaphore, #tpu.memory_space<semaphore_mem>>) src(%dma_wait3A_75 : memref<10000x128xf32, #tpu.memory_space<hbm>>) dst(%arg12 : memref<80x128xf32, #tpu.memory_space<vmem>>)
    %dma_start3A_76 = arith.constant 2 : i32
    %dma_start3A_77 = arith.constant 0 : i32
    %dma_start3A_78 = tpu.memref_slice %arg9[%dma_start3A_76, %dma_start3A_77] : memref<125x80xi32, #tpu.memory_space<vmem>> -> memref<1x80xi32, #tpu.memory_space<vmem>>
    %dma_start3A_79 = tpu.memref_squeeze %dma_start3A_78 : memref<1x80xi32, #tpu.memory_space<vmem>> -> memref<80xi32, #tpu.memory_space<vmem>>
    %dma_start3A_80 = arith.constant 0 : i32
    %dma_start3A_81 = arith.constant 0 : i32
    %dma_start3A_82 = tpu.memref_slice %arg7[%dma_start3A_80, %dma_start3A_81] : memref<10000x128xf32, #tpu.memory_space<vmem_shared>> -> memref<10000x128xf32, #tpu.memory_space<vmem_shared>>
    tpu.enqueue_indirect_dma source(%arg12 : memref<80x128xf32, #tpu.memory_space<vmem>>) target(%dma_start3A_82 : memref<10000x128xf32, #tpu.memory_space<vmem_shared>>) offsets(%dma_start3A_79 : memref<80xi32, #tpu.memory_space<vmem>>) semaphore(%arg18 : memref<!tpu.dma_semaphore, #tpu.memory_space<semaphore_mem>>) {add = true}
    %dma_wait3A_83 = arith.constant 1 : i32
    %dma_wait3A_84 = arith.constant 0 : i32
    %dma_wait3A_85 = tpu.memref_slice %arg9[%dma_wait3A_83, %dma_wait3A_84] : memref<125x80xi32, #tpu.memory_space<vmem>> -> memref<1x80xi32, #tpu.memory_space<vmem>>
    %dma_wait3A_86 = tpu.memref_squeeze %dma_wait3A_85 : memref<1x80xi32, #tpu.memory_space<vmem>> -> memref<80xi32, #tpu.memory_space<vmem>>
    %dma_wait3A_87 = arith.constant 0 : i32
    %dma_wait3A_88 = arith.constant 0 : i32
    %dma_wait3A_89 = tpu.memref_slice %arg7[%dma_wait3A_87, %dma_wait3A_88] : memref<10000x128xf32, #tpu.memory_space<vmem_shared>> -> memref<10000x128xf32, #tpu.memory_space<vmem_shared>>
    tpu.wait_indirect_dma semaphore(%arg17 : memref<!tpu.dma_semaphore, #tpu.memory_space<semaphore_mem>>) src(%arg11 : memref<80x128xf32, #tpu.memory_space<vmem>>) dst(%dma_wait3A_89 : memref<10000x128xf32, #tpu.memory_space<vmem_shared>>)
    %dma_start3A_90 = arith.constant 4 : i32
    %dma_start3A_91 = arith.constant 0 : i32
    %dma_start3A_92 = tpu.memref_slice %arg8[%dma_start3A_90, %dma_start3A_91] : memref<125x80xi32, #tpu.memory_space<vmem>> -> memref<1x80xi32, #tpu.memory_space<vmem>>
    %dma_start3A_93 = tpu.memref_squeeze %dma_start3A_92 : memref<1x80xi32, #tpu.memory_space<vmem>> -> memref<80xi32, #tpu.memory_space<vmem>>
    %dma_start3A_94 = arith.constant 0 : i32
    %dma_start3A_95 = arith.constant 0 : i32
    %dma_start3A_96 = tpu.memref_slice %arg2[%dma_start3A_94, %dma_start3A_95] : memref<10000x128xf32, #tpu.memory_space<hbm>> -> memref<10000x128xf32, #tpu.memory_space<hbm>>
    tpu.enqueue_indirect_dma source(%dma_start3A_96 : memref<10000x128xf32, #tpu.memory_space<hbm>>) target(%arg11 : memref<80x128xf32, #tpu.memory_space<vmem>>) offsets(%dma_start3A_93 : memref<80xi32, #tpu.memory_space<vmem>>) semaphore(%arg14 : memref<!tpu.dma_semaphore, #tpu.memory_space<semaphore_mem>>)
    %scan3A = arith.constant 0 : i32
    %scan3A_97 = arith.constant 40 : i32
    %scan3A_98 = arith.addi %scan3A, %scan3A_97 : i32
    %scan3A_99 = arith.constant 1 : i32
    scf.for %scan3A_161 = %scan3A to %scan3A_98 step %scan3A_99  : i32 {
      %mul3A_162 = arith.constant 1 : i32
      %mul3A_163 = arith.muli %scan3A_161, %mul3A_162 : i32
      %add3A_164 = arith.constant 0 : i32
      %add3A_165 = arith.addi %add3A_164, %mul3A_163 : i32
      %mul3A_166 = arith.constant 3 : i32
      %mul3A_167 = arith.muli %mul3A_166, %add3A_165 : i32
      %add3A_168 = arith.constant 3 : i32
      %add3A_169 = arith.addi %mul3A_167, %add3A_168 : i32
      %add3A_170 = arith.constant 0 : i32
      %add3A_171 = arith.addi %add3A_169, %add3A_170 : i32
      %dma_wait3A_172 = arith.constant 0 : i32
      %dma_wait3A_173 = tpu.memref_slice %arg8[%add3A_171, %dma_wait3A_172] : memref<125x80xi32, #tpu.memory_space<vmem>> -> memref<1x80xi32, #tpu.memory_space<vmem>>
      %dma_wait3A_174 = tpu.memref_squeeze %dma_wait3A_173 : memref<1x80xi32, #tpu.memory_space<vmem>> -> memref<80xi32, #tpu.memory_space<vmem>>
      %dma_wait3A_175 = arith.constant 0 : i32
      %dma_wait3A_176 = arith.constant 0 : i32
      %dma_wait3A_177 = tpu.memref_slice %arg2[%dma_wait3A_175, %dma_wait3A_176] : memref<10000x128xf32, #tpu.memory_space<hbm>> -> memref<10000x128xf32, #tpu.memory_space<hbm>>
      tpu.wait_indirect_dma semaphore(%arg13 : memref<!tpu.dma_semaphore, #tpu.memory_space<semaphore_mem>>) src(%dma_wait3A_177 : memref<10000x128xf32, #tpu.memory_space<hbm>>) dst(%arg10 : memref<80x128xf32, #tpu.memory_space<vmem>>)
      %dma_start3A_178 = arith.constant 0 : i32
      %dma_start3A_179 = tpu.memref_slice %arg9[%add3A_171, %dma_start3A_178] : memref<125x80xi32, #tpu.memory_space<vmem>> -> memref<1x80xi32, #tpu.memory_space<vmem>>
      %dma_start3A_180 = tpu.memref_squeeze %dma_start3A_179 : memref<1x80xi32, #tpu.memory_space<vmem>> -> memref<80xi32, #tpu.memory_space<vmem>>
      %dma_start3A_181 = arith.constant 0 : i32
      %dma_start3A_182 = arith.constant 0 : i32
      %dma_start3A_183 = tpu.memref_slice %arg7[%dma_start3A_181, %dma_start3A_182] : memref<10000x128xf32, #tpu.memory_space<vmem_shared>> -> memref<10000x128xf32, #tpu.memory_space<vmem_shared>>
      tpu.enqueue_indirect_dma source(%arg10 : memref<80x128xf32, #tpu.memory_space<vmem>>) target(%dma_start3A_183 : memref<10000x128xf32, #tpu.memory_space<vmem_shared>>) offsets(%dma_start3A_180 : memref<80xi32, #tpu.memory_space<vmem>>) semaphore(%arg16 : memref<!tpu.dma_semaphore, #tpu.memory_space<semaphore_mem>>) {add = true}
      %sub3A = arith.constant 1 : i32
      %sub3A_184 = arith.subi %add3A_171, %sub3A : i32
      %dma_wait3A_185 = arith.constant 0 : i32
      %dma_wait3A_186 = tpu.memref_slice %arg9[%sub3A_184, %dma_wait3A_185] : memref<125x80xi32, #tpu.memory_space<vmem>> -> memref<1x80xi32, #tpu.memory_space<vmem>>
      %dma_wait3A_187 = tpu.memref_squeeze %dma_wait3A_186 : memref<1x80xi32, #tpu.memory_space<vmem>> -> memref<80xi32, #tpu.memory_space<vmem>>
      %dma_wait3A_188 = arith.constant 0 : i32
      %dma_wait3A_189 = arith.constant 0 : i32
      %dma_wait3A_190 = tpu.memref_slice %arg7[%dma_wait3A_188, %dma_wait3A_189] : memref<10000x128xf32, #tpu.memory_space<vmem_shared>> -> memref<10000x128xf32, #tpu.memory_space<vmem_shared>>
      tpu.wait_indirect_dma semaphore(%arg18 : memref<!tpu.dma_semaphore, #tpu.memory_space<semaphore_mem>>) src(%arg12 : memref<80x128xf32, #tpu.memory_space<vmem>>) dst(%dma_wait3A_190 : memref<10000x128xf32, #tpu.memory_space<vmem_shared>>)
      %add3A_191 = arith.constant 2 : i32
      %add3A_192 = arith.addi %add3A_171, %add3A_191 : i32
      %dma_start3A_193 = arith.constant 0 : i32
      %dma_start3A_194 = tpu.memref_slice %arg8[%add3A_192, %dma_start3A_193] : memref<125x80xi32, #tpu.memory_space<vmem>> -> memref<1x80xi32, #tpu.memory_space<vmem>>
      %dma_start3A_195 = tpu.memref_squeeze %dma_start3A_194 : memref<1x80xi32, #tpu.memory_space<vmem>> -> memref<80xi32, #tpu.memory_space<vmem>>
      %dma_start3A_196 = arith.constant 0 : i32
      %dma_start3A_197 = arith.constant 0 : i32
      %dma_start3A_198 = tpu.memref_slice %arg2[%dma_start3A_196, %dma_start3A_197] : memref<10000x128xf32, #tpu.memory_space<hbm>> -> memref<10000x128xf32, #tpu.memory_space<hbm>>
      tpu.enqueue_indirect_dma source(%dma_start3A_198 : memref<10000x128xf32, #tpu.memory_space<hbm>>) target(%arg12 : memref<80x128xf32, #tpu.memory_space<vmem>>) offsets(%dma_start3A_195 : memref<80xi32, #tpu.memory_space<vmem>>) semaphore(%arg15 : memref<!tpu.dma_semaphore, #tpu.memory_space<semaphore_mem>>)
      %mul3A_199 = arith.constant 3 : i32
      %mul3A_200 = arith.muli %mul3A_199, %add3A_165 : i32
      %add3A_201 = arith.constant 3 : i32
      %add3A_202 = arith.addi %mul3A_200, %add3A_201 : i32
      %add3A_203 = arith.constant 1 : i32
      %add3A_204 = arith.addi %add3A_202, %add3A_203 : i32
      %dma_wait3A_205 = arith.constant 0 : i32
      %dma_wait3A_206 = tpu.memref_slice %arg8[%add3A_204, %dma_wait3A_205] : memref<125x80xi32, #tpu.memory_space<vmem>> -> memref<1x80xi32, #tpu.memory_space<vmem>>
      %dma_wait3A_207 = tpu.memref_squeeze %dma_wait3A_206 : memref<1x80xi32, #tpu.memory_space<vmem>> -> memref<80xi32, #tpu.memory_space<vmem>>
      %dma_wait3A_208 = arith.constant 0 : i32
      %dma_wait3A_209 = arith.constant 0 : i32
      %dma_wait3A_210 = tpu.memref_slice %arg2[%dma_wait3A_208, %dma_wait3A_209] : memref<10000x128xf32, #tpu.memory_space<hbm>> -> memref<10000x128xf32, #tpu.memory_space<hbm>>
      tpu.wait_indirect_dma semaphore(%arg14 : memref<!tpu.dma_semaphore, #tpu.memory_space<semaphore_mem>>) src(%dma_wait3A_210 : memref<10000x128xf32, #tpu.memory_space<hbm>>) dst(%arg11 : memref<80x128xf32, #tpu.memory_space<vmem>>)
      %dma_start3A_211 = arith.constant 0 : i32
      %dma_start3A_212 = tpu.memref_slice %arg9[%add3A_204, %dma_start3A_211] : memref<125x80xi32, #tpu.memory_space<vmem>> -> memref<1x80xi32, #tpu.memory_space<vmem>>
      %dma_start3A_213 = tpu.memref_squeeze %dma_start3A_212 : memref<1x80xi32, #tpu.memory_space<vmem>> -> memref<80xi32, #tpu.memory_space<vmem>>
      %dma_start3A_214 = arith.constant 0 : i32
      %dma_start3A_215 = arith.constant 0 : i32
      %dma_start3A_216 = tpu.memref_slice %arg7[%dma_start3A_214, %dma_start3A_215] : memref<10000x128xf32, #tpu.memory_space<vmem_shared>> -> memref<10000x128xf32, #tpu.memory_space<vmem_shared>>
      tpu.enqueue_indirect_dma source(%arg11 : memref<80x128xf32, #tpu.memory_space<vmem>>) target(%dma_start3A_216 : memref<10000x128xf32, #tpu.memory_space<vmem_shared>>) offsets(%dma_start3A_213 : memref<80xi32, #tpu.memory_space<vmem>>) semaphore(%arg17 : memref<!tpu.dma_semaphore, #tpu.memory_space<semaphore_mem>>) {add = true}
      %sub3A_217 = arith.constant 1 : i32
      %sub3A_218 = arith.subi %add3A_204, %sub3A_217 : i32
      %dma_wait3A_219 = arith.constant 0 : i32
      %dma_wait3A_220 = tpu.memref_slice %arg9[%sub3A_218, %dma_wait3A_219] : memref<125x80xi32, #tpu.memory_space<vmem>> -> memref<1x80xi32, #tpu.memory_space<vmem>>
      %dma_wait3A_221 = tpu.memref_squeeze %dma_wait3A_220 : memref<1x80xi32, #tpu.memory_space<vmem>> -> memref<80xi32, #tpu.memory_space<vmem>>
      %dma_wait3A_222 = arith.constant 0 : i32
      %dma_wait3A_223 = arith.constant 0 : i32
      %dma_wait3A_224 = tpu.memref_slice %arg7[%dma_wait3A_222, %dma_wait3A_223] : memref<10000x128xf32, #tpu.memory_space<vmem_shared>> -> memref<10000x128xf32, #tpu.memory_space<vmem_shared>>
      tpu.wait_indirect_dma semaphore(%arg16 : memref<!tpu.dma_semaphore, #tpu.memory_space<semaphore_mem>>) src(%arg10 : memref<80x128xf32, #tpu.memory_space<vmem>>) dst(%dma_wait3A_224 : memref<10000x128xf32, #tpu.memory_space<vmem_shared>>)
      %add3A_225 = arith.constant 2 : i32
      %add3A_226 = arith.addi %add3A_204, %add3A_225 : i32
      %dma_start3A_227 = arith.constant 0 : i32
      %dma_start3A_228 = tpu.memref_slice %arg8[%add3A_226, %dma_start3A_227] : memref<125x80xi32, #tpu.memory_space<vmem>> -> memref<1x80xi32, #tpu.memory_space<vmem>>
      %dma_start3A_229 = tpu.memref_squeeze %dma_start3A_228 : memref<1x80xi32, #tpu.memory_space<vmem>> -> memref<80xi32, #tpu.memory_space<vmem>>
      %dma_start3A_230 = arith.constant 0 : i32
      %dma_start3A_231 = arith.constant 0 : i32
      %dma_start3A_232 = tpu.memref_slice %arg2[%dma_start3A_230, %dma_start3A_231] : memref<10000x128xf32, #tpu.memory_space<hbm>> -> memref<10000x128xf32, #tpu.memory_space<hbm>>
      tpu.enqueue_indirect_dma source(%dma_start3A_232 : memref<10000x128xf32, #tpu.memory_space<hbm>>) target(%arg10 : memref<80x128xf32, #tpu.memory_space<vmem>>) offsets(%dma_start3A_229 : memref<80xi32, #tpu.memory_space<vmem>>) semaphore(%arg13 : memref<!tpu.dma_semaphore, #tpu.memory_space<semaphore_mem>>)
      %mul3A_233 = arith.constant 3 : i32
      %mul3A_234 = arith.muli %mul3A_233, %add3A_165 : i32
      %add3A_235 = arith.constant 3 : i32
      %add3A_236 = arith.addi %mul3A_234, %add3A_235 : i32
      %add3A_237 = arith.constant 2 : i32
      %add3A_238 = arith.addi %add3A_236, %add3A_237 : i32
      %dma_wait3A_239 = arith.constant 0 : i32
      %dma_wait3A_240 = tpu.memref_slice %arg8[%add3A_238, %dma_wait3A_239] : memref<125x80xi32, #tpu.memory_space<vmem>> -> memref<1x80xi32, #tpu.memory_space<vmem>>
      %dma_wait3A_241 = tpu.memref_squeeze %dma_wait3A_240 : memref<1x80xi32, #tpu.memory_space<vmem>> -> memref<80xi32, #tpu.memory_space<vmem>>
      %dma_wait3A_242 = arith.constant 0 : i32
      %dma_wait3A_243 = arith.constant 0 : i32
      %dma_wait3A_244 = tpu.memref_slice %arg2[%dma_wait3A_242, %dma_wait3A_243] : memref<10000x128xf32, #tpu.memory_space<hbm>> -> memref<10000x128xf32, #tpu.memory_space<hbm>>
      tpu.wait_indirect_dma semaphore(%arg15 : memref<!tpu.dma_semaphore, #tpu.memory_space<semaphore_mem>>) src(%dma_wait3A_244 : memref<10000x128xf32, #tpu.memory_space<hbm>>) dst(%arg12 : memref<80x128xf32, #tpu.memory_space<vmem>>)
      %dma_start3A_245 = arith.constant 0 : i32
      %dma_start3A_246 = tpu.memref_slice %arg9[%add3A_238, %dma_start3A_245] : memref<125x80xi32, #tpu.memory_space<vmem>> -> memref<1x80xi32, #tpu.memory_space<vmem>>
      %dma_start3A_247 = tpu.memref_squeeze %dma_start3A_246 : memref<1x80xi32, #tpu.memory_space<vmem>> -> memref<80xi32, #tpu.memory_space<vmem>>
      %dma_start3A_248 = arith.constant 0 : i32
      %dma_start3A_249 = arith.constant 0 : i32
      %dma_start3A_250 = tpu.memref_slice %arg7[%dma_start3A_248, %dma_start3A_249] : memref<10000x128xf32, #tpu.memory_space<vmem_shared>> -> memref<10000x128xf32, #tpu.memory_space<vmem_shared>>
      tpu.enqueue_indirect_dma source(%arg12 : memref<80x128xf32, #tpu.memory_space<vmem>>) target(%dma_start3A_250 : memref<10000x128xf32, #tpu.memory_space<vmem_shared>>) offsets(%dma_start3A_247 : memref<80xi32, #tpu.memory_space<vmem>>) semaphore(%arg18 : memref<!tpu.dma_semaphore, #tpu.memory_space<semaphore_mem>>) {add = true}
      %sub3A_251 = arith.constant 1 : i32
      %sub3A_252 = arith.subi %add3A_238, %sub3A_251 : i32
      %dma_wait3A_253 = arith.constant 0 : i32
      %dma_wait3A_254 = tpu.memref_slice %arg9[%sub3A_252, %dma_wait3A_253] : memref<125x80xi32, #tpu.memory_space<vmem>> -> memref<1x80xi32, #tpu.memory_space<vmem>>
      %dma_wait3A_255 = tpu.memref_squeeze %dma_wait3A_254 : memref<1x80xi32, #tpu.memory_space<vmem>> -> memref<80xi32, #tpu.memory_space<vmem>>
      %dma_wait3A_256 = arith.constant 0 : i32
      %dma_wait3A_257 = arith.constant 0 : i32
      %dma_wait3A_258 = tpu.memref_slice %arg7[%dma_wait3A_256, %dma_wait3A_257] : memref<10000x128xf32, #tpu.memory_space<vmem_shared>> -> memref<10000x128xf32, #tpu.memory_space<vmem_shared>>
      tpu.wait_indirect_dma semaphore(%arg17 : memref<!tpu.dma_semaphore, #tpu.memory_space<semaphore_mem>>) src(%arg11 : memref<80x128xf32, #tpu.memory_space<vmem>>) dst(%dma_wait3A_258 : memref<10000x128xf32, #tpu.memory_space<vmem_shared>>)
      %add3A_259 = arith.constant 2 : i32
      %add3A_260 = arith.addi %add3A_238, %add3A_259 : i32
      %dma_start3A_261 = arith.constant 0 : i32
      %dma_start3A_262 = tpu.memref_slice %arg8[%add3A_260, %dma_start3A_261] : memref<125x80xi32, #tpu.memory_space<vmem>> -> memref<1x80xi32, #tpu.memory_space<vmem>>
      %dma_start3A_263 = tpu.memref_squeeze %dma_start3A_262 : memref<1x80xi32, #tpu.memory_space<vmem>> -> memref<80xi32, #tpu.memory_space<vmem>>
      %dma_start3A_264 = arith.constant 0 : i32
      %dma_start3A_265 = arith.constant 0 : i32
      %dma_start3A_266 = tpu.memref_slice %arg2[%dma_start3A_264, %dma_start3A_265] : memref<10000x128xf32, #tpu.memory_space<hbm>> -> memref<10000x128xf32, #tpu.memory_space<hbm>>
      tpu.enqueue_indirect_dma source(%dma_start3A_266 : memref<10000x128xf32, #tpu.memory_space<hbm>>) target(%arg11 : memref<80x128xf32, #tpu.memory_space<vmem>>) offsets(%dma_start3A_263 : memref<80xi32, #tpu.memory_space<vmem>>) semaphore(%arg14 : memref<!tpu.dma_semaphore, #tpu.memory_space<semaphore_mem>>)
    }
    %scan3A_100 = arith.constant 40 : i32
    %dma_wait3A_101 = arith.constant 123 : i32
    %dma_wait3A_102 = arith.constant 0 : i32
    %dma_wait3A_103 = tpu.memref_slice %arg8[%dma_wait3A_101, %dma_wait3A_102] : memref<125x80xi32, #tpu.memory_space<vmem>> -> memref<1x80xi32, #tpu.memory_space<vmem>>
    %dma_wait3A_104 = tpu.memref_squeeze %dma_wait3A_103 : memref<1x80xi32, #tpu.memory_space<vmem>> -> memref<80xi32, #tpu.memory_space<vmem>>
    %dma_wait3A_105 = arith.constant 0 : i32
    %dma_wait3A_106 = arith.constant 0 : i32
    %dma_wait3A_107 = tpu.memref_slice %arg2[%dma_wait3A_105, %dma_wait3A_106] : memref<10000x128xf32, #tpu.memory_space<hbm>> -> memref<10000x128xf32, #tpu.memory_space<hbm>>
    tpu.wait_indirect_dma semaphore(%arg13 : memref<!tpu.dma_semaphore, #tpu.memory_space<semaphore_mem>>) src(%dma_wait3A_107 : memref<10000x128xf32, #tpu.memory_space<hbm>>) dst(%arg10 : memref<80x128xf32, #tpu.memory_space<vmem>>)
    %dma_start3A_108 = arith.constant 123 : i32
    %dma_start3A_109 = arith.constant 0 : i32
    %dma_start3A_110 = tpu.memref_slice %arg9[%dma_start3A_108, %dma_start3A_109] : memref<125x80xi32, #tpu.memory_space<vmem>> -> memref<1x80xi32, #tpu.memory_space<vmem>>
    %dma_start3A_111 = tpu.memref_squeeze %dma_start3A_110 : memref<1x80xi32, #tpu.memory_space<vmem>> -> memref<80xi32, #tpu.memory_space<vmem>>
    %dma_start3A_112 = arith.constant 0 : i32
    %dma_start3A_113 = arith.constant 0 : i32
    %dma_start3A_114 = tpu.memref_slice %arg7[%dma_start3A_112, %dma_start3A_113] : memref<10000x128xf32, #tpu.memory_space<vmem_shared>> -> memref<10000x128xf32, #tpu.memory_space<vmem_shared>>
    tpu.enqueue_indirect_dma source(%arg10 : memref<80x128xf32, #tpu.memory_space<vmem>>) target(%dma_start3A_114 : memref<10000x128xf32, #tpu.memory_space<vmem_shared>>) offsets(%dma_start3A_111 : memref<80xi32, #tpu.memory_space<vmem>>) semaphore(%arg16 : memref<!tpu.dma_semaphore, #tpu.memory_space<semaphore_mem>>) {add = true}
    %dma_wait3A_115 = arith.constant 122 : i32
    %dma_wait3A_116 = arith.constant 0 : i32
    %dma_wait3A_117 = tpu.memref_slice %arg9[%dma_wait3A_115, %dma_wait3A_116] : memref<125x80xi32, #tpu.memory_space<vmem>> -> memref<1x80xi32, #tpu.memory_space<vmem>>
    %dma_wait3A_118 = tpu.memref_squeeze %dma_wait3A_117 : memref<1x80xi32, #tpu.memory_space<vmem>> -> memref<80xi32, #tpu.memory_space<vmem>>
    %dma_wait3A_119 = arith.constant 0 : i32
    %dma_wait3A_120 = arith.constant 0 : i32
    %dma_wait3A_121 = tpu.memref_slice %arg7[%dma_wait3A_119, %dma_wait3A_120] : memref<10000x128xf32, #tpu.memory_space<vmem_shared>> -> memref<10000x128xf32, #tpu.memory_space<vmem_shared>>
    tpu.wait_indirect_dma semaphore(%arg18 : memref<!tpu.dma_semaphore, #tpu.memory_space<semaphore_mem>>) src(%arg12 : memref<80x128xf32, #tpu.memory_space<vmem>>) dst(%dma_wait3A_121 : memref<10000x128xf32, #tpu.memory_space<vmem_shared>>)
    %dma_wait3A_122 = arith.constant 124 : i32
    %dma_wait3A_123 = arith.constant 0 : i32
    %dma_wait3A_124 = tpu.memref_slice %arg8[%dma_wait3A_122, %dma_wait3A_123] : memref<125x80xi32, #tpu.memory_space<vmem>> -> memref<1x80xi32, #tpu.memory_space<vmem>>
    %dma_wait3A_125 = tpu.memref_squeeze %dma_wait3A_124 : memref<1x80xi32, #tpu.memory_space<vmem>> -> memref<80xi32, #tpu.memory_space<vmem>>
    %dma_wait3A_126 = arith.constant 0 : i32
    %dma_wait3A_127 = arith.constant 0 : i32
    %dma_wait3A_128 = tpu.memref_slice %arg2[%dma_wait3A_126, %dma_wait3A_127] : memref<10000x128xf32, #tpu.memory_space<hbm>> -> memref<10000x128xf32, #tpu.memory_space<hbm>>
    tpu.wait_indirect_dma semaphore(%arg14 : memref<!tpu.dma_semaphore, #tpu.memory_space<semaphore_mem>>) src(%dma_wait3A_128 : memref<10000x128xf32, #tpu.memory_space<hbm>>) dst(%arg11 : memref<80x128xf32, #tpu.memory_space<vmem>>)
    %dma_start3A_129 = arith.constant 124 : i32
    %dma_start3A_130 = arith.constant 0 : i32
    %dma_start3A_131 = tpu.memref_slice %arg9[%dma_start3A_129, %dma_start3A_130] : memref<125x80xi32, #tpu.memory_space<vmem>> -> memref<1x80xi32, #tpu.memory_space<vmem>>
    %dma_start3A_132 = tpu.memref_squeeze %dma_start3A_131 : memref<1x80xi32, #tpu.memory_space<vmem>> -> memref<80xi32, #tpu.memory_space<vmem>>
    %dma_start3A_133 = arith.constant 0 : i32
    %dma_start3A_134 = arith.constant 0 : i32
    %dma_start3A_135 = tpu.memref_slice %arg7[%dma_start3A_133, %dma_start3A_134] : memref<10000x128xf32, #tpu.memory_space<vmem_shared>> -> memref<10000x128xf32, #tpu.memory_space<vmem_shared>>
    tpu.enqueue_indirect_dma source(%arg11 : memref<80x128xf32, #tpu.memory_space<vmem>>) target(%dma_start3A_135 : memref<10000x128xf32, #tpu.memory_space<vmem_shared>>) offsets(%dma_start3A_132 : memref<80xi32, #tpu.memory_space<vmem>>) semaphore(%arg17 : memref<!tpu.dma_semaphore, #tpu.memory_space<semaphore_mem>>) {add = true}
    %dma_wait3A_136 = arith.constant 123 : i32
    %dma_wait3A_137 = arith.constant 0 : i32
    %dma_wait3A_138 = tpu.memref_slice %arg9[%dma_wait3A_136, %dma_wait3A_137] : memref<125x80xi32, #tpu.memory_space<vmem>> -> memref<1x80xi32, #tpu.memory_space<vmem>>
    %dma_wait3A_139 = tpu.memref_squeeze %dma_wait3A_138 : memref<1x80xi32, #tpu.memory_space<vmem>> -> memref<80xi32, #tpu.memory_space<vmem>>
    %dma_wait3A_140 = arith.constant 0 : i32
    %dma_wait3A_141 = arith.constant 0 : i32
    %dma_wait3A_142 = tpu.memref_slice %arg7[%dma_wait3A_140, %dma_wait3A_141] : memref<10000x128xf32, #tpu.memory_space<vmem_shared>> -> memref<10000x128xf32, #tpu.memory_space<vmem_shared>>
    tpu.wait_indirect_dma semaphore(%arg16 : memref<!tpu.dma_semaphore, #tpu.memory_space<semaphore_mem>>) src(%arg10 : memref<80x128xf32, #tpu.memory_space<vmem>>) dst(%dma_wait3A_142 : memref<10000x128xf32, #tpu.memory_space<vmem_shared>>)
    %dma_wait3A_143 = arith.constant 124 : i32
    %dma_wait3A_144 = arith.constant 0 : i32
    %dma_wait3A_145 = tpu.memref_slice %arg9[%dma_wait3A_143, %dma_wait3A_144] : memref<125x80xi32, #tpu.memory_space<vmem>> -> memref<1x80xi32, #tpu.memory_space<vmem>>
    %dma_wait3A_146 = tpu.memref_squeeze %dma_wait3A_145 : memref<1x80xi32, #tpu.memory_space<vmem>> -> memref<80xi32, #tpu.memory_space<vmem>>
    %dma_wait3A_147 = arith.constant 0 : i32
    %dma_wait3A_148 = arith.constant 0 : i32
    %dma_wait3A_149 = tpu.memref_slice %arg7[%dma_wait3A_147, %dma_wait3A_148] : memref<10000x128xf32, #tpu.memory_space<vmem_shared>> -> memref<10000x128xf32, #tpu.memory_space<vmem_shared>>
    tpu.wait_indirect_dma semaphore(%arg17 : memref<!tpu.dma_semaphore, #tpu.memory_space<semaphore_mem>>) src(%arg11 : memref<80x128xf32, #tpu.memory_space<vmem>>) dst(%dma_wait3A_149 : memref<10000x128xf32, #tpu.memory_space<vmem_shared>>)
    %barrier3A_150 = arith.constant 0 : index
    tpu.barrier barrier_id(%barrier3A_150)
    %eq3A_151 = arith.constant 0 : i32
    %eq3A_152 = arith.cmpi eq, %arg0, %eq3A_151 : i32
    %convert_element_type3A_153 = arith.extui %eq3A_152 : i1 to i32
    %cond3A_154 = arith.constant 0 : i32
    %cond3A_155 = arith.cmpi ne, %convert_element_type3A_153, %cond3A_154 : i32
    scf.if %cond3A_155 {
      %mul3A_161 = arith.constant 624 : i32
      %mul3A_162 = arith.muli %arg1, %mul3A_161 : i32
      %mul3A_163 = arith.constant 624 : i32
      %mul3A_164 = arith.muli %arg1, %mul3A_163 : i32
      "tpu.region"() ({
        %run_scoped3A_170 = tpu.sem_alloc : memref<!tpu.dma_semaphore, #tpu.memory_space<semaphore_mem>>
        %dma_start3A_171 = arith.constant 0 : i32
        %dma_start3A_172 = tpu.memref_slice %arg5[%mul3A_164, %dma_start3A_171] : memref<10000x128xf32, #tpu.memory_space<hbm>> -> memref<624x128xf32, #tpu.memory_space<hbm>>
        %dma_start3A_173 = arith.constant 0 : i32
        %dma_start3A_174 = tpu.memref_slice %arg7[%mul3A_162, %dma_start3A_173] : memref<10000x128xf32, #tpu.memory_space<vmem_shared>> -> memref<624x128xf32, #tpu.memory_space<vmem_shared>>
        tpu.enqueue_dma source(%dma_start3A_174 : memref<624x128xf32, #tpu.memory_space<vmem_shared>>) target(%dma_start3A_172 : memref<624x128xf32, #tpu.memory_space<hbm>>) target_semaphore(%run_scoped3A_170 : memref<!tpu.dma_semaphore, #tpu.memory_space<semaphore_mem>>)
        %dma_wait3A_175 = arith.constant 0 : i32
        %dma_wait3A_176 = tpu.memref_slice %arg5[%mul3A_164, %dma_wait3A_175] : memref<10000x128xf32, #tpu.memory_space<hbm>> -> memref<624x128xf32, #tpu.memory_space<hbm>>
        %dma_wait3A_177 = arith.constant 0 : i32
        %dma_wait3A_178 = tpu.memref_slice %arg7[%mul3A_162, %dma_wait3A_177] : memref<10000x128xf32, #tpu.memory_space<vmem_shared>> -> memref<624x128xf32, #tpu.memory_space<vmem_shared>>
        tpu.wait_dma2 semaphore(%run_scoped3A_170 : memref<!tpu.dma_semaphore, #tpu.memory_space<semaphore_mem>>) src(%dma_wait3A_178 : memref<624x128xf32, #tpu.memory_space<vmem_shared>>) dst(%dma_wait3A_176 : memref<624x128xf32, #tpu.memory_space<hbm>>)
        tpu.yield
      }) : () -> ()
      %eq3A_165 = arith.constant 15 : i32
      %eq3A_166 = arith.cmpi eq, %arg1, %eq3A_165 : i32
      %convert_element_type3A_167 = arith.extui %eq3A_166 : i1 to i32
      %cond3A_168 = arith.constant 0 : i32
      %cond3A_169 = arith.cmpi ne, %convert_element_type3A_167, %cond3A_168 : i32
      scf.if %cond3A_169 {
        "tpu.region"() ({
          %run_scoped3A_170 = tpu.sem_alloc : memref<!tpu.dma_semaphore, #tpu.memory_space<semaphore_mem>>
          %dma_start3A_171 = arith.constant 9984 : i32
          %dma_start3A_172 = arith.constant 0 : i32
          %dma_start3A_173 = tpu.memref_slice %arg5[%dma_start3A_171, %dma_start3A_172] : memref<10000x128xf32, #tpu.memory_space<hbm>> -> memref<16x128xf32, #tpu.memory_space<hbm>>
          %dma_start3A_174 = arith.constant 9984 : i32
          %dma_start3A_175 = arith.constant 0 : i32
          %dma_start3A_176 = tpu.memref_slice %arg7[%dma_start3A_174, %dma_start3A_175] : memref<10000x128xf32, #tpu.memory_space<vmem_shared>> -> memref<16x128xf32, #tpu.memory_space<vmem_shared>>
          tpu.enqueue_dma source(%dma_start3A_176 : memref<16x128xf32, #tpu.memory_space<vmem_shared>>) target(%dma_start3A_173 : memref<16x128xf32, #tpu.memory_space<hbm>>) target_semaphore(%run_scoped3A_170 : memref<!tpu.dma_semaphore, #tpu.memory_space<semaphore_mem>>)
          %dma_wait3A_177 = arith.constant 9984 : i32
          %dma_wait3A_178 = arith.constant 0 : i32
          %dma_wait3A_179 = tpu.memref_slice %arg5[%dma_wait3A_177, %dma_wait3A_178] : memref<10000x128xf32, #tpu.memory_space<hbm>> -> memref<16x128xf32, #tpu.memory_space<hbm>>
          %dma_wait3A_180 = arith.constant 9984 : i32
          %dma_wait3A_181 = arith.constant 0 : i32
          %dma_wait3A_182 = tpu.memref_slice %arg7[%dma_wait3A_180, %dma_wait3A_181] : memref<10000x128xf32, #tpu.memory_space<vmem_shared>> -> memref<16x128xf32, #tpu.memory_space<vmem_shared>>
          tpu.wait_dma2 semaphore(%run_scoped3A_170 : memref<!tpu.dma_semaphore, #tpu.memory_space<semaphore_mem>>) src(%dma_wait3A_182 : memref<16x128xf32, #tpu.memory_space<vmem_shared>>) dst(%dma_wait3A_179 : memref<16x128xf32, #tpu.memory_space<hbm>>)
          tpu.yield
        }) : () -> ()
      } else {
      }
    } else {
    }
    %eq3A_156 = arith.constant 1 : i32
    %eq3A_157 = arith.cmpi eq, %arg0, %eq3A_156 : i32
    %convert_element_type3A_158 = arith.extui %eq3A_157 : i1 to i32
    %cond3A_159 = arith.constant 0 : i32
    %cond3A_160 = arith.cmpi ne, %convert_element_type3A_158, %cond3A_159 : i32
    scf.if %cond3A_160 {
      %mul3A_161 = arith.constant 624 : i32
      %mul3A_162 = arith.muli %arg1, %mul3A_161 : i32
      %mul3A_163 = arith.constant 624 : i32
      %mul3A_164 = arith.muli %arg1, %mul3A_163 : i32
      "tpu.region"() ({
        %run_scoped3A_170 = tpu.sem_alloc : memref<!tpu.dma_semaphore, #tpu.memory_space<semaphore_mem>>
        %dma_start3A_171 = arith.constant 0 : i32
        %dma_start3A_172 = tpu.memref_slice %arg6[%mul3A_164, %dma_start3A_171] : memref<10000x128xf32, #tpu.memory_space<hbm>> -> memref<624x128xf32, #tpu.memory_space<hbm>>
        %dma_start3A_173 = arith.constant 0 : i32
        %dma_start3A_174 = tpu.memref_slice %arg7[%mul3A_162, %dma_start3A_173] : memref<10000x128xf32, #tpu.memory_space<vmem_shared>> -> memref<624x128xf32, #tpu.memory_space<vmem_shared>>
        tpu.enqueue_dma source(%dma_start3A_174 : memref<624x128xf32, #tpu.memory_space<vmem_shared>>) target(%dma_start3A_172 : memref<624x128xf32, #tpu.memory_space<hbm>>) target_semaphore(%run_scoped3A_170 : memref<!tpu.dma_semaphore, #tpu.memory_space<semaphore_mem>>)
        %dma_wait3A_175 = arith.constant 0 : i32
        %dma_wait3A_176 = tpu.memref_slice %arg6[%mul3A_164, %dma_wait3A_175] : memref<10000x128xf32, #tpu.memory_space<hbm>> -> memref<624x128xf32, #tpu.memory_space<hbm>>
        %dma_wait3A_177 = arith.constant 0 : i32
        %dma_wait3A_178 = tpu.memref_slice %arg7[%mul3A_162, %dma_wait3A_177] : memref<10000x128xf32, #tpu.memory_space<vmem_shared>> -> memref<624x128xf32, #tpu.memory_space<vmem_shared>>
        tpu.wait_dma2 semaphore(%run_scoped3A_170 : memref<!tpu.dma_semaphore, #tpu.memory_space<semaphore_mem>>) src(%dma_wait3A_178 : memref<624x128xf32, #tpu.memory_space<vmem_shared>>) dst(%dma_wait3A_176 : memref<624x128xf32, #tpu.memory_space<hbm>>)
        tpu.yield
      }) : () -> ()
      %eq3A_165 = arith.constant 15 : i32
      %eq3A_166 = arith.cmpi eq, %arg1, %eq3A_165 : i32
      %convert_element_type3A_167 = arith.extui %eq3A_166 : i1 to i32
      %cond3A_168 = arith.constant 0 : i32
      %cond3A_169 = arith.cmpi ne, %convert_element_type3A_167, %cond3A_168 : i32
      scf.if %cond3A_169 {
        "tpu.region"() ({
          %run_scoped3A_170 = tpu.sem_alloc : memref<!tpu.dma_semaphore, #tpu.memory_space<semaphore_mem>>
          %dma_start3A_171 = arith.constant 9984 : i32
          %dma_start3A_172 = arith.constant 0 : i32
          %dma_start3A_173 = tpu.memref_slice %arg6[%dma_start3A_171, %dma_start3A_172] : memref<10000x128xf32, #tpu.memory_space<hbm>> -> memref<16x128xf32, #tpu.memory_space<hbm>>
          %dma_start3A_174 = arith.constant 9984 : i32
          %dma_start3A_175 = arith.constant 0 : i32
          %dma_start3A_176 = tpu.memref_slice %arg7[%dma_start3A_174, %dma_start3A_175] : memref<10000x128xf32, #tpu.memory_space<vmem_shared>> -> memref<16x128xf32, #tpu.memory_space<vmem_shared>>
          tpu.enqueue_dma source(%dma_start3A_176 : memref<16x128xf32, #tpu.memory_space<vmem_shared>>) target(%dma_start3A_173 : memref<16x128xf32, #tpu.memory_space<hbm>>) target_semaphore(%run_scoped3A_170 : memref<!tpu.dma_semaphore, #tpu.memory_space<semaphore_mem>>)
          %dma_wait3A_177 = arith.constant 9984 : i32
          %dma_wait3A_178 = arith.constant 0 : i32
          %dma_wait3A_179 = tpu.memref_slice %arg6[%dma_wait3A_177, %dma_wait3A_178] : memref<10000x128xf32, #tpu.memory_space<hbm>> -> memref<16x128xf32, #tpu.memory_space<hbm>>
          %dma_wait3A_180 = arith.constant 9984 : i32
          %dma_wait3A_181 = arith.constant 0 : i32
          %dma_wait3A_182 = tpu.memref_slice %arg7[%dma_wait3A_180, %dma_wait3A_181] : memref<10000x128xf32, #tpu.memory_space<vmem_shared>> -> memref<16x128xf32, #tpu.memory_space<vmem_shared>>
          tpu.wait_dma2 semaphore(%run_scoped3A_170 : memref<!tpu.dma_semaphore, #tpu.memory_space<semaphore_mem>>) src(%dma_wait3A_182 : memref<16x128xf32, #tpu.memory_space<vmem_shared>>) dst(%dma_wait3A_179 : memref<16x128xf32, #tpu.memory_space<hbm>>)
          tpu.yield
        }) : () -> ()
      } else {
      }
    } else {
    }
    return
  }
}

#map = affine_map<(d0, d1) -> (0, 0)>
#map1 = affine_map<(d0, d1) -> (0, 0, 0, 0)>
module attributes {stable_mosaic.version = 14 : i64} {
  func.func @_agg_body(%arg0: i32, %arg1: i32, %arg2: memref<10000x128xf32, #tpu.memory_space<hbm>>, %arg3: memref<2x32x125x80xi32, #tpu.memory_space<hbm>>, %arg4: memref<10000x128xf32, #tpu.memory_space<hbm>>, %arg5: memref<10000x128xf32, #tpu.memory_space<hbm>>, %arg6: memref<10000x128xf32, #tpu.memory_space<hbm>>, %arg7: memref<10000x128xf32, #tpu.memory_space<vmem_shared>>, %arg8: memref<125x80xi32, #tpu.memory_space<vmem>>, %arg9: memref<125x80xi32, #tpu.memory_space<vmem>>, %arg10: memref<80x128xf32, #tpu.memory_space<vmem>>, %arg11: memref<80x128xf32, #tpu.memory_space<vmem>>, %arg12: memref<80x128xf32, #tpu.memory_space<vmem>>, %arg13: memref<!tpu.dma_semaphore, #tpu.memory_space<semaphore_mem>>, %arg14: memref<!tpu.dma_semaphore, #tpu.memory_space<semaphore_mem>>, %arg15: memref<!tpu.dma_semaphore, #tpu.memory_space<semaphore_mem>>, %arg16: memref<!tpu.dma_semaphore, #tpu.memory_space<semaphore_mem>>, %arg17: memref<!tpu.dma_semaphore, #tpu.memory_space<semaphore_mem>>, %arg18: memref<!tpu.dma_semaphore, #tpu.memory_space<semaphore_mem>>) attributes {dimension_semantics = [#tpu.dimension_semantics<core_parallel>, #tpu.dimension_semantics<subcore_parallel>], iteration_bounds = array<i64: 2, 16>, scalar_prefetch = 0 : i64, scratch_operands = 12 : i64, tpu.core_type = #tpu.core_type<sc_vector_subcore>, window_params = [{transform_indices = #map}, {transform_indices = #map1}, {transform_indices = #map}, {transform_indices = #map}, {transform_indices = #map}]} {
    %mul3A = arith.constant 16 : i32
    %mul3A_0 = arith.muli %arg0, %mul3A : i32
    %add3A = arith.addi %mul3A_0, %arg1 : i32
    %mul3A_1 = arith.constant 624 : i32
    %mul3A_2 = arith.muli %arg1, %mul3A_1 : i32
    %mul3A_3 = arith.constant 624 : i32
    %mul3A_4 = arith.muli %arg1, %mul3A_3 : i32
    "tpu.region"() ({
      %run_scoped3A_161 = tpu.sem_alloc : memref<!tpu.dma_semaphore, #tpu.memory_space<semaphore_mem>>
      %dma_start3A_162 = arith.constant 0 : i32
      %dma_start3A_163 = tpu.memref_slice %arg7[%mul3A_4, %dma_start3A_162] : memref<10000x128xf32, #tpu.memory_space<vmem_shared>> -> memref<624x128xf32, #tpu.memory_space<vmem_shared>>
      %dma_start3A_164 = arith.constant 0 : i32
      %dma_start3A_165 = tpu.memref_slice %arg4[%mul3A_2, %dma_start3A_164] : memref<10000x128xf32, #tpu.memory_space<hbm>> -> memref<624x128xf32, #tpu.memory_space<hbm>>
      tpu.enqueue_dma source(%dma_start3A_165 : memref<624x128xf32, #tpu.memory_space<hbm>>) target(%dma_start3A_163 : memref<624x128xf32, #tpu.memory_space<vmem_shared>>) target_semaphore(%run_scoped3A_161 : memref<!tpu.dma_semaphore, #tpu.memory_space<semaphore_mem>>)
      %dma_wait3A_166 = arith.constant 0 : i32
      %dma_wait3A_167 = tpu.memref_slice %arg7[%mul3A_4, %dma_wait3A_166] : memref<10000x128xf32, #tpu.memory_space<vmem_shared>> -> memref<624x128xf32, #tpu.memory_space<vmem_shared>>
      %dma_wait3A_168 = arith.constant 0 : i32
      %dma_wait3A_169 = tpu.memref_slice %arg4[%mul3A_2, %dma_wait3A_168] : memref<10000x128xf32, #tpu.memory_space<hbm>> -> memref<624x128xf32, #tpu.memory_space<hbm>>
      tpu.wait_dma2 semaphore(%run_scoped3A_161 : memref<!tpu.dma_semaphore, #tpu.memory_space<semaphore_mem>>) src(%dma_wait3A_169 : memref<624x128xf32, #tpu.memory_space<hbm>>) dst(%dma_wait3A_167 : memref<624x128xf32, #tpu.memory_space<vmem_shared>>)
      tpu.yield
    }) : () -> ()
    %eq3A = arith.constant 15 : i32
    %eq3A_5 = arith.cmpi eq, %arg1, %eq3A : i32
    %convert_element_type3A = arith.extui %eq3A_5 : i1 to i32
    %cond3A = arith.constant 0 : i32
    %cond3A_6 = arith.cmpi ne, %convert_element_type3A, %cond3A : i32
    scf.if %cond3A_6 {
      "tpu.region"() ({
        %run_scoped3A_161 = tpu.sem_alloc : memref<!tpu.dma_semaphore, #tpu.memory_space<semaphore_mem>>
        %dma_start3A_162 = arith.constant 9984 : i32
        %dma_start3A_163 = arith.constant 0 : i32
        %dma_start3A_164 = tpu.memref_slice %arg7[%dma_start3A_162, %dma_start3A_163] : memref<10000x128xf32, #tpu.memory_space<vmem_shared>> -> memref<16x128xf32, #tpu.memory_space<vmem_shared>>
        %dma_start3A_165 = arith.constant 9984 : i32
        %dma_start3A_166 = arith.constant 0 : i32
        %dma_start3A_167 = tpu.memref_slice %arg4[%dma_start3A_165, %dma_start3A_166] : memref<10000x128xf32, #tpu.memory_space<hbm>> -> memref<16x128xf32, #tpu.memory_space<hbm>>
        tpu.enqueue_dma source(%dma_start3A_167 : memref<16x128xf32, #tpu.memory_space<hbm>>) target(%dma_start3A_164 : memref<16x128xf32, #tpu.memory_space<vmem_shared>>) target_semaphore(%run_scoped3A_161 : memref<!tpu.dma_semaphore, #tpu.memory_space<semaphore_mem>>)
        %dma_wait3A_168 = arith.constant 9984 : i32
        %dma_wait3A_169 = arith.constant 0 : i32
        %dma_wait3A_170 = tpu.memref_slice %arg7[%dma_wait3A_168, %dma_wait3A_169] : memref<10000x128xf32, #tpu.memory_space<vmem_shared>> -> memref<16x128xf32, #tpu.memory_space<vmem_shared>>
        %dma_wait3A_171 = arith.constant 9984 : i32
        %dma_wait3A_172 = arith.constant 0 : i32
        %dma_wait3A_173 = tpu.memref_slice %arg4[%dma_wait3A_171, %dma_wait3A_172] : memref<10000x128xf32, #tpu.memory_space<hbm>> -> memref<16x128xf32, #tpu.memory_space<hbm>>
        tpu.wait_dma2 semaphore(%run_scoped3A_161 : memref<!tpu.dma_semaphore, #tpu.memory_space<semaphore_mem>>) src(%dma_wait3A_173 : memref<16x128xf32, #tpu.memory_space<hbm>>) dst(%dma_wait3A_170 : memref<16x128xf32, #tpu.memory_space<vmem_shared>>)
        tpu.yield
      }) : () -> ()
    } else {
    }
    %run_scoped3A = arith.constant 0 : i32
    "tpu.region"() ({
      %run_scoped3A_161 = tpu.sem_alloc : memref<!tpu.dma_semaphore, #tpu.memory_space<semaphore_mem>>
      %dma_start3A_162 = arith.constant 0 : i32
      %dma_start3A_163 = arith.constant 0 : i32
      %dma_start3A_164 = tpu.memref_slice %arg3[%run_scoped3A, %add3A, %dma_start3A_162, %dma_start3A_163] : memref<2x32x125x80xi32, #tpu.memory_space<hbm>> -> memref<1x1x125x80xi32, #tpu.memory_space<hbm>>
      %dma_start3A_165 = tpu.memref_squeeze %dma_start3A_164 : memref<1x1x125x80xi32, #tpu.memory_space<hbm>> -> memref<125x80xi32, #tpu.memory_space<hbm>>
      %dma_start3A_166 = arith.constant 0 : i32
      %dma_start3A_167 = arith.constant 0 : i32
      %dma_start3A_168 = tpu.memref_slice %arg3[%run_scoped3A, %add3A, %dma_start3A_166, %dma_start3A_167] : memref<2x32x125x80xi32, #tpu.memory_space<hbm>> -> memref<1x1x125x80xi32, #tpu.memory_space<hbm>>
      %dma_start3A_169 = tpu.memref_squeeze %dma_start3A_168 : memref<1x1x125x80xi32, #tpu.memory_space<hbm>> -> memref<125x80xi32, #tpu.memory_space<hbm>>
      tpu.enqueue_dma source(%dma_start3A_169 : memref<125x80xi32, #tpu.memory_space<hbm>>) target(%arg8 : memref<125x80xi32, #tpu.memory_space<vmem>>) target_semaphore(%run_scoped3A_161 : memref<!tpu.dma_semaphore, #tpu.memory_space<semaphore_mem>>)
      %dma_wait3A_170 = arith.constant 0 : i32
      %dma_wait3A_171 = arith.constant 0 : i32
      %dma_wait3A_172 = tpu.memref_slice %arg3[%run_scoped3A, %add3A, %dma_wait3A_170, %dma_wait3A_171] : memref<2x32x125x80xi32, #tpu.memory_space<hbm>> -> memref<1x1x125x80xi32, #tpu.memory_space<hbm>>
      %dma_wait3A_173 = tpu.memref_squeeze %dma_wait3A_172 : memref<1x1x125x80xi32, #tpu.memory_space<hbm>> -> memref<125x80xi32, #tpu.memory_space<hbm>>
      %dma_wait3A_174 = arith.constant 0 : i32
      %dma_wait3A_175 = arith.constant 0 : i32
      %dma_wait3A_176 = tpu.memref_slice %arg3[%run_scoped3A, %add3A, %dma_wait3A_174, %dma_wait3A_175] : memref<2x32x125x80xi32, #tpu.memory_space<hbm>> -> memref<1x1x125x80xi32, #tpu.memory_space<hbm>>
      %dma_wait3A_177 = tpu.memref_squeeze %dma_wait3A_176 : memref<1x1x125x80xi32, #tpu.memory_space<hbm>> -> memref<125x80xi32, #tpu.memory_space<hbm>>
      tpu.wait_dma2 semaphore(%run_scoped3A_161 : memref<!tpu.dma_semaphore, #tpu.memory_space<semaphore_mem>>) src(%dma_wait3A_177 : memref<125x80xi32, #tpu.memory_space<hbm>>) dst(%arg8 : memref<125x80xi32, #tpu.memory_space<vmem>>)
      tpu.yield
    }) : () -> ()
    %run_scoped3A_7 = arith.constant 1 : i32
    "tpu.region"() ({
      %run_scoped3A_161 = tpu.sem_alloc : memref<!tpu.dma_semaphore, #tpu.memory_space<semaphore_mem>>
      %dma_start3A_162 = arith.constant 0 : i32
      %dma_start3A_163 = arith.constant 0 : i32
      %dma_start3A_164 = tpu.memref_slice %arg3[%run_scoped3A_7, %add3A, %dma_start3A_162, %dma_start3A_163] : memref<2x32x125x80xi32, #tpu.memory_space<hbm>> -> memref<1x1x125x80xi32, #tpu.memory_space<hbm>>
      %dma_start3A_165 = tpu.memref_squeeze %dma_start3A_164 : memref<1x1x125x80xi32, #tpu.memory_space<hbm>> -> memref<125x80xi32, #tpu.memory_space<hbm>>
      %dma_start3A_166 = arith.constant 0 : i32
      %dma_start3A_167 = arith.constant 0 : i32
      %dma_start3A_168 = tpu.memref_slice %arg3[%run_scoped3A_7, %add3A, %dma_start3A_166, %dma_start3A_167] : memref<2x32x125x80xi32, #tpu.memory_space<hbm>> -> memref<1x1x125x80xi32, #tpu.memory_space<hbm>>
      %dma_start3A_169 = tpu.memref_squeeze %dma_start3A_168 : memref<1x1x125x80xi32, #tpu.memory_space<hbm>> -> memref<125x80xi32, #tpu.memory_space<hbm>>
      tpu.enqueue_dma source(%dma_start3A_169 : memref<125x80xi32, #tpu.memory_space<hbm>>) target(%arg9 : memref<125x80xi32, #tpu.memory_space<vmem>>) target_semaphore(%run_scoped3A_161 : memref<!tpu.dma_semaphore, #tpu.memory_space<semaphore_mem>>)
      %dma_wait3A_170 = arith.constant 0 : i32
      %dma_wait3A_171 = arith.constant 0 : i32
      %dma_wait3A_172 = tpu.memref_slice %arg3[%run_scoped3A_7, %add3A, %dma_wait3A_170, %dma_wait3A_171] : memref<2x32x125x80xi32, #tpu.memory_space<hbm>> -> memref<1x1x125x80xi32, #tpu.memory_space<hbm>>
      %dma_wait3A_173 = tpu.memref_squeeze %dma_wait3A_172 : memref<1x1x125x80xi32, #tpu.memory_space<hbm>> -> memref<125x80xi32, #tpu.memory_space<hbm>>
      %dma_wait3A_174 = arith.constant 0 : i32
      %dma_wait3A_175 = arith.constant 0 : i32
      %dma_wait3A_176 = tpu.memref_slice %arg3[%run_scoped3A_7, %add3A, %dma_wait3A_174, %dma_wait3A_175] : memref<2x32x125x80xi32, #tpu.memory_space<hbm>> -> memref<1x1x125x80xi32, #tpu.memory_space<hbm>>
      %dma_wait3A_177 = tpu.memref_squeeze %dma_wait3A_176 : memref<1x1x125x80xi32, #tpu.memory_space<hbm>> -> memref<125x80xi32, #tpu.memory_space<hbm>>
      tpu.wait_dma2 semaphore(%run_scoped3A_161 : memref<!tpu.dma_semaphore, #tpu.memory_space<semaphore_mem>>) src(%dma_wait3A_177 : memref<125x80xi32, #tpu.memory_space<hbm>>) dst(%arg9 : memref<125x80xi32, #tpu.memory_space<vmem>>)
      tpu.yield
    }) : () -> ()
    %barrier3A = arith.constant 0 : index
    tpu.barrier barrier_id(%barrier3A)
    %dma_start3A = arith.constant 0 : i32
    %dma_start3A_8 = arith.constant 0 : i32
    %dma_start3A_9 = tpu.memref_slice %arg8[%dma_start3A, %dma_start3A_8] : memref<125x80xi32, #tpu.memory_space<vmem>> -> memref<1x80xi32, #tpu.memory_space<vmem>>
    %dma_start3A_10 = tpu.memref_squeeze %dma_start3A_9 : memref<1x80xi32, #tpu.memory_space<vmem>> -> memref<80xi32, #tpu.memory_space<vmem>>
    %dma_start3A_11 = arith.constant 0 : i32
    %dma_start3A_12 = arith.constant 0 : i32
    %dma_start3A_13 = tpu.memref_slice %arg2[%dma_start3A_11, %dma_start3A_12] : memref<10000x128xf32, #tpu.memory_space<hbm>> -> memref<10000x128xf32, #tpu.memory_space<hbm>>
    tpu.enqueue_indirect_dma source(%dma_start3A_13 : memref<10000x128xf32, #tpu.memory_space<hbm>>) target(%arg10 : memref<80x128xf32, #tpu.memory_space<vmem>>) offsets(%dma_start3A_10 : memref<80xi32, #tpu.memory_space<vmem>>) semaphore(%arg13 : memref<!tpu.dma_semaphore, #tpu.memory_space<semaphore_mem>>)
    %dma_start3A_14 = arith.constant 1 : i32
    %dma_start3A_15 = arith.constant 0 : i32
    %dma_start3A_16 = tpu.memref_slice %arg8[%dma_start3A_14, %dma_start3A_15] : memref<125x80xi32, #tpu.memory_space<vmem>> -> memref<1x80xi32, #tpu.memory_space<vmem>>
    %dma_start3A_17 = tpu.memref_squeeze %dma_start3A_16 : memref<1x80xi32, #tpu.memory_space<vmem>> -> memref<80xi32, #tpu.memory_space<vmem>>
    %dma_start3A_18 = arith.constant 0 : i32
    %dma_start3A_19 = arith.constant 0 : i32
    %dma_start3A_20 = tpu.memref_slice %arg2[%dma_start3A_18, %dma_start3A_19] : memref<10000x128xf32, #tpu.memory_space<hbm>> -> memref<10000x128xf32, #tpu.memory_space<hbm>>
    tpu.enqueue_indirect_dma source(%dma_start3A_20 : memref<10000x128xf32, #tpu.memory_space<hbm>>) target(%arg11 : memref<80x128xf32, #tpu.memory_space<vmem>>) offsets(%dma_start3A_17 : memref<80xi32, #tpu.memory_space<vmem>>) semaphore(%arg14 : memref<!tpu.dma_semaphore, #tpu.memory_space<semaphore_mem>>)
    %dma_wait3A = arith.constant 0 : i32
    %dma_wait3A_21 = arith.constant 0 : i32
    %dma_wait3A_22 = tpu.memref_slice %arg8[%dma_wait3A, %dma_wait3A_21] : memref<125x80xi32, #tpu.memory_space<vmem>> -> memref<1x80xi32, #tpu.memory_space<vmem>>
    %dma_wait3A_23 = tpu.memref_squeeze %dma_wait3A_22 : memref<1x80xi32, #tpu.memory_space<vmem>> -> memref<80xi32, #tpu.memory_space<vmem>>
    %dma_wait3A_24 = arith.constant 0 : i32
    %dma_wait3A_25 = arith.constant 0 : i32
    %dma_wait3A_26 = tpu.memref_slice %arg2[%dma_wait3A_24, %dma_wait3A_25] : memref<10000x128xf32, #tpu.memory_space<hbm>> -> memref<10000x128xf32, #tpu.memory_space<hbm>>
    tpu.wait_indirect_dma semaphore(%arg13 : memref<!tpu.dma_semaphore, #tpu.memory_space<semaphore_mem>>) src(%dma_wait3A_26 : memref<10000x128xf32, #tpu.memory_space<hbm>>) dst(%arg10 : memref<80x128xf32, #tpu.memory_space<vmem>>)
    %dma_start3A_27 = arith.constant 0 : i32
    %dma_start3A_28 = arith.constant 0 : i32
    %dma_start3A_29 = tpu.memref_slice %arg9[%dma_start3A_27, %dma_start3A_28] : memref<125x80xi32, #tpu.memory_space<vmem>> -> memref<1x80xi32, #tpu.memory_space<vmem>>
    %dma_start3A_30 = tpu.memref_squeeze %dma_start3A_29 : memref<1x80xi32, #tpu.memory_space<vmem>> -> memref<80xi32, #tpu.memory_space<vmem>>
    %dma_start3A_31 = arith.constant 0 : i32
    %dma_start3A_32 = arith.constant 0 : i32
    %dma_start3A_33 = tpu.memref_slice %arg7[%dma_start3A_31, %dma_start3A_32] : memref<10000x128xf32, #tpu.memory_space<vmem_shared>> -> memref<10000x128xf32, #tpu.memory_space<vmem_shared>>
    tpu.enqueue_indirect_dma source(%arg10 : memref<80x128xf32, #tpu.memory_space<vmem>>) target(%dma_start3A_33 : memref<10000x128xf32, #tpu.memory_space<vmem_shared>>) offsets(%dma_start3A_30 : memref<80xi32, #tpu.memory_space<vmem>>) semaphore(%arg16 : memref<!tpu.dma_semaphore, #tpu.memory_space<semaphore_mem>>) {add = true}
    %dma_start3A_34 = arith.constant 2 : i32
    %dma_start3A_35 = arith.constant 0 : i32
    %dma_start3A_36 = tpu.memref_slice %arg8[%dma_start3A_34, %dma_start3A_35] : memref<125x80xi32, #tpu.memory_space<vmem>> -> memref<1x80xi32, #tpu.memory_space<vmem>>
    %dma_start3A_37 = tpu.memref_squeeze %dma_start3A_36 : memref<1x80xi32, #tpu.memory_space<vmem>> -> memref<80xi32, #tpu.memory_space<vmem>>
    %dma_start3A_38 = arith.constant 0 : i32
    %dma_start3A_39 = arith.constant 0 : i32
    %dma_start3A_40 = tpu.memref_slice %arg2[%dma_start3A_38, %dma_start3A_39] : memref<10000x128xf32, #tpu.memory_space<hbm>> -> memref<10000x128xf32, #tpu.memory_space<hbm>>
    tpu.enqueue_indirect_dma source(%dma_start3A_40 : memref<10000x128xf32, #tpu.memory_space<hbm>>) target(%arg12 : memref<80x128xf32, #tpu.memory_space<vmem>>) offsets(%dma_start3A_37 : memref<80xi32, #tpu.memory_space<vmem>>) semaphore(%arg15 : memref<!tpu.dma_semaphore, #tpu.memory_space<semaphore_mem>>)
    %dma_wait3A_41 = arith.constant 1 : i32
    %dma_wait3A_42 = arith.constant 0 : i32
    %dma_wait3A_43 = tpu.memref_slice %arg8[%dma_wait3A_41, %dma_wait3A_42] : memref<125x80xi32, #tpu.memory_space<vmem>> -> memref<1x80xi32, #tpu.memory_space<vmem>>
    %dma_wait3A_44 = tpu.memref_squeeze %dma_wait3A_43 : memref<1x80xi32, #tpu.memory_space<vmem>> -> memref<80xi32, #tpu.memory_space<vmem>>
    %dma_wait3A_45 = arith.constant 0 : i32
    %dma_wait3A_46 = arith.constant 0 : i32
    %dma_wait3A_47 = tpu.memref_slice %arg2[%dma_wait3A_45, %dma_wait3A_46] : memref<10000x128xf32, #tpu.memory_space<hbm>> -> memref<10000x128xf32, #tpu.memory_space<hbm>>
    tpu.wait_indirect_dma semaphore(%arg14 : memref<!tpu.dma_semaphore, #tpu.memory_space<semaphore_mem>>) src(%dma_wait3A_47 : memref<10000x128xf32, #tpu.memory_space<hbm>>) dst(%arg11 : memref<80x128xf32, #tpu.memory_space<vmem>>)
    %dma_start3A_48 = arith.constant 1 : i32
    %dma_start3A_49 = arith.constant 0 : i32
    %dma_start3A_50 = tpu.memref_slice %arg9[%dma_start3A_48, %dma_start3A_49] : memref<125x80xi32, #tpu.memory_space<vmem>> -> memref<1x80xi32, #tpu.memory_space<vmem>>
    %dma_start3A_51 = tpu.memref_squeeze %dma_start3A_50 : memref<1x80xi32, #tpu.memory_space<vmem>> -> memref<80xi32, #tpu.memory_space<vmem>>
    %dma_start3A_52 = arith.constant 0 : i32
    %dma_start3A_53 = arith.constant 0 : i32
    %dma_start3A_54 = tpu.memref_slice %arg7[%dma_start3A_52, %dma_start3A_53] : memref<10000x128xf32, #tpu.memory_space<vmem_shared>> -> memref<10000x128xf32, #tpu.memory_space<vmem_shared>>
    tpu.enqueue_indirect_dma source(%arg11 : memref<80x128xf32, #tpu.memory_space<vmem>>) target(%dma_start3A_54 : memref<10000x128xf32, #tpu.memory_space<vmem_shared>>) offsets(%dma_start3A_51 : memref<80xi32, #tpu.memory_space<vmem>>) semaphore(%arg17 : memref<!tpu.dma_semaphore, #tpu.memory_space<semaphore_mem>>) {add = true}
    %dma_wait3A_55 = arith.constant 0 : i32
    %dma_wait3A_56 = arith.constant 0 : i32
    %dma_wait3A_57 = tpu.memref_slice %arg9[%dma_wait3A_55, %dma_wait3A_56] : memref<125x80xi32, #tpu.memory_space<vmem>> -> memref<1x80xi32, #tpu.memory_space<vmem>>
    %dma_wait3A_58 = tpu.memref_squeeze %dma_wait3A_57 : memref<1x80xi32, #tpu.memory_space<vmem>> -> memref<80xi32, #tpu.memory_space<vmem>>
    %dma_wait3A_59 = arith.constant 0 : i32
    %dma_wait3A_60 = arith.constant 0 : i32
    %dma_wait3A_61 = tpu.memref_slice %arg7[%dma_wait3A_59, %dma_wait3A_60] : memref<10000x128xf32, #tpu.memory_space<vmem_shared>> -> memref<10000x128xf32, #tpu.memory_space<vmem_shared>>
    tpu.wait_indirect_dma semaphore(%arg16 : memref<!tpu.dma_semaphore, #tpu.memory_space<semaphore_mem>>) src(%arg10 : memref<80x128xf32, #tpu.memory_space<vmem>>) dst(%dma_wait3A_61 : memref<10000x128xf32, #tpu.memory_space<vmem_shared>>)
    %dma_start3A_62 = arith.constant 3 : i32
    %dma_start3A_63 = arith.constant 0 : i32
    %dma_start3A_64 = tpu.memref_slice %arg8[%dma_start3A_62, %dma_start3A_63] : memref<125x80xi32, #tpu.memory_space<vmem>> -> memref<1x80xi32, #tpu.memory_space<vmem>>
    %dma_start3A_65 = tpu.memref_squeeze %dma_start3A_64 : memref<1x80xi32, #tpu.memory_space<vmem>> -> memref<80xi32, #tpu.memory_space<vmem>>
    %dma_start3A_66 = arith.constant 0 : i32
    %dma_start3A_67 = arith.constant 0 : i32
    %dma_start3A_68 = tpu.memref_slice %arg2[%dma_start3A_66, %dma_start3A_67] : memref<10000x128xf32, #tpu.memory_space<hbm>> -> memref<10000x128xf32, #tpu.memory_space<hbm>>
    tpu.enqueue_indirect_dma source(%dma_start3A_68 : memref<10000x128xf32, #tpu.memory_space<hbm>>) target(%arg10 : memref<80x128xf32, #tpu.memory_space<vmem>>) offsets(%dma_start3A_65 : memref<80xi32, #tpu.memory_space<vmem>>) semaphore(%arg13 : memref<!tpu.dma_semaphore, #tpu.memory_space<semaphore_mem>>)
    %dma_wait3A_69 = arith.constant 2 : i32
    %dma_wait3A_70 = arith.constant 0 : i32
    %dma_wait3A_71 = tpu.memref_slice %arg8[%dma_wait3A_69, %dma_wait3A_70] : memref<125x80xi32, #tpu.memory_space<vmem>> -> memref<1x80xi32, #tpu.memory_space<vmem>>
    %dma_wait3A_72 = tpu.memref_squeeze %dma_wait3A_71 : memref<1x80xi32, #tpu.memory_space<vmem>> -> memref<80xi32, #tpu.memory_space<vmem>>
    %dma_wait3A_73 = arith.constant 0 : i32
    %dma_wait3A_74 = arith.constant 0 : i32
    %dma_wait3A_75 = tpu.memref_slice %arg2[%dma_wait3A_73, %dma_wait3A_74] : memref<10000x128xf32, #tpu.memory_space<hbm>> -> memref<10000x128xf32, #tpu.memory_space<hbm>>
    tpu.wait_indirect_dma semaphore(%arg15 : memref<!tpu.dma_semaphore, #tpu.memory_space<semaphore_mem>>) src(%dma_wait3A_75 : memref<10000x128xf32, #tpu.memory_space<hbm>>) dst(%arg12 : memref<80x128xf32, #tpu.memory_space<vmem>>)
    %dma_start3A_76 = arith.constant 2 : i32
    %dma_start3A_77 = arith.constant 0 : i32
    %dma_start3A_78 = tpu.memref_slice %arg9[%dma_start3A_76, %dma_start3A_77] : memref<125x80xi32, #tpu.memory_space<vmem>> -> memref<1x80xi32, #tpu.memory_space<vmem>>
    %dma_start3A_79 = tpu.memref_squeeze %dma_start3A_78 : memref<1x80xi32, #tpu.memory_space<vmem>> -> memref<80xi32, #tpu.memory_space<vmem>>
    %dma_start3A_80 = arith.constant 0 : i32
    %dma_start3A_81 = arith.constant 0 : i32
    %dma_start3A_82 = tpu.memref_slice %arg7[%dma_start3A_80, %dma_start3A_81] : memref<10000x128xf32, #tpu.memory_space<vmem_shared>> -> memref<10000x128xf32, #tpu.memory_space<vmem_shared>>
    tpu.enqueue_indirect_dma source(%arg12 : memref<80x128xf32, #tpu.memory_space<vmem>>) target(%dma_start3A_82 : memref<10000x128xf32, #tpu.memory_space<vmem_shared>>) offsets(%dma_start3A_79 : memref<80xi32, #tpu.memory_space<vmem>>) semaphore(%arg18 : memref<!tpu.dma_semaphore, #tpu.memory_space<semaphore_mem>>) {add = true}
    %dma_wait3A_83 = arith.constant 1 : i32
    %dma_wait3A_84 = arith.constant 0 : i32
    %dma_wait3A_85 = tpu.memref_slice %arg9[%dma_wait3A_83, %dma_wait3A_84] : memref<125x80xi32, #tpu.memory_space<vmem>> -> memref<1x80xi32, #tpu.memory_space<vmem>>
    %dma_wait3A_86 = tpu.memref_squeeze %dma_wait3A_85 : memref<1x80xi32, #tpu.memory_space<vmem>> -> memref<80xi32, #tpu.memory_space<vmem>>
    %dma_wait3A_87 = arith.constant 0 : i32
    %dma_wait3A_88 = arith.constant 0 : i32
    %dma_wait3A_89 = tpu.memref_slice %arg7[%dma_wait3A_87, %dma_wait3A_88] : memref<10000x128xf32, #tpu.memory_space<vmem_shared>> -> memref<10000x128xf32, #tpu.memory_space<vmem_shared>>
    tpu.wait_indirect_dma semaphore(%arg17 : memref<!tpu.dma_semaphore, #tpu.memory_space<semaphore_mem>>) src(%arg11 : memref<80x128xf32, #tpu.memory_space<vmem>>) dst(%dma_wait3A_89 : memref<10000x128xf32, #tpu.memory_space<vmem_shared>>)
    %dma_start3A_90 = arith.constant 4 : i32
    %dma_start3A_91 = arith.constant 0 : i32
    %dma_start3A_92 = tpu.memref_slice %arg8[%dma_start3A_90, %dma_start3A_91] : memref<125x80xi32, #tpu.memory_space<vmem>> -> memref<1x80xi32, #tpu.memory_space<vmem>>
    %dma_start3A_93 = tpu.memref_squeeze %dma_start3A_92 : memref<1x80xi32, #tpu.memory_space<vmem>> -> memref<80xi32, #tpu.memory_space<vmem>>
    %dma_start3A_94 = arith.constant 0 : i32
    %dma_start3A_95 = arith.constant 0 : i32
    %dma_start3A_96 = tpu.memref_slice %arg2[%dma_start3A_94, %dma_start3A_95] : memref<10000x128xf32, #tpu.memory_space<hbm>> -> memref<10000x128xf32, #tpu.memory_space<hbm>>
    tpu.enqueue_indirect_dma source(%dma_start3A_96 : memref<10000x128xf32, #tpu.memory_space<hbm>>) target(%arg11 : memref<80x128xf32, #tpu.memory_space<vmem>>) offsets(%dma_start3A_93 : memref<80xi32, #tpu.memory_space<vmem>>) semaphore(%arg14 : memref<!tpu.dma_semaphore, #tpu.memory_space<semaphore_mem>>)
    %scan3A = arith.constant 0 : i32
    %scan3A_97 = arith.constant 40 : i32
    %scan3A_98 = arith.addi %scan3A, %scan3A_97 : i32
    %scan3A_99 = arith.constant 1 : i32
    scf.for %scan3A_161 = %scan3A to %scan3A_98 step %scan3A_99  : i32 {
      %mul3A_162 = arith.constant 1 : i32
      %mul3A_163 = arith.muli %scan3A_161, %mul3A_162 : i32
      %add3A_164 = arith.constant 0 : i32
      %add3A_165 = arith.addi %add3A_164, %mul3A_163 : i32
      %mul3A_166 = arith.constant 3 : i32
      %mul3A_167 = arith.muli %mul3A_166, %add3A_165 : i32
      %add3A_168 = arith.constant 3 : i32
      %add3A_169 = arith.addi %mul3A_167, %add3A_168 : i32
      %add3A_170 = arith.constant 0 : i32
      %add3A_171 = arith.addi %add3A_169, %add3A_170 : i32
      %dma_wait3A_172 = arith.constant 0 : i32
      %dma_wait3A_173 = tpu.memref_slice %arg8[%add3A_171, %dma_wait3A_172] : memref<125x80xi32, #tpu.memory_space<vmem>> -> memref<1x80xi32, #tpu.memory_space<vmem>>
      %dma_wait3A_174 = tpu.memref_squeeze %dma_wait3A_173 : memref<1x80xi32, #tpu.memory_space<vmem>> -> memref<80xi32, #tpu.memory_space<vmem>>
      %dma_wait3A_175 = arith.constant 0 : i32
      %dma_wait3A_176 = arith.constant 0 : i32
      %dma_wait3A_177 = tpu.memref_slice %arg2[%dma_wait3A_175, %dma_wait3A_176] : memref<10000x128xf32, #tpu.memory_space<hbm>> -> memref<10000x128xf32, #tpu.memory_space<hbm>>
      tpu.wait_indirect_dma semaphore(%arg13 : memref<!tpu.dma_semaphore, #tpu.memory_space<semaphore_mem>>) src(%dma_wait3A_177 : memref<10000x128xf32, #tpu.memory_space<hbm>>) dst(%arg10 : memref<80x128xf32, #tpu.memory_space<vmem>>)
      %dma_start3A_178 = arith.constant 0 : i32
      %dma_start3A_179 = tpu.memref_slice %arg9[%add3A_171, %dma_start3A_178] : memref<125x80xi32, #tpu.memory_space<vmem>> -> memref<1x80xi32, #tpu.memory_space<vmem>>
      %dma_start3A_180 = tpu.memref_squeeze %dma_start3A_179 : memref<1x80xi32, #tpu.memory_space<vmem>> -> memref<80xi32, #tpu.memory_space<vmem>>
      %dma_start3A_181 = arith.constant 0 : i32
      %dma_start3A_182 = arith.constant 0 : i32
      %dma_start3A_183 = tpu.memref_slice %arg7[%dma_start3A_181, %dma_start3A_182] : memref<10000x128xf32, #tpu.memory_space<vmem_shared>> -> memref<10000x128xf32, #tpu.memory_space<vmem_shared>>
      tpu.enqueue_indirect_dma source(%arg10 : memref<80x128xf32, #tpu.memory_space<vmem>>) target(%dma_start3A_183 : memref<10000x128xf32, #tpu.memory_space<vmem_shared>>) offsets(%dma_start3A_180 : memref<80xi32, #tpu.memory_space<vmem>>) semaphore(%arg16 : memref<!tpu.dma_semaphore, #tpu.memory_space<semaphore_mem>>) {add = true}
      %sub3A = arith.constant 1 : i32
      %sub3A_184 = arith.subi %add3A_171, %sub3A : i32
      %dma_wait3A_185 = arith.constant 0 : i32
      %dma_wait3A_186 = tpu.memref_slice %arg9[%sub3A_184, %dma_wait3A_185] : memref<125x80xi32, #tpu.memory_space<vmem>> -> memref<1x80xi32, #tpu.memory_space<vmem>>
      %dma_wait3A_187 = tpu.memref_squeeze %dma_wait3A_186 : memref<1x80xi32, #tpu.memory_space<vmem>> -> memref<80xi32, #tpu.memory_space<vmem>>
      %dma_wait3A_188 = arith.constant 0 : i32
      %dma_wait3A_189 = arith.constant 0 : i32
      %dma_wait3A_190 = tpu.memref_slice %arg7[%dma_wait3A_188, %dma_wait3A_189] : memref<10000x128xf32, #tpu.memory_space<vmem_shared>> -> memref<10000x128xf32, #tpu.memory_space<vmem_shared>>
      tpu.wait_indirect_dma semaphore(%arg18 : memref<!tpu.dma_semaphore, #tpu.memory_space<semaphore_mem>>) src(%arg12 : memref<80x128xf32, #tpu.memory_space<vmem>>) dst(%dma_wait3A_190 : memref<10000x128xf32, #tpu.memory_space<vmem_shared>>)
      %add3A_191 = arith.constant 2 : i32
      %add3A_192 = arith.addi %add3A_171, %add3A_191 : i32
      %dma_start3A_193 = arith.constant 0 : i32
      %dma_start3A_194 = tpu.memref_slice %arg8[%add3A_192, %dma_start3A_193] : memref<125x80xi32, #tpu.memory_space<vmem>> -> memref<1x80xi32, #tpu.memory_space<vmem>>
      %dma_start3A_195 = tpu.memref_squeeze %dma_start3A_194 : memref<1x80xi32, #tpu.memory_space<vmem>> -> memref<80xi32, #tpu.memory_space<vmem>>
      %dma_start3A_196 = arith.constant 0 : i32
      %dma_start3A_197 = arith.constant 0 : i32
      %dma_start3A_198 = tpu.memref_slice %arg2[%dma_start3A_196, %dma_start3A_197] : memref<10000x128xf32, #tpu.memory_space<hbm>> -> memref<10000x128xf32, #tpu.memory_space<hbm>>
      tpu.enqueue_indirect_dma source(%dma_start3A_198 : memref<10000x128xf32, #tpu.memory_space<hbm>>) target(%arg12 : memref<80x128xf32, #tpu.memory_space<vmem>>) offsets(%dma_start3A_195 : memref<80xi32, #tpu.memory_space<vmem>>) semaphore(%arg15 : memref<!tpu.dma_semaphore, #tpu.memory_space<semaphore_mem>>)
      %mul3A_199 = arith.constant 3 : i32
      %mul3A_200 = arith.muli %mul3A_199, %add3A_165 : i32
      %add3A_201 = arith.constant 3 : i32
      %add3A_202 = arith.addi %mul3A_200, %add3A_201 : i32
      %add3A_203 = arith.constant 1 : i32
      %add3A_204 = arith.addi %add3A_202, %add3A_203 : i32
      %dma_wait3A_205 = arith.constant 0 : i32
      %dma_wait3A_206 = tpu.memref_slice %arg8[%add3A_204, %dma_wait3A_205] : memref<125x80xi32, #tpu.memory_space<vmem>> -> memref<1x80xi32, #tpu.memory_space<vmem>>
      %dma_wait3A_207 = tpu.memref_squeeze %dma_wait3A_206 : memref<1x80xi32, #tpu.memory_space<vmem>> -> memref<80xi32, #tpu.memory_space<vmem>>
      %dma_wait3A_208 = arith.constant 0 : i32
      %dma_wait3A_209 = arith.constant 0 : i32
      %dma_wait3A_210 = tpu.memref_slice %arg2[%dma_wait3A_208, %dma_wait3A_209] : memref<10000x128xf32, #tpu.memory_space<hbm>> -> memref<10000x128xf32, #tpu.memory_space<hbm>>
      tpu.wait_indirect_dma semaphore(%arg14 : memref<!tpu.dma_semaphore, #tpu.memory_space<semaphore_mem>>) src(%dma_wait3A_210 : memref<10000x128xf32, #tpu.memory_space<hbm>>) dst(%arg11 : memref<80x128xf32, #tpu.memory_space<vmem>>)
      %dma_start3A_211 = arith.constant 0 : i32
      %dma_start3A_212 = tpu.memref_slice %arg9[%add3A_204, %dma_start3A_211] : memref<125x80xi32, #tpu.memory_space<vmem>> -> memref<1x80xi32, #tpu.memory_space<vmem>>
      %dma_start3A_213 = tpu.memref_squeeze %dma_start3A_212 : memref<1x80xi32, #tpu.memory_space<vmem>> -> memref<80xi32, #tpu.memory_space<vmem>>
      %dma_start3A_214 = arith.constant 0 : i32
      %dma_start3A_215 = arith.constant 0 : i32
      %dma_start3A_216 = tpu.memref_slice %arg7[%dma_start3A_214, %dma_start3A_215] : memref<10000x128xf32, #tpu.memory_space<vmem_shared>> -> memref<10000x128xf32, #tpu.memory_space<vmem_shared>>
      tpu.enqueue_indirect_dma source(%arg11 : memref<80x128xf32, #tpu.memory_space<vmem>>) target(%dma_start3A_216 : memref<10000x128xf32, #tpu.memory_space<vmem_shared>>) offsets(%dma_start3A_213 : memref<80xi32, #tpu.memory_space<vmem>>) semaphore(%arg17 : memref<!tpu.dma_semaphore, #tpu.memory_space<semaphore_mem>>) {add = true}
      %sub3A_217 = arith.constant 1 : i32
      %sub3A_218 = arith.subi %add3A_204, %sub3A_217 : i32
      %dma_wait3A_219 = arith.constant 0 : i32
      %dma_wait3A_220 = tpu.memref_slice %arg9[%sub3A_218, %dma_wait3A_219] : memref<125x80xi32, #tpu.memory_space<vmem>> -> memref<1x80xi32, #tpu.memory_space<vmem>>
      %dma_wait3A_221 = tpu.memref_squeeze %dma_wait3A_220 : memref<1x80xi32, #tpu.memory_space<vmem>> -> memref<80xi32, #tpu.memory_space<vmem>>
      %dma_wait3A_222 = arith.constant 0 : i32
      %dma_wait3A_223 = arith.constant 0 : i32
      %dma_wait3A_224 = tpu.memref_slice %arg7[%dma_wait3A_222, %dma_wait3A_223] : memref<10000x128xf32, #tpu.memory_space<vmem_shared>> -> memref<10000x128xf32, #tpu.memory_space<vmem_shared>>
      tpu.wait_indirect_dma semaphore(%arg16 : memref<!tpu.dma_semaphore, #tpu.memory_space<semaphore_mem>>) src(%arg10 : memref<80x128xf32, #tpu.memory_space<vmem>>) dst(%dma_wait3A_224 : memref<10000x128xf32, #tpu.memory_space<vmem_shared>>)
      %add3A_225 = arith.constant 2 : i32
      %add3A_226 = arith.addi %add3A_204, %add3A_225 : i32
      %dma_start3A_227 = arith.constant 0 : i32
      %dma_start3A_228 = tpu.memref_slice %arg8[%add3A_226, %dma_start3A_227] : memref<125x80xi32, #tpu.memory_space<vmem>> -> memref<1x80xi32, #tpu.memory_space<vmem>>
      %dma_start3A_229 = tpu.memref_squeeze %dma_start3A_228 : memref<1x80xi32, #tpu.memory_space<vmem>> -> memref<80xi32, #tpu.memory_space<vmem>>
      %dma_start3A_230 = arith.constant 0 : i32
      %dma_start3A_231 = arith.constant 0 : i32
      %dma_start3A_232 = tpu.memref_slice %arg2[%dma_start3A_230, %dma_start3A_231] : memref<10000x128xf32, #tpu.memory_space<hbm>> -> memref<10000x128xf32, #tpu.memory_space<hbm>>
      tpu.enqueue_indirect_dma source(%dma_start3A_232 : memref<10000x128xf32, #tpu.memory_space<hbm>>) target(%arg10 : memref<80x128xf32, #tpu.memory_space<vmem>>) offsets(%dma_start3A_229 : memref<80xi32, #tpu.memory_space<vmem>>) semaphore(%arg13 : memref<!tpu.dma_semaphore, #tpu.memory_space<semaphore_mem>>)
      %mul3A_233 = arith.constant 3 : i32
      %mul3A_234 = arith.muli %mul3A_233, %add3A_165 : i32
      %add3A_235 = arith.constant 3 : i32
      %add3A_236 = arith.addi %mul3A_234, %add3A_235 : i32
      %add3A_237 = arith.constant 2 : i32
      %add3A_238 = arith.addi %add3A_236, %add3A_237 : i32
      %dma_wait3A_239 = arith.constant 0 : i32
      %dma_wait3A_240 = tpu.memref_slice %arg8[%add3A_238, %dma_wait3A_239] : memref<125x80xi32, #tpu.memory_space<vmem>> -> memref<1x80xi32, #tpu.memory_space<vmem>>
      %dma_wait3A_241 = tpu.memref_squeeze %dma_wait3A_240 : memref<1x80xi32, #tpu.memory_space<vmem>> -> memref<80xi32, #tpu.memory_space<vmem>>
      %dma_wait3A_242 = arith.constant 0 : i32
      %dma_wait3A_243 = arith.constant 0 : i32
      %dma_wait3A_244 = tpu.memref_slice %arg2[%dma_wait3A_242, %dma_wait3A_243] : memref<10000x128xf32, #tpu.memory_space<hbm>> -> memref<10000x128xf32, #tpu.memory_space<hbm>>
      tpu.wait_indirect_dma semaphore(%arg15 : memref<!tpu.dma_semaphore, #tpu.memory_space<semaphore_mem>>) src(%dma_wait3A_244 : memref<10000x128xf32, #tpu.memory_space<hbm>>) dst(%arg12 : memref<80x128xf32, #tpu.memory_space<vmem>>)
      %dma_start3A_245 = arith.constant 0 : i32
      %dma_start3A_246 = tpu.memref_slice %arg9[%add3A_238, %dma_start3A_245] : memref<125x80xi32, #tpu.memory_space<vmem>> -> memref<1x80xi32, #tpu.memory_space<vmem>>
      %dma_start3A_247 = tpu.memref_squeeze %dma_start3A_246 : memref<1x80xi32, #tpu.memory_space<vmem>> -> memref<80xi32, #tpu.memory_space<vmem>>
      %dma_start3A_248 = arith.constant 0 : i32
      %dma_start3A_249 = arith.constant 0 : i32
      %dma_start3A_250 = tpu.memref_slice %arg7[%dma_start3A_248, %dma_start3A_249] : memref<10000x128xf32, #tpu.memory_space<vmem_shared>> -> memref<10000x128xf32, #tpu.memory_space<vmem_shared>>
      tpu.enqueue_indirect_dma source(%arg12 : memref<80x128xf32, #tpu.memory_space<vmem>>) target(%dma_start3A_250 : memref<10000x128xf32, #tpu.memory_space<vmem_shared>>) offsets(%dma_start3A_247 : memref<80xi32, #tpu.memory_space<vmem>>) semaphore(%arg18 : memref<!tpu.dma_semaphore, #tpu.memory_space<semaphore_mem>>) {add = true}
      %sub3A_251 = arith.constant 1 : i32
      %sub3A_252 = arith.subi %add3A_238, %sub3A_251 : i32
      %dma_wait3A_253 = arith.constant 0 : i32
      %dma_wait3A_254 = tpu.memref_slice %arg9[%sub3A_252, %dma_wait3A_253] : memref<125x80xi32, #tpu.memory_space<vmem>> -> memref<1x80xi32, #tpu.memory_space<vmem>>
      %dma_wait3A_255 = tpu.memref_squeeze %dma_wait3A_254 : memref<1x80xi32, #tpu.memory_space<vmem>> -> memref<80xi32, #tpu.memory_space<vmem>>
      %dma_wait3A_256 = arith.constant 0 : i32
      %dma_wait3A_257 = arith.constant 0 : i32
      %dma_wait3A_258 = tpu.memref_slice %arg7[%dma_wait3A_256, %dma_wait3A_257] : memref<10000x128xf32, #tpu.memory_space<vmem_shared>> -> memref<10000x128xf32, #tpu.memory_space<vmem_shared>>
      tpu.wait_indirect_dma semaphore(%arg17 : memref<!tpu.dma_semaphore, #tpu.memory_space<semaphore_mem>>) src(%arg11 : memref<80x128xf32, #tpu.memory_space<vmem>>) dst(%dma_wait3A_258 : memref<10000x128xf32, #tpu.memory_space<vmem_shared>>)
      %add3A_259 = arith.constant 2 : i32
      %add3A_260 = arith.addi %add3A_238, %add3A_259 : i32
      %dma_start3A_261 = arith.constant 0 : i32
      %dma_start3A_262 = tpu.memref_slice %arg8[%add3A_260, %dma_start3A_261] : memref<125x80xi32, #tpu.memory_space<vmem>> -> memref<1x80xi32, #tpu.memory_space<vmem>>
      %dma_start3A_263 = tpu.memref_squeeze %dma_start3A_262 : memref<1x80xi32, #tpu.memory_space<vmem>> -> memref<80xi32, #tpu.memory_space<vmem>>
      %dma_start3A_264 = arith.constant 0 : i32
      %dma_start3A_265 = arith.constant 0 : i32
      %dma_start3A_266 = tpu.memref_slice %arg2[%dma_start3A_264, %dma_start3A_265] : memref<10000x128xf32, #tpu.memory_space<hbm>> -> memref<10000x128xf32, #tpu.memory_space<hbm>>
      tpu.enqueue_indirect_dma source(%dma_start3A_266 : memref<10000x128xf32, #tpu.memory_space<hbm>>) target(%arg11 : memref<80x128xf32, #tpu.memory_space<vmem>>) offsets(%dma_start3A_263 : memref<80xi32, #tpu.memory_space<vmem>>) semaphore(%arg14 : memref<!tpu.dma_semaphore, #tpu.memory_space<semaphore_mem>>)
    }
    %scan3A_100 = arith.constant 40 : i32
    %dma_wait3A_101 = arith.constant 123 : i32
    %dma_wait3A_102 = arith.constant 0 : i32
    %dma_wait3A_103 = tpu.memref_slice %arg8[%dma_wait3A_101, %dma_wait3A_102] : memref<125x80xi32, #tpu.memory_space<vmem>> -> memref<1x80xi32, #tpu.memory_space<vmem>>
    %dma_wait3A_104 = tpu.memref_squeeze %dma_wait3A_103 : memref<1x80xi32, #tpu.memory_space<vmem>> -> memref<80xi32, #tpu.memory_space<vmem>>
    %dma_wait3A_105 = arith.constant 0 : i32
    %dma_wait3A_106 = arith.constant 0 : i32
    %dma_wait3A_107 = tpu.memref_slice %arg2[%dma_wait3A_105, %dma_wait3A_106] : memref<10000x128xf32, #tpu.memory_space<hbm>> -> memref<10000x128xf32, #tpu.memory_space<hbm>>
    tpu.wait_indirect_dma semaphore(%arg13 : memref<!tpu.dma_semaphore, #tpu.memory_space<semaphore_mem>>) src(%dma_wait3A_107 : memref<10000x128xf32, #tpu.memory_space<hbm>>) dst(%arg10 : memref<80x128xf32, #tpu.memory_space<vmem>>)
    %dma_start3A_108 = arith.constant 123 : i32
    %dma_start3A_109 = arith.constant 0 : i32
    %dma_start3A_110 = tpu.memref_slice %arg9[%dma_start3A_108, %dma_start3A_109] : memref<125x80xi32, #tpu.memory_space<vmem>> -> memref<1x80xi32, #tpu.memory_space<vmem>>
    %dma_start3A_111 = tpu.memref_squeeze %dma_start3A_110 : memref<1x80xi32, #tpu.memory_space<vmem>> -> memref<80xi32, #tpu.memory_space<vmem>>
    %dma_start3A_112 = arith.constant 0 : i32
    %dma_start3A_113 = arith.constant 0 : i32
    %dma_start3A_114 = tpu.memref_slice %arg7[%dma_start3A_112, %dma_start3A_113] : memref<10000x128xf32, #tpu.memory_space<vmem_shared>> -> memref<10000x128xf32, #tpu.memory_space<vmem_shared>>
    tpu.enqueue_indirect_dma source(%arg10 : memref<80x128xf32, #tpu.memory_space<vmem>>) target(%dma_start3A_114 : memref<10000x128xf32, #tpu.memory_space<vmem_shared>>) offsets(%dma_start3A_111 : memref<80xi32, #tpu.memory_space<vmem>>) semaphore(%arg16 : memref<!tpu.dma_semaphore, #tpu.memory_space<semaphore_mem>>) {add = true}
    %dma_wait3A_115 = arith.constant 122 : i32
    %dma_wait3A_116 = arith.constant 0 : i32
    %dma_wait3A_117 = tpu.memref_slice %arg9[%dma_wait3A_115, %dma_wait3A_116] : memref<125x80xi32, #tpu.memory_space<vmem>> -> memref<1x80xi32, #tpu.memory_space<vmem>>
    %dma_wait3A_118 = tpu.memref_squeeze %dma_wait3A_117 : memref<1x80xi32, #tpu.memory_space<vmem>> -> memref<80xi32, #tpu.memory_space<vmem>>
    %dma_wait3A_119 = arith.constant 0 : i32
    %dma_wait3A_120 = arith.constant 0 : i32
    %dma_wait3A_121 = tpu.memref_slice %arg7[%dma_wait3A_119, %dma_wait3A_120] : memref<10000x128xf32, #tpu.memory_space<vmem_shared>> -> memref<10000x128xf32, #tpu.memory_space<vmem_shared>>
    tpu.wait_indirect_dma semaphore(%arg18 : memref<!tpu.dma_semaphore, #tpu.memory_space<semaphore_mem>>) src(%arg12 : memref<80x128xf32, #tpu.memory_space<vmem>>) dst(%dma_wait3A_121 : memref<10000x128xf32, #tpu.memory_space<vmem_shared>>)
    %dma_wait3A_122 = arith.constant 124 : i32
    %dma_wait3A_123 = arith.constant 0 : i32
    %dma_wait3A_124 = tpu.memref_slice %arg8[%dma_wait3A_122, %dma_wait3A_123] : memref<125x80xi32, #tpu.memory_space<vmem>> -> memref<1x80xi32, #tpu.memory_space<vmem>>
    %dma_wait3A_125 = tpu.memref_squeeze %dma_wait3A_124 : memref<1x80xi32, #tpu.memory_space<vmem>> -> memref<80xi32, #tpu.memory_space<vmem>>
    %dma_wait3A_126 = arith.constant 0 : i32
    %dma_wait3A_127 = arith.constant 0 : i32
    %dma_wait3A_128 = tpu.memref_slice %arg2[%dma_wait3A_126, %dma_wait3A_127] : memref<10000x128xf32, #tpu.memory_space<hbm>> -> memref<10000x128xf32, #tpu.memory_space<hbm>>
    tpu.wait_indirect_dma semaphore(%arg14 : memref<!tpu.dma_semaphore, #tpu.memory_space<semaphore_mem>>) src(%dma_wait3A_128 : memref<10000x128xf32, #tpu.memory_space<hbm>>) dst(%arg11 : memref<80x128xf32, #tpu.memory_space<vmem>>)
    %dma_start3A_129 = arith.constant 124 : i32
    %dma_start3A_130 = arith.constant 0 : i32
    %dma_start3A_131 = tpu.memref_slice %arg9[%dma_start3A_129, %dma_start3A_130] : memref<125x80xi32, #tpu.memory_space<vmem>> -> memref<1x80xi32, #tpu.memory_space<vmem>>
    %dma_start3A_132 = tpu.memref_squeeze %dma_start3A_131 : memref<1x80xi32, #tpu.memory_space<vmem>> -> memref<80xi32, #tpu.memory_space<vmem>>
    %dma_start3A_133 = arith.constant 0 : i32
    %dma_start3A_134 = arith.constant 0 : i32
    %dma_start3A_135 = tpu.memref_slice %arg7[%dma_start3A_133, %dma_start3A_134] : memref<10000x128xf32, #tpu.memory_space<vmem_shared>> -> memref<10000x128xf32, #tpu.memory_space<vmem_shared>>
    tpu.enqueue_indirect_dma source(%arg11 : memref<80x128xf32, #tpu.memory_space<vmem>>) target(%dma_start3A_135 : memref<10000x128xf32, #tpu.memory_space<vmem_shared>>) offsets(%dma_start3A_132 : memref<80xi32, #tpu.memory_space<vmem>>) semaphore(%arg17 : memref<!tpu.dma_semaphore, #tpu.memory_space<semaphore_mem>>) {add = true}
    %dma_wait3A_136 = arith.constant 123 : i32
    %dma_wait3A_137 = arith.constant 0 : i32
    %dma_wait3A_138 = tpu.memref_slice %arg9[%dma_wait3A_136, %dma_wait3A_137] : memref<125x80xi32, #tpu.memory_space<vmem>> -> memref<1x80xi32, #tpu.memory_space<vmem>>
    %dma_wait3A_139 = tpu.memref_squeeze %dma_wait3A_138 : memref<1x80xi32, #tpu.memory_space<vmem>> -> memref<80xi32, #tpu.memory_space<vmem>>
    %dma_wait3A_140 = arith.constant 0 : i32
    %dma_wait3A_141 = arith.constant 0 : i32
    %dma_wait3A_142 = tpu.memref_slice %arg7[%dma_wait3A_140, %dma_wait3A_141] : memref<10000x128xf32, #tpu.memory_space<vmem_shared>> -> memref<10000x128xf32, #tpu.memory_space<vmem_shared>>
    tpu.wait_indirect_dma semaphore(%arg16 : memref<!tpu.dma_semaphore, #tpu.memory_space<semaphore_mem>>) src(%arg10 : memref<80x128xf32, #tpu.memory_space<vmem>>) dst(%dma_wait3A_142 : memref<10000x128xf32, #tpu.memory_space<vmem_shared>>)
    %dma_wait3A_143 = arith.constant 124 : i32
    %dma_wait3A_144 = arith.constant 0 : i32
    %dma_wait3A_145 = tpu.memref_slice %arg9[%dma_wait3A_143, %dma_wait3A_144] : memref<125x80xi32, #tpu.memory_space<vmem>> -> memref<1x80xi32, #tpu.memory_space<vmem>>
    %dma_wait3A_146 = tpu.memref_squeeze %dma_wait3A_145 : memref<1x80xi32, #tpu.memory_space<vmem>> -> memref<80xi32, #tpu.memory_space<vmem>>
    %dma_wait3A_147 = arith.constant 0 : i32
    %dma_wait3A_148 = arith.constant 0 : i32
    %dma_wait3A_149 = tpu.memref_slice %arg7[%dma_wait3A_147, %dma_wait3A_148] : memref<10000x128xf32, #tpu.memory_space<vmem_shared>> -> memref<10000x128xf32, #tpu.memory_space<vmem_shared>>
    tpu.wait_indirect_dma semaphore(%arg17 : memref<!tpu.dma_semaphore, #tpu.memory_space<semaphore_mem>>) src(%arg11 : memref<80x128xf32, #tpu.memory_space<vmem>>) dst(%dma_wait3A_149 : memref<10000x128xf32, #tpu.memory_space<vmem_shared>>)
    %barrier3A_150 = arith.constant 0 : index
    tpu.barrier barrier_id(%barrier3A_150)
    %eq3A_151 = arith.constant 0 : i32
    %eq3A_152 = arith.cmpi eq, %arg0, %eq3A_151 : i32
    %convert_element_type3A_153 = arith.extui %eq3A_152 : i1 to i32
    %cond3A_154 = arith.constant 0 : i32
    %cond3A_155 = arith.cmpi ne, %convert_element_type3A_153, %cond3A_154 : i32
    scf.if %cond3A_155 {
      %mul3A_161 = arith.constant 624 : i32
      %mul3A_162 = arith.muli %arg1, %mul3A_161 : i32
      %mul3A_163 = arith.constant 624 : i32
      %mul3A_164 = arith.muli %arg1, %mul3A_163 : i32
      "tpu.region"() ({
        %run_scoped3A_170 = tpu.sem_alloc : memref<!tpu.dma_semaphore, #tpu.memory_space<semaphore_mem>>
        %dma_start3A_171 = arith.constant 0 : i32
        %dma_start3A_172 = tpu.memref_slice %arg5[%mul3A_164, %dma_start3A_171] : memref<10000x128xf32, #tpu.memory_space<hbm>> -> memref<624x128xf32, #tpu.memory_space<hbm>>
        %dma_start3A_173 = arith.constant 0 : i32
        %dma_start3A_174 = tpu.memref_slice %arg7[%mul3A_162, %dma_start3A_173] : memref<10000x128xf32, #tpu.memory_space<vmem_shared>> -> memref<624x128xf32, #tpu.memory_space<vmem_shared>>
        tpu.enqueue_dma source(%dma_start3A_174 : memref<624x128xf32, #tpu.memory_space<vmem_shared>>) target(%dma_start3A_172 : memref<624x128xf32, #tpu.memory_space<hbm>>) target_semaphore(%run_scoped3A_170 : memref<!tpu.dma_semaphore, #tpu.memory_space<semaphore_mem>>)
        %dma_wait3A_175 = arith.constant 0 : i32
        %dma_wait3A_176 = tpu.memref_slice %arg5[%mul3A_164, %dma_wait3A_175] : memref<10000x128xf32, #tpu.memory_space<hbm>> -> memref<624x128xf32, #tpu.memory_space<hbm>>
        %dma_wait3A_177 = arith.constant 0 : i32
        %dma_wait3A_178 = tpu.memref_slice %arg7[%mul3A_162, %dma_wait3A_177] : memref<10000x128xf32, #tpu.memory_space<vmem_shared>> -> memref<624x128xf32, #tpu.memory_space<vmem_shared>>
        tpu.wait_dma2 semaphore(%run_scoped3A_170 : memref<!tpu.dma_semaphore, #tpu.memory_space<semaphore_mem>>) src(%dma_wait3A_178 : memref<624x128xf32, #tpu.memory_space<vmem_shared>>) dst(%dma_wait3A_176 : memref<624x128xf32, #tpu.memory_space<hbm>>)
        tpu.yield
      }) : () -> ()
      %eq3A_165 = arith.constant 15 : i32
      %eq3A_166 = arith.cmpi eq, %arg1, %eq3A_165 : i32
      %convert_element_type3A_167 = arith.extui %eq3A_166 : i1 to i32
      %cond3A_168 = arith.constant 0 : i32
      %cond3A_169 = arith.cmpi ne, %convert_element_type3A_167, %cond3A_168 : i32
      scf.if %cond3A_169 {
        "tpu.region"() ({
          %run_scoped3A_170 = tpu.sem_alloc : memref<!tpu.dma_semaphore, #tpu.memory_space<semaphore_mem>>
          %dma_start3A_171 = arith.constant 9984 : i32
          %dma_start3A_172 = arith.constant 0 : i32
          %dma_start3A_173 = tpu.memref_slice %arg5[%dma_start3A_171, %dma_start3A_172] : memref<10000x128xf32, #tpu.memory_space<hbm>> -> memref<16x128xf32, #tpu.memory_space<hbm>>
          %dma_start3A_174 = arith.constant 9984 : i32
          %dma_start3A_175 = arith.constant 0 : i32
          %dma_start3A_176 = tpu.memref_slice %arg7[%dma_start3A_174, %dma_start3A_175] : memref<10000x128xf32, #tpu.memory_space<vmem_shared>> -> memref<16x128xf32, #tpu.memory_space<vmem_shared>>
          tpu.enqueue_dma source(%dma_start3A_176 : memref<16x128xf32, #tpu.memory_space<vmem_shared>>) target(%dma_start3A_173 : memref<16x128xf32, #tpu.memory_space<hbm>>) target_semaphore(%run_scoped3A_170 : memref<!tpu.dma_semaphore, #tpu.memory_space<semaphore_mem>>)
          %dma_wait3A_177 = arith.constant 9984 : i32
          %dma_wait3A_178 = arith.constant 0 : i32
          %dma_wait3A_179 = tpu.memref_slice %arg5[%dma_wait3A_177, %dma_wait3A_178] : memref<10000x128xf32, #tpu.memory_space<hbm>> -> memref<16x128xf32, #tpu.memory_space<hbm>>
          %dma_wait3A_180 = arith.constant 9984 : i32
          %dma_wait3A_181 = arith.constant 0 : i32
          %dma_wait3A_182 = tpu.memref_slice %arg7[%dma_wait3A_180, %dma_wait3A_181] : memref<10000x128xf32, #tpu.memory_space<vmem_shared>> -> memref<16x128xf32, #tpu.memory_space<vmem_shared>>
          tpu.wait_dma2 semaphore(%run_scoped3A_170 : memref<!tpu.dma_semaphore, #tpu.memory_space<semaphore_mem>>) src(%dma_wait3A_182 : memref<16x128xf32, #tpu.memory_space<vmem_shared>>) dst(%dma_wait3A_179 : memref<16x128xf32, #tpu.memory_space<hbm>>)
          tpu.yield
        }) : () -> ()
      } else {
      }
    } else {
    }
    %eq3A_156 = arith.constant 1 : i32
    %eq3A_157 = arith.cmpi eq, %arg0, %eq3A_156 : i32
    %convert_element_type3A_158 = arith.extui %eq3A_157 : i1 to i32
    %cond3A_159 = arith.constant 0 : i32
    %cond3A_160 = arith.cmpi ne, %convert_element_type3A_158, %cond3A_159 : i32
    scf.if %cond3A_160 {
      %mul3A_161 = arith.constant 624 : i32
      %mul3A_162 = arith.muli %arg1, %mul3A_161 : i32
      %mul3A_163 = arith.constant 624 : i32
      %mul3A_164 = arith.muli %arg1, %mul3A_163 : i32
      "tpu.region"() ({
        %run_scoped3A_170 = tpu.sem_alloc : memref<!tpu.dma_semaphore, #tpu.memory_space<semaphore_mem>>
        %dma_start3A_171 = arith.constant 0 : i32
        %dma_start3A_172 = tpu.memref_slice %arg6[%mul3A_164, %dma_start3A_171] : memref<10000x128xf32, #tpu.memory_space<hbm>> -> memref<624x128xf32, #tpu.memory_space<hbm>>
        %dma_start3A_173 = arith.constant 0 : i32
        %dma_start3A_174 = tpu.memref_slice %arg7[%mul3A_162, %dma_start3A_173] : memref<10000x128xf32, #tpu.memory_space<vmem_shared>> -> memref<624x128xf32, #tpu.memory_space<vmem_shared>>
        tpu.enqueue_dma source(%dma_start3A_174 : memref<624x128xf32, #tpu.memory_space<vmem_shared>>) target(%dma_start3A_172 : memref<624x128xf32, #tpu.memory_space<hbm>>) target_semaphore(%run_scoped3A_170 : memref<!tpu.dma_semaphore, #tpu.memory_space<semaphore_mem>>)
        %dma_wait3A_175 = arith.constant 0 : i32
        %dma_wait3A_176 = tpu.memref_slice %arg6[%mul3A_164, %dma_wait3A_175] : memref<10000x128xf32, #tpu.memory_space<hbm>> -> memref<624x128xf32, #tpu.memory_space<hbm>>
        %dma_wait3A_177 = arith.constant 0 : i32
        %dma_wait3A_178 = tpu.memref_slice %arg7[%mul3A_162, %dma_wait3A_177] : memref<10000x128xf32, #tpu.memory_space<vmem_shared>> -> memref<624x128xf32, #tpu.memory_space<vmem_shared>>
        tpu.wait_dma2 semaphore(%run_scoped3A_170 : memref<!tpu.dma_semaphore, #tpu.memory_space<semaphore_mem>>) src(%dma_wait3A_178 : memref<624x128xf32, #tpu.memory_space<vmem_shared>>) dst(%dma_wait3A_176 : memref<624x128xf32, #tpu.memory_space<hbm>>)
        tpu.yield
      }) : () -> ()
      %eq3A_165 = arith.constant 15 : i32
      %eq3A_166 = arith.cmpi eq, %arg1, %eq3A_165 : i32
      %convert_element_type3A_167 = arith.extui %eq3A_166 : i1 to i32
      %cond3A_168 = arith.constant 0 : i32
      %cond3A_169 = arith.cmpi ne, %convert_element_type3A_167, %cond3A_168 : i32
      scf.if %cond3A_169 {
        "tpu.region"() ({
          %run_scoped3A_170 = tpu.sem_alloc : memref<!tpu.dma_semaphore, #tpu.memory_space<semaphore_mem>>
          %dma_start3A_171 = arith.constant 9984 : i32
          %dma_start3A_172 = arith.constant 0 : i32
          %dma_start3A_173 = tpu.memref_slice %arg6[%dma_start3A_171, %dma_start3A_172] : memref<10000x128xf32, #tpu.memory_space<hbm>> -> memref<16x128xf32, #tpu.memory_space<hbm>>
          %dma_start3A_174 = arith.constant 9984 : i32
          %dma_start3A_175 = arith.constant 0 : i32
          %dma_start3A_176 = tpu.memref_slice %arg7[%dma_start3A_174, %dma_start3A_175] : memref<10000x128xf32, #tpu.memory_space<vmem_shared>> -> memref<16x128xf32, #tpu.memory_space<vmem_shared>>
          tpu.enqueue_dma source(%dma_start3A_176 : memref<16x128xf32, #tpu.memory_space<vmem_shared>>) target(%dma_start3A_173 : memref<16x128xf32, #tpu.memory_space<hbm>>) target_semaphore(%run_scoped3A_170 : memref<!tpu.dma_semaphore, #tpu.memory_space<semaphore_mem>>)
          %dma_wait3A_177 = arith.constant 9984 : i32
          %dma_wait3A_178 = arith.constant 0 : i32
          %dma_wait3A_179 = tpu.memref_slice %arg6[%dma_wait3A_177, %dma_wait3A_178] : memref<10000x128xf32, #tpu.memory_space<hbm>> -> memref<16x128xf32, #tpu.memory_space<hbm>>
          %dma_wait3A_180 = arith.constant 9984 : i32
          %dma_wait3A_181 = arith.constant 0 : i32
          %dma_wait3A_182 = tpu.memref_slice %arg7[%dma_wait3A_180, %dma_wait3A_181] : memref<10000x128xf32, #tpu.memory_space<vmem_shared>> -> memref<16x128xf32, #tpu.memory_space<vmem_shared>>
          tpu.wait_dma2 semaphore(%run_scoped3A_170 : memref<!tpu.dma_semaphore, #tpu.memory_space<semaphore_mem>>) src(%dma_wait3A_182 : memref<16x128xf32, #tpu.memory_space<vmem_shared>>) dst(%dma_wait3A_179 : memref<16x128xf32, #tpu.memory_space<hbm>>)
          tpu.yield
        }) : () -> ()
      } else {
      }
    } else {
    }
    return
  }
}

module attributes {stable_mosaic.version = 14 : i64} {
  func.func @_emb_body(%arg0: i32, %arg1: memref<1x1x2000xi32, #tpu.memory_space<vmem>>, %arg2: memref<128x128xf32, #tpu.memory_space<vmem>>, %arg3: memref<2000x128xf32, #tpu.memory_space<vmem>>) attributes {dimension_semantics = [#tpu.dimension_semantics<arbitrary>], iteration_bounds = array<i64: 5>, scalar_prefetch = 0 : i64, scratch_operands = 0 : i64, tpu.core_type = #tpu.core_type<tc>, window_params = [{transform_indices = @transform_0, window_bounds = array<i64: 1, 1, 2000>}, {pipeline_mode = #tpu.pipeline_mode<synchronous>, transform_indices = @transform_1, window_bounds = array<i64: 128, 128>}, {transform_indices = @transform_2, window_bounds = array<i64: 2000, 128>}]} {
    %get3A = arith.constant 0 : index
    %get3A_0 = arith.constant 0 : index
    %get3A_1 = arith.constant 0 : index
    %get3A_2 = vector.load %arg1[%get3A, %get3A_0, %get3A_1] : memref<1x1x2000xi32, #tpu.memory_space<vmem>>, vector<1x1x2000xi32>
    %get3A_3 = vector.shape_cast %get3A_2 : vector<1x1x2000xi32> to vector<2000xi32>
    %iota3A = tpu.iota {dimensions = array<i32: 1>} : vector<2000x128xi32>
    %broadcast_in_dim3A = vector.shape_cast %get3A_3 : vector<2000xi32> to vector<2000x1xi32>
    %eq3A = vector.broadcast %broadcast_in_dim3A : vector<2000x1xi32> to vector<2000x128xi32>
    %eq3A_4 = arith.cmpi eq, %eq3A, %iota3A : vector<2000x128xi32>
    %convert_element_type3A = arith.extui %eq3A_4 : vector<2000x128xi1> to vector<2000x128xi32>
    %convert_element_type3A_5 = arith.sitofp %convert_element_type3A : vector<2000x128xi32> to vector<2000x128xf32>
    %get3A_6 = arith.constant 0 : index
    %get3A_7 = arith.constant 0 : index
    %get3A_8 = vector.load %arg2[%get3A_6, %get3A_7] : memref<128x128xf32, #tpu.memory_space<vmem>>, vector<128x128xf32>
    %dot_general3A = arith.constant dense<0.000000e+00> : vector<2000x128xf32>
    %dot_general3A_9 = tpu.matmul %convert_element_type3A_5, %get3A_8, %dot_general3A {dimension_numbers = #tpu.dot_dimension_numbers<[1], [0], [0], [1], [0, 0, 1, 1], [], []>, transpose_lhs_hint = false} : vector<2000x128xf32>, vector<128x128xf32>, vector<2000x128xf32> -> vector<2000x128xf32>
    %swap3A = arith.constant 0 : index
    %swap3A_10 = arith.constant 0 : index
    %swap3A_11 = vector.load %arg3[%swap3A, %swap3A_10] : memref<2000x128xf32, #tpu.memory_space<vmem>>, vector<2000x128xf32>
    tpu.vector_store %arg3[%swap3A, %swap3A_10], %dot_general3A_9 {strides = array<i32>} : memref<2000x128xf32, #tpu.memory_space<vmem>>, vector<2000x128xf32>,
    return
  }
  func.func @transform_0(%arg0: i32) -> (i32, i32, i32) {
    %c0_i32 = arith.constant 0 : i32
    %c0_i32_0 = arith.constant 0 : i32
    %c0_i32_1 = arith.constant 0 : i32
    return %arg0, %c0_i32, %c0_i32_0 : i32, i32, i32
  }
  func.func @transform_1(%arg0: i32) -> (i32, i32) {
    %c0_i32 = arith.constant 0 : i32
    %c0_i32_0 = arith.constant 0 : i32
    %c0_i32_1 = arith.constant 0 : i32
    return %c0_i32, %c0_i32_0 : i32, i32
  }
  func.func @transform_2(%arg0: i32) -> (i32, i32) {
    %c0_i32 = arith.constant 0 : i32
    %c0_i32_0 = arith.constant 0 : i32
    return %arg0, %c0_i32 : i32, i32
  }
}

module attributes {stable_mosaic.version = 14 : i64} {
  func.func @_mlp_body(%arg0: i32, %arg1: memref<1x1xf32, #tpu.memory_space<vmem>>, %arg2: memref<2000x128xf32, #tpu.memory_space<vmem>>, %arg3: memref<2000x128xf32, #tpu.memory_space<vmem>>, %arg4: memref<2000x128xf32, #tpu.memory_space<vmem>>, %arg5: memref<2000x1xf32, #tpu.memory_space<vmem>>, %arg6: memref<128x128xf32, #tpu.memory_space<vmem>>, %arg7: memref<1x128xf32, #tpu.memory_space<vmem>>, %arg8: memref<1x128xf32, #tpu.memory_space<vmem>>, %arg9: memref<1x128xf32, #tpu.memory_space<vmem>>, %arg10: memref<128x128xf32, #tpu.memory_space<vmem>>, %arg11: memref<1x128xf32, #tpu.memory_space<vmem>>, %arg12: memref<1x128xf32, #tpu.memory_space<vmem>>, %arg13: memref<1x128xf32, #tpu.memory_space<vmem>>, %arg14: memref<1x128xf32, #tpu.memory_space<vmem>>, %arg15: memref<1x128xf32, #tpu.memory_space<vmem>>, %arg16: memref<2000x128xf32, #tpu.memory_space<vmem>>) attributes {dimension_semantics = [#tpu.dimension_semantics<arbitrary>], iteration_bounds = array<i64: 5>, scalar_prefetch = 0 : i64, scratch_operands = 0 : i64, tpu.core_type = #tpu.core_type<tc>, window_params = [{pipeline_mode = #tpu.pipeline_mode<synchronous>, transform_indices = @transform_0, window_bounds = array<i64: 1, 1>}, {transform_indices = @transform_1, window_bounds = array<i64: 2000, 128>}, {transform_indices = @transform_2, window_bounds = array<i64: 2000, 128>}, {transform_indices = @transform_3, window_bounds = array<i64: 2000, 128>}, {transform_indices = @transform_4, window_bounds = array<i64: 2000, 1>}, {pipeline_mode = #tpu.pipeline_mode<synchronous>, transform_indices = @transform_5, window_bounds = array<i64: 128, 128>}, {pipeline_mode = #tpu.pipeline_mode<synchronous>, transform_indices = @transform_6, window_bounds = array<i64: 1, 128>}, {pipeline_mode = #tpu.pipeline_mode<synchronous>, transform_indices = @transform_7, window_bounds = array<i64: 1, 128>}, {pipeline_mode = #tpu.pipeline_mode<synchronous>, transform_indices = @transform_8, window_bounds = array<i64: 1, 128>}, {pipeline_mode = #tpu.pipeline_mode<synchronous>, transform_indices = @transform_9, window_bounds = array<i64: 128, 128>}, {pipeline_mode = #tpu.pipeline_mode<synchronous>, transform_indices = @transform_10, window_bounds = array<i64: 1, 128>}, {pipeline_mode = #tpu.pipeline_mode<synchronous>, transform_indices = @transform_11, window_bounds = array<i64: 1, 128>}, {pipeline_mode = #tpu.pipeline_mode<synchronous>, transform_indices = @transform_12, window_bounds = array<i64: 1, 128>}, {pipeline_mode = #tpu.pipeline_mode<synchronous>, transform_indices = @transform_13, window_bounds = array<i64: 1, 128>}, {pipeline_mode = #tpu.pipeline_mode<synchronous>, transform_indices = @transform_14, window_bounds = array<i64: 1, 128>}, {transform_indices = @transform_15, window_bounds = array<i64: 2000, 128>}]} {
    %get3A = arith.constant 0 : index
    %get3A_0 = arith.constant 0 : index
    %get3A_1 = vector.load %arg8[%get3A, %get3A_0] : memref<1x128xf32, #tpu.memory_space<vmem>>, vector<1x128xf32>
    %mul3A = arith.constant 0.999994993 : f32
    %mul3A_2 = vector.broadcast %mul3A : f32 to vector<1x128xf32>
    %mul3A_3 = arith.mulf %get3A_1, %mul3A_2 : vector<1x128xf32>
    %get3A_4 = arith.constant 0 : index
    %get3A_5 = arith.constant 0 : index
    %get3A_6 = vector.load %arg12[%get3A_4, %get3A_5] : memref<1x128xf32, #tpu.memory_space<vmem>>, vector<1x128xf32>
    %mul3A_7 = arith.constant 0.999994993 : f32
    %mul3A_8 = vector.broadcast %mul3A_7 : f32 to vector<1x128xf32>
    %mul3A_9 = arith.mulf %get3A_6, %mul3A_8 : vector<1x128xf32>
    %get3A_10 = arith.constant 0 : index
    %get3A_11 = arith.constant 0 : index
    %get3A_12 = vector.load %arg2[%get3A_10, %get3A_11] : memref<2000x128xf32, #tpu.memory_space<vmem>>, vector<2000x128xf32>
    %get3A_13 = arith.constant 0 : index
    %get3A_14 = arith.constant 0 : index
    %get3A_15 = vector.load %arg1[%get3A_13, %get3A_14] : memref<1x1xf32, #tpu.memory_space<vmem>>, vector<1x1xf32>
    %add3A = arith.constant 1.000000e+00 : f32
    %add3A_16 = vector.broadcast %add3A : f32 to vector<1x1xf32>
    %add3A_17 = arith.addf %add3A_16, %get3A_15 : vector<1x1xf32>
    %mul3A_18 = vector.broadcast %add3A_17 : vector<1x1xf32> to vector<2000x128xf32>
    %mul3A_19 = arith.mulf %get3A_12, %mul3A_18 : vector<2000x128xf32>
    %get3A_20 = arith.constant 0 : index
    %get3A_21 = arith.constant 0 : index
    %get3A_22 = vector.load %arg3[%get3A_20, %get3A_21] : memref<2000x128xf32, #tpu.memory_space<vmem>>, vector<2000x128xf32>
    %add3A_23 = arith.addf %mul3A_19, %get3A_22 : vector<2000x128xf32>
    %get3A_24 = arith.constant 0 : index
    %get3A_25 = arith.constant 0 : index
    %get3A_26 = vector.load %arg4[%get3A_24, %get3A_25] : memref<2000x128xf32, #tpu.memory_space<vmem>>, vector<2000x128xf32>
    %add3A_27 = arith.addf %add3A_23, %get3A_26 : vector<2000x128xf32>
    %get3A_28 = arith.constant 0 : index
    %get3A_29 = arith.constant 0 : index
    %get3A_30 = vector.load %arg6[%get3A_28, %get3A_29] : memref<128x128xf32, #tpu.memory_space<vmem>>, vector<128x128xf32>
    %mul3A_31 = vector.broadcast %mul3A_3 : vector<1x128xf32> to vector<128x128xf32>
    %mul3A_32 = arith.mulf %get3A_30, %mul3A_31 : vector<128x128xf32>
    %dot_general3A = arith.constant dense<0.000000e+00> : vector<2000x128xf32>
    %dot_general3A_33 = tpu.matmul %add3A_27, %mul3A_32, %dot_general3A {dimension_numbers = #tpu.dot_dimension_numbers<[1], [0], [0], [1], [0, 0, 1, 1], [], []>, transpose_lhs_hint = false} : vector<2000x128xf32>, vector<128x128xf32>, vector<2000x128xf32> -> vector<2000x128xf32>
    %get3A_34 = arith.constant 0 : index
    %get3A_35 = arith.constant 0 : index
    %get3A_36 = vector.load %arg7[%get3A_34, %get3A_35] : memref<1x128xf32, #tpu.memory_space<vmem>>, vector<1x128xf32>
    %mul3A_37 = arith.mulf %get3A_36, %mul3A_3 : vector<1x128xf32>
    %get3A_38 = arith.constant 0 : index
    %get3A_39 = arith.constant 0 : index
    %get3A_40 = vector.load %arg9[%get3A_38, %get3A_39] : memref<1x128xf32, #tpu.memory_space<vmem>>, vector<1x128xf32>
    %add3A_41 = arith.addf %mul3A_37, %get3A_40 : vector<1x128xf32>
    %add3A_42 = vector.broadcast %add3A_41 : vector<1x128xf32> to vector<2000x128xf32>
    %add3A_43 = arith.addf %dot_general3A_33, %add3A_42 : vector<2000x128xf32>
    %max3A = arith.constant 0.000000e+00 : f32
    %max3A_44 = vector.broadcast %max3A : f32 to vector<2000x128xf32>
    %max3A_45 = arith.maximumf %add3A_43, %max3A_44 : vector<2000x128xf32>
    %get3A_46 = arith.constant 0 : index
    %get3A_47 = arith.constant 0 : index
    %get3A_48 = vector.load %arg10[%get3A_46, %get3A_47] : memref<128x128xf32, #tpu.memory_space<vmem>>, vector<128x128xf32>
    %mul3A_49 = vector.broadcast %mul3A_9 : vector<1x128xf32> to vector<128x128xf32>
    %mul3A_50 = arith.mulf %get3A_48, %mul3A_49 : vector<128x128xf32>
    %dot_general3A_51 = arith.constant dense<0.000000e+00> : vector<2000x128xf32>
    %dot_general3A_52 = tpu.matmul %max3A_45, %mul3A_50, %dot_general3A_51 {dimension_numbers = #tpu.dot_dimension_numbers<[1], [0], [0], [1], [0, 0, 1, 1], [], []>, transpose_lhs_hint = false} : vector<2000x128xf32>, vector<128x128xf32>, vector<2000x128xf32> -> vector<2000x128xf32>
    %get3A_53 = arith.constant 0 : index
    %get3A_54 = arith.constant 0 : index
    %get3A_55 = vector.load %arg11[%get3A_53, %get3A_54] : memref<1x128xf32, #tpu.memory_space<vmem>>, vector<1x128xf32>
    %mul3A_56 = arith.mulf %get3A_55, %mul3A_9 : vector<1x128xf32>
    %get3A_57 = arith.constant 0 : index
    %get3A_58 = arith.constant 0 : index
    %get3A_59 = vector.load %arg13[%get3A_57, %get3A_58] : memref<1x128xf32, #tpu.memory_space<vmem>>, vector<1x128xf32>
    %add3A_60 = arith.addf %mul3A_56, %get3A_59 : vector<1x128xf32>
    %add3A_61 = vector.broadcast %add3A_60 : vector<1x128xf32> to vector<2000x128xf32>
    %add3A_62 = arith.addf %dot_general3A_52, %add3A_61 : vector<2000x128xf32>
    %max3A_63 = arith.constant 0.000000e+00 : f32
    %max3A_64 = vector.broadcast %max3A_63 : f32 to vector<2000x128xf32>
    %max3A_65 = arith.maximumf %add3A_62, %max3A_64 : vector<2000x128xf32>
    %get3A_66 = arith.constant 0 : index
    %get3A_67 = arith.constant 0 : index
    %get3A_68 = vector.load %arg5[%get3A_66, %get3A_67] : memref<2000x1xf32, #tpu.memory_space<vmem>>, vector<2000x1xf32>
    %get3A_69 = arith.constant 0 : index
    %get3A_70 = arith.constant 0 : index
    %get3A_71 = vector.load %arg14[%get3A_69, %get3A_70] : memref<1x128xf32, #tpu.memory_space<vmem>>, vector<1x128xf32>
    %mul3A_72 = arith.constant 0.999994993 : f32
    %mul3A_73 = vector.broadcast %mul3A_72 : f32 to vector<1x128xf32>
    %mul3A_74 = arith.mulf %get3A_71, %mul3A_73 : vector<1x128xf32>
    %mul3A_75 = vector.broadcast %get3A_68 : vector<2000x1xf32> to vector<2000x128xf32>
    %mul3A_76 = vector.broadcast %mul3A_74 : vector<1x128xf32> to vector<2000x128xf32>
    %mul3A_77 = arith.mulf %mul3A_75, %mul3A_76 : vector<2000x128xf32>
    %mul3A_78 = arith.mulf %max3A_65, %mul3A_77 : vector<2000x128xf32>
    %get3A_79 = arith.constant 0 : index
    %get3A_80 = arith.constant 0 : index
    %get3A_81 = vector.load %arg15[%get3A_79, %get3A_80] : memref<1x128xf32, #tpu.memory_space<vmem>>, vector<1x128xf32>
    %add3A_82 = vector.broadcast %get3A_81 : vector<1x128xf32> to vector<2000x128xf32>
    %add3A_83 = arith.addf %mul3A_78, %add3A_82 : vector<2000x128xf32>
    %max3A_84 = arith.constant 0.000000e+00 : f32
    %max3A_85 = vector.broadcast %max3A_84 : f32 to vector<2000x128xf32>
    %max3A_86 = arith.maximumf %add3A_83, %max3A_85 : vector<2000x128xf32>
    %add3A_87 = arith.addf %get3A_12, %max3A_86 : vector<2000x128xf32>
    %swap3A = arith.constant 0 : index
    %swap3A_88 = arith.constant 0 : index
    %swap3A_89 = vector.load %arg16[%swap3A, %swap3A_88] : memref<2000x128xf32, #tpu.memory_space<vmem>>, vector<2000x128xf32>
    tpu.vector_store %arg16[%swap3A, %swap3A_88], %add3A_87 {strides = array<i32>} : memref<2000x128xf32, #tpu.memory_space<vmem>>, vector<2000x128xf32>,
    return
  }
  func.func @transform_0(%arg0: i32) -> (i32, i32) {
    %c0_i32 = arith.constant 0 : i32
    %c0_i32_0 = arith.constant 0 : i32
    %c0_i32_1 = arith.constant 0 : i32
    return %c0_i32, %c0_i32_0 : i32, i32
  }
  func.func @transform_1(%arg0: i32) -> (i32, i32) {
    %c0_i32 = arith.constant 0 : i32
    %c0_i32_0 = arith.constant 0 : i32
    return %arg0, %c0_i32 : i32, i32
  }
  func.func @transform_2(%arg0: i32) -> (i32, i32) {
    %c0_i32 = arith.constant 0 : i32
    %c0_i32_0 = arith.constant 0 : i32
    return %arg0, %c0_i32 : i32, i32
  }
  func.func @transform_3(%arg0: i32) -> (i32, i32) {
    %c0_i32 = arith.constant 0 : i32
    %c0_i32_0 = arith.constant 0 : i32
    return %arg0, %c0_i32 : i32, i32
  }
  func.func @transform_4(%arg0: i32) -> (i32, i32) {
    %c0_i32 = arith.constant 0 : i32
    %c0_i32_0 = arith.constant 0 : i32
    return %arg0, %c0_i32 : i32, i32
  }
  func.func @transform_5(%arg0: i32) -> (i32, i32) {
    %c0_i32 = arith.constant 0 : i32
    %c0_i32_0 = arith.constant 0 : i32
    %c0_i32_1 = arith.constant 0 : i32
    return %c0_i32, %c0_i32_0 : i32, i32
  }
  func.func @transform_6(%arg0: i32) -> (i32, i32) {
    %c0_i32 = arith.constant 0 : i32
    %c0_i32_0 = arith.constant 0 : i32
    %c0_i32_1 = arith.constant 0 : i32
    return %c0_i32, %c0_i32_0 : i32, i32
  }
  func.func @transform_7(%arg0: i32) -> (i32, i32) {
    %c0_i32 = arith.constant 0 : i32
    %c0_i32_0 = arith.constant 0 : i32
    %c0_i32_1 = arith.constant 0 : i32
    return %c0_i32, %c0_i32_0 : i32, i32
  }
  func.func @transform_8(%arg0: i32) -> (i32, i32) {
    %c0_i32 = arith.constant 0 : i32
    %c0_i32_0 = arith.constant 0 : i32
    %c0_i32_1 = arith.constant 0 : i32
    return %c0_i32, %c0_i32_0 : i32, i32
  }
  func.func @transform_9(%arg0: i32) -> (i32, i32) {
    %c0_i32 = arith.constant 0 : i32
    %c0_i32_0 = arith.constant 0 : i32
    %c0_i32_1 = arith.constant 0 : i32
    return %c0_i32, %c0_i32_0 : i32, i32
  }
  func.func @transform_10(%arg0: i32) -> (i32, i32) {
    %c0_i32 = arith.constant 0 : i32
    %c0_i32_0 = arith.constant 0 : i32
    %c0_i32_1 = arith.constant 0 : i32
    return %c0_i32, %c0_i32_0 : i32, i32
  }
  func.func @transform_11(%arg0: i32) -> (i32, i32) {
    %c0_i32 = arith.constant 0 : i32
    %c0_i32_0 = arith.constant 0 : i32
    %c0_i32_1 = arith.constant 0 : i32
    return %c0_i32, %c0_i32_0 : i32, i32
  }
  func.func @transform_12(%arg0: i32) -> (i32, i32) {
    %c0_i32 = arith.constant 0 : i32
    %c0_i32_0 = arith.constant 0 : i32
    %c0_i32_1 = arith.constant 0 : i32
    return %c0_i32, %c0_i32_0 : i32, i32
  }
  func.func @transform_13(%arg0: i32) -> (i32, i32) {
    %c0_i32 = arith.constant 0 : i32
    %c0_i32_0 = arith.constant 0 : i32
    %c0_i32_1 = arith.constant 0 : i32
    return %c0_i32, %c0_i32_0 : i32, i32
  }
  func.func @transform_14(%arg0: i32) -> (i32, i32) {
    %c0_i32 = arith.constant 0 : i32
    %c0_i32_0 = arith.constant 0 : i32
    %c0_i32_1 = arith.constant 0 : i32
    return %c0_i32, %c0_i32_0 : i32, i32
  }
  func.func @transform_15(%arg0: i32) -> (i32, i32) {
    %c0_i32 = arith.constant 0 : i32
    %c0_i32_0 = arith.constant 0 : i32
    return %arg0, %c0_i32 : i32, i32
  }
}

module attributes {stable_mosaic.version = 14 : i64} {
  func.func @_read_body(%arg0: i32, %arg1: memref<1x1xf32, #tpu.memory_space<vmem>>, %arg2: memref<1x1xf32, #tpu.memory_space<vmem>>, %arg3: memref<2000x128xf32, #tpu.memory_space<vmem>>, %arg4: memref<2000x128xf32, #tpu.memory_space<vmem>>, %arg5: memref<2000x128xf32, #tpu.memory_space<vmem>>, %arg6: memref<2000x128xf32, #tpu.memory_space<vmem>>, %arg7: memref<2000x128xf32, #tpu.memory_space<vmem>>, %arg8: memref<2000x10xf32, #tpu.memory_space<vmem>>, %arg9: memref<640x10xf32, #tpu.memory_space<vmem>>, %arg10: memref<1x10xf32, #tpu.memory_space<vmem>>, %arg11: memref<138x69xf32, #tpu.memory_space<vmem>>, %arg12: memref<1x69xf32, #tpu.memory_space<vmem>>, %arg13: memref<69x34xf32, #tpu.memory_space<vmem>>, %arg14: memref<1x34xf32, #tpu.memory_space<vmem>>, %arg15: memref<34x1xf32, #tpu.memory_space<vmem>>, %arg16: memref<1x1xf32, #tpu.memory_space<vmem>>, %arg17: memref<2000x10xf32, #tpu.memory_space<vmem>>, %arg18: memref<2000x10xf32, #tpu.memory_space<vmem>>, %arg19: memref<2000x1xf32, #tpu.memory_space<vmem>>) attributes {dimension_semantics = [#tpu.dimension_semantics<arbitrary>], iteration_bounds = array<i64: 5>, scalar_prefetch = 0 : i64, scratch_operands = 0 : i64, tpu.core_type = #tpu.core_type<tc>, window_params = [{pipeline_mode = #tpu.pipeline_mode<synchronous>, transform_indices = @transform_0, window_bounds = array<i64: 1, 1>}, {pipeline_mode = #tpu.pipeline_mode<synchronous>, transform_indices = @transform_1, window_bounds = array<i64: 1, 1>}, {transform_indices = @transform_2, window_bounds = array<i64: 2000, 128>}, {transform_indices = @transform_3, window_bounds = array<i64: 2000, 128>}, {transform_indices = @transform_4, window_bounds = array<i64: 2000, 128>}, {transform_indices = @transform_5, window_bounds = array<i64: 2000, 128>}, {transform_indices = @transform_6, window_bounds = array<i64: 2000, 128>}, {transform_indices = @transform_7, window_bounds = array<i64: 2000, 10>}, {pipeline_mode = #tpu.pipeline_mode<synchronous>, transform_indices = @transform_8, window_bounds = array<i64: 640, 10>}, {pipeline_mode = #tpu.pipeline_mode<synchronous>, transform_indices = @transform_9, window_bounds = array<i64: 1, 10>}, {pipeline_mode = #tpu.pipeline_mode<synchronous>, transform_indices = @transform_10, window_bounds = array<i64: 138, 69>}, {pipeline_mode = #tpu.pipeline_mode<synchronous>, transform_indices = @transform_11, window_bounds = array<i64: 1, 69>}, {pipeline_mode = #tpu.pipeline_mode<synchronous>, transform_indices = @transform_12, window_bounds = array<i64: 69, 34>}, {pipeline_mode = #tpu.pipeline_mode<synchronous>, transform_indices = @transform_13, window_bounds = array<i64: 1, 34>}, {pipeline_mode = #tpu.pipeline_mode<synchronous>, transform_indices = @transform_14, window_bounds = array<i64: 34, 1>}, {pipeline_mode = #tpu.pipeline_mode<synchronous>, transform_indices = @transform_15, window_bounds = array<i64: 1, 1>}, {transform_indices = @transform_16, window_bounds = array<i64: 2000, 10>}, {transform_indices = @transform_17, window_bounds = array<i64: 2000, 10>}, {transform_indices = @transform_18, window_bounds = array<i64: 2000, 1>}]} {
    %get3A = arith.constant 0 : index
    %get3A_0 = arith.constant 0 : index
    %get3A_1 = vector.load %arg8[%get3A, %get3A_0] : memref<2000x10xf32, #tpu.memory_space<vmem>>, vector<2000x10xf32>
    %get3A_2 = arith.constant 0 : index
    %get3A_3 = arith.constant 0 : index
    %get3A_4 = vector.load %arg11[%get3A_2, %get3A_3] : memref<138x69xf32, #tpu.memory_space<vmem>>, vector<138x69xf32>
    %slice3A = vector.extract_strided_slice %get3A_4 {offsets = [128, 0], sizes = [10, 69], strides = [1, 1]} : vector<138x69xf32> to vector<10x69xf32>
    %dot_general3A = arith.constant dense<0.000000e+00> : vector<2000x69xf32>
    %dot_general3A_5 = tpu.matmul %get3A_1, %slice3A, %dot_general3A {dimension_numbers = #tpu.dot_dimension_numbers<[1], [0], [0], [1], [0, 0, 1, 1], [], []>, transpose_lhs_hint = false} : vector<2000x10xf32>, vector<10x69xf32>, vector<2000x69xf32> -> vector<2000x69xf32>
    %get3A_6 = arith.constant 0 : index
    %get3A_7 = arith.constant 0 : index
    %get3A_8 = vector.load %arg12[%get3A_6, %get3A_7] : memref<1x69xf32, #tpu.memory_space<vmem>>, vector<1x69xf32>
    %add3A = vector.broadcast %get3A_8 : vector<1x69xf32> to vector<2000x69xf32>
    %add3A_9 = arith.addf %dot_general3A_5, %add3A : vector<2000x69xf32>
    %broadcast_in_dim3A = arith.constant 0.000000e+00 : f32
    %broadcast_in_dim3A_10 = vector.broadcast %broadcast_in_dim3A : f32 to vector<2000x10xf32>
    %broadcast_in_dim3A_11 = arith.constant 0.000000e+00 : f32
    %broadcast_in_dim3A_12 = vector.broadcast %broadcast_in_dim3A_11 : f32 to vector<2000x1xf32>
    %get3A_13 = arith.constant 0 : index
    %get3A_14 = arith.constant 0 : index
    %get3A_15 = vector.load %arg3[%get3A_13, %get3A_14] : memref<2000x128xf32, #tpu.memory_space<vmem>>, vector<2000x128xf32>
    %get3A_16 = arith.constant 0 : index
    %get3A_17 = arith.constant 0 : index
    %get3A_18 = vector.load %arg9[%get3A_16, %get3A_17] : memref<640x10xf32, #tpu.memory_space<vmem>>, vector<128x10xf32>
    %dot_general3A_19 = arith.constant dense<0.000000e+00> : vector<2000x10xf32>
    %dot_general3A_20 = tpu.matmul %get3A_15, %get3A_18, %dot_general3A_19 {dimension_numbers = #tpu.dot_dimension_numbers<[1], [0], [0], [1], [0, 0, 1, 1], [], []>, transpose_lhs_hint = false} : vector<2000x128xf32>, vector<128x10xf32>, vector<2000x10xf32> -> vector<2000x10xf32>
    %add3A_21 = arith.addf %broadcast_in_dim3A_10, %dot_general3A_20 : vector<2000x10xf32>
    %slice3A_22 = vector.extract_strided_slice %get3A_4 {offsets = [0, 0], sizes = [128, 69], strides = [1, 1]} : vector<138x69xf32> to vector<128x69xf32>
    %dot_general3A_23 = arith.constant dense<0.000000e+00> : vector<2000x69xf32>
    %dot_general3A_24 = tpu.matmul %get3A_15, %slice3A_22, %dot_general3A_23 {dimension_numbers = #tpu.dot_dimension_numbers<[1], [0], [0], [1], [0, 0, 1, 1], [], []>, transpose_lhs_hint = false} : vector<2000x128xf32>, vector<128x69xf32>, vector<2000x69xf32> -> vector<2000x69xf32>
    %add3A_25 = arith.addf %dot_general3A_24, %add3A_9 : vector<2000x69xf32>
    %max3A = arith.constant 0.000000e+00 : f32
    %max3A_26 = vector.broadcast %max3A : f32 to vector<2000x69xf32>
    %max3A_27 = arith.maximumf %add3A_25, %max3A_26 : vector<2000x69xf32>
    %get3A_28 = arith.constant 0 : index
    %get3A_29 = arith.constant 0 : index
    %get3A_30 = vector.load %arg13[%get3A_28, %get3A_29] : memref<69x34xf32, #tpu.memory_space<vmem>>, vector<69x34xf32>
    %dot_general3A_31 = arith.constant dense<0.000000e+00> : vector<2000x34xf32>
    %dot_general3A_32 = tpu.matmul %max3A_27, %get3A_30, %dot_general3A_31 {dimension_numbers = #tpu.dot_dimension_numbers<[1], [0], [0], [1], [0, 0, 1, 1], [], []>, transpose_lhs_hint = false} : vector<2000x69xf32>, vector<69x34xf32>, vector<2000x34xf32> -> vector<2000x34xf32>
    %get3A_33 = arith.constant 0 : index
    %get3A_34 = arith.constant 0 : index
    %get3A_35 = vector.load %arg14[%get3A_33, %get3A_34] : memref<1x34xf32, #tpu.memory_space<vmem>>, vector<1x34xf32>
    %add3A_36 = vector.broadcast %get3A_35 : vector<1x34xf32> to vector<2000x34xf32>
    %add3A_37 = arith.addf %dot_general3A_32, %add3A_36 : vector<2000x34xf32>
    %max3A_38 = arith.constant 0.000000e+00 : f32
    %max3A_39 = vector.broadcast %max3A_38 : f32 to vector<2000x34xf32>
    %max3A_40 = arith.maximumf %add3A_37, %max3A_39 : vector<2000x34xf32>
    %get3A_41 = arith.constant 0 : index
    %get3A_42 = arith.constant 0 : index
    %get3A_43 = vector.load %arg15[%get3A_41, %get3A_42] : memref<34x1xf32, #tpu.memory_space<vmem>>, vector<34x1xf32>
    %dot_general3A_44 = arith.constant dense<0.000000e+00> : vector<2000x1xf32>
    %dot_general3A_45 = tpu.matmul %max3A_40, %get3A_43, %dot_general3A_44 {dimension_numbers = #tpu.dot_dimension_numbers<[1], [0], [0], [1], [0, 0, 1, 1], [], []>, transpose_lhs_hint = false} : vector<2000x34xf32>, vector<34x1xf32>, vector<2000x1xf32> -> vector<2000x1xf32>
    %add3A_46 = arith.addf %broadcast_in_dim3A_12, %dot_general3A_45 : vector<2000x1xf32>
    %get3A_47 = arith.constant 0 : index
    %get3A_48 = arith.constant 0 : index
    %get3A_49 = vector.load %arg4[%get3A_47, %get3A_48] : memref<2000x128xf32, #tpu.memory_space<vmem>>, vector<2000x128xf32>
    %get3A_50 = arith.constant 128 : index
    %get3A_51 = arith.constant 0 : index
    %get3A_52 = vector.load %arg9[%get3A_50, %get3A_51] : memref<640x10xf32, #tpu.memory_space<vmem>>, vector<128x10xf32>
    %dot_general3A_53 = arith.constant dense<0.000000e+00> : vector<2000x10xf32>
    %dot_general3A_54 = tpu.matmul %get3A_49, %get3A_52, %dot_general3A_53 {dimension_numbers = #tpu.dot_dimension_numbers<[1], [0], [0], [1], [0, 0, 1, 1], [], []>, transpose_lhs_hint = false} : vector<2000x128xf32>, vector<128x10xf32>, vector<2000x10xf32> -> vector<2000x10xf32>
    %add3A_55 = arith.addf %add3A_21, %dot_general3A_54 : vector<2000x10xf32>
    %slice3A_56 = vector.extract_strided_slice %get3A_4 {offsets = [0, 0], sizes = [128, 69], strides = [1, 1]} : vector<138x69xf32> to vector<128x69xf32>
    %dot_general3A_57 = arith.constant dense<0.000000e+00> : vector<2000x69xf32>
    %dot_general3A_58 = tpu.matmul %get3A_49, %slice3A_56, %dot_general3A_57 {dimension_numbers = #tpu.dot_dimension_numbers<[1], [0], [0], [1], [0, 0, 1, 1], [], []>, transpose_lhs_hint = false} : vector<2000x128xf32>, vector<128x69xf32>, vector<2000x69xf32> -> vector<2000x69xf32>
    %add3A_59 = arith.addf %dot_general3A_58, %add3A_9 : vector<2000x69xf32>
    %max3A_60 = arith.constant 0.000000e+00 : f32
    %max3A_61 = vector.broadcast %max3A_60 : f32 to vector<2000x69xf32>
    %max3A_62 = arith.maximumf %add3A_59, %max3A_61 : vector<2000x69xf32>
    %get3A_63 = arith.constant 0 : index
    %get3A_64 = arith.constant 0 : index
    %get3A_65 = vector.load %arg13[%get3A_63, %get3A_64] : memref<69x34xf32, #tpu.memory_space<vmem>>, vector<69x34xf32>
    %dot_general3A_66 = arith.constant dense<0.000000e+00> : vector<2000x34xf32>
    %dot_general3A_67 = tpu.matmul %max3A_62, %get3A_65, %dot_general3A_66 {dimension_numbers = #tpu.dot_dimension_numbers<[1], [0], [0], [1], [0, 0, 1, 1], [], []>, transpose_lhs_hint = false} : vector<2000x69xf32>, vector<69x34xf32>, vector<2000x34xf32> -> vector<2000x34xf32>
    %get3A_68 = arith.constant 0 : index
    %get3A_69 = arith.constant 0 : index
    %get3A_70 = vector.load %arg14[%get3A_68, %get3A_69] : memref<1x34xf32, #tpu.memory_space<vmem>>, vector<1x34xf32>
    %add3A_71 = vector.broadcast %get3A_70 : vector<1x34xf32> to vector<2000x34xf32>
    %add3A_72 = arith.addf %dot_general3A_67, %add3A_71 : vector<2000x34xf32>
    %max3A_73 = arith.constant 0.000000e+00 : f32
    %max3A_74 = vector.broadcast %max3A_73 : f32 to vector<2000x34xf32>
    %max3A_75 = arith.maximumf %add3A_72, %max3A_74 : vector<2000x34xf32>
    %get3A_76 = arith.constant 0 : index
    %get3A_77 = arith.constant 0 : index
    %get3A_78 = vector.load %arg15[%get3A_76, %get3A_77] : memref<34x1xf32, #tpu.memory_space<vmem>>, vector<34x1xf32>
    %dot_general3A_79 = arith.constant dense<0.000000e+00> : vector<2000x1xf32>
    %dot_general3A_80 = tpu.matmul %max3A_75, %get3A_78, %dot_general3A_79 {dimension_numbers = #tpu.dot_dimension_numbers<[1], [0], [0], [1], [0, 0, 1, 1], [], []>, transpose_lhs_hint = false} : vector<2000x34xf32>, vector<34x1xf32>, vector<2000x1xf32> -> vector<2000x1xf32>
    %add3A_81 = arith.addf %add3A_46, %dot_general3A_80 : vector<2000x1xf32>
    %get3A_82 = arith.constant 0 : index
    %get3A_83 = arith.constant 0 : index
    %get3A_84 = vector.load %arg5[%get3A_82, %get3A_83] : memref<2000x128xf32, #tpu.memory_space<vmem>>, vector<2000x128xf32>
    %get3A_85 = arith.constant 256 : index
    %get3A_86 = arith.constant 0 : index
    %get3A_87 = vector.load %arg9[%get3A_85, %get3A_86] : memref<640x10xf32, #tpu.memory_space<vmem>>, vector<128x10xf32>
    %dot_general3A_88 = arith.constant dense<0.000000e+00> : vector<2000x10xf32>
    %dot_general3A_89 = tpu.matmul %get3A_84, %get3A_87, %dot_general3A_88 {dimension_numbers = #tpu.dot_dimension_numbers<[1], [0], [0], [1], [0, 0, 1, 1], [], []>, transpose_lhs_hint = false} : vector<2000x128xf32>, vector<128x10xf32>, vector<2000x10xf32> -> vector<2000x10xf32>
    %add3A_90 = arith.addf %add3A_55, %dot_general3A_89 : vector<2000x10xf32>
    %slice3A_91 = vector.extract_strided_slice %get3A_4 {offsets = [0, 0], sizes = [128, 69], strides = [1, 1]} : vector<138x69xf32> to vector<128x69xf32>
    %dot_general3A_92 = arith.constant dense<0.000000e+00> : vector<2000x69xf32>
    %dot_general3A_93 = tpu.matmul %get3A_84, %slice3A_91, %dot_general3A_92 {dimension_numbers = #tpu.dot_dimension_numbers<[1], [0], [0], [1], [0, 0, 1, 1], [], []>, transpose_lhs_hint = false} : vector<2000x128xf32>, vector<128x69xf32>, vector<2000x69xf32> -> vector<2000x69xf32>
    %add3A_94 = arith.addf %dot_general3A_93, %add3A_9 : vector<2000x69xf32>
    %max3A_95 = arith.constant 0.000000e+00 : f32
    %max3A_96 = vector.broadcast %max3A_95 : f32 to vector<2000x69xf32>
    %max3A_97 = arith.maximumf %add3A_94, %max3A_96 : vector<2000x69xf32>
    %get3A_98 = arith.constant 0 : index
    %get3A_99 = arith.constant 0 : index
    %get3A_100 = vector.load %arg13[%get3A_98, %get3A_99] : memref<69x34xf32, #tpu.memory_space<vmem>>, vector<69x34xf32>
    %dot_general3A_101 = arith.constant dense<0.000000e+00> : vector<2000x34xf32>
    %dot_general3A_102 = tpu.matmul %max3A_97, %get3A_100, %dot_general3A_101 {dimension_numbers = #tpu.dot_dimension_numbers<[1], [0], [0], [1], [0, 0, 1, 1], [], []>, transpose_lhs_hint = false} : vector<2000x69xf32>, vector<69x34xf32>, vector<2000x34xf32> -> vector<2000x34xf32>
    %get3A_103 = arith.constant 0 : index
    %get3A_104 = arith.constant 0 : index
    %get3A_105 = vector.load %arg14[%get3A_103, %get3A_104] : memref<1x34xf32, #tpu.memory_space<vmem>>, vector<1x34xf32>
    %add3A_106 = vector.broadcast %get3A_105 : vector<1x34xf32> to vector<2000x34xf32>
    %add3A_107 = arith.addf %dot_general3A_102, %add3A_106 : vector<2000x34xf32>
    %max3A_108 = arith.constant 0.000000e+00 : f32
    %max3A_109 = vector.broadcast %max3A_108 : f32 to vector<2000x34xf32>
    %max3A_110 = arith.maximumf %add3A_107, %max3A_109 : vector<2000x34xf32>
    %get3A_111 = arith.constant 0 : index
    %get3A_112 = arith.constant 0 : index
    %get3A_113 = vector.load %arg15[%get3A_111, %get3A_112] : memref<34x1xf32, #tpu.memory_space<vmem>>, vector<34x1xf32>
    %dot_general3A_114 = arith.constant dense<0.000000e+00> : vector<2000x1xf32>
    %dot_general3A_115 = tpu.matmul %max3A_110, %get3A_113, %dot_general3A_114 {dimension_numbers = #tpu.dot_dimension_numbers<[1], [0], [0], [1], [0, 0, 1, 1], [], []>, transpose_lhs_hint = false} : vector<2000x34xf32>, vector<34x1xf32>, vector<2000x1xf32> -> vector<2000x1xf32>
    %add3A_116 = arith.addf %add3A_81, %dot_general3A_115 : vector<2000x1xf32>
    %get3A_117 = arith.constant 0 : index
    %get3A_118 = arith.constant 0 : index
    %get3A_119 = vector.load %arg6[%get3A_117, %get3A_118] : memref<2000x128xf32, #tpu.memory_space<vmem>>, vector<2000x128xf32>
    %get3A_120 = arith.constant 384 : index
    %get3A_121 = arith.constant 0 : index
    %get3A_122 = vector.load %arg9[%get3A_120, %get3A_121] : memref<640x10xf32, #tpu.memory_space<vmem>>, vector<128x10xf32>
    %dot_general3A_123 = arith.constant dense<0.000000e+00> : vector<2000x10xf32>
    %dot_general3A_124 = tpu.matmul %get3A_119, %get3A_122, %dot_general3A_123 {dimension_numbers = #tpu.dot_dimension_numbers<[1], [0], [0], [1], [0, 0, 1, 1], [], []>, transpose_lhs_hint = false} : vector<2000x128xf32>, vector<128x10xf32>, vector<2000x10xf32> -> vector<2000x10xf32>
    %add3A_125 = arith.addf %add3A_90, %dot_general3A_124 : vector<2000x10xf32>
    %slice3A_126 = vector.extract_strided_slice %get3A_4 {offsets = [0, 0], sizes = [128, 69], strides = [1, 1]} : vector<138x69xf32> to vector<128x69xf32>
    %dot_general3A_127 = arith.constant dense<0.000000e+00> : vector<2000x69xf32>
    %dot_general3A_128 = tpu.matmul %get3A_119, %slice3A_126, %dot_general3A_127 {dimension_numbers = #tpu.dot_dimension_numbers<[1], [0], [0], [1], [0, 0, 1, 1], [], []>, transpose_lhs_hint = false} : vector<2000x128xf32>, vector<128x69xf32>, vector<2000x69xf32> -> vector<2000x69xf32>
    %add3A_129 = arith.addf %dot_general3A_128, %add3A_9 : vector<2000x69xf32>
    %max3A_130 = arith.constant 0.000000e+00 : f32
    %max3A_131 = vector.broadcast %max3A_130 : f32 to vector<2000x69xf32>
    %max3A_132 = arith.maximumf %add3A_129, %max3A_131 : vector<2000x69xf32>
    %get3A_133 = arith.constant 0 : index
    %get3A_134 = arith.constant 0 : index
    %get3A_135 = vector.load %arg13[%get3A_133, %get3A_134] : memref<69x34xf32, #tpu.memory_space<vmem>>, vector<69x34xf32>
    %dot_general3A_136 = arith.constant dense<0.000000e+00> : vector<2000x34xf32>
    %dot_general3A_137 = tpu.matmul %max3A_132, %get3A_135, %dot_general3A_136 {dimension_numbers = #tpu.dot_dimension_numbers<[1], [0], [0], [1], [0, 0, 1, 1], [], []>, transpose_lhs_hint = false} : vector<2000x69xf32>, vector<69x34xf32>, vector<2000x34xf32> -> vector<2000x34xf32>
    %get3A_138 = arith.constant 0 : index
    %get3A_139 = arith.constant 0 : index
    %get3A_140 = vector.load %arg14[%get3A_138, %get3A_139] : memref<1x34xf32, #tpu.memory_space<vmem>>, vector<1x34xf32>
    %add3A_141 = vector.broadcast %get3A_140 : vector<1x34xf32> to vector<2000x34xf32>
    %add3A_142 = arith.addf %dot_general3A_137, %add3A_141 : vector<2000x34xf32>
    %max3A_143 = arith.constant 0.000000e+00 : f32
    %max3A_144 = vector.broadcast %max3A_143 : f32 to vector<2000x34xf32>
    %max3A_145 = arith.maximumf %add3A_142, %max3A_144 : vector<2000x34xf32>
    %get3A_146 = arith.constant 0 : index
    %get3A_147 = arith.constant 0 : index
    %get3A_148 = vector.load %arg15[%get3A_146, %get3A_147] : memref<34x1xf32, #tpu.memory_space<vmem>>, vector<34x1xf32>
    %dot_general3A_149 = arith.constant dense<0.000000e+00> : vector<2000x1xf32>
    %dot_general3A_150 = tpu.matmul %max3A_145, %get3A_148, %dot_general3A_149 {dimension_numbers = #tpu.dot_dimension_numbers<[1], [0], [0], [1], [0, 0, 1, 1], [], []>, transpose_lhs_hint = false} : vector<2000x34xf32>, vector<34x1xf32>, vector<2000x1xf32> -> vector<2000x1xf32>
    %add3A_151 = arith.addf %add3A_116, %dot_general3A_150 : vector<2000x1xf32>
    %get3A_152 = arith.constant 0 : index
    %get3A_153 = arith.constant 0 : index
    %get3A_154 = vector.load %arg7[%get3A_152, %get3A_153] : memref<2000x128xf32, #tpu.memory_space<vmem>>, vector<2000x128xf32>
    %get3A_155 = arith.constant 512 : index
    %get3A_156 = arith.constant 0 : index
    %get3A_157 = vector.load %arg9[%get3A_155, %get3A_156] : memref<640x10xf32, #tpu.memory_space<vmem>>, vector<128x10xf32>
    %dot_general3A_158 = arith.constant dense<0.000000e+00> : vector<2000x10xf32>
    %dot_general3A_159 = tpu.matmul %get3A_154, %get3A_157, %dot_general3A_158 {dimension_numbers = #tpu.dot_dimension_numbers<[1], [0], [0], [1], [0, 0, 1, 1], [], []>, transpose_lhs_hint = false} : vector<2000x128xf32>, vector<128x10xf32>, vector<2000x10xf32> -> vector<2000x10xf32>
    %add3A_160 = arith.addf %add3A_125, %dot_general3A_159 : vector<2000x10xf32>
    %slice3A_161 = vector.extract_strided_slice %get3A_4 {offsets = [0, 0], sizes = [128, 69], strides = [1, 1]} : vector<138x69xf32> to vector<128x69xf32>
    %dot_general3A_162 = arith.constant dense<0.000000e+00> : vector<2000x69xf32>
    %dot_general3A_163 = tpu.matmul %get3A_154, %slice3A_161, %dot_general3A_162 {dimension_numbers = #tpu.dot_dimension_numbers<[1], [0], [0], [1], [0, 0, 1, 1], [], []>, transpose_lhs_hint = false} : vector<2000x128xf32>, vector<128x69xf32>, vector<2000x69xf32> -> vector<2000x69xf32>
    %add3A_164 = arith.addf %dot_general3A_163, %add3A_9 : vector<2000x69xf32>
    %max3A_165 = arith.constant 0.000000e+00 : f32
    %max3A_166 = vector.broadcast %max3A_165 : f32 to vector<2000x69xf32>
    %max3A_167 = arith.maximumf %add3A_164, %max3A_166 : vector<2000x69xf32>
    %get3A_168 = arith.constant 0 : index
    %get3A_169 = arith.constant 0 : index
    %get3A_170 = vector.load %arg13[%get3A_168, %get3A_169] : memref<69x34xf32, #tpu.memory_space<vmem>>, vector<69x34xf32>
    %dot_general3A_171 = arith.constant dense<0.000000e+00> : vector<2000x34xf32>
    %dot_general3A_172 = tpu.matmul %max3A_167, %get3A_170, %dot_general3A_171 {dimension_numbers = #tpu.dot_dimension_numbers<[1], [0], [0], [1], [0, 0, 1, 1], [], []>, transpose_lhs_hint = false} : vector<2000x69xf32>, vector<69x34xf32>, vector<2000x34xf32> -> vector<2000x34xf32>
    %get3A_173 = arith.constant 0 : index
    %get3A_174 = arith.constant 0 : index
    %get3A_175 = vector.load %arg14[%get3A_173, %get3A_174] : memref<1x34xf32, #tpu.memory_space<vmem>>, vector<1x34xf32>
    %add3A_176 = vector.broadcast %get3A_175 : vector<1x34xf32> to vector<2000x34xf32>
    %add3A_177 = arith.addf %dot_general3A_172, %add3A_176 : vector<2000x34xf32>
    %max3A_178 = arith.constant 0.000000e+00 : f32
    %max3A_179 = vector.broadcast %max3A_178 : f32 to vector<2000x34xf32>
    %max3A_180 = arith.maximumf %add3A_177, %max3A_179 : vector<2000x34xf32>
    %get3A_181 = arith.constant 0 : index
    %get3A_182 = arith.constant 0 : index
    %get3A_183 = vector.load %arg15[%get3A_181, %get3A_182] : memref<34x1xf32, #tpu.memory_space<vmem>>, vector<34x1xf32>
    %dot_general3A_184 = arith.constant dense<0.000000e+00> : vector<2000x1xf32>
    %dot_general3A_185 = tpu.matmul %max3A_180, %get3A_183, %dot_general3A_184 {dimension_numbers = #tpu.dot_dimension_numbers<[1], [0], [0], [1], [0, 0, 1, 1], [], []>, transpose_lhs_hint = false} : vector<2000x34xf32>, vector<34x1xf32>, vector<2000x1xf32> -> vector<2000x1xf32>
    %add3A_186 = arith.addf %add3A_151, %dot_general3A_185 : vector<2000x1xf32>
    %get3A_187 = arith.constant 0 : index
    %get3A_188 = arith.constant 0 : index
    %get3A_189 = vector.load %arg10[%get3A_187, %get3A_188] : memref<1x10xf32, #tpu.memory_space<vmem>>, vector<1x10xf32>
    %add3A_190 = vector.broadcast %get3A_189 : vector<1x10xf32> to vector<2000x10xf32>
    %add3A_191 = arith.addf %add3A_160, %add3A_190 : vector<2000x10xf32>
    %swap3A = arith.constant 0 : index
    %swap3A_192 = arith.constant 0 : index
    %swap3A_193 = vector.load %arg17[%swap3A, %swap3A_192] : memref<2000x10xf32, #tpu.memory_space<vmem>>, vector<2000x10xf32>
    tpu.vector_store %arg17[%swap3A, %swap3A_192], %add3A_191 {strides = array<i32>} : memref<2000x10xf32, #tpu.memory_space<vmem>>, vector<2000x10xf32>,
    %get3A_194 = arith.constant 0 : index
    %get3A_195 = arith.constant 0 : index
    %get3A_196 = vector.load %arg16[%get3A_194, %get3A_195] : memref<1x1xf32, #tpu.memory_space<vmem>>, vector<1x1xf32>
    %add3A_197 = vector.broadcast %get3A_196 : vector<1x1xf32> to vector<2000x1xf32>
    %add3A_198 = arith.addf %add3A_186, %add3A_197 : vector<2000x1xf32>
    %neg3A = arith.constant 0.000000e+00 : f32
    %neg3A_199 = vector.broadcast %neg3A : f32 to vector<2000x1xf32>
    %neg3A_200 = arith.subf %neg3A_199, %add3A_198 : vector<2000x1xf32>
    %exp3A = math.exp %neg3A_200 : vector<2000x1xf32>
    %add3A_201 = arith.constant 1.000000e+00 : f32
    %add3A_202 = vector.broadcast %add3A_201 : f32 to vector<2000x1xf32>
    %add3A_203 = arith.addf %add3A_202, %exp3A : vector<2000x1xf32>
    %div3A = arith.constant 1.000000e+00 : f32
    %div3A_204 = vector.broadcast %div3A : f32 to vector<2000x1xf32>
    %div3A_205 = arith.divf %div3A_204, %add3A_203 : vector<2000x1xf32>
    %swap3A_206 = arith.constant 0 : index
    %swap3A_207 = arith.constant 0 : index
    %swap3A_208 = vector.load %arg19[%swap3A_206, %swap3A_207] : memref<2000x1xf32, #tpu.memory_space<vmem>>, vector<2000x1xf32>
    tpu.vector_store %arg19[%swap3A_206, %swap3A_207], %div3A_205 {strides = array<i32>} : memref<2000x1xf32, #tpu.memory_space<vmem>>, vector<2000x1xf32>,
    %get3A_209 = arith.constant 0 : index
    %get3A_210 = arith.constant 0 : index
    %get3A_211 = vector.load %arg1[%get3A_209, %get3A_210] : memref<1x1xf32, #tpu.memory_space<vmem>>, vector<1x1xf32>
    %get3A_212 = arith.constant 0 : index
    %get3A_213 = arith.constant 0 : index
    %get3A_214 = vector.load %arg2[%get3A_212, %get3A_213] : memref<1x1xf32, #tpu.memory_space<vmem>>, vector<1x1xf32>
    %max3A_215 = vector.broadcast %get3A_211 : vector<1x1xf32> to vector<2000x1xf32>
    %max3A_216 = arith.maximumf %max3A_215, %div3A_205 : vector<2000x1xf32>
    %min3A = vector.broadcast %get3A_214 : vector<1x1xf32> to vector<2000x1xf32>
    %min3A_217 = arith.minimumf %min3A, %max3A_216 : vector<2000x1xf32>
    %sub3A = arith.constant 1.000000e+00 : f32
    %sub3A_218 = vector.broadcast %sub3A : f32 to vector<2000x1xf32>
    %sub3A_219 = arith.subf %sub3A_218, %min3A_217 : vector<2000x1xf32>
    %mul3A = vector.broadcast %sub3A_219 : vector<2000x1xf32> to vector<2000x10xf32>
    %mul3A_220 = arith.mulf %mul3A, %get3A_1 : vector<2000x10xf32>
    %mul3A_221 = arith.constant 1.000000e-01 : f32
    %mul3A_222 = vector.broadcast %mul3A_221 : f32 to vector<2000x1xf32>
    %mul3A_223 = arith.mulf %min3A_217, %mul3A_222 : vector<2000x1xf32>
    %add3A_224 = vector.broadcast %mul3A_223 : vector<2000x1xf32> to vector<2000x10xf32>
    %add3A_225 = arith.addf %mul3A_220, %add3A_224 : vector<2000x10xf32>
    %swap3A_226 = arith.constant 0 : index
    %swap3A_227 = arith.constant 0 : index
    %swap3A_228 = vector.load %arg18[%swap3A_226, %swap3A_227] : memref<2000x10xf32, #tpu.memory_space<vmem>>, vector<2000x10xf32>
    tpu.vector_store %arg18[%swap3A_226, %swap3A_227], %add3A_225 {strides = array<i32>} : memref<2000x10xf32, #tpu.memory_space<vmem>>, vector<2000x10xf32>,
    return
  }
  func.func @transform_0(%arg0: i32) -> (i32, i32) {
    %c0_i32 = arith.constant 0 : i32
    %c0_i32_0 = arith.constant 0 : i32
    %c0_i32_1 = arith.constant 0 : i32
    return %c0_i32, %c0_i32_0 : i32, i32
  }
  func.func @transform_1(%arg0: i32) -> (i32, i32) {
    %c0_i32 = arith.constant 0 : i32
    %c0_i32_0 = arith.constant 0 : i32
    %c0_i32_1 = arith.constant 0 : i32
    return %c0_i32, %c0_i32_0 : i32, i32
  }
  func.func @transform_2(%arg0: i32) -> (i32, i32) {
    %c0_i32 = arith.constant 0 : i32
    %c0_i32_0 = arith.constant 0 : i32
    return %arg0, %c0_i32 : i32, i32
  }
  func.func @transform_3(%arg0: i32) -> (i32, i32) {
    %c0_i32 = arith.constant 0 : i32
    %c0_i32_0 = arith.constant 0 : i32
    return %arg0, %c0_i32 : i32, i32
  }
  func.func @transform_4(%arg0: i32) -> (i32, i32) {
    %c0_i32 = arith.constant 0 : i32
    %c0_i32_0 = arith.constant 0 : i32
    return %arg0, %c0_i32 : i32, i32
  }
  func.func @transform_5(%arg0: i32) -> (i32, i32) {
    %c0_i32 = arith.constant 0 : i32
    %c0_i32_0 = arith.constant 0 : i32
    return %arg0, %c0_i32 : i32, i32
  }
  func.func @transform_6(%arg0: i32) -> (i32, i32) {
    %c0_i32 = arith.constant 0 : i32
    %c0_i32_0 = arith.constant 0 : i32
    return %arg0, %c0_i32 : i32, i32
  }
  func.func @transform_7(%arg0: i32) -> (i32, i32) {
    %c0_i32 = arith.constant 0 : i32
    %c0_i32_0 = arith.constant 0 : i32
    return %arg0, %c0_i32 : i32, i32
  }
  func.func @transform_8(%arg0: i32) -> (i32, i32) {
    %c0_i32 = arith.constant 0 : i32
    %c0_i32_0 = arith.constant 0 : i32
    %c0_i32_1 = arith.constant 0 : i32
    return %c0_i32, %c0_i32_0 : i32, i32
  }
  func.func @transform_9(%arg0: i32) -> (i32, i32) {
    %c0_i32 = arith.constant 0 : i32
    %c0_i32_0 = arith.constant 0 : i32
    %c0_i32_1 = arith.constant 0 : i32
    return %c0_i32, %c0_i32_0 : i32, i32
  }
  func.func @transform_10(%arg0: i32) -> (i32, i32) {
    %c0_i32 = arith.constant 0 : i32
    %c0_i32_0 = arith.constant 0 : i32
    %c0_i32_1 = arith.constant 0 : i32
    return %c0_i32, %c0_i32_0 : i32, i32
  }
  func.func @transform_11(%arg0: i32) -> (i32, i32) {
    %c0_i32 = arith.constant 0 : i32
    %c0_i32_0 = arith.constant 0 : i32
    %c0_i32_1 = arith.constant 0 : i32
    return %c0_i32, %c0_i32_0 : i32, i32
  }
  func.func @transform_12(%arg0: i32) -> (i32, i32) {
    %c0_i32 = arith.constant 0 : i32
    %c0_i32_0 = arith.constant 0 : i32
    %c0_i32_1 = arith.constant 0 : i32
    return %c0_i32, %c0_i32_0 : i32, i32
  }
  func.func @transform_13(%arg0: i32) -> (i32, i32) {
    %c0_i32 = arith.constant 0 : i32
    %c0_i32_0 = arith.constant 0 : i32
    %c0_i32_1 = arith.constant 0 : i32
    return %c0_i32, %c0_i32_0 : i32, i32
  }
  func.func @transform_14(%arg0: i32) -> (i32, i32) {
    %c0_i32 = arith.constant 0 : i32
    %c0_i32_0 = arith.constant 0 : i32
    %c0_i32_1 = arith.constant 0 : i32
    return %c0_i32, %c0_i32_0 : i32, i32
  }
  func.func @transform_15(%arg0: i32) -> (i32, i32) {
    %c0_i32 = arith.constant 0 : i32
    %c0_i32_0 = arith.constant 0 : i32
    %c0_i32_1 = arith.constant 0 : i32
    return %c0_i32, %c0_i32_0 : i32, i32
  }
  func.func @transform_16(%arg0: i32) -> (i32, i32) {
    %c0_i32 = arith.constant 0 : i32
    %c0_i32_0 = arith.constant 0 : i32
    return %arg0, %c0_i32 : i32, i32
  }
  func.func @transform_17(%arg0: i32) -> (i32, i32) {
    %c0_i32 = arith.constant 0 : i32
    %c0_i32_0 = arith.constant 0 : i32
    return %arg0, %c0_i32 : i32, i32
  }
  func.func @transform_18(%arg0: i32) -> (i32, i32) {
    %c0_i32 = arith.constant 0 : i32
    %c0_i32_0 = arith.constant 0 : i32
    return %arg0, %c0_i32 : i32, i32
  }
}

</mosaic_0001>

<sc_bundles>
// kernel: kernel.12.cloned.1.call-start
scs
__scs_entry_jumppad:
0x0: {  	(pc) =	sbr.rel $0x88, $3  }
0x1: {  	(tag) =	ssettag $0x0;
	lr =	simm.s32 $0x1  }
0x2: {  	[smem:$0x3F5E] =	sst lr;
	_ =	strace $0xD0000000  }
0x3: {  	_ = 	snop  }
0x4: {  	_ = 	snop  }
0x5: {  	_ = 	snop  }
0x6: {  	_ = 	snop  }
0x7: {  	_ = 	snop  }
__scs_overlays_trampoline_lowered:
0x8: {  	[smem:$0x3F6D] =	sst s0  }
0x9: {  	[smem:$0x3F6E] =	sst s1  }
0xa: {  	[smem:$0x3F6F] =	sst s2  }
0xb: {  	[smem:$0x3F70] =	sst s3  }
0xc: {  	[smem:$0x3F71] =	sst s4  }
0xd: {  	[smem:$0x3F72] =	sst s5  }
0xe: {  	[smem:$0x3F73] =	sst s6  }
0xf: {  	[smem:$0x3F74] =	sst s7  }
0x10: {  	[smem:$0x3F75] =	sst s8  }
0x11: {  	[smem:$0x3F76] =	sst s9;
	s0 =	simm.s32 @!p0 $0x0  }
0x12: {  	s1 =	sld [smem:$0x3F5C];
	s0 =	simm.s32 @p0 $0x1  }
0x13: {  	[smem:$0x3F77] =	sst s0;
	s0 =	simm.s32 @!p1 $0x0  }
0x14: {  	s2 =	sld [smem:$0x3F5B];
	s0 =	simm.s32 @p1 $0x1  }
0x15: {  	[smem:$0x3F78] =	sst s0;
	s0 =	simm.s32 @!p2 $0x0  }
0x16: {  	s3 =	sld [smem:$0x3FDB];
	s0 =	simm.s32 @p2 $0x1  }
0x17: {  	s4 =	simm.s32 $0x1BF5;
	[smem:$0x3F7A] =	sst s0  }
0x18: {  	s0 =	sld [smem:$0x3F5D];
	_ =	swait.ge [sflag:s4], $0x0  }
0x19: {  	s7 =	sld [smem:$0x3F5E]  }
0x1a: {  	s8 =	sadd.s32 $0xFFFFE003, lr  }
0x1b: {  	s9 =	sadd.s32 $0xFFFFFEF7, lr;
	s5 =	simm.s32 $0xFFFFFFFF;
	p2 =	slt.u32 s8, $0xFFFFF086  }
0x1c: {  	p1 =	slt.u32 s9, $0xF7A;
	s5 =	simm.s32 @!p2 $0x0  }
0x1d: {  	s5 =	simm.s32 @p1 $0x1;
	p0 =	seq.s32 s7, s2  }
0x1e: {  	s7 =	smul.u32 @!p0 $0xF7A, s2;
	p2 =	seq.s32 @!p0 s5, $0x0  }
0x1f: {  	s9 =	smul.u32 $0xF7A, s1;
	s8 =	simm.s32 @!p0 $0x1BF5;
	p2 =	por !p2, p0  }
0x20: {  	[sflag:s8] =	ssyncset.s32 @!p0 $0xFFFFF086;
	s6 =	sadd.s32 @!p0 s3, s7;
	s7 =	simm.s32 @!p0 $0x108  }
0x21: {  	s3 =	sadd.s32 s3, s9;
	s6 =	sadd.s32 @!p0 $0x88, s6;
	s7 =	simm.s32 @p2 $0x1082  }
0x22: {  	[simem:s7], [sflag:s8] =	dma.local @!p0 [hbm:s6], $0xF7A  }
0x23: {  	s9 =	sor.u32 $0xD0000000, s2;
	s6 =	simm.s32 $0x108;
	_ =	swait.ge @!p0 [sflag:s8], $0x0  }
0x24: {  	s3 =	sadd.s32 $0x88, s3;
	s6 =	simm.s32 @!p1 $0x1082;
	[sflag:s4] =	ssyncset.s32 $0xFFFFF086  }
0x25: {  	[simem:s6], [sflag:s4] =	dma.local [hbm:s3], $0xF7A  }
0x26: {  	[smem:$0x3F5E] =	sst s1;
	(tag) =	ssettag s2;
	_ =	strace s9  }
0x27: {  	s1 =	sld [smem:$0x3F6E]  }
0x28: {  	s2 =	sld [smem:$0x3F6F]  }
0x29: {  	s4 =	sld [smem:$0x3F71]  }
0x2a: {  	p0 =	seq.s32 s5, $0x0;
	s5 =	sld [smem:$0x3F72]  }
0x2b: {  	s6 =	sld [smem:$0x3F73]  }
0x2c: {  	s7 =	sld [smem:$0x3F74]  }
0x2d: {  	s3 =	simm.s32 $0x108;
	s8 =	sld [smem:$0x3F75]  }
0x2e: {  	s3 =	simm.s32 @!p0 $0x1082;
	s9 =	sld [smem:$0x3F76]  }
0x2f: {  	lr =	sadd.s32 s0, s3;
	s0 =	sld [smem:$0x3F6D]  }
0x30: {  	s3 =	sld [smem:$0x3F70]  }
0x31: {  	[smem:$0x3F79] =	sst s10  }
0x32: {  	s10 =	sld [smem:$0x3F77];
	_ =	sdelay $0x3  }
0x33: {  	p0 =	seq.s32 s10, $0x1;
	s10 =	sld [smem:$0x3F79];
	_ =	sdelay $0x3  }
0x34: {  	[smem:$0x3F79] =	sst s10  }
0x35: {  	s10 =	sld [smem:$0x3F78];
	_ =	sdelay $0x3  }
0x36: {  	p1 =	seq.s32 s10, $0x1;
	s10 =	sld [smem:$0x3F79];
	_ =	sdelay $0x3  }
0x37: {  	[smem:$0x3F79] =	sst s10  }
0x38: {  	s10 =	sld [smem:$0x3F7A]  }
0x39: {  	_ = 	snop;
	(pc) =	sbr.ind lr, $3  }
0x3a: {  	_ = 	snop  }
0x3b: {  	_ = 	snop  }
0x3c: {  	p2 =	seq.s32 s10, $0x1;
	s10 =	sld [smem:$0x3F79]  }
0x3d: {  	_ =	shalt  }
0x3e: {  	_ =	shalt  }
0x3f: {  	_ =	shalt  }
0x40: {  	_ =	shalt  }
0x41: {  	_ =	shalt  }
0x42: {  	_ =	shalt  }
0x43: {  	_ =	shalt  }
0x44: {  	_ =	shalt  }
0x45: {  	_ =	shalt  }
0x46: {  	_ =	shalt  }
0x47: {  	_ =	shalt  }
0x48: {  	_ =	shalt  }
0x49: {  	_ =	shalt  }
0x4a: {  	_ =	shalt  }
0x4b: {  	_ =	shalt  }
0x4c: {  	_ =	shalt  }
0x4d: {  	_ =	shalt  }
0x4e: {  	_ =	shalt  }
0x4f: {  	_ =	shalt  }
0x50: {  	_ =	shalt  }
0x51: {  	_ =	shalt  }
0x52: {  	_ =	shalt  }
0x53: {  	_ =	shalt  }
0x54: {  	_ =	shalt  }
0x55: {  	_ =	shalt  }
0x56: {  	_ =	shalt  }
0x57: {  	_ =	shalt  }
0x58: {  	_ =	shalt  }
0x59: {  	_ =	shalt  }
0x5a: {  	_ =	shalt  }
0x5b: {  	_ =	shalt  }
0x5c: {  	_ =	shalt  }
0x5d: {  	_ =	shalt  }
0x5e: {  	_ =	shalt  }
0x5f: {  	_ =	shalt  }
0x60: {  	_ =	shalt  }
0x61: {  	_ =	shalt  }
0x62: {  	_ =	shalt  }
0x63: {  	_ =	shalt  }
0x64: {  	_ =	shalt  }
0x65: {  	_ =	shalt  }
0x66: {  	_ =	shalt  }
0x67: {  	_ =	shalt  }
0x68: {  	_ =	shalt  }
0x69: {  	_ =	shalt  }
0x6a: {  	_ =	shalt  }
0x6b: {  	_ =	shalt  }
0x6c: {  	_ =	shalt  }
0x6d: {  	_ =	shalt  }
0x6e: {  	_ =	shalt  }
0x6f: {  	_ =	shalt  }
0x70: {  	_ =	shalt  }
0x71: {  	_ =	shalt  }
0x72: {  	_ =	shalt  }
0x73: {  	_ =	shalt  }
0x74: {  	_ =	shalt  }
0x75: {  	_ =	shalt  }
0x76: {  	_ =	shalt  }
0x77: {  	_ =	shalt  }
0x78: {  	_ =	shalt  }
0x79: {  	_ =	shalt  }
0x7a: {  	_ =	shalt  }
0x7b: {  	_ =	shalt  }
0x7c: {  	_ =	shalt  }
0x7d: {  	_ =	shalt  }
0x7e: {  	_ =	shalt  }
0x7f: {  	_ =	shalt  }
0x80: {  	_ =	shalt  }
0x81: {  	_ =	shalt  }
0x82: {  	_ =	shalt  }
0x83: {  	_ =	shalt  }
0x84: {  	_ =	shalt  }
0x85: {  	_ =	shalt  }
0x86: {  	_ =	shalt  }
0x87: {  	_ =	shalt  }
.Lfunc_end0:
.L_simem_size_0:
called_computation_lowered:
.L_overlay_start_0:
0x88: {  	s2 =	sld [smem:$0x3FD9]  }
0x89: {  	s3 =	sld [smem:$0x3FFE];
	_ =	sdelay $0x1  }
0x8a: {  	s1 =	srdreg.scid  }
0x8b: {  	s0 =	sand.u32 $0x1, s1  }
0x8c: {  	s14 =	sshll.u32 s0, $0xA;
	s2 =	sadd.s32 s3, s2  }
0x8d: {  	s2 =	sadd.s32 s2, s14  }
0x8e: {  	[smem:$0x3F85] =	sst s2  }
0x8f: {  	_ = 	snop  }
0x90: {  	s2 =	sld [smem:$0x3FD0];
	_ =	sdelay $0x2  }
0x91: {  	s15 =	simm.s32 $0xA;
	s4 =	simm.s32 $0x10  }
0x92: {  	[smem:s4], [sflag:s15] =	dma.local [hbm:s2], $0x1  }
0x93: {  	_ =	swait.eq [sflag:s15], $0x1  }
0x94: {  	[sflag:s15] =	ssyncset.done $0x0  }
0x95: {  	[sflag:s15] =	ssyncadd.s32 $0xFFFFFFFF  }
0x96: {  	s16 =	sld [smem:$0x12];
	(tm) =	ssettm $0x1  }
0x97: {  	s17 =	sld [smem:$0x3FFB];
	_ =	sdelay $0x3  }
0x98: {  	_ =	strace s17  }
0x99: {  	s3 =	sld [smem:$0x3FFC];
	_ =	sdelay $0x3  }
0x9a: {  	_ =	strace s3  }
0x9b: {  	s3 =	sld [smem:$0x3FFD];
	_ =	sdelay $0x3  }
0x9c: {  	_ =	strace s3  }
0x9d: {  	_ =	strace $0x8FFFFFFF  }
0x9e: {  	s18 =	sld [smem:$0x3FDB];
	_ =	sdelay $0x1  }
0x9f: {  	s19 =	simm.s32 $_scs_section_size  }
0xa0: {  	s5 =	simm.s32 $_size__tile_overlayer_lowered;
	s6 =	simm.s32 $_tile_overlayer_lowered  }
0xa1: {  	s22 =	simm.s32 $0x1BFF;
	s21 =	sshll.u32 s6, $0x1;
	s3 =	sadd.s32 s19, s18  }
0xa2: {  	s7 =	simm.s32 $0x0;
	s20 =	sshll.u32 s5, $0x1;
	s5 =	sadd.s32 s21, s3  }
0xa3: {  	[timem:s7], [sflag:s22] =	dma.local [hbm:s5], s20  }
0xa4: {  	_ =	swait.ge [sflag:s22], s20  }
0xa5: {  	s4 =	ssub.s32 $0x0, s20;
	[sflag:s22] =	ssyncset.done $0x0  }
0xa6: {  	[sflag:s22] =	ssyncadd.s32 s4;
	_ =	sdelay $0x1  }
0xa7: {  	s23 =	simm.s32 $0x1B8B  }
0xa8: {  	_ =	swait.ge [sflag:s23], $0x1  }
0xa9: {  	[sflag:s23] =	ssyncset.done $0x0  }
0xaa: {  	s25 =	simm.s32 $0x1B8E;
	s24 =	sld [smem:$0x3FFE];
	[sflag:s23] =	ssyncadd.s32 $0xFFFFFFFF  }
0xab: {  	s26 =	simm.s32 $execute0_lowered;
	[smem:$0x3FD2] =	sst s25  }
0xac: {  	s5 =	sshll.u32 s26, $0x1;
	_ =	strace $0x80000046;
	[dreg:$0x1] =	wrdreg $0xFFFFFFFF  }
0xad: {  	s28 =	simm.s32 $_size_execute0_lowered;
	s3 =	sadd.s32 s3, s5;
	[dreg:$0x0] =	wrdreg $0x0  }
0xae: {  	s5 =	sshll.u32 s28, $0x1;
	[dreg:$0x2] =	wrdreg s3  }
0xaf: {  	[dreg:$0x3] =	wrdreg s5  }
0xb0: {  	[dreg:$0x4] =	wrdreg $0xC0  }
0xb1: {  	_ =	task [dreg:s7], $0x5FFFF  }
0xb2: {  	[dreg:$0x1] =	wrdreg $0xFFFFFFFF  }
0xb3: {  	[dreg:$0x0] =	wrdreg $0x60  }
0xb4: {  	[dreg:$0x2] =	wrdreg s24  }
0xb5: {  	[dreg:$0x3] =	wrdreg s16  }
0xb6: {  	[dreg:$0x4] =	wrdreg $0x0  }
0xb7: {  	[dreg:$0x5] =	wrdreg $0x9  }
0xb8: {  	_ =	task.clear_ibuf [dreg:s7], $0x6FFFF;
	_ =	strace $0x90000046  }
0xb9: {  	s29 =	simm.s32 $0x9;
	_ =	strace $0x80000048  }
0xba: {  	_ =	swait.ge [sflag:s29], $0x1  }
0xbb: {  	[sflag:s29] =	ssyncadd.s32 $0xFFFFFFFF  }
0xbc: {  	_ =	strace $0x90000048  }
0xbd: {  	_ =	sfence  }
0xbe: {  	s30 =	sld [smem:$0x0];
	_ =	sdelay $0x2  }
0xbf: {  	s31 =	sshll.u32 s1, $0xD;
	s1 =	sshrl.u32 s1, $0x2  }
0xc0: {  	s3 =	sand.u32 $0x4000, s31;
	s1 =	sadd.s32 s1, s30  }
0xc1: {  	s0 =	sor.u32 s3, s0;
	s1 =	sshll.u32 s1, $0x11  }
0xc2: {  	s0 =	sor.u32 s1, s0  }
0xc3: {  	s0 =	sadd.s32 $0x8F2B, s0  }
0xc4: {  	[sflag:s0] =	ssyncadd.remote.s32 $0x1  }
0xc5: {  	_ =	sfence.sel $0xFFFF  }
0xc6: {  	[dreg:$0x0] =	wrdreg $0xFFFFFFFF;
	(pc) =	sbr.abs _section_cstart, $3  }
0xc7: {  	[dreg:$0x1] =	wrdreg $0xFFFFFFFF  }
0xc8: {  	_ =	task.clear_ibuf [dreg:s7], $0x2FFFF;
	_ =	strace $0x9FFFFFFF  }
0xc9: {  	(tm) =	ssettm $0x7FFFFFFF  }
tec
execute0_lowered:
.L_overlay_start_1:
0x0: {  	(tag) =	ssettag $0x1  }
0x1: {  	s0 =	rddreg [dreg:$0x0]  }
0x2: {  	s1 =	rddreg [dreg:$0x1]  }
0x3: {  	s2 =	rddreg [dreg:$0x2];
	s3 =	simm.s32 $0x0  }
0x4: {  	s14 =	stileid.u32;
	s4 =	srdreg.scid;
	s17 =	simm.s32 $0x7  }
0x5: {  	s19 =	simm.s32 $0x13880;
	s20 =	simm.s32 $0x15F90;
	s21 =	simm.s32 $0x50  }
0x6: {  	s22 =	simm.s32 $0x186A0;
	s28 =	simm.s32 $0x1D6A0;
	s29 =	simm.s32 $0x2  }
0x7: {  	s31 =	simm.s32 $0x4;
	s23 =	simm.s32 $0x18600;
	[smem:$0x7FF] =	sst s3  }
0x8: {  	s5 =	smul.u32 $0x13800, s14;
	s6 =	sand.u32 $0x1, s4;
	s4 =	sadd.s32 $0xBC00, s0  }
0x9: {  	s15 =	sadd.s32 $0x5A000, s0;
	s16 =	sadd.s32 $0x81200, s0;
	s24 =	sshll.u32 s14, $0x6  }
0xa: {  	p1 =	sne.s32 s14, $0xF;
	p2 =	seq.s32 s14, $0xF;
	_ =	strace $0x80000047  }
0xb: {  	s7 =	sshll.u32 s6, $0x4;
	s8 =	ssub.s32 $0x2, s6;
	[dreg:$0x4] =	wrdreg s15  }
0xc: {  	p0 =	seq.s32 s6, $0x1;
	[dreg:$0x5] =	wrdreg s16;
	s6 =	simm.s32 $0x6  }
0xd: {  	s10 =	sshrl.u32 s5, $0x3;
	s7 =	sor.u32 s14, s7;
	s11 =	sshrl.u32 s8, $0x1  }
0xe: {  	s5 =	sadd.s32 s5, s2;
	s14 =	simm.s32 $0x5;
	s9 =	sadd.s32 s10, s0  }
0xf: {  	s7 =	smul.u32 $0x2710, s7;
	s13 =	ssub.s32 s8, s11;
	s8 =	sor.u32 $0x1C07, s24  }
0x10: {  	s11 =	sadd.s32 $0x59E00, s0;
	s26 =	sadd.s32 s15, s10;
	s30 =	sadd.s32 s16, s10  }
0x11: {  	s16 =	sshrl.u32 s5, $0x3;
	s24 =	simm.s32 $0x1AEA0;
	s5 =	simm.s32 $0x139C0  }
.Ltmp0:
0x12: {  	s10 =	simm.s32 $0x0;
	[dreg:$0x7] =	wrdreg s26;
	(pc) =	sbr.rel .LBB2_1-.Ltmp0, $4  }
0x13: {  	[dreg:$0x8] =	wrdreg s30;
	s15 =	smax.u32 s13, $0x1;
	s25 =	sshrl.u32 s7, $0x3  }
0x14: {  	s26 =	simm.s32 $0x18650;
	s7 =	sadd.s32 $0x32E00, s9;
	s9 =	sadd.s32 s1, s25  }
0x15: {  	s1 =	sadd.s32 $0x138000, s2;
	s25 =	simm.s32 $0x1;
	s12 =	sadd.s32 $0x9C40, s9  }
0x16: {  	[dreg:$0x6] =	wrdreg s1;
	s18 =	sshrl.u32 @!p1 s1, $0x3;
	s1 =	simm.s32 $0x3  }
.LBB2_6:
0x17: {  	s13 =	rddreg [dreg:$0x6]  }
0x18: {  	s0 =	sadd.s32 $0x27000, s0;
	s13 =	sshrl.u32 s13, $0x3  }
0x19: {  	[hbm:s0], [sflag:s8] =	dma.local [spmem:s13], $0x100  }
0x1a: {  	_ =	swait.ge [sflag:s17], $0x100  }
0x1b: {  	[sflag:s17] =	ssyncset.done $0x0  }
0x1c: {  	[sflag:s17] =	ssyncadd.s32 $0xFFFFFF00  }
.LBB2_7:
0x1d: {  	s10 =	sadd.s32 $0x1, s10  }
0x1e: {  	p3 =	sne.s32 s10, s15  }
.Ltmp1:
0x1f: {  	_ = 	snop;
	(pc) =	sbr.rel @!p3 .LBB2_8-.Ltmp1, $1  }
0x20: {  	_ =	sdelay $0x3  }
.LBB2_1:
0x21: {  	[spmem:s16], [sflag:s8] =	dma.local [hbm:s7], $0x2700  }
0x22: {  	_ =	swait.ge [sflag:s17], $0x2700  }
0x23: {  	[sflag:s17] =	ssyncset.done $0x0  }
0x24: {  	s0 =	simm.s32 @!p1 $0x7;
	[sflag:s17] =	ssyncadd.s32 $0xFFFFD900  }
0x25: {  	[spmem:s18], [sflag:s8] =	dma.local @!p1 [hbm:s11], $0x100  }
0x26: {  	_ =	swait.ge @!p1 [sflag:s0], $0x100  }
0x27: {  	[sflag:s0] =	ssyncset.done @!p1 $0x0  }
0x28: {  	[sflag:s0] =	ssyncadd.s32 @!p1 $0xFFFFFF00  }
0x29: {  	[tilespmem:s19], [sflag:$0x7] =	stream.linear.gather [hbm4b:s9+s3], $0x2710, $0x38;
	[tilespmem:$0x1FEA0] =	vst v63  }
0x2a: {  	_ =	swait.ge [sflag:s17], $0x2710  }
0x2b: {  	[sflag:s17] =	ssyncset.done $0x0  }
0x2c: {  	[sflag:s17] =	ssyncadd.s32 $0xFFFFD8F0  }
0x2d: {  	[tilespmem:s20], [sflag:$0x7] =	stream.linear.gather [hbm4b:s12+s3], $0x2710, $0x38;
	[tilespmem:$0x1FEA0] =	vst v63  }
0x2e: {  	_ =	swait.ge [sflag:s17], $0x2710  }
0x2f: {  	[sflag:s17] =	ssyncset.done $0x0  }
0x30: {  	[sflag:s17] =	ssyncadd.s32 $0xFFFFD8F0  }
0x31: {  	[bflag:$0x0] =	sbarrier.arrive $0xFFFF  }
0x32: {  	[tilespmem:s22], [sflag:$0x1] =	stream.indirect.gather [hbm4b:s4+s21], $0x80, s19, s21, $0xb8;
	[tilespmem:$0x1FEA0] =	vst v63  }
0x33: {  	s13 =	simm.s32 $0x138D0  }
0x34: {  	[tilespmem:s24], [sflag:$0x2] =	stream.indirect.gather [hbm4b:s4+s21], $0x80, s13, s21, $0xb8;
	[tilespmem:$0x1FEA0] =	vst v63  }
0x35: {  	_ =	swait.ge [sflag:s25], $0x2800  }
0x36: {  	[sflag:s25] =	ssyncset.done $0x0  }
0x37: {  	[sflag:s25] =	ssyncadd.s32 $0xFFFFD800  }
0x38: {  	[spmem:s2] =	stream.indirect.scatter.add.f32 [tilespmem:s22], [sflag:$0x4], $0x80, s20, s21, $0xb8;
	[tilespmem:$0x1FEA0] =	vst v63  }
0x39: {  	s13 =	simm.s32 $0x13920  }
0x3a: {  	[tilespmem:s28], [sflag:$0x3] =	stream.indirect.gather [hbm4b:s4+s21], $0x80, s13, s21, $0xb8;
	[tilespmem:$0x1FEA0] =	vst v63  }
0x3b: {  	_ =	swait.ge [sflag:s29], $0x2800  }
0x3c: {  	[sflag:s29] =	ssyncset.done $0x0  }
0x3d: {  	s13 =	simm.s32 $0x15FE0;
	[sflag:s29] =	ssyncadd.s32 $0xFFFFD800  }
0x3e: {  	[spmem:s2] =	stream.indirect.scatter.add.f32 [tilespmem:s24], [sflag:$0x5], $0x80, s13, s21, $0xb8;
	[tilespmem:$0x1FEA0] =	vst v63  }
0x3f: {  	_ =	swait.ge [sflag:s31], $0x2800  }
0x40: {  	[sflag:s31] =	ssyncset.done $0x0  }
0x41: {  	s13 =	simm.s32 $0x13970;
	[sflag:s31] =	ssyncadd.s32 $0xFFFFD800  }
0x42: {  	[tilespmem:s22], [sflag:$0x1] =	stream.indirect.gather [hbm4b:s4+s21], $0x80, s13, s21, $0xb8;
	[tilespmem:$0x1FEA0] =	vst v63  }
0x43: {  	_ =	swait.ge [sflag:s1], $0x2800  }
0x44: {  	[sflag:s1] =	ssyncset.done $0x0  }
0x45: {  	s13 =	simm.s32 $0x16030;
	[sflag:s1] =	ssyncadd.s32 $0xFFFFD800  }
0x46: {  	[spmem:s2] =	stream.indirect.scatter.add.f32 [tilespmem:s28], [sflag:$0x6], $0x80, s13, s21, $0xb8;
	[tilespmem:$0x1FEA0] =	vst v63  }
0x47: {  	_ =	swait.ge [sflag:s14], $0x2800  }
0x48: {  	[sflag:s14] =	ssyncset.done $0x0  }
0x49: {  	[sflag:s14] =	ssyncadd.s32 $0xFFFFD800  }
0x4a: {  	[tilespmem:s24], [sflag:$0x2] =	stream.indirect.gather [hbm4b:s4+s21], $0x80, s5, s21, $0xb8;
	[tilespmem:$0x1FEA0] =	vst v63  }
0x4b: {  	_ =	swait.ge [sflag:s25], $0x2800  }
0x4c: {  	[sflag:s25] =	ssyncset.done $0x0  }
0x4d: {  	s13 =	simm.s32 $0x16080;
	[sflag:s25] =	ssyncadd.s32 $0xFFFFD800  }
0x4e: {  	[spmem:s2] =	stream.indirect.scatter.add.f32 [tilespmem:s22], [sflag:$0x4], $0x80, s13, s21, $0xb8;
	[tilespmem:$0x1FEA0] =	vst v63  }
0x4f: {  	_ =	swait.ge [sflag:s6], $0x2800  }
0x50: {  	[sflag:s6] =	ssyncset.done $0x0  }
0x51: {  	s13 =	simm.s32 $0x13A10;
	[sflag:s6] =	ssyncadd.s32 $0xFFFFD800  }
0x52: {  	[tilespmem:s28], [sflag:$0x3] =	stream.indirect.gather [hbm4b:s4+s21], $0x80, s13, s21, $0xb8;
	[tilespmem:$0x1FEA0] =	vst v63  }
0x53: {  	_ =	swait.ge [sflag:s29], $0x2800  }
0x54: {  	[sflag:s29] =	ssyncset.done $0x0  }
0x55: {  	s13 =	simm.s32 $0x160D0;
	[sflag:s29] =	ssyncadd.s32 $0xFFFFD800  }
0x56: {  	[spmem:s2] =	stream.indirect.scatter.add.f32 [tilespmem:s24], [sflag:$0x5], $0x80, s13, s21, $0xb8;
	[tilespmem:$0x1FEA0] =	vst v63  }
0x57: {  	_ =	swait.ge [sflag:s31], $0x2800  }
0x58: {  	[sflag:s31] =	ssyncset.done $0x0  }
0x59: {  	s13 =	simm.s32 $0x13A60;
	[sflag:s31] =	ssyncadd.s32 $0xFFFFD800  }
0x5a: {  	[tilespmem:s22], [sflag:$0x1] =	stream.indirect.gather [hbm4b:s4+s21], $0x80, s13, s21, $0xb8;
	[tilespmem:$0x1FEA0] =	vst v63  }
0x5b: {  	_ =	swait.ge [sflag:s1], $0x2800  }
0x5c: {  	[sflag:s1] =	ssyncset.done $0x0  }
0x5d: {  	s13 =	simm.s32 $0x16120;
	[sflag:s1] =	ssyncadd.s32 $0xFFFFD800  }
0x5e: {  	[spmem:s2] =	stream.indirect.scatter.add.f32 [tilespmem:s28], [sflag:$0x6], $0x80, s13, s21, $0xb8;
	[tilespmem:$0x1FEA0] =	vst v63  }
0x5f: {  	_ =	swait.ge [sflag:s14], $0x2800  }
0x60: {  	[sflag:s14] =	ssyncset.done $0x0  }
0x61: {  	s30 =	simm.s32 $0x3C0;
	s0 =	simm.s32 $0x13AB0;
	[sflag:s14] =	ssyncadd.s32 $0xFFFFD800  }
.LBB2_2:
0x62: {  	[tilespmem:s24], [sflag:$0x2] =	stream.indirect.gather [hbm4b:s4+s21], $0x80, s0, s21, $0xb8;
	[tilespmem:$0x1FEA0] =	vst v63  }
0x63: {  	s0 =	smov.u32 s30  }
0x64: {  	p3 =	sne.s32 s30, $0x9240;
	s30 =	sadd.s32 $0x3C0, s30;
	_ =	swait.ge [sflag:s25], $0x2800  }
0x65: {  	s0 =	sshra.s32 s0, $0x2;
	[sflag:s25] =	ssyncset.done $0x0  }
0x66: {  	s13 =	sadd.s32 $0x16080, s0;
	[sflag:s25] =	ssyncadd.s32 $0xFFFFD800  }
0x67: {  	[spmem:s2] =	stream.indirect.scatter.add.f32 [tilespmem:s22], [sflag:$0x4], $0x80, s13, s21, $0xb8;
	[tilespmem:$0x1FEA0] =	vst v63  }
0x68: {  	_ =	swait.ge [sflag:s6], $0x2800  }
0x69: {  	[sflag:s6] =	ssyncset.done $0x0  }
0x6a: {  	s13 =	sadd.s32 $0x13A10, s0;
	[sflag:s6] =	ssyncadd.s32 $0xFFFFD800  }
0x6b: {  	[tilespmem:s28], [sflag:$0x3] =	stream.indirect.gather [hbm4b:s4+s21], $0x80, s13, s21, $0xb8;
	[tilespmem:$0x1FEA0] =	vst v63  }
0x6c: {  	_ =	swait.ge [sflag:s29], $0x2800  }
0x6d: {  	[sflag:s29] =	ssyncset.done $0x0  }
0x6e: {  	s13 =	sadd.s32 $0x160D0, s0;
	[sflag:s29] =	ssyncadd.s32 $0xFFFFD800  }
0x6f: {  	[spmem:s2] =	stream.indirect.scatter.add.f32 [tilespmem:s24], [sflag:$0x5], $0x80, s13, s21, $0xb8;
	[tilespmem:$0x1FEA0] =	vst v63  }
0x70: {  	_ =	swait.ge [sflag:s31], $0x2800  }
0x71: {  	[sflag:s31] =	ssyncset.done $0x0  }
0x72: {  	s13 =	sadd.s32 $0x13A60, s0;
	[sflag:s31] =	ssyncadd.s32 $0xFFFFD800  }
0x73: {  	[tilespmem:s22], [sflag:$0x1] =	stream.indirect.gather [hbm4b:s4+s21], $0x80, s13, s21, $0xb8;
	[tilespmem:$0x1FEA0] =	vst v63  }
0x74: {  	_ =	swait.ge [sflag:s1], $0x2800  }
0x75: {  	[sflag:s1] =	ssyncset.done $0x0  }
.Ltmp2:
0x76: {  	s13 =	sadd.s32 $0x16120, s0;
	[sflag:s1] =	ssyncadd.s32 $0xFFFFD800;
	(pc) =	sbr.rel @p3 .LBB2_2-.Ltmp2, $4  }
0x77: {  	[spmem:s2] =	stream.indirect.scatter.add.f32 [tilespmem:s28], [sflag:$0x6], $0x80, s13, s21, $0xb8;
	[tilespmem:$0x1FEA0] =	vst v63  }
0x78: {  	_ =	swait.ge [sflag:s14], $0x2800  }
0x79: {  	[sflag:s14] =	ssyncset.done $0x0  }
0x7a: {  	s0 =	sadd.s32 $0x13AB0, s0;
	[sflag:s14] =	ssyncadd.s32 $0xFFFFD800  }
0x7b: {  	[tilespmem:s24], [sflag:$0x2] =	stream.indirect.gather [hbm4b:s4+s21], $0x80, s0, s21, $0xb8;
	[tilespmem:$0x1FEA0] =	vst v63  }
0x7c: {  	_ =	swait.ge [sflag:s25], $0x2800  }
0x7d: {  	[sflag:s25] =	ssyncset.done $0x0  }
0x7e: {  	[sflag:s25] =	ssyncadd.s32 $0xFFFFD800  }
0x7f: {  	[spmem:s2] =	stream.indirect.scatter.add.f32 [tilespmem:s22], [sflag:$0x4], $0x80, s23, s21, $0xb8;
	[tilespmem:$0x1FEA0] =	vst v63  }
0x80: {  	_ =	swait.ge [sflag:s6], $0x2800  }
0x81: {  	[sflag:s6] =	ssyncset.done $0x0  }
0x82: {  	[sflag:s6] =	ssyncadd.s32 $0xFFFFD800  }
0x83: {  	_ =	swait.ge [sflag:s29], $0x2800  }
0x84: {  	[sflag:s29] =	ssyncset.done $0x0  }
0x85: {  	[sflag:s29] =	ssyncadd.s32 $0xFFFFD800  }
0x86: {  	[spmem:s2] =	stream.indirect.scatter.add.f32 [tilespmem:s24], [sflag:$0x5], $0x80, s26, s21, $0xb8;
	[tilespmem:$0x1FEA0] =	vst v63  }
0x87: {  	_ =	swait.ge [sflag:s31], $0x2800  }
0x88: {  	[sflag:s31] =	ssyncset.done $0x0  }
0x89: {  	[sflag:s31] =	ssyncadd.s32 $0xFFFFD800  }
.Ltmp3:
0x8a: {  	_ =	swait.ge [sflag:s14], $0x2800;
	(pc) =	sbr.rel @!p0 .LBB2_4-.Ltmp3, $3  }
0x8b: {  	[sflag:s14] =	ssyncset.done $0x0  }
0x8c: {  	[sflag:s14] =	ssyncadd.s32 $0xFFFFD800  }
0x8d: {  	[bflag:$0x0] =	sbarrier.arrive $0xFFFF;
	_ =	sdelay $0x1  }
0x8e: {  	s0 =	rddreg [dreg:$0x8]  }
0x8f: {  	[hbm:s0], [sflag:s8] =	dma.local [spmem:s16], $0x2700  }
.Ltmp4:
0x90: {  	_ = 	snop;
	(pc) =	sbr.rel @p1 .LBB2_7-.Ltmp4, $4  }
.Ltmp5:
0x91: {  	_ = 	snop;
	(pc) =	sbr.rel @!p1 .LBB2_6-.Ltmp5, $4  }
0x92: {  	_ =	swait.ge [sflag:s17], $0x2700  }
0x93: {  	[sflag:s17] =	ssyncset.done $0x0  }
0x94: {  	s0 =	rddreg [dreg:$0x5];
	[sflag:s17] =	ssyncadd.s32 $0xFFFFD900  }
0x95: {  	_ = 	snop  }
.LBB2_4:
0x96: {  	s0 =	rddreg [dreg:$0x7]  }
0x97: {  	[hbm:s0], [sflag:s8] =	dma.local [spmem:s16], $0x2700  }
.Ltmp6:
0x98: {  	_ = 	snop;
	(pc) =	sbr.rel @p2 .LBB2_6-.Ltmp6, $4  }
.Ltmp7:
0x99: {  	_ = 	snop;
	(pc) =	sbr.rel @!p2 .LBB2_7-.Ltmp7, $4  }
0x9a: {  	_ =	swait.ge [sflag:s17], $0x2700  }
0x9b: {  	[sflag:s17] =	ssyncset.done $0x0  }
0x9c: {  	s0 =	rddreg [dreg:$0x4];
	[sflag:s17] =	ssyncadd.s32 $0xFFFFD900  }
0x9d: {  	_ = 	snop  }
.LBB2_8:
0x9e: {  	_ =	sfence.sel $0x180000  }
0x9f: {  	[bflag:$0x0] =	sbarrier.arrive $0xFFFF  }
0xa0: {  	_ =	strace $0x90000047  }
0xa1: {  	s0 =	stileid.u32;
	[bflag:$0x2] =	sbarrier.arrive $0xFFFF  }
0xa2: {  	p0 =	sne.s32 s0, $0x0;
	s0 =	rddreg [dreg:$0x3]  }
0xa3: {  	s0 =	sadd.s32 @!p0 $0x100000, s0  }
0xa4: {  	[sflag:s0] =	ssyncadd.tile.s32 @!p0 $0x1;
	_ =	shalt  }
.Lfunc_end2:
_tile_overlayer_lowered:
.L_overlay_start_2:
0xa5: {  	(tag) =	ssettag $0x2  }
0xa6: {  	s0 =	rddreg [dreg:$0x0];
	s2 =	stileid.u32  }
0xa7: {  	s1 =	rddreg [dreg:$0x1];
	p0 =	sne.s32 s2, $0x0  }
0xa8: {  	s3 =	rddreg [dreg:$0x2];
	[bflag:$0x3] =	sbarrier.arrive $0xFFFF;
	s2 =	simm.s32 @!p0 $0x1C07  }
0xa9: {  	[timem:s3], [sflag:s2] =	dma.local @!p0 [hbm:s0], s1  }
0xaa: {  	s0 =	simm.s32 @!p0 $0x7  }
0xab: {  	_ =	swait.ge @!p0 [sflag:s0], s1  }
0xac: {  	s1 =	ssub.s32 @!p0 $0x0, s1;
	[sflag:s0] =	ssyncset.done @!p0 $0x0  }
0xad: {  	[sflag:s0] =	ssyncadd.s32 @!p0 s1  }
0xae: {  	[bflag:$0x3] =	sbarrier.arrive $0xFFFF  }
0xaf: {  	_ =	shalt  }

// kernel: kernel.15.cloned.1.call-start
scs
__scs_entry_jumppad:
0x0: {  	(pc) =	sbr.rel $0x88, $3  }
0x1: {  	(tag) =	ssettag $0x0;
	lr =	simm.s32 $0x1  }
0x2: {  	[smem:$0x3F5E] =	sst lr;
	_ =	strace $0xD0000000  }
0x3: {  	_ = 	snop  }
0x4: {  	_ = 	snop  }
0x5: {  	_ = 	snop  }
0x6: {  	_ = 	snop  }
0x7: {  	_ = 	snop  }
__scs_overlays_trampoline_lowered:
0x8: {  	[smem:$0x3F6D] =	sst s0  }
0x9: {  	[smem:$0x3F6E] =	sst s1  }
0xa: {  	[smem:$0x3F6F] =	sst s2  }
0xb: {  	[smem:$0x3F70] =	sst s3  }
0xc: {  	[smem:$0x3F71] =	sst s4  }
0xd: {  	[smem:$0x3F72] =	sst s5  }
0xe: {  	[smem:$0x3F73] =	sst s6  }
0xf: {  	[smem:$0x3F74] =	sst s7  }
0x10: {  	[smem:$0x3F75] =	sst s8  }
0x11: {  	[smem:$0x3F76] =	sst s9;
	s0 =	simm.s32 @!p0 $0x0  }
0x12: {  	s1 =	sld [smem:$0x3F5C];
	s0 =	simm.s32 @p0 $0x1  }
0x13: {  	[smem:$0x3F77] =	sst s0;
	s0 =	simm.s32 @!p1 $0x0  }
0x14: {  	s2 =	sld [smem:$0x3F5B];
	s0 =	simm.s32 @p1 $0x1  }
0x15: {  	[smem:$0x3F78] =	sst s0;
	s0 =	simm.s32 @!p2 $0x0  }
0x16: {  	s3 =	sld [smem:$0x3FDB];
	s0 =	simm.s32 @p2 $0x1  }
0x17: {  	s4 =	simm.s32 $0x1BF5;
	[smem:$0x3F7A] =	sst s0  }
0x18: {  	s0 =	sld [smem:$0x3F5D];
	_ =	swait.ge [sflag:s4], $0x0  }
0x19: {  	s7 =	sld [smem:$0x3F5E]  }
0x1a: {  	s8 =	sadd.s32 $0xFFFFE003, lr  }
0x1b: {  	s9 =	sadd.s32 $0xFFFFFEF7, lr;
	s5 =	simm.s32 $0xFFFFFFFF;
	p2 =	slt.u32 s8, $0xFFFFF086  }
0x1c: {  	p1 =	slt.u32 s9, $0xF7A;
	s5 =	simm.s32 @!p2 $0x0  }
0x1d: {  	s5 =	simm.s32 @p1 $0x1;
	p0 =	seq.s32 s7, s2  }
0x1e: {  	s7 =	smul.u32 @!p0 $0xF7A, s2;
	p2 =	seq.s32 @!p0 s5, $0x0  }
0x1f: {  	s9 =	smul.u32 $0xF7A, s1;
	s8 =	simm.s32 @!p0 $0x1BF5;
	p2 =	por !p2, p0  }
0x20: {  	[sflag:s8] =	ssyncset.s32 @!p0 $0xFFFFF086;
	s6 =	sadd.s32 @!p0 s3, s7;
	s7 =	simm.s32 @!p0 $0x108  }
0x21: {  	s3 =	sadd.s32 s3, s9;
	s6 =	sadd.s32 @!p0 $0x88, s6;
	s7 =	simm.s32 @p2 $0x1082  }
0x22: {  	[simem:s7], [sflag:s8] =	dma.local @!p0 [hbm:s6], $0xF7A  }
0x23: {  	s9 =	sor.u32 $0xD0000000, s2;
	s6 =	simm.s32 $0x108;
	_ =	swait.ge @!p0 [sflag:s8], $0x0  }
0x24: {  	s3 =	sadd.s32 $0x88, s3;
	s6 =	simm.s32 @!p1 $0x1082;
	[sflag:s4] =	ssyncset.s32 $0xFFFFF086  }
0x25: {  	[simem:s6], [sflag:s4] =	dma.local [hbm:s3], $0xF7A  }
0x26: {  	[smem:$0x3F5E] =	sst s1;
	(tag) =	ssettag s2;
	_ =	strace s9  }
0x27: {  	s1 =	sld [smem:$0x3F6E]  }
0x28: {  	s2 =	sld [smem:$0x3F6F]  }
0x29: {  	s4 =	sld [smem:$0x3F71]  }
0x2a: {  	p0 =	seq.s32 s5, $0x0;
	s5 =	sld [smem:$0x3F72]  }
0x2b: {  	s6 =	sld [smem:$0x3F73]  }
0x2c: {  	s7 =	sld [smem:$0x3F74]  }
0x2d: {  	s3 =	simm.s32 $0x108;
	s8 =	sld [smem:$0x3F75]  }
0x2e: {  	s3 =	simm.s32 @!p0 $0x1082;
	s9 =	sld [smem:$0x3F76]  }
0x2f: {  	lr =	sadd.s32 s0, s3;
	s0 =	sld [smem:$0x3F6D]  }
0x30: {  	s3 =	sld [smem:$0x3F70]  }
0x31: {  	[smem:$0x3F79] =	sst s10  }
0x32: {  	s10 =	sld [smem:$0x3F77];
	_ =	sdelay $0x3  }
0x33: {  	p0 =	seq.s32 s10, $0x1;
	s10 =	sld [smem:$0x3F79];
	_ =	sdelay $0x3  }
0x34: {  	[smem:$0x3F79] =	sst s10  }
0x35: {  	s10 =	sld [smem:$0x3F78];
	_ =	sdelay $0x3  }
0x36: {  	p1 =	seq.s32 s10, $0x1;
	s10 =	sld [smem:$0x3F79];
	_ =	sdelay $0x3  }
0x37: {  	[smem:$0x3F79] =	sst s10  }
0x38: {  	s10 =	sld [smem:$0x3F7A]  }
0x39: {  	_ = 	snop;
	(pc) =	sbr.ind lr, $3  }
0x3a: {  	_ = 	snop  }
0x3b: {  	_ = 	snop  }
0x3c: {  	p2 =	seq.s32 s10, $0x1;
	s10 =	sld [smem:$0x3F79]  }
0x3d: {  	_ =	shalt  }
0x3e: {  	_ =	shalt  }
0x3f: {  	_ =	shalt  }
0x40: {  	_ =	shalt  }
0x41: {  	_ =	shalt  }
0x42: {  	_ =	shalt  }
0x43: {  	_ =	shalt  }
0x44: {  	_ =	shalt  }
0x45: {  	_ =	shalt  }
0x46: {  	_ =	shalt  }
0x47: {  	_ =	shalt  }
0x48: {  	_ =	shalt  }
0x49: {  	_ =	shalt  }
0x4a: {  	_ =	shalt  }
0x4b: {  	_ =	shalt  }
0x4c: {  	_ =	shalt  }
0x4d: {  	_ =	shalt  }
0x4e: {  	_ =	shalt  }
0x4f: {  	_ =	shalt  }
0x50: {  	_ =	shalt  }
0x51: {  	_ =	shalt  }
0x52: {  	_ =	shalt  }
0x53: {  	_ =	shalt  }
0x54: {  	_ =	shalt  }
0x55: {  	_ =	shalt  }
0x56: {  	_ =	shalt  }
0x57: {  	_ =	shalt  }
0x58: {  	_ =	shalt  }
0x59: {  	_ =	shalt  }
0x5a: {  	_ =	shalt  }
0x5b: {  	_ =	shalt  }
0x5c: {  	_ =	shalt  }
0x5d: {  	_ =	shalt  }
0x5e: {  	_ =	shalt  }
0x5f: {  	_ =	shalt  }
0x60: {  	_ =	shalt  }
0x61: {  	_ =	shalt  }
0x62: {  	_ =	shalt  }
0x63: {  	_ =	shalt  }
0x64: {  	_ =	shalt  }
0x65: {  	_ =	shalt  }
0x66: {  	_ =	shalt  }
0x67: {  	_ =	shalt  }
0x68: {  	_ =	shalt  }
0x69: {  	_ =	shalt  }
0x6a: {  	_ =	shalt  }
0x6b: {  	_ =	shalt  }
0x6c: {  	_ =	shalt  }
0x6d: {  	_ =	shalt  }
0x6e: {  	_ =	shalt  }
0x6f: {  	_ =	shalt  }
0x70: {  	_ =	shalt  }
0x71: {  	_ =	shalt  }
0x72: {  	_ =	shalt  }
0x73: {  	_ =	shalt  }
0x74: {  	_ =	shalt  }
0x75: {  	_ =	shalt  }
0x76: {  	_ =	shalt  }
0x77: {  	_ =	shalt  }
0x78: {  	_ =	shalt  }
0x79: {  	_ =	shalt  }
0x7a: {  	_ =	shalt  }
0x7b: {  	_ =	shalt  }
0x7c: {  	_ =	shalt  }
0x7d: {  	_ =	shalt  }
0x7e: {  	_ =	shalt  }
0x7f: {  	_ =	shalt  }
0x80: {  	_ =	shalt  }
0x81: {  	_ =	shalt  }
0x82: {  	_ =	shalt  }
0x83: {  	_ =	shalt  }
0x84: {  	_ =	shalt  }
0x85: {  	_ =	shalt  }
0x86: {  	_ =	shalt  }
0x87: {  	_ =	shalt  }
.Lfunc_end0:
.L_simem_size_0:
called_computation.1_lowered:
.L_overlay_start_0:
0x88: {  	s2 =	sld [smem:$0x3FD9]  }
0x89: {  	s3 =	sld [smem:$0x3FFE];
	_ =	sdelay $0x1  }
0x8a: {  	s1 =	srdreg.scid  }
0x8b: {  	s0 =	sand.u32 $0x1, s1  }
0x8c: {  	s14 =	sshll.u32 s0, $0xA;
	s2 =	sadd.s32 s3, s2  }
0x8d: {  	s2 =	sadd.s32 s2, s14  }
0x8e: {  	[smem:$0x3F85] =	sst s2  }
0x8f: {  	_ = 	snop  }
0x90: {  	s2 =	sld [smem:$0x3FD0];
	_ =	sdelay $0x2  }
0x91: {  	s15 =	simm.s32 $0xA;
	s4 =	simm.s32 $0x10  }
0x92: {  	[smem:s4], [sflag:s15] =	dma.local [hbm:s2], $0x1  }
0x93: {  	_ =	swait.eq [sflag:s15], $0x1  }
0x94: {  	[sflag:s15] =	ssyncset.done $0x0  }
0x95: {  	[sflag:s15] =	ssyncadd.s32 $0xFFFFFFFF  }
0x96: {  	s16 =	sld [smem:$0x12];
	(tm) =	ssettm $0x1  }
0x97: {  	s17 =	sld [smem:$0x3FFB];
	_ =	sdelay $0x3  }
0x98: {  	_ =	strace s17  }
0x99: {  	s3 =	sld [smem:$0x3FFC];
	_ =	sdelay $0x3  }
0x9a: {  	_ =	strace s3  }
0x9b: {  	s3 =	sld [smem:$0x3FFD];
	_ =	sdelay $0x3  }
0x9c: {  	_ =	strace s3  }
0x9d: {  	_ =	strace $0x8FFFFFFF  }
0x9e: {  	s18 =	sld [smem:$0x3FDB];
	_ =	sdelay $0x1  }
0x9f: {  	s19 =	simm.s32 $_scs_section_size  }
0xa0: {  	s5 =	simm.s32 $_size__tile_overlayer_lowered;
	s6 =	simm.s32 $_tile_overlayer_lowered  }
0xa1: {  	s22 =	simm.s32 $0x1BFF;
	s21 =	sshll.u32 s6, $0x1;
	s3 =	sadd.s32 s19, s18  }
0xa2: {  	s7 =	simm.s32 $0x0;
	s20 =	sshll.u32 s5, $0x1;
	s5 =	sadd.s32 s21, s3  }
0xa3: {  	[timem:s7], [sflag:s22] =	dma.local [hbm:s5], s20  }
0xa4: {  	_ =	swait.ge [sflag:s22], s20  }
0xa5: {  	s4 =	ssub.s32 $0x0, s20;
	[sflag:s22] =	ssyncset.done $0x0  }
0xa6: {  	[sflag:s22] =	ssyncadd.s32 s4;
	_ =	sdelay $0x1  }
0xa7: {  	s23 =	simm.s32 $0x1B8B  }
0xa8: {  	_ =	swait.ge [sflag:s23], $0x1  }
0xa9: {  	[sflag:s23] =	ssyncset.done $0x0  }
0xaa: {  	s25 =	simm.s32 $0x1B8E;
	s24 =	sld [smem:$0x3FFE];
	[sflag:s23] =	ssyncadd.s32 $0xFFFFFFFF  }
0xab: {  	s26 =	simm.s32 $execute0_lowered;
	[smem:$0x3FD2] =	sst s25  }
0xac: {  	s5 =	sshll.u32 s26, $0x1;
	_ =	strace $0x80000049;
	[dreg:$0x1] =	wrdreg $0xFFFFFFFF  }
0xad: {  	s28 =	simm.s32 $_size_execute0_lowered;
	s3 =	sadd.s32 s3, s5;
	[dreg:$0x0] =	wrdreg $0x0  }
0xae: {  	s5 =	sshll.u32 s28, $0x1;
	[dreg:$0x2] =	wrdreg s3  }
0xaf: {  	[dreg:$0x3] =	wrdreg s5  }
0xb0: {  	[dreg:$0x4] =	wrdreg $0xC0  }
0xb1: {  	_ =	task [dreg:s7], $0x5FFFF  }
0xb2: {  	[dreg:$0x1] =	wrdreg $0xFFFFFFFF  }
0xb3: {  	[dreg:$0x0] =	wrdreg $0x60  }
0xb4: {  	[dreg:$0x2] =	wrdreg s24  }
0xb5: {  	[dreg:$0x3] =	wrdreg s16  }
0xb6: {  	[dreg:$0x4] =	wrdreg $0x0  }
0xb7: {  	[dreg:$0x5] =	wrdreg $0x9  }
0xb8: {  	_ =	task.clear_ibuf [dreg:s7], $0x6FFFF;
	_ =	strace $0x90000049  }
0xb9: {  	s29 =	simm.s32 $0x9;
	_ =	strace $0x8000004B  }
0xba: {  	_ =	swait.ge [sflag:s29], $0x1  }
0xbb: {  	[sflag:s29] =	ssyncadd.s32 $0xFFFFFFFF  }
0xbc: {  	_ =	strace $0x9000004B  }
0xbd: {  	_ =	sfence  }
0xbe: {  	s30 =	sld [smem:$0x0];
	_ =	sdelay $0x2  }
0xbf: {  	s31 =	sshll.u32 s1, $0xD;
	s1 =	sshrl.u32 s1, $0x2  }
0xc0: {  	s3 =	sand.u32 $0x4000, s31;
	s1 =	sadd.s32 s1, s30  }
0xc1: {  	s0 =	sor.u32 s3, s0;
	s1 =	sshll.u32 s1, $0x11  }
0xc2: {  	s0 =	sor.u32 s1, s0  }
0xc3: {  	s0 =	sadd.s32 $0x8F2B, s0  }
0xc4: {  	[sflag:s0] =	ssyncadd.remote.s32 $0x1  }
0xc5: {  	_ =	sfence.sel $0xFFFF  }
0xc6: {  	[dreg:$0x0] =	wrdreg $0xFFFFFFFF;
	(pc) =	sbr.abs _section_cstart, $3  }
0xc7: {  	[dreg:$0x1] =	wrdreg $0xFFFFFFFF  }
0xc8: {  	_ =	task.clear_ibuf [dreg:s7], $0x2FFFF;
	_ =	strace $0x9FFFFFFF  }
0xc9: {  	(tm) =	ssettm $0x7FFFFFFF  }
tec
execute0_lowered:
.L_overlay_start_1:
0x0: {  	(tag) =	ssettag $0x1  }
0x1: {  	s0 =	rddreg [dreg:$0x0]  }
0x2: {  	s1 =	rddreg [dreg:$0x1]  }
0x3: {  	s2 =	rddreg [dreg:$0x2];
	s3 =	simm.s32 $0x0  }
0x4: {  	s14 =	stileid.u32;
	s4 =	srdreg.scid;
	s17 =	simm.s32 $0x7  }
0x5: {  	s19 =	simm.s32 $0x13880;
	s20 =	simm.s32 $0x15F90;
	s21 =	simm.s32 $0x50  }
0x6: {  	s22 =	simm.s32 $0x186A0;
	s28 =	simm.s32 $0x1D6A0;
	s29 =	simm.s32 $0x2  }
0x7: {  	s31 =	simm.s32 $0x4;
	s23 =	simm.s32 $0x18600;
	[smem:$0x7FF] =	sst s3  }
0x8: {  	s5 =	smul.u32 $0x13800, s14;
	s6 =	sand.u32 $0x1, s4;
	s4 =	sadd.s32 $0xBC00, s0  }
0x9: {  	s15 =	sadd.s32 $0x5A000, s0;
	s16 =	sadd.s32 $0x81200, s0;
	s24 =	sshll.u32 s14, $0x6  }
0xa: {  	p1 =	sne.s32 s14, $0xF;
	p2 =	seq.s32 s14, $0xF;
	_ =	strace $0x8000004A  }
0xb: {  	s7 =	sshll.u32 s6, $0x4;
	s8 =	ssub.s32 $0x2, s6;
	[dreg:$0x4] =	wrdreg s15  }
0xc: {  	p0 =	seq.s32 s6, $0x1;
	[dreg:$0x5] =	wrdreg s16;
	s6 =	simm.s32 $0x6  }
0xd: {  	s10 =	sshrl.u32 s5, $0x3;
	s7 =	sor.u32 s14, s7;
	s11 =	sshrl.u32 s8, $0x1  }
0xe: {  	s5 =	sadd.s32 s5, s2;
	s14 =	simm.s32 $0x5;
	s9 =	sadd.s32 s10, s0  }
0xf: {  	s7 =	smul.u32 $0x2710, s7;
	s13 =	ssub.s32 s8, s11;
	s8 =	sor.u32 $0x1C07, s24  }
0x10: {  	s11 =	sadd.s32 $0x59E00, s0;
	s26 =	sadd.s32 s15, s10;
	s30 =	sadd.s32 s16, s10  }
0x11: {  	s16 =	sshrl.u32 s5, $0x3;
	s24 =	simm.s32 $0x1AEA0;
	s5 =	simm.s32 $0x139C0  }
.Ltmp0:
0x12: {  	s10 =	simm.s32 $0x0;
	[dreg:$0x7] =	wrdreg s26;
	(pc) =	sbr.rel .LBB2_1-.Ltmp0, $4  }
0x13: {  	[dreg:$0x8] =	wrdreg s30;
	s15 =	smax.u32 s13, $0x1;
	s25 =	sshrl.u32 s7, $0x3  }
0x14: {  	s26 =	simm.s32 $0x18650;
	s7 =	sadd.s32 $0x32E00, s9;
	s9 =	sadd.s32 s1, s25  }
0x15: {  	s1 =	sadd.s32 $0x138000, s2;
	s25 =	simm.s32 $0x1;
	s12 =	sadd.s32 $0x9C40, s9  }
0x16: {  	[dreg:$0x6] =	wrdreg s1;
	s18 =	sshrl.u32 @!p1 s1, $0x3;
	s1 =	simm.s32 $0x3  }
.LBB2_6:
0x17: {  	s13 =	rddreg [dreg:$0x6]  }
0x18: {  	s0 =	sadd.s32 $0x27000, s0;
	s13 =	sshrl.u32 s13, $0x3  }
0x19: {  	[hbm:s0], [sflag:s8] =	dma.local [spmem:s13], $0x100  }
0x1a: {  	_ =	swait.ge [sflag:s17], $0x100  }
0x1b: {  	[sflag:s17] =	ssyncset.done $0x0  }
0x1c: {  	[sflag:s17] =	ssyncadd.s32 $0xFFFFFF00  }
.LBB2_7:
0x1d: {  	s10 =	sadd.s32 $0x1, s10  }
0x1e: {  	p3 =	sne.s32 s10, s15  }
.Ltmp1:
0x1f: {  	_ = 	snop;
	(pc) =	sbr.rel @!p3 .LBB2_8-.Ltmp1, $1  }
0x20: {  	_ =	sdelay $0x3  }
.LBB2_1:
0x21: {  	[spmem:s16], [sflag:s8] =	dma.local [hbm:s7], $0x2700  }
0x22: {  	_ =	swait.ge [sflag:s17], $0x2700  }
0x23: {  	[sflag:s17] =	ssyncset.done $0x0  }
0x24: {  	s0 =	simm.s32 @!p1 $0x7;
	[sflag:s17] =	ssyncadd.s32 $0xFFFFD900  }
0x25: {  	[spmem:s18], [sflag:s8] =	dma.local @!p1 [hbm:s11], $0x100  }
0x26: {  	_ =	swait.ge @!p1 [sflag:s0], $0x100  }
0x27: {  	[sflag:s0] =	ssyncset.done @!p1 $0x0  }
0x28: {  	[sflag:s0] =	ssyncadd.s32 @!p1 $0xFFFFFF00  }
0x29: {  	[tilespmem:s19], [sflag:$0x7] =	stream.linear.gather [hbm4b:s9+s3], $0x2710, $0x38;
	[tilespmem:$0x1FEA0] =	vst v63  }
0x2a: {  	_ =	swait.ge [sflag:s17], $0x2710  }
0x2b: {  	[sflag:s17] =	ssyncset.done $0x0  }
0x2c: {  	[sflag:s17] =	ssyncadd.s32 $0xFFFFD8F0  }
0x2d: {  	[tilespmem:s20], [sflag:$0x7] =	stream.linear.gather [hbm4b:s12+s3], $0x2710, $0x38;
	[tilespmem:$0x1FEA0] =	vst v63  }
0x2e: {  	_ =	swait.ge [sflag:s17], $0x2710  }
0x2f: {  	[sflag:s17] =	ssyncset.done $0x0  }
0x30: {  	[sflag:s17] =	ssyncadd.s32 $0xFFFFD8F0  }
0x31: {  	[bflag:$0x0] =	sbarrier.arrive $0xFFFF  }
0x32: {  	[tilespmem:s22], [sflag:$0x1] =	stream.indirect.gather [hbm4b:s4+s21], $0x80, s19, s21, $0xb8;
	[tilespmem:$0x1FEA0] =	vst v63  }
0x33: {  	s13 =	simm.s32 $0x138D0  }
0x34: {  	[tilespmem:s24], [sflag:$0x2] =	stream.indirect.gather [hbm4b:s4+s21], $0x80, s13, s21, $0xb8;
	[tilespmem:$0x1FEA0] =	vst v63  }
0x35: {  	_ =	swait.ge [sflag:s25], $0x2800  }
0x36: {  	[sflag:s25] =	ssyncset.done $0x0  }
0x37: {  	[sflag:s25] =	ssyncadd.s32 $0xFFFFD800  }
0x38: {  	[spmem:s2] =	stream.indirect.scatter.add.f32 [tilespmem:s22], [sflag:$0x4], $0x80, s20, s21, $0xb8;
	[tilespmem:$0x1FEA0] =	vst v63  }
0x39: {  	s13 =	simm.s32 $0x13920  }
0x3a: {  	[tilespmem:s28], [sflag:$0x3] =	stream.indirect.gather [hbm4b:s4+s21], $0x80, s13, s21, $0xb8;
	[tilespmem:$0x1FEA0] =	vst v63  }
0x3b: {  	_ =	swait.ge [sflag:s29], $0x2800  }
0x3c: {  	[sflag:s29] =	ssyncset.done $0x0  }
0x3d: {  	s13 =	simm.s32 $0x15FE0;
	[sflag:s29] =	ssyncadd.s32 $0xFFFFD800  }
0x3e: {  	[spmem:s2] =	stream.indirect.scatter.add.f32 [tilespmem:s24], [sflag:$0x5], $0x80, s13, s21, $0xb8;
	[tilespmem:$0x1FEA0] =	vst v63  }
0x3f: {  	_ =	swait.ge [sflag:s31], $0x2800  }
0x40: {  	[sflag:s31] =	ssyncset.done $0x0  }
0x41: {  	s13 =	simm.s32 $0x13970;
	[sflag:s31] =	ssyncadd.s32 $0xFFFFD800  }
0x42: {  	[tilespmem:s22], [sflag:$0x1] =	stream.indirect.gather [hbm4b:s4+s21], $0x80, s13, s21, $0xb8;
	[tilespmem:$0x1FEA0] =	vst v63  }
0x43: {  	_ =	swait.ge [sflag:s1], $0x2800  }
0x44: {  	[sflag:s1] =	ssyncset.done $0x0  }
0x45: {  	s13 =	simm.s32 $0x16030;
	[sflag:s1] =	ssyncadd.s32 $0xFFFFD800  }
0x46: {  	[spmem:s2] =	stream.indirect.scatter.add.f32 [tilespmem:s28], [sflag:$0x6], $0x80, s13, s21, $0xb8;
	[tilespmem:$0x1FEA0] =	vst v63  }
0x47: {  	_ =	swait.ge [sflag:s14], $0x2800  }
0x48: {  	[sflag:s14] =	ssyncset.done $0x0  }
0x49: {  	[sflag:s14] =	ssyncadd.s32 $0xFFFFD800  }
0x4a: {  	[tilespmem:s24], [sflag:$0x2] =	stream.indirect.gather [hbm4b:s4+s21], $0x80, s5, s21, $0xb8;
	[tilespmem:$0x1FEA0] =	vst v63  }
0x4b: {  	_ =	swait.ge [sflag:s25], $0x2800  }
0x4c: {  	[sflag:s25] =	ssyncset.done $0x0  }
0x4d: {  	s13 =	simm.s32 $0x16080;
	[sflag:s25] =	ssyncadd.s32 $0xFFFFD800  }
0x4e: {  	[spmem:s2] =	stream.indirect.scatter.add.f32 [tilespmem:s22], [sflag:$0x4], $0x80, s13, s21, $0xb8;
	[tilespmem:$0x1FEA0] =	vst v63  }
0x4f: {  	_ =	swait.ge [sflag:s6], $0x2800  }
0x50: {  	[sflag:s6] =	ssyncset.done $0x0  }
0x51: {  	s13 =	simm.s32 $0x13A10;
	[sflag:s6] =	ssyncadd.s32 $0xFFFFD800  }
0x52: {  	[tilespmem:s28], [sflag:$0x3] =	stream.indirect.gather [hbm4b:s4+s21], $0x80, s13, s21, $0xb8;
	[tilespmem:$0x1FEA0] =	vst v63  }
0x53: {  	_ =	swait.ge [sflag:s29], $0x2800  }
0x54: {  	[sflag:s29] =	ssyncset.done $0x0  }
0x55: {  	s13 =	simm.s32 $0x160D0;
	[sflag:s29] =	ssyncadd.s32 $0xFFFFD800  }
0x56: {  	[spmem:s2] =	stream.indirect.scatter.add.f32 [tilespmem:s24], [sflag:$0x5], $0x80, s13, s21, $0xb8;
	[tilespmem:$0x1FEA0] =	vst v63  }
0x57: {  	_ =	swait.ge [sflag:s31], $0x2800  }
0x58: {  	[sflag:s31] =	ssyncset.done $0x0  }
0x59: {  	s13 =	simm.s32 $0x13A60;
	[sflag:s31] =	ssyncadd.s32 $0xFFFFD800  }
0x5a: {  	[tilespmem:s22], [sflag:$0x1] =	stream.indirect.gather [hbm4b:s4+s21], $0x80, s13, s21, $0xb8;
	[tilespmem:$0x1FEA0] =	vst v63  }
0x5b: {  	_ =	swait.ge [sflag:s1], $0x2800  }
0x5c: {  	[sflag:s1] =	ssyncset.done $0x0  }
0x5d: {  	s13 =	simm.s32 $0x16120;
	[sflag:s1] =	ssyncadd.s32 $0xFFFFD800  }
0x5e: {  	[spmem:s2] =	stream.indirect.scatter.add.f32 [tilespmem:s28], [sflag:$0x6], $0x80, s13, s21, $0xb8;
	[tilespmem:$0x1FEA0] =	vst v63  }
0x5f: {  	_ =	swait.ge [sflag:s14], $0x2800  }
0x60: {  	[sflag:s14] =	ssyncset.done $0x0  }
0x61: {  	s30 =	simm.s32 $0x3C0;
	s0 =	simm.s32 $0x13AB0;
	[sflag:s14] =	ssyncadd.s32 $0xFFFFD800  }
.LBB2_2:
0x62: {  	[tilespmem:s24], [sflag:$0x2] =	stream.indirect.gather [hbm4b:s4+s21], $0x80, s0, s21, $0xb8;
	[tilespmem:$0x1FEA0] =	vst v63  }
0x63: {  	s0 =	smov.u32 s30  }
0x64: {  	p3 =	sne.s32 s30, $0x9240;
	s30 =	sadd.s32 $0x3C0, s30;
	_ =	swait.ge [sflag:s25], $0x2800  }
0x65: {  	s0 =	sshra.s32 s0, $0x2;
	[sflag:s25] =	ssyncset.done $0x0  }
0x66: {  	s13 =	sadd.s32 $0x16080, s0;
	[sflag:s25] =	ssyncadd.s32 $0xFFFFD800  }
0x67: {  	[spmem:s2] =	stream.indirect.scatter.add.f32 [tilespmem:s22], [sflag:$0x4], $0x80, s13, s21, $0xb8;
	[tilespmem:$0x1FEA0] =	vst v63  }
0x68: {  	_ =	swait.ge [sflag:s6], $0x2800  }
0x69: {  	[sflag:s6] =	ssyncset.done $0x0  }
0x6a: {  	s13 =	sadd.s32 $0x13A10, s0;
	[sflag:s6] =	ssyncadd.s32 $0xFFFFD800  }
0x6b: {  	[tilespmem:s28], [sflag:$0x3] =	stream.indirect.gather [hbm4b:s4+s21], $0x80, s13, s21, $0xb8;
	[tilespmem:$0x1FEA0] =	vst v63  }
0x6c: {  	_ =	swait.ge [sflag:s29], $0x2800  }
0x6d: {  	[sflag:s29] =	ssyncset.done $0x0  }
0x6e: {  	s13 =	sadd.s32 $0x160D0, s0;
	[sflag:s29] =	ssyncadd.s32 $0xFFFFD800  }
0x6f: {  	[spmem:s2] =	stream.indirect.scatter.add.f32 [tilespmem:s24], [sflag:$0x5], $0x80, s13, s21, $0xb8;
	[tilespmem:$0x1FEA0] =	vst v63  }
0x70: {  	_ =	swait.ge [sflag:s31], $0x2800  }
0x71: {  	[sflag:s31] =	ssyncset.done $0x0  }
0x72: {  	s13 =	sadd.s32 $0x13A60, s0;
	[sflag:s31] =	ssyncadd.s32 $0xFFFFD800  }
0x73: {  	[tilespmem:s22], [sflag:$0x1] =	stream.indirect.gather [hbm4b:s4+s21], $0x80, s13, s21, $0xb8;
	[tilespmem:$0x1FEA0] =	vst v63  }
0x74: {  	_ =	swait.ge [sflag:s1], $0x2800  }
0x75: {  	[sflag:s1] =	ssyncset.done $0x0  }
.Ltmp2:
0x76: {  	s13 =	sadd.s32 $0x16120, s0;
	[sflag:s1] =	ssyncadd.s32 $0xFFFFD800;
	(pc) =	sbr.rel @p3 .LBB2_2-.Ltmp2, $4  }
0x77: {  	[spmem:s2] =	stream.indirect.scatter.add.f32 [tilespmem:s28], [sflag:$0x6], $0x80, s13, s21, $0xb8;
	[tilespmem:$0x1FEA0] =	vst v63  }
0x78: {  	_ =	swait.ge [sflag:s14], $0x2800  }
0x79: {  	[sflag:s14] =	ssyncset.done $0x0  }
0x7a: {  	s0 =	sadd.s32 $0x13AB0, s0;
	[sflag:s14] =	ssyncadd.s32 $0xFFFFD800  }
0x7b: {  	[tilespmem:s24], [sflag:$0x2] =	stream.indirect.gather [hbm4b:s4+s21], $0x80, s0, s21, $0xb8;
	[tilespmem:$0x1FEA0] =	vst v63  }
0x7c: {  	_ =	swait.ge [sflag:s25], $0x2800  }
0x7d: {  	[sflag:s25] =	ssyncset.done $0x0  }
0x7e: {  	[sflag:s25] =	ssyncadd.s32 $0xFFFFD800  }
0x7f: {  	[spmem:s2] =	stream.indirect.scatter.add.f32 [tilespmem:s22], [sflag:$0x4], $0x80, s23, s21, $0xb8;
	[tilespmem:$0x1FEA0] =	vst v63  }
0x80: {  	_ =	swait.ge [sflag:s6], $0x2800  }
0x81: {  	[sflag:s6] =	ssyncset.done $0x0  }
0x82: {  	[sflag:s6] =	ssyncadd.s32 $0xFFFFD800  }
0x83: {  	_ =	swait.ge [sflag:s29], $0x2800  }
0x84: {  	[sflag:s29] =	ssyncset.done $0x0  }
0x85: {  	[sflag:s29] =	ssyncadd.s32 $0xFFFFD800  }
0x86: {  	[spmem:s2] =	stream.indirect.scatter.add.f32 [tilespmem:s24], [sflag:$0x5], $0x80, s26, s21, $0xb8;
	[tilespmem:$0x1FEA0] =	vst v63  }
0x87: {  	_ =	swait.ge [sflag:s31], $0x2800  }
0x88: {  	[sflag:s31] =	ssyncset.done $0x0  }
0x89: {  	[sflag:s31] =	ssyncadd.s32 $0xFFFFD800  }
.Ltmp3:
0x8a: {  	_ =	swait.ge [sflag:s14], $0x2800;
	(pc) =	sbr.rel @!p0 .LBB2_4-.Ltmp3, $3  }
0x8b: {  	[sflag:s14] =	ssyncset.done $0x0  }
0x8c: {  	[sflag:s14] =	ssyncadd.s32 $0xFFFFD800  }
0x8d: {  	[bflag:$0x0] =	sbarrier.arrive $0xFFFF;
	_ =	sdelay $0x1  }
0x8e: {  	s0 =	rddreg [dreg:$0x8]  }
0x8f: {  	[hbm:s0], [sflag:s8] =	dma.local [spmem:s16], $0x2700  }
.Ltmp4:
0x90: {  	_ = 	snop;
	(pc) =	sbr.rel @p1 .LBB2_7-.Ltmp4, $4  }
.Ltmp5:
0x91: {  	_ = 	snop;
	(pc) =	sbr.rel @!p1 .LBB2_6-.Ltmp5, $4  }
0x92: {  	_ =	swait.ge [sflag:s17], $0x2700  }
0x93: {  	[sflag:s17] =	ssyncset.done $0x0  }
0x94: {  	s0 =	rddreg [dreg:$0x5];
	[sflag:s17] =	ssyncadd.s32 $0xFFFFD900  }
0x95: {  	_ = 	snop  }
.LBB2_4:
0x96: {  	s0 =	rddreg [dreg:$0x7]  }
0x97: {  	[hbm:s0], [sflag:s8] =	dma.local [spmem:s16], $0x2700  }
.Ltmp6:
0x98: {  	_ = 	snop;
	(pc) =	sbr.rel @p2 .LBB2_6-.Ltmp6, $4  }
.Ltmp7:
0x99: {  	_ = 	snop;
	(pc) =	sbr.rel @!p2 .LBB2_7-.Ltmp7, $4  }
0x9a: {  	_ =	swait.ge [sflag:s17], $0x2700  }
0x9b: {  	[sflag:s17] =	ssyncset.done $0x0  }
0x9c: {  	s0 =	rddreg [dreg:$0x4];
	[sflag:s17] =	ssyncadd.s32 $0xFFFFD900  }
0x9d: {  	_ = 	snop  }
.LBB2_8:
0x9e: {  	_ =	sfence.sel $0x180000  }
0x9f: {  	[bflag:$0x0] =	sbarrier.arrive $0xFFFF  }
0xa0: {  	_ =	strace $0x9000004A  }
0xa1: {  	s0 =	stileid.u32;
	[bflag:$0x2] =	sbarrier.arrive $0xFFFF  }
0xa2: {  	p0 =	sne.s32 s0, $0x0;
	s0 =	rddreg [dreg:$0x3]  }
0xa3: {  	s0 =	sadd.s32 @!p0 $0x100000, s0  }
0xa4: {  	[sflag:s0] =	ssyncadd.tile.s32 @!p0 $0x1;
	_ =	shalt  }
.Lfunc_end2:
_tile_overlayer_lowered:
.L_overlay_start_2:
0xa5: {  	(tag) =	ssettag $0x2  }
0xa6: {  	s0 =	rddreg [dreg:$0x0];
	s2 =	stileid.u32  }
0xa7: {  	s1 =	rddreg [dreg:$0x1];
	p0 =	sne.s32 s2, $0x0  }
0xa8: {  	s3 =	rddreg [dreg:$0x2];
	[bflag:$0x3] =	sbarrier.arrive $0xFFFF;
	s2 =	simm.s32 @!p0 $0x1C07  }
0xa9: {  	[timem:s3], [sflag:s2] =	dma.local @!p0 [hbm:s0], s1  }
0xaa: {  	s0 =	simm.s32 @!p0 $0x7  }
0xab: {  	_ =	swait.ge @!p0 [sflag:s0], s1  }
0xac: {  	s1 =	ssub.s32 @!p0 $0x0, s1;
	[sflag:s0] =	ssyncset.done @!p0 $0x0  }
0xad: {  	[sflag:s0] =	ssyncadd.s32 @!p0 s1  }
0xae: {  	[bflag:$0x3] =	sbarrier.arrive $0xFFFF  }
0xaf: {  	_ =	shalt  }

// kernel: kernel.18.cloned.1.call-start
scs
__scs_entry_jumppad:
0x0: {  	(pc) =	sbr.rel $0x88, $3  }
0x1: {  	(tag) =	ssettag $0x0;
	lr =	simm.s32 $0x1  }
0x2: {  	[smem:$0x3F5E] =	sst lr;
	_ =	strace $0xD0000000  }
0x3: {  	_ = 	snop  }
0x4: {  	_ = 	snop  }
0x5: {  	_ = 	snop  }
0x6: {  	_ = 	snop  }
0x7: {  	_ = 	snop  }
__scs_overlays_trampoline_lowered:
0x8: {  	[smem:$0x3F6D] =	sst s0  }
0x9: {  	[smem:$0x3F6E] =	sst s1  }
0xa: {  	[smem:$0x3F6F] =	sst s2  }
0xb: {  	[smem:$0x3F70] =	sst s3  }
0xc: {  	[smem:$0x3F71] =	sst s4  }
0xd: {  	[smem:$0x3F72] =	sst s5  }
0xe: {  	[smem:$0x3F73] =	sst s6  }
0xf: {  	[smem:$0x3F74] =	sst s7  }
0x10: {  	[smem:$0x3F75] =	sst s8  }
0x11: {  	[smem:$0x3F76] =	sst s9;
	s0 =	simm.s32 @!p0 $0x0  }
0x12: {  	s1 =	sld [smem:$0x3F5C];
	s0 =	simm.s32 @p0 $0x1  }
0x13: {  	[smem:$0x3F77] =	sst s0;
	s0 =	simm.s32 @!p1 $0x0  }
0x14: {  	s2 =	sld [smem:$0x3F5B];
	s0 =	simm.s32 @p1 $0x1  }
0x15: {  	[smem:$0x3F78] =	sst s0;
	s0 =	simm.s32 @!p2 $0x0  }
0x16: {  	s3 =	sld [smem:$0x3FDB];
	s0 =	simm.s32 @p2 $0x1  }
0x17: {  	s4 =	simm.s32 $0x1BF5;
	[smem:$0x3F7A] =	sst s0  }
0x18: {  	s0 =	sld [smem:$0x3F5D];
	_ =	swait.ge [sflag:s4], $0x0  }
0x19: {  	s7 =	sld [smem:$0x3F5E]  }
0x1a: {  	s8 =	sadd.s32 $0xFFFFE003, lr  }
0x1b: {  	s9 =	sadd.s32 $0xFFFFFEF7, lr;
	s5 =	simm.s32 $0xFFFFFFFF;
	p2 =	slt.u32 s8, $0xFFFFF086  }
0x1c: {  	p1 =	slt.u32 s9, $0xF7A;
	s5 =	simm.s32 @!p2 $0x0  }
0x1d: {  	s5 =	simm.s32 @p1 $0x1;
	p0 =	seq.s32 s7, s2  }
0x1e: {  	s7 =	smul.u32 @!p0 $0xF7A, s2;
	p2 =	seq.s32 @!p0 s5, $0x0  }
0x1f: {  	s9 =	smul.u32 $0xF7A, s1;
	s8 =	simm.s32 @!p0 $0x1BF5;
	p2 =	por !p2, p0  }
0x20: {  	[sflag:s8] =	ssyncset.s32 @!p0 $0xFFFFF086;
	s6 =	sadd.s32 @!p0 s3, s7;
	s7 =	simm.s32 @!p0 $0x108  }
0x21: {  	s3 =	sadd.s32 s3, s9;
	s6 =	sadd.s32 @!p0 $0x88, s6;
	s7 =	simm.s32 @p2 $0x1082  }
0x22: {  	[simem:s7], [sflag:s8] =	dma.local @!p0 [hbm:s6], $0xF7A  }
0x23: {  	s9 =	sor.u32 $0xD0000000, s2;
	s6 =	simm.s32 $0x108;
	_ =	swait.ge @!p0 [sflag:s8], $0x0  }
0x24: {  	s3 =	sadd.s32 $0x88, s3;
	s6 =	simm.s32 @!p1 $0x1082;
	[sflag:s4] =	ssyncset.s32 $0xFFFFF086  }
0x25: {  	[simem:s6], [sflag:s4] =	dma.local [hbm:s3], $0xF7A  }
0x26: {  	[smem:$0x3F5E] =	sst s1;
	(tag) =	ssettag s2;
	_ =	strace s9  }
0x27: {  	s1 =	sld [smem:$0x3F6E]  }
0x28: {  	s2 =	sld [smem:$0x3F6F]  }
0x29: {  	s4 =	sld [smem:$0x3F71]  }
0x2a: {  	p0 =	seq.s32 s5, $0x0;
	s5 =	sld [smem:$0x3F72]  }
0x2b: {  	s6 =	sld [smem:$0x3F73]  }
0x2c: {  	s7 =	sld [smem:$0x3F74]  }
0x2d: {  	s3 =	simm.s32 $0x108;
	s8 =	sld [smem:$0x3F75]  }
0x2e: {  	s3 =	simm.s32 @!p0 $0x1082;
	s9 =	sld [smem:$0x3F76]  }
0x2f: {  	lr =	sadd.s32 s0, s3;
	s0 =	sld [smem:$0x3F6D]  }
0x30: {  	s3 =	sld [smem:$0x3F70]  }
0x31: {  	[smem:$0x3F79] =	sst s10  }
0x32: {  	s10 =	sld [smem:$0x3F77];
	_ =	sdelay $0x3  }
0x33: {  	p0 =	seq.s32 s10, $0x1;
	s10 =	sld [smem:$0x3F79];
	_ =	sdelay $0x3  }
0x34: {  	[smem:$0x3F79] =	sst s10  }
0x35: {  	s10 =	sld [smem:$0x3F78];
	_ =	sdelay $0x3  }
0x36: {  	p1 =	seq.s32 s10, $0x1;
	s10 =	sld [smem:$0x3F79];
	_ =	sdelay $0x3  }
0x37: {  	[smem:$0x3F79] =	sst s10  }
0x38: {  	s10 =	sld [smem:$0x3F7A]  }
0x39: {  	_ = 	snop;
	(pc) =	sbr.ind lr, $3  }
0x3a: {  	_ = 	snop  }
0x3b: {  	_ = 	snop  }
0x3c: {  	p2 =	seq.s32 s10, $0x1;
	s10 =	sld [smem:$0x3F79]  }
0x3d: {  	_ =	shalt  }
0x3e: {  	_ =	shalt  }
0x3f: {  	_ =	shalt  }
0x40: {  	_ =	shalt  }
0x41: {  	_ =	shalt  }
0x42: {  	_ =	shalt  }
0x43: {  	_ =	shalt  }
0x44: {  	_ =	shalt  }
0x45: {  	_ =	shalt  }
0x46: {  	_ =	shalt  }
0x47: {  	_ =	shalt  }
0x48: {  	_ =	shalt  }
0x49: {  	_ =	shalt  }
0x4a: {  	_ =	shalt  }
0x4b: {  	_ =	shalt  }
0x4c: {  	_ =	shalt  }
0x4d: {  	_ =	shalt  }
0x4e: {  	_ =	shalt  }
0x4f: {  	_ =	shalt  }
0x50: {  	_ =	shalt  }
0x51: {  	_ =	shalt  }
0x52: {  	_ =	shalt  }
0x53: {  	_ =	shalt  }
0x54: {  	_ =	shalt  }
0x55: {  	_ =	shalt  }
0x56: {  	_ =	shalt  }
0x57: {  	_ =	shalt  }
0x58: {  	_ =	shalt  }
0x59: {  	_ =	shalt  }
0x5a: {  	_ =	shalt  }
0x5b: {  	_ =	shalt  }
0x5c: {  	_ =	shalt  }
0x5d: {  	_ =	shalt  }
0x5e: {  	_ =	shalt  }
0x5f: {  	_ =	shalt  }
0x60: {  	_ =	shalt  }
0x61: {  	_ =	shalt  }
0x62: {  	_ =	shalt  }
0x63: {  	_ =	shalt  }
0x64: {  	_ =	shalt  }
0x65: {  	_ =	shalt  }
0x66: {  	_ =	shalt  }
0x67: {  	_ =	shalt  }
0x68: {  	_ =	shalt  }
0x69: {  	_ =	shalt  }
0x6a: {  	_ =	shalt  }
0x6b: {  	_ =	shalt  }
0x6c: {  	_ =	shalt  }
0x6d: {  	_ =	shalt  }
0x6e: {  	_ =	shalt  }
0x6f: {  	_ =	shalt  }
0x70: {  	_ =	shalt  }
0x71: {  	_ =	shalt  }
0x72: {  	_ =	shalt  }
0x73: {  	_ =	shalt  }
0x74: {  	_ =	shalt  }
0x75: {  	_ =	shalt  }
0x76: {  	_ =	shalt  }
0x77: {  	_ =	shalt  }
0x78: {  	_ =	shalt  }
0x79: {  	_ =	shalt  }
0x7a: {  	_ =	shalt  }
0x7b: {  	_ =	shalt  }
0x7c: {  	_ =	shalt  }
0x7d: {  	_ =	shalt  }
0x7e: {  	_ =	shalt  }
0x7f: {  	_ =	shalt  }
0x80: {  	_ =	shalt  }
0x81: {  	_ =	shalt  }
0x82: {  	_ =	shalt  }
0x83: {  	_ =	shalt  }
0x84: {  	_ =	shalt  }
0x85: {  	_ =	shalt  }
0x86: {  	_ =	shalt  }
0x87: {  	_ =	shalt  }
.Lfunc_end0:
.L_simem_size_0:
called_computation.2_lowered:
.L_overlay_start_0:
0x88: {  	s2 =	sld [smem:$0x3FD9]  }
0x89: {  	s3 =	sld [smem:$0x3FFE];
	_ =	sdelay $0x1  }
0x8a: {  	s1 =	srdreg.scid  }
0x8b: {  	s0 =	sand.u32 $0x1, s1  }
0x8c: {  	s14 =	sshll.u32 s0, $0xA;
	s2 =	sadd.s32 s3, s2  }
0x8d: {  	s2 =	sadd.s32 s2, s14  }
0x8e: {  	[smem:$0x3F85] =	sst s2  }
0x8f: {  	_ = 	snop  }
0x90: {  	s2 =	sld [smem:$0x3FD0];
	_ =	sdelay $0x2  }
0x91: {  	s15 =	simm.s32 $0xA;
	s4 =	simm.s32 $0x10  }
0x92: {  	[smem:s4], [sflag:s15] =	dma.local [hbm:s2], $0x1  }
0x93: {  	_ =	swait.eq [sflag:s15], $0x1  }
0x94: {  	[sflag:s15] =	ssyncset.done $0x0  }
0x95: {  	[sflag:s15] =	ssyncadd.s32 $0xFFFFFFFF  }
0x96: {  	s16 =	sld [smem:$0x12];
	(tm) =	ssettm $0x1  }
0x97: {  	s17 =	sld [smem:$0x3FFB];
	_ =	sdelay $0x3  }
0x98: {  	_ =	strace s17  }
0x99: {  	s3 =	sld [smem:$0x3FFC];
	_ =	sdelay $0x3  }
0x9a: {  	_ =	strace s3  }
0x9b: {  	s3 =	sld [smem:$0x3FFD];
	_ =	sdelay $0x3  }
0x9c: {  	_ =	strace s3  }
0x9d: {  	_ =	strace $0x8FFFFFFF  }
0x9e: {  	s18 =	sld [smem:$0x3FDB];
	_ =	sdelay $0x1  }
0x9f: {  	s19 =	simm.s32 $_scs_section_size  }
0xa0: {  	s5 =	simm.s32 $_size__tile_overlayer_lowered;
	s6 =	simm.s32 $_tile_overlayer_lowered  }
0xa1: {  	s22 =	simm.s32 $0x1BFF;
	s21 =	sshll.u32 s6, $0x1;
	s3 =	sadd.s32 s19, s18  }
0xa2: {  	s7 =	simm.s32 $0x0;
	s20 =	sshll.u32 s5, $0x1;
	s5 =	sadd.s32 s21, s3  }
0xa3: {  	[timem:s7], [sflag:s22] =	dma.local [hbm:s5], s20  }
0xa4: {  	_ =	swait.ge [sflag:s22], s20  }
0xa5: {  	s4 =	ssub.s32 $0x0, s20;
	[sflag:s22] =	ssyncset.done $0x0  }
0xa6: {  	[sflag:s22] =	ssyncadd.s32 s4;
	_ =	sdelay $0x1  }
0xa7: {  	s23 =	simm.s32 $0x1B8B  }
0xa8: {  	_ =	swait.ge [sflag:s23], $0x1  }
0xa9: {  	[sflag:s23] =	ssyncset.done $0x0  }
0xaa: {  	s25 =	simm.s32 $0x1B8E;
	s24 =	sld [smem:$0x3FFE];
	[sflag:s23] =	ssyncadd.s32 $0xFFFFFFFF  }
0xab: {  	s26 =	simm.s32 $execute0_lowered;
	[smem:$0x3FD2] =	sst s25  }
0xac: {  	s5 =	sshll.u32 s26, $0x1;
	_ =	strace $0x8000004C;
	[dreg:$0x1] =	wrdreg $0xFFFFFFFF  }
0xad: {  	s28 =	simm.s32 $_size_execute0_lowered;
	s3 =	sadd.s32 s3, s5;
	[dreg:$0x0] =	wrdreg $0x0  }
0xae: {  	s5 =	sshll.u32 s28, $0x1;
	[dreg:$0x2] =	wrdreg s3  }
0xaf: {  	[dreg:$0x3] =	wrdreg s5  }
0xb0: {  	[dreg:$0x4] =	wrdreg $0xC0  }
0xb1: {  	_ =	task [dreg:s7], $0x5FFFF  }
0xb2: {  	[dreg:$0x1] =	wrdreg $0xFFFFFFFF  }
0xb3: {  	[dreg:$0x0] =	wrdreg $0x60  }
0xb4: {  	[dreg:$0x2] =	wrdreg s24  }
0xb5: {  	[dreg:$0x3] =	wrdreg s16  }
0xb6: {  	[dreg:$0x4] =	wrdreg $0x0  }
0xb7: {  	[dreg:$0x5] =	wrdreg $0x9  }
0xb8: {  	_ =	task.clear_ibuf [dreg:s7], $0x6FFFF;
	_ =	strace $0x9000004C  }
0xb9: {  	s29 =	simm.s32 $0x9;
	_ =	strace $0x8000004E  }
0xba: {  	_ =	swait.ge [sflag:s29], $0x1  }
0xbb: {  	[sflag:s29] =	ssyncadd.s32 $0xFFFFFFFF  }
0xbc: {  	_ =	strace $0x9000004E  }
0xbd: {  	_ =	sfence  }
0xbe: {  	s30 =	sld [smem:$0x0];
	_ =	sdelay $0x2  }
0xbf: {  	s31 =	sshll.u32 s1, $0xD;
	s1 =	sshrl.u32 s1, $0x2  }
0xc0: {  	s3 =	sand.u32 $0x4000, s31;
	s1 =	sadd.s32 s1, s30  }
0xc1: {  	s0 =	sor.u32 s3, s0;
	s1 =	sshll.u32 s1, $0x11  }
0xc2: {  	s0 =	sor.u32 s1, s0  }
0xc3: {  	s0 =	sadd.s32 $0x8F2B, s0  }
0xc4: {  	[sflag:s0] =	ssyncadd.remote.s32 $0x1  }
0xc5: {  	_ =	sfence.sel $0xFFFF  }
0xc6: {  	[dreg:$0x0] =	wrdreg $0xFFFFFFFF;
	(pc) =	sbr.abs _section_cstart, $3  }
0xc7: {  	[dreg:$0x1] =	wrdreg $0xFFFFFFFF  }
0xc8: {  	_ =	task.clear_ibuf [dreg:s7], $0x2FFFF;
	_ =	strace $0x9FFFFFFF  }
0xc9: {  	(tm) =	ssettm $0x7FFFFFFF  }
tec
execute0_lowered:
.L_overlay_start_1:
0x0: {  	(tag) =	ssettag $0x1  }
0x1: {  	s0 =	rddreg [dreg:$0x0]  }
0x2: {  	s1 =	rddreg [dreg:$0x1]  }
0x3: {  	s2 =	rddreg [dreg:$0x2];
	s3 =	simm.s32 $0x0  }
0x4: {  	s14 =	stileid.u32;
	s4 =	srdreg.scid;
	s17 =	simm.s32 $0x7  }
0x5: {  	s19 =	simm.s32 $0x13880;
	s20 =	simm.s32 $0x15F90;
	s21 =	simm.s32 $0x50  }
0x6: {  	s22 =	simm.s32 $0x186A0;
	s28 =	simm.s32 $0x1D6A0;
	s29 =	simm.s32 $0x2  }
0x7: {  	s31 =	simm.s32 $0x4;
	s23 =	simm.s32 $0x18600;
	[smem:$0x7FF] =	sst s3  }
0x8: {  	s5 =	smul.u32 $0x13800, s14;
	s6 =	sand.u32 $0x1, s4;
	s4 =	sadd.s32 $0x5A000, s0  }
0x9: {  	s15 =	sadd.s32 $0x81200, s0;
	s16 =	sadd.s32 $0xCF600, s0;
	s24 =	sshll.u32 s14, $0x6  }
0xa: {  	p1 =	sne.s32 s14, $0xF;
	p2 =	seq.s32 s14, $0xF;
	_ =	strace $0x8000004D  }
0xb: {  	s7 =	sshll.u32 s6, $0x4;
	s8 =	ssub.s32 $0x2, s6;
	[dreg:$0x4] =	wrdreg s15  }
0xc: {  	p0 =	seq.s32 s6, $0x1;
	[dreg:$0x5] =	wrdreg s16;
	s6 =	simm.s32 $0x6  }
0xd: {  	s10 =	sshrl.u32 s5, $0x3;
	s7 =	sor.u32 s14, s7;
	s11 =	sshrl.u32 s8, $0x1  }
0xe: {  	s5 =	sadd.s32 s5, s2;
	s14 =	simm.s32 $0x5;
	s9 =	sadd.s32 s10, s0  }
0xf: {  	s7 =	smul.u32 $0x2710, s7;
	s13 =	ssub.s32 s8, s11;
	s8 =	sor.u32 $0x1C07, s24  }
0x10: {  	s11 =	sadd.s32 $0x59E00, s0;
	s26 =	sadd.s32 s15, s10;
	s30 =	sadd.s32 s16, s10  }
0x11: {  	s16 =	sshrl.u32 s5, $0x3;
	s24 =	simm.s32 $0x1AEA0;
	s5 =	simm.s32 $0x139C0  }
.Ltmp0:
0x12: {  	s10 =	simm.s32 $0x0;
	[dreg:$0x7] =	wrdreg s26;
	(pc) =	sbr.rel .LBB2_1-.Ltmp0, $4  }
0x13: {  	[dreg:$0x8] =	wrdreg s30;
	s15 =	smax.u32 s13, $0x1;
	s25 =	sshrl.u32 s7, $0x3  }
0x14: {  	s26 =	simm.s32 $0x18650;
	s7 =	sadd.s32 $0x32E00, s9;
	s9 =	sadd.s32 s1, s25  }
0x15: {  	s1 =	sadd.s32 $0x138000, s2;
	s25 =	simm.s32 $0x1;
	s12 =	sadd.s32 $0x9C40, s9  }
0x16: {  	[dreg:$0x6] =	wrdreg s1;
	s18 =	sshrl.u32 @!p1 s1, $0x3;
	s1 =	simm.s32 $0x3  }
.LBB2_6:
0x17: {  	s13 =	rddreg [dreg:$0x6]  }
0x18: {  	s0 =	sadd.s32 $0x27000, s0;
	s13 =	sshrl.u32 s13, $0x3  }
0x19: {  	[hbm:s0], [sflag:s8] =	dma.local [spmem:s13], $0x100  }
0x1a: {  	_ =	swait.ge [sflag:s17], $0x100  }
0x1b: {  	[sflag:s17] =	ssyncset.done $0x0  }
0x1c: {  	[sflag:s17] =	ssyncadd.s32 $0xFFFFFF00  }
.LBB2_7:
0x1d: {  	s10 =	sadd.s32 $0x1, s10  }
0x1e: {  	p3 =	sne.s32 s10, s15  }
.Ltmp1:
0x1f: {  	_ = 	snop;
	(pc) =	sbr.rel @!p3 .LBB2_8-.Ltmp1, $1  }
0x20: {  	_ =	sdelay $0x3  }
.LBB2_1:
0x21: {  	[spmem:s16], [sflag:s8] =	dma.local [hbm:s7], $0x2700  }
0x22: {  	_ =	swait.ge [sflag:s17], $0x2700  }
0x23: {  	[sflag:s17] =	ssyncset.done $0x0  }
0x24: {  	s0 =	simm.s32 @!p1 $0x7;
	[sflag:s17] =	ssyncadd.s32 $0xFFFFD900  }
0x25: {  	[spmem:s18], [sflag:s8] =	dma.local @!p1 [hbm:s11], $0x100  }
0x26: {  	_ =	swait.ge @!p1 [sflag:s0], $0x100  }
0x27: {  	[sflag:s0] =	ssyncset.done @!p1 $0x0  }
0x28: {  	[sflag:s0] =	ssyncadd.s32 @!p1 $0xFFFFFF00  }
0x29: {  	[tilespmem:s19], [sflag:$0x7] =	stream.linear.gather [hbm4b:s9+s3], $0x2710, $0x38;
	[tilespmem:$0x1FEA0] =	vst v63  }
0x2a: {  	_ =	swait.ge [sflag:s17], $0x2710  }
0x2b: {  	[sflag:s17] =	ssyncset.done $0x0  }
0x2c: {  	[sflag:s17] =	ssyncadd.s32 $0xFFFFD8F0  }
0x2d: {  	[tilespmem:s20], [sflag:$0x7] =	stream.linear.gather [hbm4b:s12+s3], $0x2710, $0x38;
	[tilespmem:$0x1FEA0] =	vst v63  }
0x2e: {  	_ =	swait.ge [sflag:s17], $0x2710  }
0x2f: {  	[sflag:s17] =	ssyncset.done $0x0  }
0x30: {  	[sflag:s17] =	ssyncadd.s32 $0xFFFFD8F0  }
0x31: {  	[bflag:$0x0] =	sbarrier.arrive $0xFFFF  }
0x32: {  	[tilespmem:s22], [sflag:$0x1] =	stream.indirect.gather [hbm4b:s4+s21], $0x80, s19, s21, $0xb8;
	[tilespmem:$0x1FEA0] =	vst v63  }
0x33: {  	s13 =	simm.s32 $0x138D0  }
0x34: {  	[tilespmem:s24], [sflag:$0x2] =	stream.indirect.gather [hbm4b:s4+s21], $0x80, s13, s21, $0xb8;
	[tilespmem:$0x1FEA0] =	vst v63  }
0x35: {  	_ =	swait.ge [sflag:s25], $0x2800  }
0x36: {  	[sflag:s25] =	ssyncset.done $0x0  }
0x37: {  	[sflag:s25] =	ssyncadd.s32 $0xFFFFD800  }
0x38: {  	[spmem:s2] =	stream.indirect.scatter.add.f32 [tilespmem:s22], [sflag:$0x4], $0x80, s20, s21, $0xb8;
	[tilespmem:$0x1FEA0] =	vst v63  }
0x39: {  	s13 =	simm.s32 $0x13920  }
0x3a: {  	[tilespmem:s28], [sflag:$0x3] =	stream.indirect.gather [hbm4b:s4+s21], $0x80, s13, s21, $0xb8;
	[tilespmem:$0x1FEA0] =	vst v63  }
0x3b: {  	_ =	swait.ge [sflag:s29], $0x2800  }
0x3c: {  	[sflag:s29] =	ssyncset.done $0x0  }
0x3d: {  	s13 =	simm.s32 $0x15FE0;
	[sflag:s29] =	ssyncadd.s32 $0xFFFFD800  }
0x3e: {  	[spmem:s2] =	stream.indirect.scatter.add.f32 [tilespmem:s24], [sflag:$0x5], $0x80, s13, s21, $0xb8;
	[tilespmem:$0x1FEA0] =	vst v63  }
0x3f: {  	_ =	swait.ge [sflag:s31], $0x2800  }
0x40: {  	[sflag:s31] =	ssyncset.done $0x0  }
0x41: {  	s13 =	simm.s32 $0x13970;
	[sflag:s31] =	ssyncadd.s32 $0xFFFFD800  }
0x42: {  	[tilespmem:s22], [sflag:$0x1] =	stream.indirect.gather [hbm4b:s4+s21], $0x80, s13, s21, $0xb8;
	[tilespmem:$0x1FEA0] =	vst v63  }
0x43: {  	_ =	swait.ge [sflag:s1], $0x2800  }
0x44: {  	[sflag:s1] =	ssyncset.done $0x0  }
0x45: {  	s13 =	simm.s32 $0x16030;
	[sflag:s1] =	ssyncadd.s32 $0xFFFFD800  }
0x46: {  	[spmem:s2] =	stream.indirect.scatter.add.f32 [tilespmem:s28], [sflag:$0x6], $0x80, s13, s21, $0xb8;
	[tilespmem:$0x1FEA0] =	vst v63  }
0x47: {  	_ =	swait.ge [sflag:s14], $0x2800  }
0x48: {  	[sflag:s14] =	ssyncset.done $0x0  }
0x49: {  	[sflag:s14] =	ssyncadd.s32 $0xFFFFD800  }
0x4a: {  	[tilespmem:s24], [sflag:$0x2] =	stream.indirect.gather [hbm4b:s4+s21], $0x80, s5, s21, $0xb8;
	[tilespmem:$0x1FEA0] =	vst v63  }
0x4b: {  	_ =	swait.ge [sflag:s25], $0x2800  }
0x4c: {  	[sflag:s25] =	ssyncset.done $0x0  }
0x4d: {  	s13 =	simm.s32 $0x16080;
	[sflag:s25] =	ssyncadd.s32 $0xFFFFD800  }
0x4e: {  	[spmem:s2] =	stream.indirect.scatter.add.f32 [tilespmem:s22], [sflag:$0x4], $0x80, s13, s21, $0xb8;
	[tilespmem:$0x1FEA0] =	vst v63  }
0x4f: {  	_ =	swait.ge [sflag:s6], $0x2800  }
0x50: {  	[sflag:s6] =	ssyncset.done $0x0  }
0x51: {  	s13 =	simm.s32 $0x13A10;
	[sflag:s6] =	ssyncadd.s32 $0xFFFFD800  }
0x52: {  	[tilespmem:s28], [sflag:$0x3] =	stream.indirect.gather [hbm4b:s4+s21], $0x80, s13, s21, $0xb8;
	[tilespmem:$0x1FEA0] =	vst v63  }
0x53: {  	_ =	swait.ge [sflag:s29], $0x2800  }
0x54: {  	[sflag:s29] =	ssyncset.done $0x0  }
0x55: {  	s13 =	simm.s32 $0x160D0;
	[sflag:s29] =	ssyncadd.s32 $0xFFFFD800  }
0x56: {  	[spmem:s2] =	stream.indirect.scatter.add.f32 [tilespmem:s24], [sflag:$0x5], $0x80, s13, s21, $0xb8;
	[tilespmem:$0x1FEA0] =	vst v63  }
0x57: {  	_ =	swait.ge [sflag:s31], $0x2800  }
0x58: {  	[sflag:s31] =	ssyncset.done $0x0  }
0x59: {  	s13 =	simm.s32 $0x13A60;
	[sflag:s31] =	ssyncadd.s32 $0xFFFFD800  }
0x5a: {  	[tilespmem:s22], [sflag:$0x1] =	stream.indirect.gather [hbm4b:s4+s21], $0x80, s13, s21, $0xb8;
	[tilespmem:$0x1FEA0] =	vst v63  }
0x5b: {  	_ =	swait.ge [sflag:s1], $0x2800  }
0x5c: {  	[sflag:s1] =	ssyncset.done $0x0  }
0x5d: {  	s13 =	simm.s32 $0x16120;
	[sflag:s1] =	ssyncadd.s32 $0xFFFFD800  }
0x5e: {  	[spmem:s2] =	stream.indirect.scatter.add.f32 [tilespmem:s28], [sflag:$0x6], $0x80, s13, s21, $0xb8;
	[tilespmem:$0x1FEA0] =	vst v63  }
0x5f: {  	_ =	swait.ge [sflag:s14], $0x2800  }
0x60: {  	[sflag:s14] =	ssyncset.done $0x0  }
0x61: {  	s30 =	simm.s32 $0x3C0;
	s0 =	simm.s32 $0x13AB0;
	[sflag:s14] =	ssyncadd.s32 $0xFFFFD800  }
.LBB2_2:
0x62: {  	[tilespmem:s24], [sflag:$0x2] =	stream.indirect.gather [hbm4b:s4+s21], $0x80, s0, s21, $0xb8;
	[tilespmem:$0x1FEA0] =	vst v63  }
0x63: {  	s0 =	smov.u32 s30  }
0x64: {  	p3 =	sne.s32 s30, $0x9240;
	s30 =	sadd.s32 $0x3C0, s30;
	_ =	swait.ge [sflag:s25], $0x2800  }
0x65: {  	s0 =	sshra.s32 s0, $0x2;
	[sflag:s25] =	ssyncset.done $0x0  }
0x66: {  	s13 =	sadd.s32 $0x16080, s0;
	[sflag:s25] =	ssyncadd.s32 $0xFFFFD800  }
0x67: {  	[spmem:s2] =	stream.indirect.scatter.add.f32 [tilespmem:s22], [sflag:$0x4], $0x80, s13, s21, $0xb8;
	[tilespmem:$0x1FEA0] =	vst v63  }
0x68: {  	_ =	swait.ge [sflag:s6], $0x2800  }
0x69: {  	[sflag:s6] =	ssyncset.done $0x0  }
0x6a: {  	s13 =	sadd.s32 $0x13A10, s0;
	[sflag:s6] =	ssyncadd.s32 $0xFFFFD800  }
0x6b: {  	[tilespmem:s28], [sflag:$0x3] =	stream.indirect.gather [hbm4b:s4+s21], $0x80, s13, s21, $0xb8;
	[tilespmem:$0x1FEA0] =	vst v63  }
0x6c: {  	_ =	swait.ge [sflag:s29], $0x2800  }
0x6d: {  	[sflag:s29] =	ssyncset.done $0x0  }
0x6e: {  	s13 =	sadd.s32 $0x160D0, s0;
	[sflag:s29] =	ssyncadd.s32 $0xFFFFD800  }
0x6f: {  	[spmem:s2] =	stream.indirect.scatter.add.f32 [tilespmem:s24], [sflag:$0x5], $0x80, s13, s21, $0xb8;
	[tilespmem:$0x1FEA0] =	vst v63  }
0x70: {  	_ =	swait.ge [sflag:s31], $0x2800  }
0x71: {  	[sflag:s31] =	ssyncset.done $0x0  }
0x72: {  	s13 =	sadd.s32 $0x13A60, s0;
	[sflag:s31] =	ssyncadd.s32 $0xFFFFD800  }
0x73: {  	[tilespmem:s22], [sflag:$0x1] =	stream.indirect.gather [hbm4b:s4+s21], $0x80, s13, s21, $0xb8;
	[tilespmem:$0x1FEA0] =	vst v63  }
0x74: {  	_ =	swait.ge [sflag:s1], $0x2800  }
0x75: {  	[sflag:s1] =	ssyncset.done $0x0  }
.Ltmp2:
0x76: {  	s13 =	sadd.s32 $0x16120, s0;
	[sflag:s1] =	ssyncadd.s32 $0xFFFFD800;
	(pc) =	sbr.rel @p3 .LBB2_2-.Ltmp2, $4  }
0x77: {  	[spmem:s2] =	stream.indirect.scatter.add.f32 [tilespmem:s28], [sflag:$0x6], $0x80, s13, s21, $0xb8;
	[tilespmem:$0x1FEA0] =	vst v63  }
0x78: {  	_ =	swait.ge [sflag:s14], $0x2800  }
0x79: {  	[sflag:s14] =	ssyncset.done $0x0  }
0x7a: {  	s0 =	sadd.s32 $0x13AB0, s0;
	[sflag:s14] =	ssyncadd.s32 $0xFFFFD800  }
0x7b: {  	[tilespmem:s24], [sflag:$0x2] =	stream.indirect.gather [hbm4b:s4+s21], $0x80, s0, s21, $0xb8;
	[tilespmem:$0x1FEA0] =	vst v63  }
0x7c: {  	_ =	swait.ge [sflag:s25], $0x2800  }
0x7d: {  	[sflag:s25] =	ssyncset.done $0x0  }
0x7e: {  	[sflag:s25] =	ssyncadd.s32 $0xFFFFD800  }
0x7f: {  	[spmem:s2] =	stream.indirect.scatter.add.f32 [tilespmem:s22], [sflag:$0x4], $0x80, s23, s21, $0xb8;
	[tilespmem:$0x1FEA0] =	vst v63  }
0x80: {  	_ =	swait.ge [sflag:s6], $0x2800  }
0x81: {  	[sflag:s6] =	ssyncset.done $0x0  }
0x82: {  	[sflag:s6] =	ssyncadd.s32 $0xFFFFD800  }
0x83: {  	_ =	swait.ge [sflag:s29], $0x2800  }
0x84: {  	[sflag:s29] =	ssyncset.done $0x0  }
0x85: {  	[sflag:s29] =	ssyncadd.s32 $0xFFFFD800  }
0x86: {  	[spmem:s2] =	stream.indirect.scatter.add.f32 [tilespmem:s24], [sflag:$0x5], $0x80, s26, s21, $0xb8;
	[tilespmem:$0x1FEA0] =	vst v63  }
0x87: {  	_ =	swait.ge [sflag:s31], $0x2800  }
0x88: {  	[sflag:s31] =	ssyncset.done $0x0  }
0x89: {  	[sflag:s31] =	ssyncadd.s32 $0xFFFFD800  }
.Ltmp3:
0x8a: {  	_ =	swait.ge [sflag:s14], $0x2800;
	(pc) =	sbr.rel @!p0 .LBB2_4-.Ltmp3, $3  }
0x8b: {  	[sflag:s14] =	ssyncset.done $0x0  }
0x8c: {  	[sflag:s14] =	ssyncadd.s32 $0xFFFFD800  }
0x8d: {  	[bflag:$0x0] =	sbarrier.arrive $0xFFFF;
	_ =	sdelay $0x1  }
0x8e: {  	s0 =	rddreg [dreg:$0x8]  }
0x8f: {  	[hbm:s0], [sflag:s8] =	dma.local [spmem:s16], $0x2700  }
.Ltmp4:
0x90: {  	_ = 	snop;
	(pc) =	sbr.rel @p1 .LBB2_7-.Ltmp4, $4  }
.Ltmp5:
0x91: {  	_ = 	snop;
	(pc) =	sbr.rel @!p1 .LBB2_6-.Ltmp5, $4  }
0x92: {  	_ =	swait.ge [sflag:s17], $0x2700  }
0x93: {  	[sflag:s17] =	ssyncset.done $0x0  }
0x94: {  	s0 =	rddreg [dreg:$0x5];
	[sflag:s17] =	ssyncadd.s32 $0xFFFFD900  }
0x95: {  	_ = 	snop  }
.LBB2_4:
0x96: {  	s0 =	rddreg [dreg:$0x7]  }
0x97: {  	[hbm:s0], [sflag:s8] =	dma.local [spmem:s16], $0x2700  }
.Ltmp6:
0x98: {  	_ = 	snop;
	(pc) =	sbr.rel @p2 .LBB2_6-.Ltmp6, $4  }
.Ltmp7:
0x99: {  	_ = 	snop;
	(pc) =	sbr.rel @!p2 .LBB2_7-.Ltmp7, $4  }
0x9a: {  	_ =	swait.ge [sflag:s17], $0x2700  }
0x9b: {  	[sflag:s17] =	ssyncset.done $0x0  }
0x9c: {  	s0 =	rddreg [dreg:$0x4];
	[sflag:s17] =	ssyncadd.s32 $0xFFFFD900  }
0x9d: {  	_ = 	snop  }
.LBB2_8:
0x9e: {  	_ =	sfence.sel $0x180000  }
0x9f: {  	[bflag:$0x0] =	sbarrier.arrive $0xFFFF  }
0xa0: {  	_ =	strace $0x9000004D  }
0xa1: {  	s0 =	stileid.u32;
	[bflag:$0x2] =	sbarrier.arrive $0xFFFF  }
0xa2: {  	p0 =	sne.s32 s0, $0x0;
	s0 =	rddreg [dreg:$0x3]  }
0xa3: {  	s0 =	sadd.s32 @!p0 $0x100000, s0  }
0xa4: {  	[sflag:s0] =	ssyncadd.tile.s32 @!p0 $0x1;
	_ =	shalt  }
.Lfunc_end2:
_tile_overlayer_lowered:
.L_overlay_start_2:
0xa5: {  	(tag) =	ssettag $0x2  }
0xa6: {  	s0 =	rddreg [dreg:$0x0];
	s2 =	stileid.u32  }
0xa7: {  	s1 =	rddreg [dreg:$0x1];
	p0 =	sne.s32 s2, $0x0  }
0xa8: {  	s3 =	rddreg [dreg:$0x2];
	[bflag:$0x3] =	sbarrier.arrive $0xFFFF;
	s2 =	simm.s32 @!p0 $0x1C07  }
0xa9: {  	[timem:s3], [sflag:s2] =	dma.local @!p0 [hbm:s0], s1  }
0xaa: {  	s0 =	simm.s32 @!p0 $0x7  }
0xab: {  	_ =	swait.ge @!p0 [sflag:s0], s1  }
0xac: {  	s1 =	ssub.s32 @!p0 $0x0, s1;
	[sflag:s0] =	ssyncset.done @!p0 $0x0  }
0xad: {  	[sflag:s0] =	ssyncadd.s32 @!p0 s1  }
0xae: {  	[bflag:$0x3] =	sbarrier.arrive $0xFFFF  }
0xaf: {  	_ =	shalt  }

// kernel: kernel.21.cloned.1.call-start
scs
__scs_entry_jumppad:
0x0: {  	(pc) =	sbr.rel $0x88, $3  }
0x1: {  	(tag) =	ssettag $0x0;
	lr =	simm.s32 $0x1  }
0x2: {  	[smem:$0x3F5E] =	sst lr;
	_ =	strace $0xD0000000  }
0x3: {  	_ = 	snop  }
0x4: {  	_ = 	snop  }
0x5: {  	_ = 	snop  }
0x6: {  	_ = 	snop  }
0x7: {  	_ = 	snop  }
__scs_overlays_trampoline_lowered:
0x8: {  	[smem:$0x3F6D] =	sst s0  }
0x9: {  	[smem:$0x3F6E] =	sst s1  }
0xa: {  	[smem:$0x3F6F] =	sst s2  }
0xb: {  	[smem:$0x3F70] =	sst s3  }
0xc: {  	[smem:$0x3F71] =	sst s4  }
0xd: {  	[smem:$0x3F72] =	sst s5  }
0xe: {  	[smem:$0x3F73] =	sst s6  }
0xf: {  	[smem:$0x3F74] =	sst s7  }
0x10: {  	[smem:$0x3F75] =	sst s8  }
0x11: {  	[smem:$0x3F76] =	sst s9;
	s0 =	simm.s32 @!p0 $0x0  }
0x12: {  	s1 =	sld [smem:$0x3F5C];
	s0 =	simm.s32 @p0 $0x1  }
0x13: {  	[smem:$0x3F77] =	sst s0;
	s0 =	simm.s32 @!p1 $0x0  }
0x14: {  	s2 =	sld [smem:$0x3F5B];
	s0 =	simm.s32 @p1 $0x1  }
0x15: {  	[smem:$0x3F78] =	sst s0;
	s0 =	simm.s32 @!p2 $0x0  }
0x16: {  	s3 =	sld [smem:$0x3FDB];
	s0 =	simm.s32 @p2 $0x1  }
0x17: {  	s4 =	simm.s32 $0x1BF5;
	[smem:$0x3F7A] =	sst s0  }
0x18: {  	s0 =	sld [smem:$0x3F5D];
	_ =	swait.ge [sflag:s4], $0x0  }
0x19: {  	s7 =	sld [smem:$0x3F5E]  }
0x1a: {  	s8 =	sadd.s32 $0xFFFFE003, lr  }
0x1b: {  	s9 =	sadd.s32 $0xFFFFFEF7, lr;
	s5 =	simm.s32 $0xFFFFFFFF;
	p2 =	slt.u32 s8, $0xFFFFF086  }
0x1c: {  	p1 =	slt.u32 s9, $0xF7A;
	s5 =	simm.s32 @!p2 $0x0  }
0x1d: {  	s5 =	simm.s32 @p1 $0x1;
	p0 =	seq.s32 s7, s2  }
0x1e: {  	s7 =	smul.u32 @!p0 $0xF7A, s2;
	p2 =	seq.s32 @!p0 s5, $0x0  }
0x1f: {  	s9 =	smul.u32 $0xF7A, s1;
	s8 =	simm.s32 @!p0 $0x1BF5;
	p2 =	por !p2, p0  }
0x20: {  	[sflag:s8] =	ssyncset.s32 @!p0 $0xFFFFF086;
	s6 =	sadd.s32 @!p0 s3, s7;
	s7 =	simm.s32 @!p0 $0x108  }
0x21: {  	s3 =	sadd.s32 s3, s9;
	s6 =	sadd.s32 @!p0 $0x88, s6;
	s7 =	simm.s32 @p2 $0x1082  }
0x22: {  	[simem:s7], [sflag:s8] =	dma.local @!p0 [hbm:s6], $0xF7A  }
0x23: {  	s9 =	sor.u32 $0xD0000000, s2;
	s6 =	simm.s32 $0x108;
	_ =	swait.ge @!p0 [sflag:s8], $0x0  }
0x24: {  	s3 =	sadd.s32 $0x88, s3;
	s6 =	simm.s32 @!p1 $0x1082;
	[sflag:s4] =	ssyncset.s32 $0xFFFFF086  }
0x25: {  	[simem:s6], [sflag:s4] =	dma.local [hbm:s3], $0xF7A  }
0x26: {  	[smem:$0x3F5E] =	sst s1;
	(tag) =	ssettag s2;
	_ =	strace s9  }
0x27: {  	s1 =	sld [smem:$0x3F6E]  }
0x28: {  	s2 =	sld [smem:$0x3F6F]  }
0x29: {  	s4 =	sld [smem:$0x3F71]  }
0x2a: {  	p0 =	seq.s32 s5, $0x0;
	s5 =	sld [smem:$0x3F72]  }
0x2b: {  	s6 =	sld [smem:$0x3F73]  }
0x2c: {  	s7 =	sld [smem:$0x3F74]  }
0x2d: {  	s3 =	simm.s32 $0x108;
	s8 =	sld [smem:$0x3F75]  }
0x2e: {  	s3 =	simm.s32 @!p0 $0x1082;
	s9 =	sld [smem:$0x3F76]  }
0x2f: {  	lr =	sadd.s32 s0, s3;
	s0 =	sld [smem:$0x3F6D]  }
0x30: {  	s3 =	sld [smem:$0x3F70]  }
0x31: {  	[smem:$0x3F79] =	sst s10  }
0x32: {  	s10 =	sld [smem:$0x3F77];
	_ =	sdelay $0x3  }
0x33: {  	p0 =	seq.s32 s10, $0x1;
	s10 =	sld [smem:$0x3F79];
	_ =	sdelay $0x3  }
0x34: {  	[smem:$0x3F79] =	sst s10  }
0x35: {  	s10 =	sld [smem:$0x3F78];
	_ =	sdelay $0x3  }
0x36: {  	p1 =	seq.s32 s10, $0x1;
	s10 =	sld [smem:$0x3F79];
	_ =	sdelay $0x3  }
0x37: {  	[smem:$0x3F79] =	sst s10  }
0x38: {  	s10 =	sld [smem:$0x3F7A]  }
0x39: {  	_ = 	snop;
	(pc) =	sbr.ind lr, $3  }
0x3a: {  	_ = 	snop  }
0x3b: {  	_ = 	snop  }
0x3c: {  	p2 =	seq.s32 s10, $0x1;
	s10 =	sld [smem:$0x3F79]  }
0x3d: {  	_ =	shalt  }
0x3e: {  	_ =	shalt  }
0x3f: {  	_ =	shalt  }
0x40: {  	_ =	shalt  }
0x41: {  	_ =	shalt  }
0x42: {  	_ =	shalt  }
0x43: {  	_ =	shalt  }
0x44: {  	_ =	shalt  }
0x45: {  	_ =	shalt  }
0x46: {  	_ =	shalt  }
0x47: {  	_ =	shalt  }
0x48: {  	_ =	shalt  }
0x49: {  	_ =	shalt  }
0x4a: {  	_ =	shalt  }
0x4b: {  	_ =	shalt  }
0x4c: {  	_ =	shalt  }
0x4d: {  	_ =	shalt  }
0x4e: {  	_ =	shalt  }
0x4f: {  	_ =	shalt  }
0x50: {  	_ =	shalt  }
0x51: {  	_ =	shalt  }
0x52: {  	_ =	shalt  }
0x53: {  	_ =	shalt  }
0x54: {  	_ =	shalt  }
0x55: {  	_ =	shalt  }
0x56: {  	_ =	shalt  }
0x57: {  	_ =	shalt  }
0x58: {  	_ =	shalt  }
0x59: {  	_ =	shalt  }
0x5a: {  	_ =	shalt  }
0x5b: {  	_ =	shalt  }
0x5c: {  	_ =	shalt  }
0x5d: {  	_ =	shalt  }
0x5e: {  	_ =	shalt  }
0x5f: {  	_ =	shalt  }
0x60: {  	_ =	shalt  }
0x61: {  	_ =	shalt  }
0x62: {  	_ =	shalt  }
0x63: {  	_ =	shalt  }
0x64: {  	_ =	shalt  }
0x65: {  	_ =	shalt  }
0x66: {  	_ =	shalt  }
0x67: {  	_ =	shalt  }
0x68: {  	_ =	shalt  }
0x69: {  	_ =	shalt  }
0x6a: {  	_ =	shalt  }
0x6b: {  	_ =	shalt  }
0x6c: {  	_ =	shalt  }
0x6d: {  	_ =	shalt  }
0x6e: {  	_ =	shalt  }
0x6f: {  	_ =	shalt  }
0x70: {  	_ =	shalt  }
0x71: {  	_ =	shalt  }
0x72: {  	_ =	shalt  }
0x73: {  	_ =	shalt  }
0x74: {  	_ =	shalt  }
0x75: {  	_ =	shalt  }
0x76: {  	_ =	shalt  }
0x77: {  	_ =	shalt  }
0x78: {  	_ =	shalt  }
0x79: {  	_ =	shalt  }
0x7a: {  	_ =	shalt  }
0x7b: {  	_ =	shalt  }
0x7c: {  	_ =	shalt  }
0x7d: {  	_ =	shalt  }
0x7e: {  	_ =	shalt  }
0x7f: {  	_ =	shalt  }
0x80: {  	_ =	shalt  }
0x81: {  	_ =	shalt  }
0x82: {  	_ =	shalt  }
0x83: {  	_ =	shalt  }
0x84: {  	_ =	shalt  }
0x85: {  	_ =	shalt  }
0x86: {  	_ =	shalt  }
0x87: {  	_ =	shalt  }
.Lfunc_end0:
.L_simem_size_0:
called_computation.3_lowered:
.L_overlay_start_0:
0x88: {  	s2 =	sld [smem:$0x3FD9]  }
0x89: {  	s3 =	sld [smem:$0x3FFE];
	_ =	sdelay $0x1  }
0x8a: {  	s1 =	srdreg.scid  }
0x8b: {  	s0 =	sand.u32 $0x1, s1  }
0x8c: {  	s14 =	sshll.u32 s0, $0xA;
	s2 =	sadd.s32 s3, s2  }
0x8d: {  	s2 =	sadd.s32 s2, s14  }
0x8e: {  	[smem:$0x3F85] =	sst s2  }
0x8f: {  	_ = 	snop  }
0x90: {  	s2 =	sld [smem:$0x3FD0];
	_ =	sdelay $0x2  }
0x91: {  	s15 =	simm.s32 $0xA;
	s4 =	simm.s32 $0x10  }
0x92: {  	[smem:s4], [sflag:s15] =	dma.local [hbm:s2], $0x1  }
0x93: {  	_ =	swait.eq [sflag:s15], $0x1  }
0x94: {  	[sflag:s15] =	ssyncset.done $0x0  }
0x95: {  	[sflag:s15] =	ssyncadd.s32 $0xFFFFFFFF  }
0x96: {  	s16 =	sld [smem:$0x12];
	(tm) =	ssettm $0x1  }
0x97: {  	s17 =	sld [smem:$0x3FFB];
	_ =	sdelay $0x3  }
0x98: {  	_ =	strace s17  }
0x99: {  	s3 =	sld [smem:$0x3FFC];
	_ =	sdelay $0x3  }
0x9a: {  	_ =	strace s3  }
0x9b: {  	s3 =	sld [smem:$0x3FFD];
	_ =	sdelay $0x3  }
0x9c: {  	_ =	strace s3  }
0x9d: {  	_ =	strace $0x8FFFFFFF  }
0x9e: {  	s18 =	sld [smem:$0x3FDB];
	_ =	sdelay $0x1  }
0x9f: {  	s19 =	simm.s32 $_scs_section_size  }
0xa0: {  	s5 =	simm.s32 $_size__tile_overlayer_lowered;
	s6 =	simm.s32 $_tile_overlayer_lowered  }
0xa1: {  	s22 =	simm.s32 $0x1BFF;
	s21 =	sshll.u32 s6, $0x1;
	s3 =	sadd.s32 s19, s18  }
0xa2: {  	s7 =	simm.s32 $0x0;
	s20 =	sshll.u32 s5, $0x1;
	s5 =	sadd.s32 s21, s3  }
0xa3: {  	[timem:s7], [sflag:s22] =	dma.local [hbm:s5], s20  }
0xa4: {  	_ =	swait.ge [sflag:s22], s20  }
0xa5: {  	s4 =	ssub.s32 $0x0, s20;
	[sflag:s22] =	ssyncset.done $0x0  }
0xa6: {  	[sflag:s22] =	ssyncadd.s32 s4;
	_ =	sdelay $0x1  }
0xa7: {  	s23 =	simm.s32 $0x1B8B  }
0xa8: {  	_ =	swait.ge [sflag:s23], $0x1  }
0xa9: {  	[sflag:s23] =	ssyncset.done $0x0  }
0xaa: {  	s25 =	simm.s32 $0x1B8E;
	s24 =	sld [smem:$0x3FFE];
	[sflag:s23] =	ssyncadd.s32 $0xFFFFFFFF  }
0xab: {  	s26 =	simm.s32 $execute0_lowered;
	[smem:$0x3FD2] =	sst s25  }
0xac: {  	s5 =	sshll.u32 s26, $0x1;
	_ =	strace $0x8000004F;
	[dreg:$0x1] =	wrdreg $0xFFFFFFFF  }
0xad: {  	s28 =	simm.s32 $_size_execute0_lowered;
	s3 =	sadd.s32 s3, s5;
	[dreg:$0x0] =	wrdreg $0x0  }
0xae: {  	s5 =	sshll.u32 s28, $0x1;
	[dreg:$0x2] =	wrdreg s3  }
0xaf: {  	[dreg:$0x3] =	wrdreg s5  }
0xb0: {  	[dreg:$0x4] =	wrdreg $0xC0  }
0xb1: {  	_ =	task [dreg:s7], $0x5FFFF  }
0xb2: {  	[dreg:$0x1] =	wrdreg $0xFFFFFFFF  }
0xb3: {  	[dreg:$0x0] =	wrdreg $0x60  }
0xb4: {  	[dreg:$0x2] =	wrdreg s24  }
0xb5: {  	[dreg:$0x3] =	wrdreg s16  }
0xb6: {  	[dreg:$0x4] =	wrdreg $0x0  }
0xb7: {  	[dreg:$0x5] =	wrdreg $0x9  }
0xb8: {  	_ =	task.clear_ibuf [dreg:s7], $0x6FFFF;
	_ =	strace $0x9000004F  }
0xb9: {  	s29 =	simm.s32 $0x9;
	_ =	strace $0x80000051  }
0xba: {  	_ =	swait.ge [sflag:s29], $0x1  }
0xbb: {  	[sflag:s29] =	ssyncadd.s32 $0xFFFFFFFF  }
0xbc: {  	_ =	strace $0x90000051  }
0xbd: {  	_ =	sfence  }
0xbe: {  	s30 =	sld [smem:$0x0];
	_ =	sdelay $0x2  }
0xbf: {  	s31 =	sshll.u32 s1, $0xD;
	s1 =	sshrl.u32 s1, $0x2  }
0xc0: {  	s3 =	sand.u32 $0x4000, s31;
	s1 =	sadd.s32 s1, s30  }
0xc1: {  	s0 =	sor.u32 s3, s0;
	s1 =	sshll.u32 s1, $0x11  }
0xc2: {  	s0 =	sor.u32 s1, s0  }
0xc3: {  	s0 =	sadd.s32 $0x8F2B, s0  }
0xc4: {  	[sflag:s0] =	ssyncadd.remote.s32 $0x1  }
0xc5: {  	_ =	sfence.sel $0xFFFF  }
0xc6: {  	[dreg:$0x0] =	wrdreg $0xFFFFFFFF;
	(pc) =	sbr.abs _section_cstart, $3  }
0xc7: {  	[dreg:$0x1] =	wrdreg $0xFFFFFFFF  }
0xc8: {  	_ =	task.clear_ibuf [dreg:s7], $0x2FFFF;
	_ =	strace $0x9FFFFFFF  }
0xc9: {  	(tm) =	ssettm $0x7FFFFFFF  }
tec
execute0_lowered:
.L_overlay_start_1:
0x0: {  	(tag) =	ssettag $0x1  }
0x1: {  	s0 =	rddreg [dreg:$0x0]  }
0x2: {  	s1 =	rddreg [dreg:$0x1]  }
0x3: {  	s2 =	rddreg [dreg:$0x2];
	s3 =	simm.s32 $0x0  }
0x4: {  	s14 =	stileid.u32;
	s4 =	srdreg.scid;
	s17 =	simm.s32 $0x7  }
0x5: {  	s19 =	simm.s32 $0x13880;
	s20 =	simm.s32 $0x15F90;
	s21 =	simm.s32 $0x50  }
0x6: {  	s22 =	simm.s32 $0x186A0;
	s28 =	simm.s32 $0x1D6A0;
	s29 =	simm.s32 $0x2  }
0x7: {  	s31 =	simm.s32 $0x4;
	s23 =	simm.s32 $0x18600;
	[smem:$0x7FF] =	sst s3  }
0x8: {  	s5 =	smul.u32 $0x13800, s14;
	s6 =	sand.u32 $0x1, s4;
	s4 =	sadd.s32 $0x81200, s0  }
0x9: {  	s15 =	sadd.s32 $0xCF600, s0;
	s16 =	sadd.s32 $0xF6800, s0;
	s24 =	sshll.u32 s14, $0x6  }
0xa: {  	p1 =	sne.s32 s14, $0xF;
	p2 =	seq.s32 s14, $0xF;
	_ =	strace $0x80000050  }
0xb: {  	s7 =	sshll.u32 s6, $0x4;
	s8 =	ssub.s32 $0x2, s6;
	[dreg:$0x4] =	wrdreg s15  }
0xc: {  	p0 =	seq.s32 s6, $0x1;
	[dreg:$0x5] =	wrdreg s16;
	s6 =	simm.s32 $0x6  }
0xd: {  	s10 =	sshrl.u32 s5, $0x3;
	s7 =	sor.u32 s14, s7;
	s11 =	sshrl.u32 s8, $0x1  }
0xe: {  	s5 =	sadd.s32 s5, s2;
	s14 =	simm.s32 $0x5;
	s9 =	sadd.s32 s10, s0  }
0xf: {  	s7 =	smul.u32 $0x2710, s7;
	s13 =	ssub.s32 s8, s11;
	s8 =	sor.u32 $0x1C07, s24  }
0x10: {  	s11 =	sadd.s32 $0x59E00, s0;
	s26 =	sadd.s32 s15, s10;
	s30 =	sadd.s32 s16, s10  }
0x11: {  	s16 =	sshrl.u32 s5, $0x3;
	s24 =	simm.s32 $0x1AEA0;
	s5 =	simm.s32 $0x139C0  }
.Ltmp0:
0x12: {  	s10 =	simm.s32 $0x0;
	[dreg:$0x7] =	wrdreg s26;
	(pc) =	sbr.rel .LBB2_1-.Ltmp0, $4  }
0x13: {  	[dreg:$0x8] =	wrdreg s30;
	s15 =	smax.u32 s13, $0x1;
	s25 =	sshrl.u32 s7, $0x3  }
0x14: {  	s26 =	simm.s32 $0x18650;
	s7 =	sadd.s32 $0x32E00, s9;
	s9 =	sadd.s32 s1, s25  }
0x15: {  	s1 =	sadd.s32 $0x138000, s2;
	s25 =	simm.s32 $0x1;
	s12 =	sadd.s32 $0x9C40, s9  }
0x16: {  	[dreg:$0x6] =	wrdreg s1;
	s18 =	sshrl.u32 @!p1 s1, $0x3;
	s1 =	simm.s32 $0x3  }
.LBB2_6:
0x17: {  	s13 =	rddreg [dreg:$0x6]  }
0x18: {  	s0 =	sadd.s32 $0x27000, s0;
	s13 =	sshrl.u32 s13, $0x3  }
0x19: {  	[hbm:s0], [sflag:s8] =	dma.local [spmem:s13], $0x100  }
0x1a: {  	_ =	swait.ge [sflag:s17], $0x100  }
0x1b: {  	[sflag:s17] =	ssyncset.done $0x0  }
0x1c: {  	[sflag:s17] =	ssyncadd.s32 $0xFFFFFF00  }
.LBB2_7:
0x1d: {  	s10 =	sadd.s32 $0x1, s10  }
0x1e: {  	p3 =	sne.s32 s10, s15  }
.Ltmp1:
0x1f: {  	_ = 	snop;
	(pc) =	sbr.rel @!p3 .LBB2_8-.Ltmp1, $1  }
0x20: {  	_ =	sdelay $0x3  }
.LBB2_1:
0x21: {  	[spmem:s16], [sflag:s8] =	dma.local [hbm:s7], $0x2700  }
0x22: {  	_ =	swait.ge [sflag:s17], $0x2700  }
0x23: {  	[sflag:s17] =	ssyncset.done $0x0  }
0x24: {  	s0 =	simm.s32 @!p1 $0x7;
	[sflag:s17] =	ssyncadd.s32 $0xFFFFD900  }
0x25: {  	[spmem:s18], [sflag:s8] =	dma.local @!p1 [hbm:s11], $0x100  }
0x26: {  	_ =	swait.ge @!p1 [sflag:s0], $0x100  }
0x27: {  	[sflag:s0] =	ssyncset.done @!p1 $0x0  }
0x28: {  	[sflag:s0] =	ssyncadd.s32 @!p1 $0xFFFFFF00  }
0x29: {  	[tilespmem:s19], [sflag:$0x7] =	stream.linear.gather [hbm4b:s9+s3], $0x2710, $0x38;
	[tilespmem:$0x1FEA0] =	vst v63  }
0x2a: {  	_ =	swait.ge [sflag:s17], $0x2710  }
0x2b: {  	[sflag:s17] =	ssyncset.done $0x0  }
0x2c: {  	[sflag:s17] =	ssyncadd.s32 $0xFFFFD8F0  }
0x2d: {  	[tilespmem:s20], [sflag:$0x7] =	stream.linear.gather [hbm4b:s12+s3], $0x2710, $0x38;
	[tilespmem:$0x1FEA0] =	vst v63  }
0x2e: {  	_ =	swait.ge [sflag:s17], $0x2710  }
0x2f: {  	[sflag:s17] =	ssyncset.done $0x0  }
0x30: {  	[sflag:s17] =	ssyncadd.s32 $0xFFFFD8F0  }
0x31: {  	[bflag:$0x0] =	sbarrier.arrive $0xFFFF  }
0x32: {  	[tilespmem:s22], [sflag:$0x1] =	stream.indirect.gather [hbm4b:s4+s21], $0x80, s19, s21, $0xb8;
	[tilespmem:$0x1FEA0] =	vst v63  }
0x33: {  	s13 =	simm.s32 $0x138D0  }
0x34: {  	[tilespmem:s24], [sflag:$0x2] =	stream.indirect.gather [hbm4b:s4+s21], $0x80, s13, s21, $0xb8;
	[tilespmem:$0x1FEA0] =	vst v63  }
0x35: {  	_ =	swait.ge [sflag:s25], $0x2800  }
0x36: {  	[sflag:s25] =	ssyncset.done $0x0  }
0x37: {  	[sflag:s25] =	ssyncadd.s32 $0xFFFFD800  }
0x38: {  	[spmem:s2] =	stream.indirect.scatter.add.f32 [tilespmem:s22], [sflag:$0x4], $0x80, s20, s21, $0xb8;
	[tilespmem:$0x1FEA0] =	vst v63  }
0x39: {  	s13 =	simm.s32 $0x13920  }
0x3a: {  	[tilespmem:s28], [sflag:$0x3] =	stream.indirect.gather [hbm4b:s4+s21], $0x80, s13, s21, $0xb8;
	[tilespmem:$0x1FEA0] =	vst v63  }
0x3b: {  	_ =	swait.ge [sflag:s29], $0x2800  }
0x3c: {  	[sflag:s29] =	ssyncset.done $0x0  }
0x3d: {  	s13 =	simm.s32 $0x15FE0;
	[sflag:s29] =	ssyncadd.s32 $0xFFFFD800  }
0x3e: {  	[spmem:s2] =	stream.indirect.scatter.add.f32 [tilespmem:s24], [sflag:$0x5], $0x80, s13, s21, $0xb8;
	[tilespmem:$0x1FEA0] =	vst v63  }
0x3f: {  	_ =	swait.ge [sflag:s31], $0x2800  }
0x40: {  	[sflag:s31] =	ssyncset.done $0x0  }
0x41: {  	s13 =	simm.s32 $0x13970;
	[sflag:s31] =	ssyncadd.s32 $0xFFFFD800  }
0x42: {  	[tilespmem:s22], [sflag:$0x1] =	stream.indirect.gather [hbm4b:s4+s21], $0x80, s13, s21, $0xb8;
	[tilespmem:$0x1FEA0] =	vst v63  }
0x43: {  	_ =	swait.ge [sflag:s1], $0x2800  }
0x44: {  	[sflag:s1] =	ssyncset.done $0x0  }
0x45: {  	s13 =	simm.s32 $0x16030;
	[sflag:s1] =	ssyncadd.s32 $0xFFFFD800  }
0x46: {  	[spmem:s2] =	stream.indirect.scatter.add.f32 [tilespmem:s28], [sflag:$0x6], $0x80, s13, s21, $0xb8;
	[tilespmem:$0x1FEA0] =	vst v63  }
0x47: {  	_ =	swait.ge [sflag:s14], $0x2800  }
0x48: {  	[sflag:s14] =	ssyncset.done $0x0  }
0x49: {  	[sflag:s14] =	ssyncadd.s32 $0xFFFFD800  }
0x4a: {  	[tilespmem:s24], [sflag:$0x2] =	stream.indirect.gather [hbm4b:s4+s21], $0x80, s5, s21, $0xb8;
	[tilespmem:$0x1FEA0] =	vst v63  }
0x4b: {  	_ =	swait.ge [sflag:s25], $0x2800  }
0x4c: {  	[sflag:s25] =	ssyncset.done $0x0  }
0x4d: {  	s13 =	simm.s32 $0x16080;
	[sflag:s25] =	ssyncadd.s32 $0xFFFFD800  }
0x4e: {  	[spmem:s2] =	stream.indirect.scatter.add.f32 [tilespmem:s22], [sflag:$0x4], $0x80, s13, s21, $0xb8;
	[tilespmem:$0x1FEA0] =	vst v63  }
0x4f: {  	_ =	swait.ge [sflag:s6], $0x2800  }
0x50: {  	[sflag:s6] =	ssyncset.done $0x0  }
0x51: {  	s13 =	simm.s32 $0x13A10;
	[sflag:s6] =	ssyncadd.s32 $0xFFFFD800  }
0x52: {  	[tilespmem:s28], [sflag:$0x3] =	stream.indirect.gather [hbm4b:s4+s21], $0x80, s13, s21, $0xb8;
	[tilespmem:$0x1FEA0] =	vst v63  }
0x53: {  	_ =	swait.ge [sflag:s29], $0x2800  }
0x54: {  	[sflag:s29] =	ssyncset.done $0x0  }
0x55: {  	s13 =	simm.s32 $0x160D0;
	[sflag:s29] =	ssyncadd.s32 $0xFFFFD800  }
0x56: {  	[spmem:s2] =	stream.indirect.scatter.add.f32 [tilespmem:s24], [sflag:$0x5], $0x80, s13, s21, $0xb8;
	[tilespmem:$0x1FEA0] =	vst v63  }
0x57: {  	_ =	swait.ge [sflag:s31], $0x2800  }
0x58: {  	[sflag:s31] =	ssyncset.done $0x0  }
0x59: {  	s13 =	simm.s32 $0x13A60;
	[sflag:s31] =	ssyncadd.s32 $0xFFFFD800  }
0x5a: {  	[tilespmem:s22], [sflag:$0x1] =	stream.indirect.gather [hbm4b:s4+s21], $0x80, s13, s21, $0xb8;
	[tilespmem:$0x1FEA0] =	vst v63  }
0x5b: {  	_ =	swait.ge [sflag:s1], $0x2800  }
0x5c: {  	[sflag:s1] =	ssyncset.done $0x0  }
0x5d: {  	s13 =	simm.s32 $0x16120;
	[sflag:s1] =	ssyncadd.s32 $0xFFFFD800  }
0x5e: {  	[spmem:s2] =	stream.indirect.scatter.add.f32 [tilespmem:s28], [sflag:$0x6], $0x80, s13, s21, $0xb8;
	[tilespmem:$0x1FEA0] =	vst v63  }
0x5f: {  	_ =	swait.ge [sflag:s14], $0x2800  }
0x60: {  	[sflag:s14] =	ssyncset.done $0x0  }
0x61: {  	s30 =	simm.s32 $0x3C0;
	s0 =	simm.s32 $0x13AB0;
	[sflag:s14] =	ssyncadd.s32 $0xFFFFD800  }
.LBB2_2:
0x62: {  	[tilespmem:s24], [sflag:$0x2] =	stream.indirect.gather [hbm4b:s4+s21], $0x80, s0, s21, $0xb8;
	[tilespmem:$0x1FEA0] =	vst v63  }
0x63: {  	s0 =	smov.u32 s30  }
0x64: {  	p3 =	sne.s32 s30, $0x9240;
	s30 =	sadd.s32 $0x3C0, s30;
	_ =	swait.ge [sflag:s25], $0x2800  }
0x65: {  	s0 =	sshra.s32 s0, $0x2;
	[sflag:s25] =	ssyncset.done $0x0  }
0x66: {  	s13 =	sadd.s32 $0x16080, s0;
	[sflag:s25] =	ssyncadd.s32 $0xFFFFD800  }
0x67: {  	[spmem:s2] =	stream.indirect.scatter.add.f32 [tilespmem:s22], [sflag:$0x4], $0x80, s13, s21, $0xb8;
	[tilespmem:$0x1FEA0] =	vst v63  }
0x68: {  	_ =	swait.ge [sflag:s6], $0x2800  }
0x69: {  	[sflag:s6] =	ssyncset.done $0x0  }
0x6a: {  	s13 =	sadd.s32 $0x13A10, s0;
	[sflag:s6] =	ssyncadd.s32 $0xFFFFD800  }
0x6b: {  	[tilespmem:s28], [sflag:$0x3] =	stream.indirect.gather [hbm4b:s4+s21], $0x80, s13, s21, $0xb8;
	[tilespmem:$0x1FEA0] =	vst v63  }
0x6c: {  	_ =	swait.ge [sflag:s29], $0x2800  }
0x6d: {  	[sflag:s29] =	ssyncset.done $0x0  }
0x6e: {  	s13 =	sadd.s32 $0x160D0, s0;
	[sflag:s29] =	ssyncadd.s32 $0xFFFFD800  }
0x6f: {  	[spmem:s2] =	stream.indirect.scatter.add.f32 [tilespmem:s24], [sflag:$0x5], $0x80, s13, s21, $0xb8;
	[tilespmem:$0x1FEA0] =	vst v63  }
0x70: {  	_ =	swait.ge [sflag:s31], $0x2800  }
0x71: {  	[sflag:s31] =	ssyncset.done $0x0  }
0x72: {  	s13 =	sadd.s32 $0x13A60, s0;
	[sflag:s31] =	ssyncadd.s32 $0xFFFFD800  }
0x73: {  	[tilespmem:s22], [sflag:$0x1] =	stream.indirect.gather [hbm4b:s4+s21], $0x80, s13, s21, $0xb8;
	[tilespmem:$0x1FEA0] =	vst v63  }
0x74: {  	_ =	swait.ge [sflag:s1], $0x2800  }
0x75: {  	[sflag:s1] =	ssyncset.done $0x0  }
.Ltmp2:
0x76: {  	s13 =	sadd.s32 $0x16120, s0;
	[sflag:s1] =	ssyncadd.s32 $0xFFFFD800;
	(pc) =	sbr.rel @p3 .LBB2_2-.Ltmp2, $4  }
0x77: {  	[spmem:s2] =	stream.indirect.scatter.add.f32 [tilespmem:s28], [sflag:$0x6], $0x80, s13, s21, $0xb8;
	[tilespmem:$0x1FEA0] =	vst v63  }
0x78: {  	_ =	swait.ge [sflag:s14], $0x2800  }
0x79: {  	[sflag:s14] =	ssyncset.done $0x0  }
0x7a: {  	s0 =	sadd.s32 $0x13AB0, s0;
	[sflag:s14] =	ssyncadd.s32 $0xFFFFD800  }
0x7b: {  	[tilespmem:s24], [sflag:$0x2] =	stream.indirect.gather [hbm4b:s4+s21], $0x80, s0, s21, $0xb8;
	[tilespmem:$0x1FEA0] =	vst v63  }
0x7c: {  	_ =	swait.ge [sflag:s25], $0x2800  }
0x7d: {  	[sflag:s25] =	ssyncset.done $0x0  }
0x7e: {  	[sflag:s25] =	ssyncadd.s32 $0xFFFFD800  }
0x7f: {  	[spmem:s2] =	stream.indirect.scatter.add.f32 [tilespmem:s22], [sflag:$0x4], $0x80, s23, s21, $0xb8;
	[tilespmem:$0x1FEA0] =	vst v63  }
0x80: {  	_ =	swait.ge [sflag:s6], $0x2800  }
0x81: {  	[sflag:s6] =	ssyncset.done $0x0  }
0x82: {  	[sflag:s6] =	ssyncadd.s32 $0xFFFFD800  }
0x83: {  	_ =	swait.ge [sflag:s29], $0x2800  }
0x84: {  	[sflag:s29] =	ssyncset.done $0x0  }
0x85: {  	[sflag:s29] =	ssyncadd.s32 $0xFFFFD800  }
0x86: {  	[spmem:s2] =	stream.indirect.scatter.add.f32 [tilespmem:s24], [sflag:$0x5], $0x80, s26, s21, $0xb8;
	[tilespmem:$0x1FEA0] =	vst v63  }
0x87: {  	_ =	swait.ge [sflag:s31], $0x2800  }
0x88: {  	[sflag:s31] =	ssyncset.done $0x0  }
0x89: {  	[sflag:s31] =	ssyncadd.s32 $0xFFFFD800  }
.Ltmp3:
0x8a: {  	_ =	swait.ge [sflag:s14], $0x2800;
	(pc) =	sbr.rel @!p0 .LBB2_4-.Ltmp3, $3  }
0x8b: {  	[sflag:s14] =	ssyncset.done $0x0  }
0x8c: {  	[sflag:s14] =	ssyncadd.s32 $0xFFFFD800  }
0x8d: {  	[bflag:$0x0] =	sbarrier.arrive $0xFFFF;
	_ =	sdelay $0x1  }
0x8e: {  	s0 =	rddreg [dreg:$0x8]  }
0x8f: {  	[hbm:s0], [sflag:s8] =	dma.local [spmem:s16], $0x2700  }
.Ltmp4:
0x90: {  	_ = 	snop;
	(pc) =	sbr.rel @p1 .LBB2_7-.Ltmp4, $4  }
.Ltmp5:
0x91: {  	_ = 	snop;
	(pc) =	sbr.rel @!p1 .LBB2_6-.Ltmp5, $4  }
0x92: {  	_ =	swait.ge [sflag:s17], $0x2700  }
0x93: {  	[sflag:s17] =	ssyncset.done $0x0  }
0x94: {  	s0 =	rddreg [dreg:$0x5];
	[sflag:s17] =	ssyncadd.s32 $0xFFFFD900  }
0x95: {  	_ = 	snop  }
.LBB2_4:
0x96: {  	s0 =	rddreg [dreg:$0x7]  }
0x97: {  	[hbm:s0], [sflag:s8] =	dma.local [spmem:s16], $0x2700  }
.Ltmp6:
0x98: {  	_ = 	snop;
	(pc) =	sbr.rel @p2 .LBB2_6-.Ltmp6, $4  }
.Ltmp7:
0x99: {  	_ = 	snop;
	(pc) =	sbr.rel @!p2 .LBB2_7-.Ltmp7, $4  }
0x9a: {  	_ =	swait.ge [sflag:s17], $0x2700  }
0x9b: {  	[sflag:s17] =	ssyncset.done $0x0  }
0x9c: {  	s0 =	rddreg [dreg:$0x4];
	[sflag:s17] =	ssyncadd.s32 $0xFFFFD900  }
0x9d: {  	_ = 	snop  }
.LBB2_8:
0x9e: {  	_ =	sfence.sel $0x180000  }
0x9f: {  	[bflag:$0x0] =	sbarrier.arrive $0xFFFF  }
0xa0: {  	_ =	strace $0x90000050  }
0xa1: {  	s0 =	stileid.u32;
	[bflag:$0x2] =	sbarrier.arrive $0xFFFF  }
0xa2: {  	p0 =	sne.s32 s0, $0x0;
	s0 =	rddreg [dreg:$0x3]  }
0xa3: {  	s0 =	sadd.s32 @!p0 $0x100000, s0  }
0xa4: {  	[sflag:s0] =	ssyncadd.tile.s32 @!p0 $0x1;
	_ =	shalt  }
.Lfunc_end2:
_tile_overlayer_lowered:
.L_overlay_start_2:
0xa5: {  	(tag) =	ssettag $0x2  }
0xa6: {  	s0 =	rddreg [dreg:$0x0];
	s2 =	stileid.u32  }
0xa7: {  	s1 =	rddreg [dreg:$0x1];
	p0 =	sne.s32 s2, $0x0  }
0xa8: {  	s3 =	rddreg [dreg:$0x2];
	[bflag:$0x3] =	sbarrier.arrive $0xFFFF;
	s2 =	simm.s32 @!p0 $0x1C07  }
0xa9: {  	[timem:s3], [sflag:s2] =	dma.local @!p0 [hbm:s0], s1  }
0xaa: {  	s0 =	simm.s32 @!p0 $0x7  }
0xab: {  	_ =	swait.ge @!p0 [sflag:s0], s1  }
0xac: {  	s1 =	ssub.s32 @!p0 $0x0, s1;
	[sflag:s0] =	ssyncset.done @!p0 $0x0  }
0xad: {  	[sflag:s0] =	ssyncadd.s32 @!p0 s1  }
0xae: {  	[bflag:$0x3] =	sbarrier.arrive $0xFFFF  }
0xaf: {  	_ =	shalt  }

</sc_bundles>
